<compile_context>
chip_gen: v7x
topology: tpu7x:2x2x1
jax: 0.10.2.dev20260603
libtpu: 0.0.44.dev20260713+nightly
codegen_flags: <defaults>
</compile_context>

<pallas_src>
import jax
import jax.numpy as jnp
from jax import lax
from jax.experimental import pallas as pl
from jax.experimental.pallas import tpu as pltpu
from jax.experimental.pallas import tpu_sc as plsc

_SIZE = 1000000
_N = 4000000

_L = 16
_NC = 2
_NS = 16
_NW = _NC * _NS

_CHUNK = 4000
_NCHUNKS = _N // _CHUNK
_MAXK = -(-_NCHUNKS // _NW)
_D = 4

_ROWS = 7816
_SIZE_PAD = _ROWS * 128
_TILE_OUT = _SIZE_PAD // _NS


def _sc_body(idx_hbm, rate_hbm, st_hbm, en_hbm, t_hbm, out0_hbm, out1_hbm,
             acc,
             i0, i1, i2, i3, r0, r1, r2, r3,
             s0, s1, s2, s3, e0, e1, e2, e3,
             t_v,
             n0, n1, n2, n3, m0, m1, m2, m3):
    c = lax.axis_index("c")
    s = lax.axis_index("s")
    wid = s * _NC + c

    IDX = [i0, i1, i2, i3]
    RATE = [r0, r1, r2, r3]
    ST = [s0, s1, s2, s3]
    EN = [e0, e1, e2, e3]
    INSEM = [n0, n1, n2, n3]
    SCSEM = [m0, m1, m2, m3]

    nseg = _TILE_OUT // _CHUNK
    segs = [(r * _CHUNK, _CHUNK) for r in range(nseg)]
    rem = _TILE_OUT - nseg * _CHUNK
    if rem:
        segs.append((nseg * _CHUNK, rem))

    @plsc.parallel_loop(0, _CHUNK, _L)
    def _zero(i):
        r0[pl.ds(i, _L)] = jnp.zeros((_L,), jnp.float32)

    tile_base = s * _TILE_OUT
    zcps = [pltpu.async_copy(
        r0.at[pl.ds(0, ln)], acc.at[pl.ds(tile_base + off, ln)], n0)
        for off, ln in segs]
    for cp in zcps:
        cp.wait()
    plsc.subcore_barrier()

    pltpu.sync_copy(t_hbm, t_v)
    t = t_v[...]

    def _in_descs(k, b):
        sl = pl.ds((wid + k * _NW) * _CHUNK, _CHUNK)
        return [(idx_hbm.at[sl], IDX[b]), (rate_hbm.at[sl], RATE[b]),
                (st_hbm.at[sl], ST[b]), (en_hbm.at[sl], EN[b])]

    def issue_in(k, b):
        for src, dst in _in_descs(k, b):
            pltpu.async_copy(src, dst, INSEM[b])

    def wait_in(k, b):
        for src, dst in _in_descs(k, b):
            pltpu.make_async_copy(src, dst, INSEM[b]).wait()

    def compute(b):
        st_b, en_b, rate_b = ST[b], EN[b], RATE[b]

        @plsc.parallel_loop(0, _CHUNK, _L, unroll=8)
        def _mask(i):
            sl = pl.ds(i, _L)
            m = (st_b[sl] <= t) & (t < en_b[sl])
            rate_b[sl] = jnp.where(m, rate_b[sl], 0.0)

    def issue_scat(b):
        pltpu.async_copy(RATE[b], acc.at[IDX[b]], SCSEM[b], add=True)

    def wait_scat(b):
        pltpu.make_async_copy(RATE[b], acc.at[IDX[b]], SCSEM[b]).wait()

    def step(k, d, issue_k=None, drain=False):
        nxt = (d + 1) % _D
        if drain:
            wait_scat(nxt)
        if issue_k is not None:
            issue_in(issue_k, nxt)
        wait_in(k, d)
        compute(d)
        issue_scat(d)

    issue_in(0, 0)
    step(0, 0, issue_k=1)
    step(1, 1, issue_k=2)
    step(2, 2, issue_k=3)
    step(3, 3, issue_k=4, drain=True)

    def _body(g, _):
        k0 = g * _D
        for d in range(_D):
            step(k0 + d, d, issue_k=k0 + d + 1, drain=True)
        return 0
    lax.fori_loop(1, (_MAXK - 4) // _D, _body, 0)

    last = _MAXK - 1
    has_last = wid + last * _NW < _NCHUNKS

    step(last - 3, 0, issue_k=last - 2, drain=True)
    step(last - 2, 1, issue_k=last - 1, drain=True)
    wait_scat(3)

    @pl.when(has_last)
    def _():
        issue_in(last, 3)
    wait_in(last - 1, 2)
    compute(2)
    issue_scat(2)
    wait_scat(0)

    @pl.when(has_last)
    def _():
        wait_in(last, 3)
        compute(3)
        issue_scat(3)
    wait_scat(1)
    wait_scat(2)

    @pl.when(has_last)
    def _():
        wait_scat(3)

    plsc.subcore_barrier()

    def _wr_out(src, seg):
        @pl.when(c == 0)
        def _():
            pltpu.async_copy(src, out0_hbm.at[seg], m0)

        @pl.when(c == 1)
        def _():
            pltpu.async_copy(src, out1_hbm.at[seg], m0)

    BB = [r0, r1]
    prev = None
    for j, (off, ln) in enumerate(segs):
        b = BB[j % 2]
        seg = pl.ds(tile_base + off, ln)
        pltpu.sync_copy(acc.at[seg], b.at[pl.ds(0, ln)])
        if prev is not None:
            pltpu.make_async_copy(*prev).wait()
        _wr_out(b.at[pl.ds(0, ln)], seg)
        prev = (b.at[pl.ds(0, ln)], out0_hbm.at[seg], m0)
    pltpu.make_async_copy(*prev).wait()


_sc_kernel = pl.kernel(
    _sc_body,
    out_type=[jax.ShapeDtypeStruct((_SIZE_PAD,), jnp.float32),
              jax.ShapeDtypeStruct((_SIZE_PAD,), jnp.float32)],
    mesh=plsc.VectorSubcoreMesh(core_axis_name="c", subcore_axis_name="s"),
    scratch_types=(
        [pltpu.VMEM_SHARED((_SIZE_PAD,), jnp.float32)]
        + [pltpu.VMEM((_CHUNK,), jnp.int32) for _ in range(_D)]
        + [pltpu.VMEM((_CHUNK,), jnp.float32) for _ in range(3 * _D)]
        + [pltpu.VMEM((_L,), jnp.float32)]
        + [pltpu.SemaphoreType.DMA for _ in range(2 * _D)]
    ),
)


def _combine_body(p0_ref, p1_ref, o_ref):
    o_ref[...] = p0_ref[...] + p1_ref[...]


def kernel(index, rate, starttime, endtime, t):
    t_vec = jnp.full((_L,), t, dtype=jnp.float32)
    p0, p1 = _sc_kernel(index, rate, starttime, endtime, t_vec)
    combined = pl.pallas_call(
        _combine_body,
        out_shape=jax.ShapeDtypeStruct((_ROWS, 128), jnp.float32),
    )(p0.reshape(_ROWS, 128), p1.reshape(_ROWS, 128))
    return combined.reshape(_SIZE_PAD)[:_SIZE]

# --- scband reference (transcript-rebuilt; emitter-appended) ---
"""Pipeline reference for scband-inpatient-input-4827543240710 (READ-ONLY COPY).

The authoritative reference and input builder live on the scoring server;
editing this copy changes nothing except your own understanding.
"""

import jax, jax.numpy as jnp
import numpy as np

SIZE = 1000000
N = 4000000


def setup_inputs(seed: int = 0) -> dict:
    key = jax.random.key(seed)
    k1, k2, k3, k4, k5 = jax.random.split(key, 5)
    index = jax.random.randint(k1, (N,), 0, SIZE)
    rate = jax.random.normal(k2, (N,), dtype=jnp.float32)
    starttime = jax.random.uniform(k3, (N,), dtype=jnp.float32)
    endtime = jax.random.uniform(k4, (N,), dtype=jnp.float32)
    t = jax.random.uniform(k5, (), dtype=jnp.float32)
    return {"index": index, "rate": rate, "starttime": starttime, "endtime": endtime, "t": t}


def reference(index, rate, starttime, endtime, t):
    # Faithful translation of InpatientInput.__call__(t):
    #   mask = (starttime <= t) & (t < endtime)
    #   adm_input = zeros(size); adm_input.at[index[mask]].add(rate[mask])
    # Boolean-mask gather is replaced by an equivalent full scatter-add of
    # mask-zeroed rates (adding zeros at unmasked positions is a no-op),
    # which is jit-friendly and numerically identical (incl. duplicate idx).
    mask = (starttime <= t) & (t < endtime)
    vals = jnp.where(mask, rate, jnp.zeros_like(rate))
    adm_input = jnp.zeros(SIZE, dtype=rate.dtype)
    return adm_input.at[index].add(vals)

if __name__ == "__main__":
    import jax
    _d = setup_inputs()
    print(jax.jit(kernel)(*tuple(_d.values())))

</pallas_src>

<mosaic_0001>
#map = affine_map<(d0, d1) -> (0)>
module attributes {stable_mosaic.version = 14 : i64} {
  func.func @_sc_body(%arg0: i32, %arg1: i32, %arg2: memref<4000000xi32, #tpu.memory_space<hbm>>, %arg3: memref<4000000xf32, #tpu.memory_space<hbm>>, %arg4: memref<4000000xf32, #tpu.memory_space<hbm>>, %arg5: memref<4000000xf32, #tpu.memory_space<hbm>>, %arg6: memref<16xf32, #tpu.memory_space<hbm>>, %arg7: memref<1000448xf32, #tpu.memory_space<hbm>>, %arg8: memref<1000448xf32, #tpu.memory_space<hbm>>, %arg9: memref<1000448xf32, #tpu.memory_space<vmem_shared>>, %arg10: memref<4000xi32, #tpu.memory_space<vmem>>, %arg11: memref<4000xi32, #tpu.memory_space<vmem>>, %arg12: memref<4000xi32, #tpu.memory_space<vmem>>, %arg13: memref<4000xi32, #tpu.memory_space<vmem>>, %arg14: memref<4000xf32, #tpu.memory_space<vmem>>, %arg15: memref<4000xf32, #tpu.memory_space<vmem>>, %arg16: memref<4000xf32, #tpu.memory_space<vmem>>, %arg17: memref<4000xf32, #tpu.memory_space<vmem>>, %arg18: memref<4000xf32, #tpu.memory_space<vmem>>, %arg19: memref<4000xf32, #tpu.memory_space<vmem>>, %arg20: memref<4000xf32, #tpu.memory_space<vmem>>, %arg21: memref<4000xf32, #tpu.memory_space<vmem>>, %arg22: memref<4000xf32, #tpu.memory_space<vmem>>, %arg23: memref<4000xf32, #tpu.memory_space<vmem>>, %arg24: memref<4000xf32, #tpu.memory_space<vmem>>, %arg25: memref<4000xf32, #tpu.memory_space<vmem>>, %arg26: memref<16xf32, #tpu.memory_space<vmem>>, %arg27: memref<!tpu.dma_semaphore, #tpu.memory_space<semaphore_mem>>, %arg28: memref<!tpu.dma_semaphore, #tpu.memory_space<semaphore_mem>>, %arg29: memref<!tpu.dma_semaphore, #tpu.memory_space<semaphore_mem>>, %arg30: memref<!tpu.dma_semaphore, #tpu.memory_space<semaphore_mem>>, %arg31: memref<!tpu.dma_semaphore, #tpu.memory_space<semaphore_mem>>, %arg32: memref<!tpu.dma_semaphore, #tpu.memory_space<semaphore_mem>>, %arg33: memref<!tpu.dma_semaphore, #tpu.memory_space<semaphore_mem>>, %arg34: memref<!tpu.dma_semaphore, #tpu.memory_space<semaphore_mem>>) attributes {dimension_semantics = [#tpu.dimension_semantics<core_parallel>, #tpu.dimension_semantics<subcore_parallel>], iteration_bounds = array<i64: 2, 16>, scalar_prefetch = 0 : i64, scratch_operands = 26 : i64, tpu.core_type = #tpu.core_type<sc_vector_subcore>, window_params = [{transform_indices = #map}, {transform_indices = #map}, {transform_indices = #map}, {transform_indices = #map}, {transform_indices = #map}, {transform_indices = #map}, {transform_indices = #map}]} {
    %mul3A = arith.constant 2 : i32
    %mul3A_0 = arith.muli %arg1, %mul3A : i32
    %add3A = arith.addi %mul3A_0, %arg0 : i32
    %parallel_loop3A = arith.constant 0 : i32
    %parallel_loop3A_1 = arith.constant 4000 : i32
    %parallel_loop3A_2 = arith.constant 16 : i32
    scf.for %parallel_loop3A_750 = %parallel_loop3A to %parallel_loop3A_1 step %parallel_loop3A_2  : i32 {
      %parallel_loop3A_751 = arith.constant 0.000000e+00 : f32
      %parallel_loop3A_752 = vector.broadcast %parallel_loop3A_751 : f32 to vector<16xf32>
      %parallel_loop3A_753 = arith.index_cast %parallel_loop3A_750 : i32 to index
      %parallel_loop3A_754 = tpu.vector_load %arg14[%parallel_loop3A_753] {strides = array<i32>} : memref<4000xf32, #tpu.memory_space<vmem>>, vector<16xf32>,
      %parallel_loop3A_755 = vector.shape_cast %parallel_loop3A_754 : vector<16xf32> to vector<16xf32>
      %parallel_loop3A_756 = vector.shape_cast %parallel_loop3A_752 : vector<16xf32> to vector<16xf32>
      tpu.vector_store %arg14[%parallel_loop3A_753], %parallel_loop3A_756 {strides = array<i32>} : memref<4000xf32, #tpu.memory_space<vmem>>, vector<16xf32>,
    } {sc.loop_unroll_factor = 1 : i64, sc.parallel_access}
    %mul3A_3 = arith.constant 62528 : i32
    %mul3A_4 = arith.muli %arg1, %mul3A_3 : i32
    %add3A_5 = arith.constant 0 : i32
    %add3A_6 = arith.addi %mul3A_4, %add3A_5 : i32
    %dma_start3A = arith.constant 0 : i32
    %dma_start3A_7 = tpu.memref_slice %arg14[%dma_start3A] : memref<4000xf32, #tpu.memory_space<vmem>> -> memref<4000xf32, #tpu.memory_space<vmem>>
    %dma_start3A_8 = tpu.memref_slice %arg9[%add3A_6] : memref<1000448xf32, #tpu.memory_space<vmem_shared>> -> memref<4000xf32, #tpu.memory_space<vmem_shared>>
    %dma_start3A_9 = tpu.memref_slice %arg9[%add3A_6] : memref<1000448xf32, #tpu.memory_space<vmem_shared>> -> memref<4000xf32, #tpu.memory_space<vmem_shared>>
    %dma_start3A_10 = arith.constant 0 : i32
    %dma_start3A_11 = tpu.memref_slice %arg14[%dma_start3A_10] : memref<4000xf32, #tpu.memory_space<vmem>> -> memref<4000xf32, #tpu.memory_space<vmem>>
    tpu.enqueue_dma source(%dma_start3A_11 : memref<4000xf32, #tpu.memory_space<vmem>>) target(%dma_start3A_9 : memref<4000xf32, #tpu.memory_space<vmem_shared>>) target_semaphore(%arg27 : memref<!tpu.dma_semaphore, #tpu.memory_space<semaphore_mem>>)
    %add3A_12 = arith.constant 4000 : i32
    %add3A_13 = arith.addi %mul3A_4, %add3A_12 : i32
    %dma_start3A_14 = arith.constant 0 : i32
    %dma_start3A_15 = tpu.memref_slice %arg14[%dma_start3A_14] : memref<4000xf32, #tpu.memory_space<vmem>> -> memref<4000xf32, #tpu.memory_space<vmem>>
    %dma_start3A_16 = tpu.memref_slice %arg9[%add3A_13] : memref<1000448xf32, #tpu.memory_space<vmem_shared>> -> memref<4000xf32, #tpu.memory_space<vmem_shared>>
    %dma_start3A_17 = tpu.memref_slice %arg9[%add3A_13] : memref<1000448xf32, #tpu.memory_space<vmem_shared>> -> memref<4000xf32, #tpu.memory_space<vmem_shared>>
    %dma_start3A_18 = arith.constant 0 : i32
    %dma_start3A_19 = tpu.memref_slice %arg14[%dma_start3A_18] : memref<4000xf32, #tpu.memory_space<vmem>> -> memref<4000xf32, #tpu.memory_space<vmem>>
    tpu.enqueue_dma source(%dma_start3A_19 : memref<4000xf32, #tpu.memory_space<vmem>>) target(%dma_start3A_17 : memref<4000xf32, #tpu.memory_space<vmem_shared>>) target_semaphore(%arg27 : memref<!tpu.dma_semaphore, #tpu.memory_space<semaphore_mem>>)
    %add3A_20 = arith.constant 8000 : i32
    %add3A_21 = arith.addi %mul3A_4, %add3A_20 : i32
    %dma_start3A_22 = arith.constant 0 : i32
    %dma_start3A_23 = tpu.memref_slice %arg14[%dma_start3A_22] : memref<4000xf32, #tpu.memory_space<vmem>> -> memref<4000xf32, #tpu.memory_space<vmem>>
    %dma_start3A_24 = tpu.memref_slice %arg9[%add3A_21] : memref<1000448xf32, #tpu.memory_space<vmem_shared>> -> memref<4000xf32, #tpu.memory_space<vmem_shared>>
    %dma_start3A_25 = tpu.memref_slice %arg9[%add3A_21] : memref<1000448xf32, #tpu.memory_space<vmem_shared>> -> memref<4000xf32, #tpu.memory_space<vmem_shared>>
    %dma_start3A_26 = arith.constant 0 : i32
    %dma_start3A_27 = tpu.memref_slice %arg14[%dma_start3A_26] : memref<4000xf32, #tpu.memory_space<vmem>> -> memref<4000xf32, #tpu.memory_space<vmem>>
    tpu.enqueue_dma source(%dma_start3A_27 : memref<4000xf32, #tpu.memory_space<vmem>>) target(%dma_start3A_25 : memref<4000xf32, #tpu.memory_space<vmem_shared>>) target_semaphore(%arg27 : memref<!tpu.dma_semaphore, #tpu.memory_space<semaphore_mem>>)
    %add3A_28 = arith.constant 12000 : i32
    %add3A_29 = arith.addi %mul3A_4, %add3A_28 : i32
    %dma_start3A_30 = arith.constant 0 : i32
    %dma_start3A_31 = tpu.memref_slice %arg14[%dma_start3A_30] : memref<4000xf32, #tpu.memory_space<vmem>> -> memref<4000xf32, #tpu.memory_space<vmem>>
    %dma_start3A_32 = tpu.memref_slice %arg9[%add3A_29] : memref<1000448xf32, #tpu.memory_space<vmem_shared>> -> memref<4000xf32, #tpu.memory_space<vmem_shared>>
    %dma_start3A_33 = tpu.memref_slice %arg9[%add3A_29] : memref<1000448xf32, #tpu.memory_space<vmem_shared>> -> memref<4000xf32, #tpu.memory_space<vmem_shared>>
    %dma_start3A_34 = arith.constant 0 : i32
    %dma_start3A_35 = tpu.memref_slice %arg14[%dma_start3A_34] : memref<4000xf32, #tpu.memory_space<vmem>> -> memref<4000xf32, #tpu.memory_space<vmem>>
    tpu.enqueue_dma source(%dma_start3A_35 : memref<4000xf32, #tpu.memory_space<vmem>>) target(%dma_start3A_33 : memref<4000xf32, #tpu.memory_space<vmem_shared>>) target_semaphore(%arg27 : memref<!tpu.dma_semaphore, #tpu.memory_space<semaphore_mem>>)
    %add3A_36 = arith.constant 16000 : i32
    %add3A_37 = arith.addi %mul3A_4, %add3A_36 : i32
    %dma_start3A_38 = arith.constant 0 : i32
    %dma_start3A_39 = tpu.memref_slice %arg14[%dma_start3A_38] : memref<4000xf32, #tpu.memory_space<vmem>> -> memref<4000xf32, #tpu.memory_space<vmem>>
    %dma_start3A_40 = tpu.memref_slice %arg9[%add3A_37] : memref<1000448xf32, #tpu.memory_space<vmem_shared>> -> memref<4000xf32, #tpu.memory_space<vmem_shared>>
    %dma_start3A_41 = tpu.memref_slice %arg9[%add3A_37] : memref<1000448xf32, #tpu.memory_space<vmem_shared>> -> memref<4000xf32, #tpu.memory_space<vmem_shared>>
    %dma_start3A_42 = arith.constant 0 : i32
    %dma_start3A_43 = tpu.memref_slice %arg14[%dma_start3A_42] : memref<4000xf32, #tpu.memory_space<vmem>> -> memref<4000xf32, #tpu.memory_space<vmem>>
    tpu.enqueue_dma source(%dma_start3A_43 : memref<4000xf32, #tpu.memory_space<vmem>>) target(%dma_start3A_41 : memref<4000xf32, #tpu.memory_space<vmem_shared>>) target_semaphore(%arg27 : memref<!tpu.dma_semaphore, #tpu.memory_space<semaphore_mem>>)
    %add3A_44 = arith.constant 20000 : i32
    %add3A_45 = arith.addi %mul3A_4, %add3A_44 : i32
    %dma_start3A_46 = arith.constant 0 : i32
    %dma_start3A_47 = tpu.memref_slice %arg14[%dma_start3A_46] : memref<4000xf32, #tpu.memory_space<vmem>> -> memref<4000xf32, #tpu.memory_space<vmem>>
    %dma_start3A_48 = tpu.memref_slice %arg9[%add3A_45] : memref<1000448xf32, #tpu.memory_space<vmem_shared>> -> memref<4000xf32, #tpu.memory_space<vmem_shared>>
    %dma_start3A_49 = tpu.memref_slice %arg9[%add3A_45] : memref<1000448xf32, #tpu.memory_space<vmem_shared>> -> memref<4000xf32, #tpu.memory_space<vmem_shared>>
    %dma_start3A_50 = arith.constant 0 : i32
    %dma_start3A_51 = tpu.memref_slice %arg14[%dma_start3A_50] : memref<4000xf32, #tpu.memory_space<vmem>> -> memref<4000xf32, #tpu.memory_space<vmem>>
    tpu.enqueue_dma source(%dma_start3A_51 : memref<4000xf32, #tpu.memory_space<vmem>>) target(%dma_start3A_49 : memref<4000xf32, #tpu.memory_space<vmem_shared>>) target_semaphore(%arg27 : memref<!tpu.dma_semaphore, #tpu.memory_space<semaphore_mem>>)
    %add3A_52 = arith.constant 24000 : i32
    %add3A_53 = arith.addi %mul3A_4, %add3A_52 : i32
    %dma_start3A_54 = arith.constant 0 : i32
    %dma_start3A_55 = tpu.memref_slice %arg14[%dma_start3A_54] : memref<4000xf32, #tpu.memory_space<vmem>> -> memref<4000xf32, #tpu.memory_space<vmem>>
    %dma_start3A_56 = tpu.memref_slice %arg9[%add3A_53] : memref<1000448xf32, #tpu.memory_space<vmem_shared>> -> memref<4000xf32, #tpu.memory_space<vmem_shared>>
    %dma_start3A_57 = tpu.memref_slice %arg9[%add3A_53] : memref<1000448xf32, #tpu.memory_space<vmem_shared>> -> memref<4000xf32, #tpu.memory_space<vmem_shared>>
    %dma_start3A_58 = arith.constant 0 : i32
    %dma_start3A_59 = tpu.memref_slice %arg14[%dma_start3A_58] : memref<4000xf32, #tpu.memory_space<vmem>> -> memref<4000xf32, #tpu.memory_space<vmem>>
    tpu.enqueue_dma source(%dma_start3A_59 : memref<4000xf32, #tpu.memory_space<vmem>>) target(%dma_start3A_57 : memref<4000xf32, #tpu.memory_space<vmem_shared>>) target_semaphore(%arg27 : memref<!tpu.dma_semaphore, #tpu.memory_space<semaphore_mem>>)
    %add3A_60 = arith.constant 28000 : i32
    %add3A_61 = arith.addi %mul3A_4, %add3A_60 : i32
    %dma_start3A_62 = arith.constant 0 : i32
    %dma_start3A_63 = tpu.memref_slice %arg14[%dma_start3A_62] : memref<4000xf32, #tpu.memory_space<vmem>> -> memref<4000xf32, #tpu.memory_space<vmem>>
    %dma_start3A_64 = tpu.memref_slice %arg9[%add3A_61] : memref<1000448xf32, #tpu.memory_space<vmem_shared>> -> memref<4000xf32, #tpu.memory_space<vmem_shared>>
    %dma_start3A_65 = tpu.memref_slice %arg9[%add3A_61] : memref<1000448xf32, #tpu.memory_space<vmem_shared>> -> memref<4000xf32, #tpu.memory_space<vmem_shared>>
    %dma_start3A_66 = arith.constant 0 : i32
    %dma_start3A_67 = tpu.memref_slice %arg14[%dma_start3A_66] : memref<4000xf32, #tpu.memory_space<vmem>> -> memref<4000xf32, #tpu.memory_space<vmem>>
    tpu.enqueue_dma source(%dma_start3A_67 : memref<4000xf32, #tpu.memory_space<vmem>>) target(%dma_start3A_65 : memref<4000xf32, #tpu.memory_space<vmem_shared>>) target_semaphore(%arg27 : memref<!tpu.dma_semaphore, #tpu.memory_space<semaphore_mem>>)
    %add3A_68 = arith.constant 32000 : i32
    %add3A_69 = arith.addi %mul3A_4, %add3A_68 : i32
    %dma_start3A_70 = arith.constant 0 : i32
    %dma_start3A_71 = tpu.memref_slice %arg14[%dma_start3A_70] : memref<4000xf32, #tpu.memory_space<vmem>> -> memref<4000xf32, #tpu.memory_space<vmem>>
    %dma_start3A_72 = tpu.memref_slice %arg9[%add3A_69] : memref<1000448xf32, #tpu.memory_space<vmem_shared>> -> memref<4000xf32, #tpu.memory_space<vmem_shared>>
    %dma_start3A_73 = tpu.memref_slice %arg9[%add3A_69] : memref<1000448xf32, #tpu.memory_space<vmem_shared>> -> memref<4000xf32, #tpu.memory_space<vmem_shared>>
    %dma_start3A_74 = arith.constant 0 : i32
    %dma_start3A_75 = tpu.memref_slice %arg14[%dma_start3A_74] : memref<4000xf32, #tpu.memory_space<vmem>> -> memref<4000xf32, #tpu.memory_space<vmem>>
    tpu.enqueue_dma source(%dma_start3A_75 : memref<4000xf32, #tpu.memory_space<vmem>>) target(%dma_start3A_73 : memref<4000xf32, #tpu.memory_space<vmem_shared>>) target_semaphore(%arg27 : memref<!tpu.dma_semaphore, #tpu.memory_space<semaphore_mem>>)
    %add3A_76 = arith.constant 36000 : i32
    %add3A_77 = arith.addi %mul3A_4, %add3A_76 : i32
    %dma_start3A_78 = arith.constant 0 : i32
    %dma_start3A_79 = tpu.memref_slice %arg14[%dma_start3A_78] : memref<4000xf32, #tpu.memory_space<vmem>> -> memref<4000xf32, #tpu.memory_space<vmem>>
    %dma_start3A_80 = tpu.memref_slice %arg9[%add3A_77] : memref<1000448xf32, #tpu.memory_space<vmem_shared>> -> memref<4000xf32, #tpu.memory_space<vmem_shared>>
    %dma_start3A_81 = tpu.memref_slice %arg9[%add3A_77] : memref<1000448xf32, #tpu.memory_space<vmem_shared>> -> memref<4000xf32, #tpu.memory_space<vmem_shared>>
    %dma_start3A_82 = arith.constant 0 : i32
    %dma_start3A_83 = tpu.memref_slice %arg14[%dma_start3A_82] : memref<4000xf32, #tpu.memory_space<vmem>> -> memref<4000xf32, #tpu.memory_space<vmem>>
    tpu.enqueue_dma source(%dma_start3A_83 : memref<4000xf32, #tpu.memory_space<vmem>>) target(%dma_start3A_81 : memref<4000xf32, #tpu.memory_space<vmem_shared>>) target_semaphore(%arg27 : memref<!tpu.dma_semaphore, #tpu.memory_space<semaphore_mem>>)
    %add3A_84 = arith.constant 40000 : i32
    %add3A_85 = arith.addi %mul3A_4, %add3A_84 : i32
    %dma_start3A_86 = arith.constant 0 : i32
    %dma_start3A_87 = tpu.memref_slice %arg14[%dma_start3A_86] : memref<4000xf32, #tpu.memory_space<vmem>> -> memref<4000xf32, #tpu.memory_space<vmem>>
    %dma_start3A_88 = tpu.memref_slice %arg9[%add3A_85] : memref<1000448xf32, #tpu.memory_space<vmem_shared>> -> memref<4000xf32, #tpu.memory_space<vmem_shared>>
    %dma_start3A_89 = tpu.memref_slice %arg9[%add3A_85] : memref<1000448xf32, #tpu.memory_space<vmem_shared>> -> memref<4000xf32, #tpu.memory_space<vmem_shared>>
    %dma_start3A_90 = arith.constant 0 : i32
    %dma_start3A_91 = tpu.memref_slice %arg14[%dma_start3A_90] : memref<4000xf32, #tpu.memory_space<vmem>> -> memref<4000xf32, #tpu.memory_space<vmem>>
    tpu.enqueue_dma source(%dma_start3A_91 : memref<4000xf32, #tpu.memory_space<vmem>>) target(%dma_start3A_89 : memref<4000xf32, #tpu.memory_space<vmem_shared>>) target_semaphore(%arg27 : memref<!tpu.dma_semaphore, #tpu.memory_space<semaphore_mem>>)
    %add3A_92 = arith.constant 44000 : i32
    %add3A_93 = arith.addi %mul3A_4, %add3A_92 : i32
    %dma_start3A_94 = arith.constant 0 : i32
    %dma_start3A_95 = tpu.memref_slice %arg14[%dma_start3A_94] : memref<4000xf32, #tpu.memory_space<vmem>> -> memref<4000xf32, #tpu.memory_space<vmem>>
    %dma_start3A_96 = tpu.memref_slice %arg9[%add3A_93] : memref<1000448xf32, #tpu.memory_space<vmem_shared>> -> memref<4000xf32, #tpu.memory_space<vmem_shared>>
    %dma_start3A_97 = tpu.memref_slice %arg9[%add3A_93] : memref<1000448xf32, #tpu.memory_space<vmem_shared>> -> memref<4000xf32, #tpu.memory_space<vmem_shared>>
    %dma_start3A_98 = arith.constant 0 : i32
    %dma_start3A_99 = tpu.memref_slice %arg14[%dma_start3A_98] : memref<4000xf32, #tpu.memory_space<vmem>> -> memref<4000xf32, #tpu.memory_space<vmem>>
    tpu.enqueue_dma source(%dma_start3A_99 : memref<4000xf32, #tpu.memory_space<vmem>>) target(%dma_start3A_97 : memref<4000xf32, #tpu.memory_space<vmem_shared>>) target_semaphore(%arg27 : memref<!tpu.dma_semaphore, #tpu.memory_space<semaphore_mem>>)
    %add3A_100 = arith.constant 48000 : i32
    %add3A_101 = arith.addi %mul3A_4, %add3A_100 : i32
    %dma_start3A_102 = arith.constant 0 : i32
    %dma_start3A_103 = tpu.memref_slice %arg14[%dma_start3A_102] : memref<4000xf32, #tpu.memory_space<vmem>> -> memref<4000xf32, #tpu.memory_space<vmem>>
    %dma_start3A_104 = tpu.memref_slice %arg9[%add3A_101] : memref<1000448xf32, #tpu.memory_space<vmem_shared>> -> memref<4000xf32, #tpu.memory_space<vmem_shared>>
    %dma_start3A_105 = tpu.memref_slice %arg9[%add3A_101] : memref<1000448xf32, #tpu.memory_space<vmem_shared>> -> memref<4000xf32, #tpu.memory_space<vmem_shared>>
    %dma_start3A_106 = arith.constant 0 : i32
    %dma_start3A_107 = tpu.memref_slice %arg14[%dma_start3A_106] : memref<4000xf32, #tpu.memory_space<vmem>> -> memref<4000xf32, #tpu.memory_space<vmem>>
    tpu.enqueue_dma source(%dma_start3A_107 : memref<4000xf32, #tpu.memory_space<vmem>>) target(%dma_start3A_105 : memref<4000xf32, #tpu.memory_space<vmem_shared>>) target_semaphore(%arg27 : memref<!tpu.dma_semaphore, #tpu.memory_space<semaphore_mem>>)
    %add3A_108 = arith.constant 52000 : i32
    %add3A_109 = arith.addi %mul3A_4, %add3A_108 : i32
    %dma_start3A_110 = arith.constant 0 : i32
    %dma_start3A_111 = tpu.memref_slice %arg14[%dma_start3A_110] : memref<4000xf32, #tpu.memory_space<vmem>> -> memref<4000xf32, #tpu.memory_space<vmem>>
    %dma_start3A_112 = tpu.memref_slice %arg9[%add3A_109] : memref<1000448xf32, #tpu.memory_space<vmem_shared>> -> memref<4000xf32, #tpu.memory_space<vmem_shared>>
    %dma_start3A_113 = tpu.memref_slice %arg9[%add3A_109] : memref<1000448xf32, #tpu.memory_space<vmem_shared>> -> memref<4000xf32, #tpu.memory_space<vmem_shared>>
    %dma_start3A_114 = arith.constant 0 : i32
    %dma_start3A_115 = tpu.memref_slice %arg14[%dma_start3A_114] : memref<4000xf32, #tpu.memory_space<vmem>> -> memref<4000xf32, #tpu.memory_space<vmem>>
    tpu.enqueue_dma source(%dma_start3A_115 : memref<4000xf32, #tpu.memory_space<vmem>>) target(%dma_start3A_113 : memref<4000xf32, #tpu.memory_space<vmem_shared>>) target_semaphore(%arg27 : memref<!tpu.dma_semaphore, #tpu.memory_space<semaphore_mem>>)
    %add3A_116 = arith.constant 56000 : i32
    %add3A_117 = arith.addi %mul3A_4, %add3A_116 : i32
    %dma_start3A_118 = arith.constant 0 : i32
    %dma_start3A_119 = tpu.memref_slice %arg14[%dma_start3A_118] : memref<4000xf32, #tpu.memory_space<vmem>> -> memref<4000xf32, #tpu.memory_space<vmem>>
    %dma_start3A_120 = tpu.memref_slice %arg9[%add3A_117] : memref<1000448xf32, #tpu.memory_space<vmem_shared>> -> memref<4000xf32, #tpu.memory_space<vmem_shared>>
    %dma_start3A_121 = tpu.memref_slice %arg9[%add3A_117] : memref<1000448xf32, #tpu.memory_space<vmem_shared>> -> memref<4000xf32, #tpu.memory_space<vmem_shared>>
    %dma_start3A_122 = arith.constant 0 : i32
    %dma_start3A_123 = tpu.memref_slice %arg14[%dma_start3A_122] : memref<4000xf32, #tpu.memory_space<vmem>> -> memref<4000xf32, #tpu.memory_space<vmem>>
    tpu.enqueue_dma source(%dma_start3A_123 : memref<4000xf32, #tpu.memory_space<vmem>>) target(%dma_start3A_121 : memref<4000xf32, #tpu.memory_space<vmem_shared>>) target_semaphore(%arg27 : memref<!tpu.dma_semaphore, #tpu.memory_space<semaphore_mem>>)
    %add3A_124 = arith.constant 60000 : i32
    %add3A_125 = arith.addi %mul3A_4, %add3A_124 : i32
    %dma_start3A_126 = arith.constant 0 : i32
    %dma_start3A_127 = tpu.memref_slice %arg14[%dma_start3A_126] : memref<4000xf32, #tpu.memory_space<vmem>> -> memref<2528xf32, #tpu.memory_space<vmem>>
    %dma_start3A_128 = tpu.memref_slice %arg9[%add3A_125] : memref<1000448xf32, #tpu.memory_space<vmem_shared>> -> memref<2528xf32, #tpu.memory_space<vmem_shared>>
    %dma_start3A_129 = tpu.memref_slice %arg9[%add3A_125] : memref<1000448xf32, #tpu.memory_space<vmem_shared>> -> memref<2528xf32, #tpu.memory_space<vmem_shared>>
    %dma_start3A_130 = arith.constant 0 : i32
    %dma_start3A_131 = tpu.memref_slice %arg14[%dma_start3A_130] : memref<4000xf32, #tpu.memory_space<vmem>> -> memref<2528xf32, #tpu.memory_space<vmem>>
    tpu.enqueue_dma source(%dma_start3A_131 : memref<2528xf32, #tpu.memory_space<vmem>>) target(%dma_start3A_129 : memref<2528xf32, #tpu.memory_space<vmem_shared>>) target_semaphore(%arg27 : memref<!tpu.dma_semaphore, #tpu.memory_space<semaphore_mem>>)
    %dma_wait3A = arith.constant 0 : i32
    %dma_wait3A_132 = tpu.memref_slice %arg14[%dma_wait3A] : memref<4000xf32, #tpu.memory_space<vmem>> -> memref<4000xf32, #tpu.memory_space<vmem>>
    %dma_wait3A_133 = tpu.memref_slice %arg9[%add3A_6] : memref<1000448xf32, #tpu.memory_space<vmem_shared>> -> memref<4000xf32, #tpu.memory_space<vmem_shared>>
    %dma_wait3A_134 = tpu.memref_slice %arg9[%add3A_6] : memref<1000448xf32, #tpu.memory_space<vmem_shared>> -> memref<4000xf32, #tpu.memory_space<vmem_shared>>
    %dma_wait3A_135 = arith.constant 0 : i32
    %dma_wait3A_136 = tpu.memref_slice %arg14[%dma_wait3A_135] : memref<4000xf32, #tpu.memory_space<vmem>> -> memref<4000xf32, #tpu.memory_space<vmem>>
    tpu.wait_dma2 semaphore(%arg27 : memref<!tpu.dma_semaphore, #tpu.memory_space<semaphore_mem>>) src(%dma_wait3A_136 : memref<4000xf32, #tpu.memory_space<vmem>>) dst(%dma_wait3A_134 : memref<4000xf32, #tpu.memory_space<vmem_shared>>)
    %dma_wait3A_137 = arith.constant 0 : i32
    %dma_wait3A_138 = tpu.memref_slice %arg14[%dma_wait3A_137] : memref<4000xf32, #tpu.memory_space<vmem>> -> memref<4000xf32, #tpu.memory_space<vmem>>
    %dma_wait3A_139 = tpu.memref_slice %arg9[%add3A_13] : memref<1000448xf32, #tpu.memory_space<vmem_shared>> -> memref<4000xf32, #tpu.memory_space<vmem_shared>>
    %dma_wait3A_140 = tpu.memref_slice %arg9[%add3A_13] : memref<1000448xf32, #tpu.memory_space<vmem_shared>> -> memref<4000xf32, #tpu.memory_space<vmem_shared>>
    %dma_wait3A_141 = arith.constant 0 : i32
    %dma_wait3A_142 = tpu.memref_slice %arg14[%dma_wait3A_141] : memref<4000xf32, #tpu.memory_space<vmem>> -> memref<4000xf32, #tpu.memory_space<vmem>>
    tpu.wait_dma2 semaphore(%arg27 : memref<!tpu.dma_semaphore, #tpu.memory_space<semaphore_mem>>) src(%dma_wait3A_142 : memref<4000xf32, #tpu.memory_space<vmem>>) dst(%dma_wait3A_140 : memref<4000xf32, #tpu.memory_space<vmem_shared>>)
    %dma_wait3A_143 = arith.constant 0 : i32
    %dma_wait3A_144 = tpu.memref_slice %arg14[%dma_wait3A_143] : memref<4000xf32, #tpu.memory_space<vmem>> -> memref<4000xf32, #tpu.memory_space<vmem>>
    %dma_wait3A_145 = tpu.memref_slice %arg9[%add3A_21] : memref<1000448xf32, #tpu.memory_space<vmem_shared>> -> memref<4000xf32, #tpu.memory_space<vmem_shared>>
    %dma_wait3A_146 = tpu.memref_slice %arg9[%add3A_21] : memref<1000448xf32, #tpu.memory_space<vmem_shared>> -> memref<4000xf32, #tpu.memory_space<vmem_shared>>
    %dma_wait3A_147 = arith.constant 0 : i32
    %dma_wait3A_148 = tpu.memref_slice %arg14[%dma_wait3A_147] : memref<4000xf32, #tpu.memory_space<vmem>> -> memref<4000xf32, #tpu.memory_space<vmem>>
    tpu.wait_dma2 semaphore(%arg27 : memref<!tpu.dma_semaphore, #tpu.memory_space<semaphore_mem>>) src(%dma_wait3A_148 : memref<4000xf32, #tpu.memory_space<vmem>>) dst(%dma_wait3A_146 : memref<4000xf32, #tpu.memory_space<vmem_shared>>)
    %dma_wait3A_149 = arith.constant 0 : i32
    %dma_wait3A_150 = tpu.memref_slice %arg14[%dma_wait3A_149] : memref<4000xf32, #tpu.memory_space<vmem>> -> memref<4000xf32, #tpu.memory_space<vmem>>
    %dma_wait3A_151 = tpu.memref_slice %arg9[%add3A_29] : memref<1000448xf32, #tpu.memory_space<vmem_shared>> -> memref<4000xf32, #tpu.memory_space<vmem_shared>>
    %dma_wait3A_152 = tpu.memref_slice %arg9[%add3A_29] : memref<1000448xf32, #tpu.memory_space<vmem_shared>> -> memref<4000xf32, #tpu.memory_space<vmem_shared>>
    %dma_wait3A_153 = arith.constant 0 : i32
    %dma_wait3A_154 = tpu.memref_slice %arg14[%dma_wait3A_153] : memref<4000xf32, #tpu.memory_space<vmem>> -> memref<4000xf32, #tpu.memory_space<vmem>>
    tpu.wait_dma2 semaphore(%arg27 : memref<!tpu.dma_semaphore, #tpu.memory_space<semaphore_mem>>) src(%dma_wait3A_154 : memref<4000xf32, #tpu.memory_space<vmem>>) dst(%dma_wait3A_152 : memref<4000xf32, #tpu.memory_space<vmem_shared>>)
    %dma_wait3A_155 = arith.constant 0 : i32
    %dma_wait3A_156 = tpu.memref_slice %arg14[%dma_wait3A_155] : memref<4000xf32, #tpu.memory_space<vmem>> -> memref<4000xf32, #tpu.memory_space<vmem>>
    %dma_wait3A_157 = tpu.memref_slice %arg9[%add3A_37] : memref<1000448xf32, #tpu.memory_space<vmem_shared>> -> memref<4000xf32, #tpu.memory_space<vmem_shared>>
    %dma_wait3A_158 = tpu.memref_slice %arg9[%add3A_37] : memref<1000448xf32, #tpu.memory_space<vmem_shared>> -> memref<4000xf32, #tpu.memory_space<vmem_shared>>
    %dma_wait3A_159 = arith.constant 0 : i32
    %dma_wait3A_160 = tpu.memref_slice %arg14[%dma_wait3A_159] : memref<4000xf32, #tpu.memory_space<vmem>> -> memref<4000xf32, #tpu.memory_space<vmem>>
    tpu.wait_dma2 semaphore(%arg27 : memref<!tpu.dma_semaphore, #tpu.memory_space<semaphore_mem>>) src(%dma_wait3A_160 : memref<4000xf32, #tpu.memory_space<vmem>>) dst(%dma_wait3A_158 : memref<4000xf32, #tpu.memory_space<vmem_shared>>)
    %dma_wait3A_161 = arith.constant 0 : i32
    %dma_wait3A_162 = tpu.memref_slice %arg14[%dma_wait3A_161] : memref<4000xf32, #tpu.memory_space<vmem>> -> memref<4000xf32, #tpu.memory_space<vmem>>
    %dma_wait3A_163 = tpu.memref_slice %arg9[%add3A_45] : memref<1000448xf32, #tpu.memory_space<vmem_shared>> -> memref<4000xf32, #tpu.memory_space<vmem_shared>>
    %dma_wait3A_164 = tpu.memref_slice %arg9[%add3A_45] : memref<1000448xf32, #tpu.memory_space<vmem_shared>> -> memref<4000xf32, #tpu.memory_space<vmem_shared>>
    %dma_wait3A_165 = arith.constant 0 : i32
    %dma_wait3A_166 = tpu.memref_slice %arg14[%dma_wait3A_165] : memref<4000xf32, #tpu.memory_space<vmem>> -> memref<4000xf32, #tpu.memory_space<vmem>>
    tpu.wait_dma2 semaphore(%arg27 : memref<!tpu.dma_semaphore, #tpu.memory_space<semaphore_mem>>) src(%dma_wait3A_166 : memref<4000xf32, #tpu.memory_space<vmem>>) dst(%dma_wait3A_164 : memref<4000xf32, #tpu.memory_space<vmem_shared>>)
    %dma_wait3A_167 = arith.constant 0 : i32
    %dma_wait3A_168 = tpu.memref_slice %arg14[%dma_wait3A_167] : memref<4000xf32, #tpu.memory_space<vmem>> -> memref<4000xf32, #tpu.memory_space<vmem>>
    %dma_wait3A_169 = tpu.memref_slice %arg9[%add3A_53] : memref<1000448xf32, #tpu.memory_space<vmem_shared>> -> memref<4000xf32, #tpu.memory_space<vmem_shared>>
    %dma_wait3A_170 = tpu.memref_slice %arg9[%add3A_53] : memref<1000448xf32, #tpu.memory_space<vmem_shared>> -> memref<4000xf32, #tpu.memory_space<vmem_shared>>
    %dma_wait3A_171 = arith.constant 0 : i32
    %dma_wait3A_172 = tpu.memref_slice %arg14[%dma_wait3A_171] : memref<4000xf32, #tpu.memory_space<vmem>> -> memref<4000xf32, #tpu.memory_space<vmem>>
    tpu.wait_dma2 semaphore(%arg27 : memref<!tpu.dma_semaphore, #tpu.memory_space<semaphore_mem>>) src(%dma_wait3A_172 : memref<4000xf32, #tpu.memory_space<vmem>>) dst(%dma_wait3A_170 : memref<4000xf32, #tpu.memory_space<vmem_shared>>)
    %dma_wait3A_173 = arith.constant 0 : i32
    %dma_wait3A_174 = tpu.memref_slice %arg14[%dma_wait3A_173] : memref<4000xf32, #tpu.memory_space<vmem>> -> memref<4000xf32, #tpu.memory_space<vmem>>
    %dma_wait3A_175 = tpu.memref_slice %arg9[%add3A_61] : memref<1000448xf32, #tpu.memory_space<vmem_shared>> -> memref<4000xf32, #tpu.memory_space<vmem_shared>>
    %dma_wait3A_176 = tpu.memref_slice %arg9[%add3A_61] : memref<1000448xf32, #tpu.memory_space<vmem_shared>> -> memref<4000xf32, #tpu.memory_space<vmem_shared>>
    %dma_wait3A_177 = arith.constant 0 : i32
    %dma_wait3A_178 = tpu.memref_slice %arg14[%dma_wait3A_177] : memref<4000xf32, #tpu.memory_space<vmem>> -> memref<4000xf32, #tpu.memory_space<vmem>>
    tpu.wait_dma2 semaphore(%arg27 : memref<!tpu.dma_semaphore, #tpu.memory_space<semaphore_mem>>) src(%dma_wait3A_178 : memref<4000xf32, #tpu.memory_space<vmem>>) dst(%dma_wait3A_176 : memref<4000xf32, #tpu.memory_space<vmem_shared>>)
    %dma_wait3A_179 = arith.constant 0 : i32
    %dma_wait3A_180 = tpu.memref_slice %arg14[%dma_wait3A_179] : memref<4000xf32, #tpu.memory_space<vmem>> -> memref<4000xf32, #tpu.memory_space<vmem>>
    %dma_wait3A_181 = tpu.memref_slice %arg9[%add3A_69] : memref<1000448xf32, #tpu.memory_space<vmem_shared>> -> memref<4000xf32, #tpu.memory_space<vmem_shared>>
    %dma_wait3A_182 = tpu.memref_slice %arg9[%add3A_69] : memref<1000448xf32, #tpu.memory_space<vmem_shared>> -> memref<4000xf32, #tpu.memory_space<vmem_shared>>
    %dma_wait3A_183 = arith.constant 0 : i32
    %dma_wait3A_184 = tpu.memref_slice %arg14[%dma_wait3A_183] : memref<4000xf32, #tpu.memory_space<vmem>> -> memref<4000xf32, #tpu.memory_space<vmem>>
    tpu.wait_dma2 semaphore(%arg27 : memref<!tpu.dma_semaphore, #tpu.memory_space<semaphore_mem>>) src(%dma_wait3A_184 : memref<4000xf32, #tpu.memory_space<vmem>>) dst(%dma_wait3A_182 : memref<4000xf32, #tpu.memory_space<vmem_shared>>)
    %dma_wait3A_185 = arith.constant 0 : i32
    %dma_wait3A_186 = tpu.memref_slice %arg14[%dma_wait3A_185] : memref<4000xf32, #tpu.memory_space<vmem>> -> memref<4000xf32, #tpu.memory_space<vmem>>
    %dma_wait3A_187 = tpu.memref_slice %arg9[%add3A_77] : memref<1000448xf32, #tpu.memory_space<vmem_shared>> -> memref<4000xf32, #tpu.memory_space<vmem_shared>>
    %dma_wait3A_188 = tpu.memref_slice %arg9[%add3A_77] : memref<1000448xf32, #tpu.memory_space<vmem_shared>> -> memref<4000xf32, #tpu.memory_space<vmem_shared>>
    %dma_wait3A_189 = arith.constant 0 : i32
    %dma_wait3A_190 = tpu.memref_slice %arg14[%dma_wait3A_189] : memref<4000xf32, #tpu.memory_space<vmem>> -> memref<4000xf32, #tpu.memory_space<vmem>>
    tpu.wait_dma2 semaphore(%arg27 : memref<!tpu.dma_semaphore, #tpu.memory_space<semaphore_mem>>) src(%dma_wait3A_190 : memref<4000xf32, #tpu.memory_space<vmem>>) dst(%dma_wait3A_188 : memref<4000xf32, #tpu.memory_space<vmem_shared>>)
    %dma_wait3A_191 = arith.constant 0 : i32
    %dma_wait3A_192 = tpu.memref_slice %arg14[%dma_wait3A_191] : memref<4000xf32, #tpu.memory_space<vmem>> -> memref<4000xf32, #tpu.memory_space<vmem>>
    %dma_wait3A_193 = tpu.memref_slice %arg9[%add3A_85] : memref<1000448xf32, #tpu.memory_space<vmem_shared>> -> memref<4000xf32, #tpu.memory_space<vmem_shared>>
    %dma_wait3A_194 = tpu.memref_slice %arg9[%add3A_85] : memref<1000448xf32, #tpu.memory_space<vmem_shared>> -> memref<4000xf32, #tpu.memory_space<vmem_shared>>
    %dma_wait3A_195 = arith.constant 0 : i32
    %dma_wait3A_196 = tpu.memref_slice %arg14[%dma_wait3A_195] : memref<4000xf32, #tpu.memory_space<vmem>> -> memref<4000xf32, #tpu.memory_space<vmem>>
    tpu.wait_dma2 semaphore(%arg27 : memref<!tpu.dma_semaphore, #tpu.memory_space<semaphore_mem>>) src(%dma_wait3A_196 : memref<4000xf32, #tpu.memory_space<vmem>>) dst(%dma_wait3A_194 : memref<4000xf32, #tpu.memory_space<vmem_shared>>)
    %dma_wait3A_197 = arith.constant 0 : i32
    %dma_wait3A_198 = tpu.memref_slice %arg14[%dma_wait3A_197] : memref<4000xf32, #tpu.memory_space<vmem>> -> memref<4000xf32, #tpu.memory_space<vmem>>
    %dma_wait3A_199 = tpu.memref_slice %arg9[%add3A_93] : memref<1000448xf32, #tpu.memory_space<vmem_shared>> -> memref<4000xf32, #tpu.memory_space<vmem_shared>>
    %dma_wait3A_200 = tpu.memref_slice %arg9[%add3A_93] : memref<1000448xf32, #tpu.memory_space<vmem_shared>> -> memref<4000xf32, #tpu.memory_space<vmem_shared>>
    %dma_wait3A_201 = arith.constant 0 : i32
    %dma_wait3A_202 = tpu.memref_slice %arg14[%dma_wait3A_201] : memref<4000xf32, #tpu.memory_space<vmem>> -> memref<4000xf32, #tpu.memory_space<vmem>>
    tpu.wait_dma2 semaphore(%arg27 : memref<!tpu.dma_semaphore, #tpu.memory_space<semaphore_mem>>) src(%dma_wait3A_202 : memref<4000xf32, #tpu.memory_space<vmem>>) dst(%dma_wait3A_200 : memref<4000xf32, #tpu.memory_space<vmem_shared>>)
    %dma_wait3A_203 = arith.constant 0 : i32
    %dma_wait3A_204 = tpu.memref_slice %arg14[%dma_wait3A_203] : memref<4000xf32, #tpu.memory_space<vmem>> -> memref<4000xf32, #tpu.memory_space<vmem>>
    %dma_wait3A_205 = tpu.memref_slice %arg9[%add3A_101] : memref<1000448xf32, #tpu.memory_space<vmem_shared>> -> memref<4000xf32, #tpu.memory_space<vmem_shared>>
    %dma_wait3A_206 = tpu.memref_slice %arg9[%add3A_101] : memref<1000448xf32, #tpu.memory_space<vmem_shared>> -> memref<4000xf32, #tpu.memory_space<vmem_shared>>
    %dma_wait3A_207 = arith.constant 0 : i32
    %dma_wait3A_208 = tpu.memref_slice %arg14[%dma_wait3A_207] : memref<4000xf32, #tpu.memory_space<vmem>> -> memref<4000xf32, #tpu.memory_space<vmem>>
    tpu.wait_dma2 semaphore(%arg27 : memref<!tpu.dma_semaphore, #tpu.memory_space<semaphore_mem>>) src(%dma_wait3A_208 : memref<4000xf32, #tpu.memory_space<vmem>>) dst(%dma_wait3A_206 : memref<4000xf32, #tpu.memory_space<vmem_shared>>)
    %dma_wait3A_209 = arith.constant 0 : i32
    %dma_wait3A_210 = tpu.memref_slice %arg14[%dma_wait3A_209] : memref<4000xf32, #tpu.memory_space<vmem>> -> memref<4000xf32, #tpu.memory_space<vmem>>
    %dma_wait3A_211 = tpu.memref_slice %arg9[%add3A_109] : memref<1000448xf32, #tpu.memory_space<vmem_shared>> -> memref<4000xf32, #tpu.memory_space<vmem_shared>>
    %dma_wait3A_212 = tpu.memref_slice %arg9[%add3A_109] : memref<1000448xf32, #tpu.memory_space<vmem_shared>> -> memref<4000xf32, #tpu.memory_space<vmem_shared>>
    %dma_wait3A_213 = arith.constant 0 : i32
    %dma_wait3A_214 = tpu.memref_slice %arg14[%dma_wait3A_213] : memref<4000xf32, #tpu.memory_space<vmem>> -> memref<4000xf32, #tpu.memory_space<vmem>>
    tpu.wait_dma2 semaphore(%arg27 : memref<!tpu.dma_semaphore, #tpu.memory_space<semaphore_mem>>) src(%dma_wait3A_214 : memref<4000xf32, #tpu.memory_space<vmem>>) dst(%dma_wait3A_212 : memref<4000xf32, #tpu.memory_space<vmem_shared>>)
    %dma_wait3A_215 = arith.constant 0 : i32
    %dma_wait3A_216 = tpu.memref_slice %arg14[%dma_wait3A_215] : memref<4000xf32, #tpu.memory_space<vmem>> -> memref<4000xf32, #tpu.memory_space<vmem>>
    %dma_wait3A_217 = tpu.memref_slice %arg9[%add3A_117] : memref<1000448xf32, #tpu.memory_space<vmem_shared>> -> memref<4000xf32, #tpu.memory_space<vmem_shared>>
    %dma_wait3A_218 = tpu.memref_slice %arg9[%add3A_117] : memref<1000448xf32, #tpu.memory_space<vmem_shared>> -> memref<4000xf32, #tpu.memory_space<vmem_shared>>
    %dma_wait3A_219 = arith.constant 0 : i32
    %dma_wait3A_220 = tpu.memref_slice %arg14[%dma_wait3A_219] : memref<4000xf32, #tpu.memory_space<vmem>> -> memref<4000xf32, #tpu.memory_space<vmem>>
    tpu.wait_dma2 semaphore(%arg27 : memref<!tpu.dma_semaphore, #tpu.memory_space<semaphore_mem>>) src(%dma_wait3A_220 : memref<4000xf32, #tpu.memory_space<vmem>>) dst(%dma_wait3A_218 : memref<4000xf32, #tpu.memory_space<vmem_shared>>)
    %dma_wait3A_221 = arith.constant 0 : i32
    %dma_wait3A_222 = tpu.memref_slice %arg14[%dma_wait3A_221] : memref<4000xf32, #tpu.memory_space<vmem>> -> memref<2528xf32, #tpu.memory_space<vmem>>
    %dma_wait3A_223 = tpu.memref_slice %arg9[%add3A_125] : memref<1000448xf32, #tpu.memory_space<vmem_shared>> -> memref<2528xf32, #tpu.memory_space<vmem_shared>>
    %dma_wait3A_224 = tpu.memref_slice %arg9[%add3A_125] : memref<1000448xf32, #tpu.memory_space<vmem_shared>> -> memref<2528xf32, #tpu.memory_space<vmem_shared>>
    %dma_wait3A_225 = arith.constant 0 : i32
    %dma_wait3A_226 = tpu.memref_slice %arg14[%dma_wait3A_225] : memref<4000xf32, #tpu.memory_space<vmem>> -> memref<2528xf32, #tpu.memory_space<vmem>>
    tpu.wait_dma2 semaphore(%arg27 : memref<!tpu.dma_semaphore, #tpu.memory_space<semaphore_mem>>) src(%dma_wait3A_226 : memref<2528xf32, #tpu.memory_space<vmem>>) dst(%dma_wait3A_224 : memref<2528xf32, #tpu.memory_space<vmem_shared>>)
    %barrier3A = arith.constant 0 : index
    tpu.barrier barrier_id(%barrier3A)
    "tpu.region"() ({
      %run_scoped3A = tpu.sem_alloc : memref<!tpu.dma_semaphore, #tpu.memory_space<semaphore_mem>>
      tpu.enqueue_dma source(%arg6 : memref<16xf32, #tpu.memory_space<hbm>>) target(%arg26 : memref<16xf32, #tpu.memory_space<vmem>>) target_semaphore(%run_scoped3A : memref<!tpu.dma_semaphore, #tpu.memory_space<semaphore_mem>>)
      tpu.wait_dma2 semaphore(%run_scoped3A : memref<!tpu.dma_semaphore, #tpu.memory_space<semaphore_mem>>) src(%arg6 : memref<16xf32, #tpu.memory_space<hbm>>) dst(%arg26 : memref<16xf32, #tpu.memory_space<vmem>>)
      tpu.yield
    }) : () -> ()
    %get3A = arith.constant 0 : index
    %get3A_227 = tpu.vector_load %arg26[%get3A] {strides = array<i32>} : memref<16xf32, #tpu.memory_space<vmem>>, vector<16xf32>,
    %get3A_228 = vector.shape_cast %get3A_227 : vector<16xf32> to vector<16xf32>
    %add3A_229 = arith.constant 0 : i32
    %add3A_230 = arith.addi %add3A, %add3A_229 : i32
    %mul3A_231 = arith.constant 4000 : i32
    %mul3A_232 = arith.muli %add3A_230, %mul3A_231 : i32
    %dma_start3A_233 = tpu.memref_slice %arg2[%mul3A_232] : memref<4000000xi32, #tpu.memory_space<hbm>> -> memref<4000xi32, #tpu.memory_space<hbm>>
    %dma_start3A_234 = tpu.memref_slice %arg2[%mul3A_232] : memref<4000000xi32, #tpu.memory_space<hbm>> -> memref<4000xi32, #tpu.memory_space<hbm>>
    tpu.enqueue_dma source(%dma_start3A_234 : memref<4000xi32, #tpu.memory_space<hbm>>) target(%arg10 : memref<4000xi32, #tpu.memory_space<vmem>>) target_semaphore(%arg27 : memref<!tpu.dma_semaphore, #tpu.memory_space<semaphore_mem>>)
    %dma_start3A_235 = tpu.memref_slice %arg3[%mul3A_232] : memref<4000000xf32, #tpu.memory_space<hbm>> -> memref<4000xf32, #tpu.memory_space<hbm>>
    %dma_start3A_236 = tpu.memref_slice %arg3[%mul3A_232] : memref<4000000xf32, #tpu.memory_space<hbm>> -> memref<4000xf32, #tpu.memory_space<hbm>>
    tpu.enqueue_dma source(%dma_start3A_236 : memref<4000xf32, #tpu.memory_space<hbm>>) target(%arg14 : memref<4000xf32, #tpu.memory_space<vmem>>) target_semaphore(%arg27 : memref<!tpu.dma_semaphore, #tpu.memory_space<semaphore_mem>>)
    %dma_start3A_237 = tpu.memref_slice %arg4[%mul3A_232] : memref<4000000xf32, #tpu.memory_space<hbm>> -> memref<4000xf32, #tpu.memory_space<hbm>>
    %dma_start3A_238 = tpu.memref_slice %arg4[%mul3A_232] : memref<4000000xf32, #tpu.memory_space<hbm>> -> memref<4000xf32, #tpu.memory_space<hbm>>
    tpu.enqueue_dma source(%dma_start3A_238 : memref<4000xf32, #tpu.memory_space<hbm>>) target(%arg18 : memref<4000xf32, #tpu.memory_space<vmem>>) target_semaphore(%arg27 : memref<!tpu.dma_semaphore, #tpu.memory_space<semaphore_mem>>)
    %dma_start3A_239 = tpu.memref_slice %arg5[%mul3A_232] : memref<4000000xf32, #tpu.memory_space<hbm>> -> memref<4000xf32, #tpu.memory_space<hbm>>
    %dma_start3A_240 = tpu.memref_slice %arg5[%mul3A_232] : memref<4000000xf32, #tpu.memory_space<hbm>> -> memref<4000xf32, #tpu.memory_space<hbm>>
    tpu.enqueue_dma source(%dma_start3A_240 : memref<4000xf32, #tpu.memory_space<hbm>>) target(%arg22 : memref<4000xf32, #tpu.memory_space<vmem>>) target_semaphore(%arg27 : memref<!tpu.dma_semaphore, #tpu.memory_space<semaphore_mem>>)
    %add3A_241 = arith.constant 32 : i32
    %add3A_242 = arith.addi %add3A, %add3A_241 : i32
    %mul3A_243 = arith.constant 4000 : i32
    %mul3A_244 = arith.muli %add3A_242, %mul3A_243 : i32
    %dma_start3A_245 = tpu.memref_slice %arg2[%mul3A_244] : memref<4000000xi32, #tpu.memory_space<hbm>> -> memref<4000xi32, #tpu.memory_space<hbm>>
    %dma_start3A_246 = tpu.memref_slice %arg2[%mul3A_244] : memref<4000000xi32, #tpu.memory_space<hbm>> -> memref<4000xi32, #tpu.memory_space<hbm>>
    tpu.enqueue_dma source(%dma_start3A_246 : memref<4000xi32, #tpu.memory_space<hbm>>) target(%arg11 : memref<4000xi32, #tpu.memory_space<vmem>>) target_semaphore(%arg28 : memref<!tpu.dma_semaphore, #tpu.memory_space<semaphore_mem>>)
    %dma_start3A_247 = tpu.memref_slice %arg3[%mul3A_244] : memref<4000000xf32, #tpu.memory_space<hbm>> -> memref<4000xf32, #tpu.memory_space<hbm>>
    %dma_start3A_248 = tpu.memref_slice %arg3[%mul3A_244] : memref<4000000xf32, #tpu.memory_space<hbm>> -> memref<4000xf32, #tpu.memory_space<hbm>>
    tpu.enqueue_dma source(%dma_start3A_248 : memref<4000xf32, #tpu.memory_space<hbm>>) target(%arg15 : memref<4000xf32, #tpu.memory_space<vmem>>) target_semaphore(%arg28 : memref<!tpu.dma_semaphore, #tpu.memory_space<semaphore_mem>>)
    %dma_start3A_249 = tpu.memref_slice %arg4[%mul3A_244] : memref<4000000xf32, #tpu.memory_space<hbm>> -> memref<4000xf32, #tpu.memory_space<hbm>>
    %dma_start3A_250 = tpu.memref_slice %arg4[%mul3A_244] : memref<4000000xf32, #tpu.memory_space<hbm>> -> memref<4000xf32, #tpu.memory_space<hbm>>
    tpu.enqueue_dma source(%dma_start3A_250 : memref<4000xf32, #tpu.memory_space<hbm>>) target(%arg19 : memref<4000xf32, #tpu.memory_space<vmem>>) target_semaphore(%arg28 : memref<!tpu.dma_semaphore, #tpu.memory_space<semaphore_mem>>)
    %dma_start3A_251 = tpu.memref_slice %arg5[%mul3A_244] : memref<4000000xf32, #tpu.memory_space<hbm>> -> memref<4000xf32, #tpu.memory_space<hbm>>
    %dma_start3A_252 = tpu.memref_slice %arg5[%mul3A_244] : memref<4000000xf32, #tpu.memory_space<hbm>> -> memref<4000xf32, #tpu.memory_space<hbm>>
    tpu.enqueue_dma source(%dma_start3A_252 : memref<4000xf32, #tpu.memory_space<hbm>>) target(%arg23 : memref<4000xf32, #tpu.memory_space<vmem>>) target_semaphore(%arg28 : memref<!tpu.dma_semaphore, #tpu.memory_space<semaphore_mem>>)
    %add3A_253 = arith.constant 0 : i32
    %add3A_254 = arith.addi %add3A, %add3A_253 : i32
    %mul3A_255 = arith.constant 4000 : i32
    %mul3A_256 = arith.muli %add3A_254, %mul3A_255 : i32
    %dma_wait3A_257 = tpu.memref_slice %arg2[%mul3A_256] : memref<4000000xi32, #tpu.memory_space<hbm>> -> memref<4000xi32, #tpu.memory_space<hbm>>
    %dma_wait3A_258 = tpu.memref_slice %arg2[%mul3A_256] : memref<4000000xi32, #tpu.memory_space<hbm>> -> memref<4000xi32, #tpu.memory_space<hbm>>
    tpu.wait_dma2 semaphore(%arg27 : memref<!tpu.dma_semaphore, #tpu.memory_space<semaphore_mem>>) src(%dma_wait3A_258 : memref<4000xi32, #tpu.memory_space<hbm>>) dst(%arg10 : memref<4000xi32, #tpu.memory_space<vmem>>)
    %dma_wait3A_259 = tpu.memref_slice %arg3[%mul3A_256] : memref<4000000xf32, #tpu.memory_space<hbm>> -> memref<4000xf32, #tpu.memory_space<hbm>>
    %dma_wait3A_260 = tpu.memref_slice %arg3[%mul3A_256] : memref<4000000xf32, #tpu.memory_space<hbm>> -> memref<4000xf32, #tpu.memory_space<hbm>>
    tpu.wait_dma2 semaphore(%arg27 : memref<!tpu.dma_semaphore, #tpu.memory_space<semaphore_mem>>) src(%dma_wait3A_260 : memref<4000xf32, #tpu.memory_space<hbm>>) dst(%arg14 : memref<4000xf32, #tpu.memory_space<vmem>>)
    %dma_wait3A_261 = tpu.memref_slice %arg4[%mul3A_256] : memref<4000000xf32, #tpu.memory_space<hbm>> -> memref<4000xf32, #tpu.memory_space<hbm>>
    %dma_wait3A_262 = tpu.memref_slice %arg4[%mul3A_256] : memref<4000000xf32, #tpu.memory_space<hbm>> -> memref<4000xf32, #tpu.memory_space<hbm>>
    tpu.wait_dma2 semaphore(%arg27 : memref<!tpu.dma_semaphore, #tpu.memory_space<semaphore_mem>>) src(%dma_wait3A_262 : memref<4000xf32, #tpu.memory_space<hbm>>) dst(%arg18 : memref<4000xf32, #tpu.memory_space<vmem>>)
    %dma_wait3A_263 = tpu.memref_slice %arg5[%mul3A_256] : memref<4000000xf32, #tpu.memory_space<hbm>> -> memref<4000xf32, #tpu.memory_space<hbm>>
    %dma_wait3A_264 = tpu.memref_slice %arg5[%mul3A_256] : memref<4000000xf32, #tpu.memory_space<hbm>> -> memref<4000xf32, #tpu.memory_space<hbm>>
    tpu.wait_dma2 semaphore(%arg27 : memref<!tpu.dma_semaphore, #tpu.memory_space<semaphore_mem>>) src(%dma_wait3A_264 : memref<4000xf32, #tpu.memory_space<hbm>>) dst(%arg22 : memref<4000xf32, #tpu.memory_space<vmem>>)
    %parallel_loop3A_265 = arith.constant 0 : i32
    %parallel_loop3A_266 = arith.constant 4000 : i32
    %parallel_loop3A_267 = arith.constant 16 : i32
    scf.for %parallel_loop3A_750 = %parallel_loop3A_265 to %parallel_loop3A_266 step %parallel_loop3A_267  : i32 {
      %parallel_loop3A_751 = arith.index_cast %parallel_loop3A_750 : i32 to index
      %parallel_loop3A_752 = tpu.vector_load %arg18[%parallel_loop3A_751] {strides = array<i32>} : memref<4000xf32, #tpu.memory_space<vmem>>, vector<16xf32>,
      %parallel_loop3A_753 = vector.shape_cast %parallel_loop3A_752 : vector<16xf32> to vector<16xf32>
      %parallel_loop3A_754 = arith.cmpf ole, %parallel_loop3A_753, %get3A_228 : vector<16xf32>
      %parallel_loop3A_755 = arith.index_cast %parallel_loop3A_750 : i32 to index
      %parallel_loop3A_756 = tpu.vector_load %arg22[%parallel_loop3A_755] {strides = array<i32>} : memref<4000xf32, #tpu.memory_space<vmem>>, vector<16xf32>,
      %parallel_loop3A_757 = vector.shape_cast %parallel_loop3A_756 : vector<16xf32> to vector<16xf32>
      %parallel_loop3A_758 = arith.cmpf olt, %get3A_228, %parallel_loop3A_757 : vector<16xf32>
      %parallel_loop3A_759 = arith.andi %parallel_loop3A_754, %parallel_loop3A_758 : vector<16xi1>
      %parallel_loop3A_760 = arith.index_cast %parallel_loop3A_750 : i32 to index
      %parallel_loop3A_761 = tpu.vector_load %arg14[%parallel_loop3A_760] {strides = array<i32>} : memref<4000xf32, #tpu.memory_space<vmem>>, vector<16xf32>,
      %parallel_loop3A_762 = vector.shape_cast %parallel_loop3A_761 : vector<16xf32> to vector<16xf32>
      %parallel_loop3A_763 = arith.constant 0.000000e+00 : f32
      %parallel_loop3A_764 = vector.broadcast %parallel_loop3A_763 : f32 to vector<16xf32>
      %parallel_loop3A_765 = arith.select %parallel_loop3A_759, %parallel_loop3A_762, %parallel_loop3A_764 : vector<16xi1>, vector<16xf32>
      %parallel_loop3A_766 = arith.index_cast %parallel_loop3A_750 : i32 to index
      %parallel_loop3A_767 = tpu.vector_load %arg14[%parallel_loop3A_766] {strides = array<i32>} : memref<4000xf32, #tpu.memory_space<vmem>>, vector<16xf32>,
      %parallel_loop3A_768 = vector.shape_cast %parallel_loop3A_767 : vector<16xf32> to vector<16xf32>
      %parallel_loop3A_769 = vector.shape_cast %parallel_loop3A_765 : vector<16xf32> to vector<16xf32>
      tpu.vector_store %arg14[%parallel_loop3A_766], %parallel_loop3A_769 {strides = array<i32>} : memref<4000xf32, #tpu.memory_space<vmem>>, vector<16xf32>,
    } {sc.loop_unroll_factor = 8 : i64, sc.parallel_access}
    %dma_start3A_268 = arith.constant 0 : i32
    %dma_start3A_269 = tpu.memref_slice %arg9[%dma_start3A_268] : memref<1000448xf32, #tpu.memory_space<vmem_shared>> -> memref<1000448xf32, #tpu.memory_space<vmem_shared>>
    tpu.enqueue_indirect_dma source(%arg14 : memref<4000xf32, #tpu.memory_space<vmem>>) target(%dma_start3A_269 : memref<1000448xf32, #tpu.memory_space<vmem_shared>>) offsets(%arg10 : memref<4000xi32, #tpu.memory_space<vmem>>) semaphore(%arg31 : memref<!tpu.dma_semaphore, #tpu.memory_space<semaphore_mem>>) {add = true}
    %add3A_270 = arith.constant 64 : i32
    %add3A_271 = arith.addi %add3A, %add3A_270 : i32
    %mul3A_272 = arith.constant 4000 : i32
    %mul3A_273 = arith.muli %add3A_271, %mul3A_272 : i32
    %dma_start3A_274 = tpu.memref_slice %arg2[%mul3A_273] : memref<4000000xi32, #tpu.memory_space<hbm>> -> memref<4000xi32, #tpu.memory_space<hbm>>
    %dma_start3A_275 = tpu.memref_slice %arg2[%mul3A_273] : memref<4000000xi32, #tpu.memory_space<hbm>> -> memref<4000xi32, #tpu.memory_space<hbm>>
    tpu.enqueue_dma source(%dma_start3A_275 : memref<4000xi32, #tpu.memory_space<hbm>>) target(%arg12 : memref<4000xi32, #tpu.memory_space<vmem>>) target_semaphore(%arg29 : memref<!tpu.dma_semaphore, #tpu.memory_space<semaphore_mem>>)
    %dma_start3A_276 = tpu.memref_slice %arg3[%mul3A_273] : memref<4000000xf32, #tpu.memory_space<hbm>> -> memref<4000xf32, #tpu.memory_space<hbm>>
    %dma_start3A_277 = tpu.memref_slice %arg3[%mul3A_273] : memref<4000000xf32, #tpu.memory_space<hbm>> -> memref<4000xf32, #tpu.memory_space<hbm>>
    tpu.enqueue_dma source(%dma_start3A_277 : memref<4000xf32, #tpu.memory_space<hbm>>) target(%arg16 : memref<4000xf32, #tpu.memory_space<vmem>>) target_semaphore(%arg29 : memref<!tpu.dma_semaphore, #tpu.memory_space<semaphore_mem>>)
    %dma_start3A_278 = tpu.memref_slice %arg4[%mul3A_273] : memref<4000000xf32, #tpu.memory_space<hbm>> -> memref<4000xf32, #tpu.memory_space<hbm>>
    %dma_start3A_279 = tpu.memref_slice %arg4[%mul3A_273] : memref<4000000xf32, #tpu.memory_space<hbm>> -> memref<4000xf32, #tpu.memory_space<hbm>>
    tpu.enqueue_dma source(%dma_start3A_279 : memref<4000xf32, #tpu.memory_space<hbm>>) target(%arg20 : memref<4000xf32, #tpu.memory_space<vmem>>) target_semaphore(%arg29 : memref<!tpu.dma_semaphore, #tpu.memory_space<semaphore_mem>>)
    %dma_start3A_280 = tpu.memref_slice %arg5[%mul3A_273] : memref<4000000xf32, #tpu.memory_space<hbm>> -> memref<4000xf32, #tpu.memory_space<hbm>>
    %dma_start3A_281 = tpu.memref_slice %arg5[%mul3A_273] : memref<4000000xf32, #tpu.memory_space<hbm>> -> memref<4000xf32, #tpu.memory_space<hbm>>
    tpu.enqueue_dma source(%dma_start3A_281 : memref<4000xf32, #tpu.memory_space<hbm>>) target(%arg24 : memref<4000xf32, #tpu.memory_space<vmem>>) target_semaphore(%arg29 : memref<!tpu.dma_semaphore, #tpu.memory_space<semaphore_mem>>)
    %add3A_282 = arith.constant 32 : i32
    %add3A_283 = arith.addi %add3A, %add3A_282 : i32
    %mul3A_284 = arith.constant 4000 : i32
    %mul3A_285 = arith.muli %add3A_283, %mul3A_284 : i32
    %dma_wait3A_286 = tpu.memref_slice %arg2[%mul3A_285] : memref<4000000xi32, #tpu.memory_space<hbm>> -> memref<4000xi32, #tpu.memory_space<hbm>>
    %dma_wait3A_287 = tpu.memref_slice %arg2[%mul3A_285] : memref<4000000xi32, #tpu.memory_space<hbm>> -> memref<4000xi32, #tpu.memory_space<hbm>>
    tpu.wait_dma2 semaphore(%arg28 : memref<!tpu.dma_semaphore, #tpu.memory_space<semaphore_mem>>) src(%dma_wait3A_287 : memref<4000xi32, #tpu.memory_space<hbm>>) dst(%arg11 : memref<4000xi32, #tpu.memory_space<vmem>>)
    %dma_wait3A_288 = tpu.memref_slice %arg3[%mul3A_285] : memref<4000000xf32, #tpu.memory_space<hbm>> -> memref<4000xf32, #tpu.memory_space<hbm>>
    %dma_wait3A_289 = tpu.memref_slice %arg3[%mul3A_285] : memref<4000000xf32, #tpu.memory_space<hbm>> -> memref<4000xf32, #tpu.memory_space<hbm>>
    tpu.wait_dma2 semaphore(%arg28 : memref<!tpu.dma_semaphore, #tpu.memory_space<semaphore_mem>>) src(%dma_wait3A_289 : memref<4000xf32, #tpu.memory_space<hbm>>) dst(%arg15 : memref<4000xf32, #tpu.memory_space<vmem>>)
    %dma_wait3A_290 = tpu.memref_slice %arg4[%mul3A_285] : memref<4000000xf32, #tpu.memory_space<hbm>> -> memref<4000xf32, #tpu.memory_space<hbm>>
    %dma_wait3A_291 = tpu.memref_slice %arg4[%mul3A_285] : memref<4000000xf32, #tpu.memory_space<hbm>> -> memref<4000xf32, #tpu.memory_space<hbm>>
    tpu.wait_dma2 semaphore(%arg28 : memref<!tpu.dma_semaphore, #tpu.memory_space<semaphore_mem>>) src(%dma_wait3A_291 : memref<4000xf32, #tpu.memory_space<hbm>>) dst(%arg19 : memref<4000xf32, #tpu.memory_space<vmem>>)
    %dma_wait3A_292 = tpu.memref_slice %arg5[%mul3A_285] : memref<4000000xf32, #tpu.memory_space<hbm>> -> memref<4000xf32, #tpu.memory_space<hbm>>
    %dma_wait3A_293 = tpu.memref_slice %arg5[%mul3A_285] : memref<4000000xf32, #tpu.memory_space<hbm>> -> memref<4000xf32, #tpu.memory_space<hbm>>
    tpu.wait_dma2 semaphore(%arg28 : memref<!tpu.dma_semaphore, #tpu.memory_space<semaphore_mem>>) src(%dma_wait3A_293 : memref<4000xf32, #tpu.memory_space<hbm>>) dst(%arg23 : memref<4000xf32, #tpu.memory_space<vmem>>)
    %parallel_loop3A_294 = arith.constant 0 : i32
    %parallel_loop3A_295 = arith.constant 4000 : i32
    %parallel_loop3A_296 = arith.constant 16 : i32
    scf.for %parallel_loop3A_750 = %parallel_loop3A_294 to %parallel_loop3A_295 step %parallel_loop3A_296  : i32 {
      %parallel_loop3A_751 = arith.index_cast %parallel_loop3A_750 : i32 to index
      %parallel_loop3A_752 = tpu.vector_load %arg19[%parallel_loop3A_751] {strides = array<i32>} : memref<4000xf32, #tpu.memory_space<vmem>>, vector<16xf32>,
      %parallel_loop3A_753 = vector.shape_cast %parallel_loop3A_752 : vector<16xf32> to vector<16xf32>
      %parallel_loop3A_754 = arith.cmpf ole, %parallel_loop3A_753, %get3A_228 : vector<16xf32>
      %parallel_loop3A_755 = arith.index_cast %parallel_loop3A_750 : i32 to index
      %parallel_loop3A_756 = tpu.vector_load %arg23[%parallel_loop3A_755] {strides = array<i32>} : memref<4000xf32, #tpu.memory_space<vmem>>, vector<16xf32>,
      %parallel_loop3A_757 = vector.shape_cast %parallel_loop3A_756 : vector<16xf32> to vector<16xf32>
      %parallel_loop3A_758 = arith.cmpf olt, %get3A_228, %parallel_loop3A_757 : vector<16xf32>
      %parallel_loop3A_759 = arith.andi %parallel_loop3A_754, %parallel_loop3A_758 : vector<16xi1>
      %parallel_loop3A_760 = arith.index_cast %parallel_loop3A_750 : i32 to index
      %parallel_loop3A_761 = tpu.vector_load %arg15[%parallel_loop3A_760] {strides = array<i32>} : memref<4000xf32, #tpu.memory_space<vmem>>, vector<16xf32>,
      %parallel_loop3A_762 = vector.shape_cast %parallel_loop3A_761 : vector<16xf32> to vector<16xf32>
      %parallel_loop3A_763 = arith.constant 0.000000e+00 : f32
      %parallel_loop3A_764 = vector.broadcast %parallel_loop3A_763 : f32 to vector<16xf32>
      %parallel_loop3A_765 = arith.select %parallel_loop3A_759, %parallel_loop3A_762, %parallel_loop3A_764 : vector<16xi1>, vector<16xf32>
      %parallel_loop3A_766 = arith.index_cast %parallel_loop3A_750 : i32 to index
      %parallel_loop3A_767 = tpu.vector_load %arg15[%parallel_loop3A_766] {strides = array<i32>} : memref<4000xf32, #tpu.memory_space<vmem>>, vector<16xf32>,
      %parallel_loop3A_768 = vector.shape_cast %parallel_loop3A_767 : vector<16xf32> to vector<16xf32>
      %parallel_loop3A_769 = vector.shape_cast %parallel_loop3A_765 : vector<16xf32> to vector<16xf32>
      tpu.vector_store %arg15[%parallel_loop3A_766], %parallel_loop3A_769 {strides = array<i32>} : memref<4000xf32, #tpu.memory_space<vmem>>, vector<16xf32>,
    } {sc.loop_unroll_factor = 8 : i64, sc.parallel_access}
    %dma_start3A_297 = arith.constant 0 : i32
    %dma_start3A_298 = tpu.memref_slice %arg9[%dma_start3A_297] : memref<1000448xf32, #tpu.memory_space<vmem_shared>> -> memref<1000448xf32, #tpu.memory_space<vmem_shared>>
    tpu.enqueue_indirect_dma source(%arg15 : memref<4000xf32, #tpu.memory_space<vmem>>) target(%dma_start3A_298 : memref<1000448xf32, #tpu.memory_space<vmem_shared>>) offsets(%arg11 : memref<4000xi32, #tpu.memory_space<vmem>>) semaphore(%arg32 : memref<!tpu.dma_semaphore, #tpu.memory_space<semaphore_mem>>) {add = true}
    %add3A_299 = arith.constant 96 : i32
    %add3A_300 = arith.addi %add3A, %add3A_299 : i32
    %mul3A_301 = arith.constant 4000 : i32
    %mul3A_302 = arith.muli %add3A_300, %mul3A_301 : i32
    %dma_start3A_303 = tpu.memref_slice %arg2[%mul3A_302] : memref<4000000xi32, #tpu.memory_space<hbm>> -> memref<4000xi32, #tpu.memory_space<hbm>>
    %dma_start3A_304 = tpu.memref_slice %arg2[%mul3A_302] : memref<4000000xi32, #tpu.memory_space<hbm>> -> memref<4000xi32, #tpu.memory_space<hbm>>
    tpu.enqueue_dma source(%dma_start3A_304 : memref<4000xi32, #tpu.memory_space<hbm>>) target(%arg13 : memref<4000xi32, #tpu.memory_space<vmem>>) target_semaphore(%arg30 : memref<!tpu.dma_semaphore, #tpu.memory_space<semaphore_mem>>)
    %dma_start3A_305 = tpu.memref_slice %arg3[%mul3A_302] : memref<4000000xf32, #tpu.memory_space<hbm>> -> memref<4000xf32, #tpu.memory_space<hbm>>
    %dma_start3A_306 = tpu.memref_slice %arg3[%mul3A_302] : memref<4000000xf32, #tpu.memory_space<hbm>> -> memref<4000xf32, #tpu.memory_space<hbm>>
    tpu.enqueue_dma source(%dma_start3A_306 : memref<4000xf32, #tpu.memory_space<hbm>>) target(%arg17 : memref<4000xf32, #tpu.memory_space<vmem>>) target_semaphore(%arg30 : memref<!tpu.dma_semaphore, #tpu.memory_space<semaphore_mem>>)
    %dma_start3A_307 = tpu.memref_slice %arg4[%mul3A_302] : memref<4000000xf32, #tpu.memory_space<hbm>> -> memref<4000xf32, #tpu.memory_space<hbm>>
    %dma_start3A_308 = tpu.memref_slice %arg4[%mul3A_302] : memref<4000000xf32, #tpu.memory_space<hbm>> -> memref<4000xf32, #tpu.memory_space<hbm>>
    tpu.enqueue_dma source(%dma_start3A_308 : memref<4000xf32, #tpu.memory_space<hbm>>) target(%arg21 : memref<4000xf32, #tpu.memory_space<vmem>>) target_semaphore(%arg30 : memref<!tpu.dma_semaphore, #tpu.memory_space<semaphore_mem>>)
    %dma_start3A_309 = tpu.memref_slice %arg5[%mul3A_302] : memref<4000000xf32, #tpu.memory_space<hbm>> -> memref<4000xf32, #tpu.memory_space<hbm>>
    %dma_start3A_310 = tpu.memref_slice %arg5[%mul3A_302] : memref<4000000xf32, #tpu.memory_space<hbm>> -> memref<4000xf32, #tpu.memory_space<hbm>>
    tpu.enqueue_dma source(%dma_start3A_310 : memref<4000xf32, #tpu.memory_space<hbm>>) target(%arg25 : memref<4000xf32, #tpu.memory_space<vmem>>) target_semaphore(%arg30 : memref<!tpu.dma_semaphore, #tpu.memory_space<semaphore_mem>>)
    %add3A_311 = arith.constant 64 : i32
    %add3A_312 = arith.addi %add3A, %add3A_311 : i32
    %mul3A_313 = arith.constant 4000 : i32
    %mul3A_314 = arith.muli %add3A_312, %mul3A_313 : i32
    %dma_wait3A_315 = tpu.memref_slice %arg2[%mul3A_314] : memref<4000000xi32, #tpu.memory_space<hbm>> -> memref<4000xi32, #tpu.memory_space<hbm>>
    %dma_wait3A_316 = tpu.memref_slice %arg2[%mul3A_314] : memref<4000000xi32, #tpu.memory_space<hbm>> -> memref<4000xi32, #tpu.memory_space<hbm>>
    tpu.wait_dma2 semaphore(%arg29 : memref<!tpu.dma_semaphore, #tpu.memory_space<semaphore_mem>>) src(%dma_wait3A_316 : memref<4000xi32, #tpu.memory_space<hbm>>) dst(%arg12 : memref<4000xi32, #tpu.memory_space<vmem>>)
    %dma_wait3A_317 = tpu.memref_slice %arg3[%mul3A_314] : memref<4000000xf32, #tpu.memory_space<hbm>> -> memref<4000xf32, #tpu.memory_space<hbm>>
    %dma_wait3A_318 = tpu.memref_slice %arg3[%mul3A_314] : memref<4000000xf32, #tpu.memory_space<hbm>> -> memref<4000xf32, #tpu.memory_space<hbm>>
    tpu.wait_dma2 semaphore(%arg29 : memref<!tpu.dma_semaphore, #tpu.memory_space<semaphore_mem>>) src(%dma_wait3A_318 : memref<4000xf32, #tpu.memory_space<hbm>>) dst(%arg16 : memref<4000xf32, #tpu.memory_space<vmem>>)
    %dma_wait3A_319 = tpu.memref_slice %arg4[%mul3A_314] : memref<4000000xf32, #tpu.memory_space<hbm>> -> memref<4000xf32, #tpu.memory_space<hbm>>
    %dma_wait3A_320 = tpu.memref_slice %arg4[%mul3A_314] : memref<4000000xf32, #tpu.memory_space<hbm>> -> memref<4000xf32, #tpu.memory_space<hbm>>
    tpu.wait_dma2 semaphore(%arg29 : memref<!tpu.dma_semaphore, #tpu.memory_space<semaphore_mem>>) src(%dma_wait3A_320 : memref<4000xf32, #tpu.memory_space<hbm>>) dst(%arg20 : memref<4000xf32, #tpu.memory_space<vmem>>)
    %dma_wait3A_321 = tpu.memref_slice %arg5[%mul3A_314] : memref<4000000xf32, #tpu.memory_space<hbm>> -> memref<4000xf32, #tpu.memory_space<hbm>>
    %dma_wait3A_322 = tpu.memref_slice %arg5[%mul3A_314] : memref<4000000xf32, #tpu.memory_space<hbm>> -> memref<4000xf32, #tpu.memory_space<hbm>>
    tpu.wait_dma2 semaphore(%arg29 : memref<!tpu.dma_semaphore, #tpu.memory_space<semaphore_mem>>) src(%dma_wait3A_322 : memref<4000xf32, #tpu.memory_space<hbm>>) dst(%arg24 : memref<4000xf32, #tpu.memory_space<vmem>>)
    %parallel_loop3A_323 = arith.constant 0 : i32
    %parallel_loop3A_324 = arith.constant 4000 : i32
    %parallel_loop3A_325 = arith.constant 16 : i32
    scf.for %parallel_loop3A_750 = %parallel_loop3A_323 to %parallel_loop3A_324 step %parallel_loop3A_325  : i32 {
      %parallel_loop3A_751 = arith.index_cast %parallel_loop3A_750 : i32 to index
      %parallel_loop3A_752 = tpu.vector_load %arg20[%parallel_loop3A_751] {strides = array<i32>} : memref<4000xf32, #tpu.memory_space<vmem>>, vector<16xf32>,
      %parallel_loop3A_753 = vector.shape_cast %parallel_loop3A_752 : vector<16xf32> to vector<16xf32>
      %parallel_loop3A_754 = arith.cmpf ole, %parallel_loop3A_753, %get3A_228 : vector<16xf32>
      %parallel_loop3A_755 = arith.index_cast %parallel_loop3A_750 : i32 to index
      %parallel_loop3A_756 = tpu.vector_load %arg24[%parallel_loop3A_755] {strides = array<i32>} : memref<4000xf32, #tpu.memory_space<vmem>>, vector<16xf32>,
      %parallel_loop3A_757 = vector.shape_cast %parallel_loop3A_756 : vector<16xf32> to vector<16xf32>
      %parallel_loop3A_758 = arith.cmpf olt, %get3A_228, %parallel_loop3A_757 : vector<16xf32>
      %parallel_loop3A_759 = arith.andi %parallel_loop3A_754, %parallel_loop3A_758 : vector<16xi1>
      %parallel_loop3A_760 = arith.index_cast %parallel_loop3A_750 : i32 to index
      %parallel_loop3A_761 = tpu.vector_load %arg16[%parallel_loop3A_760] {strides = array<i32>} : memref<4000xf32, #tpu.memory_space<vmem>>, vector<16xf32>,
      %parallel_loop3A_762 = vector.shape_cast %parallel_loop3A_761 : vector<16xf32> to vector<16xf32>
      %parallel_loop3A_763 = arith.constant 0.000000e+00 : f32
      %parallel_loop3A_764 = vector.broadcast %parallel_loop3A_763 : f32 to vector<16xf32>
      %parallel_loop3A_765 = arith.select %parallel_loop3A_759, %parallel_loop3A_762, %parallel_loop3A_764 : vector<16xi1>, vector<16xf32>
      %parallel_loop3A_766 = arith.index_cast %parallel_loop3A_750 : i32 to index
      %parallel_loop3A_767 = tpu.vector_load %arg16[%parallel_loop3A_766] {strides = array<i32>} : memref<4000xf32, #tpu.memory_space<vmem>>, vector<16xf32>,
      %parallel_loop3A_768 = vector.shape_cast %parallel_loop3A_767 : vector<16xf32> to vector<16xf32>
      %parallel_loop3A_769 = vector.shape_cast %parallel_loop3A_765 : vector<16xf32> to vector<16xf32>
      tpu.vector_store %arg16[%parallel_loop3A_766], %parallel_loop3A_769 {strides = array<i32>} : memref<4000xf32, #tpu.memory_space<vmem>>, vector<16xf32>,
    } {sc.loop_unroll_factor = 8 : i64, sc.parallel_access}
    %dma_start3A_326 = arith.constant 0 : i32
    %dma_start3A_327 = tpu.memref_slice %arg9[%dma_start3A_326] : memref<1000448xf32, #tpu.memory_space<vmem_shared>> -> memref<1000448xf32, #tpu.memory_space<vmem_shared>>
    tpu.enqueue_indirect_dma source(%arg16 : memref<4000xf32, #tpu.memory_space<vmem>>) target(%dma_start3A_327 : memref<1000448xf32, #tpu.memory_space<vmem_shared>>) offsets(%arg12 : memref<4000xi32, #tpu.memory_space<vmem>>) semaphore(%arg33 : memref<!tpu.dma_semaphore, #tpu.memory_space<semaphore_mem>>) {add = true}
    %dma_wait3A_328 = arith.constant 0 : i32
    %dma_wait3A_329 = tpu.memref_slice %arg9[%dma_wait3A_328] : memref<1000448xf32, #tpu.memory_space<vmem_shared>> -> memref<1000448xf32, #tpu.memory_space<vmem_shared>>
    tpu.wait_indirect_dma semaphore(%arg31 : memref<!tpu.dma_semaphore, #tpu.memory_space<semaphore_mem>>) src(%arg14 : memref<4000xf32, #tpu.memory_space<vmem>>) dst(%dma_wait3A_329 : memref<1000448xf32, #tpu.memory_space<vmem_shared>>)
    %add3A_330 = arith.constant 128 : i32
    %add3A_331 = arith.addi %add3A, %add3A_330 : i32
    %mul3A_332 = arith.constant 4000 : i32
    %mul3A_333 = arith.muli %add3A_331, %mul3A_332 : i32
    %dma_start3A_334 = tpu.memref_slice %arg2[%mul3A_333] : memref<4000000xi32, #tpu.memory_space<hbm>> -> memref<4000xi32, #tpu.memory_space<hbm>>
    %dma_start3A_335 = tpu.memref_slice %arg2[%mul3A_333] : memref<4000000xi32, #tpu.memory_space<hbm>> -> memref<4000xi32, #tpu.memory_space<hbm>>
    tpu.enqueue_dma source(%dma_start3A_335 : memref<4000xi32, #tpu.memory_space<hbm>>) target(%arg10 : memref<4000xi32, #tpu.memory_space<vmem>>) target_semaphore(%arg27 : memref<!tpu.dma_semaphore, #tpu.memory_space<semaphore_mem>>)
    %dma_start3A_336 = tpu.memref_slice %arg3[%mul3A_333] : memref<4000000xf32, #tpu.memory_space<hbm>> -> memref<4000xf32, #tpu.memory_space<hbm>>
    %dma_start3A_337 = tpu.memref_slice %arg3[%mul3A_333] : memref<4000000xf32, #tpu.memory_space<hbm>> -> memref<4000xf32, #tpu.memory_space<hbm>>
    tpu.enqueue_dma source(%dma_start3A_337 : memref<4000xf32, #tpu.memory_space<hbm>>) target(%arg14 : memref<4000xf32, #tpu.memory_space<vmem>>) target_semaphore(%arg27 : memref<!tpu.dma_semaphore, #tpu.memory_space<semaphore_mem>>)
    %dma_start3A_338 = tpu.memref_slice %arg4[%mul3A_333] : memref<4000000xf32, #tpu.memory_space<hbm>> -> memref<4000xf32, #tpu.memory_space<hbm>>
    %dma_start3A_339 = tpu.memref_slice %arg4[%mul3A_333] : memref<4000000xf32, #tpu.memory_space<hbm>> -> memref<4000xf32, #tpu.memory_space<hbm>>
    tpu.enqueue_dma source(%dma_start3A_339 : memref<4000xf32, #tpu.memory_space<hbm>>) target(%arg18 : memref<4000xf32, #tpu.memory_space<vmem>>) target_semaphore(%arg27 : memref<!tpu.dma_semaphore, #tpu.memory_space<semaphore_mem>>)
    %dma_start3A_340 = tpu.memref_slice %arg5[%mul3A_333] : memref<4000000xf32, #tpu.memory_space<hbm>> -> memref<4000xf32, #tpu.memory_space<hbm>>
    %dma_start3A_341 = tpu.memref_slice %arg5[%mul3A_333] : memref<4000000xf32, #tpu.memory_space<hbm>> -> memref<4000xf32, #tpu.memory_space<hbm>>
    tpu.enqueue_dma source(%dma_start3A_341 : memref<4000xf32, #tpu.memory_space<hbm>>) target(%arg22 : memref<4000xf32, #tpu.memory_space<vmem>>) target_semaphore(%arg27 : memref<!tpu.dma_semaphore, #tpu.memory_space<semaphore_mem>>)
    %add3A_342 = arith.constant 96 : i32
    %add3A_343 = arith.addi %add3A, %add3A_342 : i32
    %mul3A_344 = arith.constant 4000 : i32
    %mul3A_345 = arith.muli %add3A_343, %mul3A_344 : i32
    %dma_wait3A_346 = tpu.memref_slice %arg2[%mul3A_345] : memref<4000000xi32, #tpu.memory_space<hbm>> -> memref<4000xi32, #tpu.memory_space<hbm>>
    %dma_wait3A_347 = tpu.memref_slice %arg2[%mul3A_345] : memref<4000000xi32, #tpu.memory_space<hbm>> -> memref<4000xi32, #tpu.memory_space<hbm>>
    tpu.wait_dma2 semaphore(%arg30 : memref<!tpu.dma_semaphore, #tpu.memory_space<semaphore_mem>>) src(%dma_wait3A_347 : memref<4000xi32, #tpu.memory_space<hbm>>) dst(%arg13 : memref<4000xi32, #tpu.memory_space<vmem>>)
    %dma_wait3A_348 = tpu.memref_slice %arg3[%mul3A_345] : memref<4000000xf32, #tpu.memory_space<hbm>> -> memref<4000xf32, #tpu.memory_space<hbm>>
    %dma_wait3A_349 = tpu.memref_slice %arg3[%mul3A_345] : memref<4000000xf32, #tpu.memory_space<hbm>> -> memref<4000xf32, #tpu.memory_space<hbm>>
    tpu.wait_dma2 semaphore(%arg30 : memref<!tpu.dma_semaphore, #tpu.memory_space<semaphore_mem>>) src(%dma_wait3A_349 : memref<4000xf32, #tpu.memory_space<hbm>>) dst(%arg17 : memref<4000xf32, #tpu.memory_space<vmem>>)
    %dma_wait3A_350 = tpu.memref_slice %arg4[%mul3A_345] : memref<4000000xf32, #tpu.memory_space<hbm>> -> memref<4000xf32, #tpu.memory_space<hbm>>
    %dma_wait3A_351 = tpu.memref_slice %arg4[%mul3A_345] : memref<4000000xf32, #tpu.memory_space<hbm>> -> memref<4000xf32, #tpu.memory_space<hbm>>
    tpu.wait_dma2 semaphore(%arg30 : memref<!tpu.dma_semaphore, #tpu.memory_space<semaphore_mem>>) src(%dma_wait3A_351 : memref<4000xf32, #tpu.memory_space<hbm>>) dst(%arg21 : memref<4000xf32, #tpu.memory_space<vmem>>)
    %dma_wait3A_352 = tpu.memref_slice %arg5[%mul3A_345] : memref<4000000xf32, #tpu.memory_space<hbm>> -> memref<4000xf32, #tpu.memory_space<hbm>>
    %dma_wait3A_353 = tpu.memref_slice %arg5[%mul3A_345] : memref<4000000xf32, #tpu.memory_space<hbm>> -> memref<4000xf32, #tpu.memory_space<hbm>>
    tpu.wait_dma2 semaphore(%arg30 : memref<!tpu.dma_semaphore, #tpu.memory_space<semaphore_mem>>) src(%dma_wait3A_353 : memref<4000xf32, #tpu.memory_space<hbm>>) dst(%arg25 : memref<4000xf32, #tpu.memory_space<vmem>>)
    %parallel_loop3A_354 = arith.constant 0 : i32
    %parallel_loop3A_355 = arith.constant 4000 : i32
    %parallel_loop3A_356 = arith.constant 16 : i32
    scf.for %parallel_loop3A_750 = %parallel_loop3A_354 to %parallel_loop3A_355 step %parallel_loop3A_356  : i32 {
      %parallel_loop3A_751 = arith.index_cast %parallel_loop3A_750 : i32 to index
      %parallel_loop3A_752 = tpu.vector_load %arg21[%parallel_loop3A_751] {strides = array<i32>} : memref<4000xf32, #tpu.memory_space<vmem>>, vector<16xf32>,
      %parallel_loop3A_753 = vector.shape_cast %parallel_loop3A_752 : vector<16xf32> to vector<16xf32>
      %parallel_loop3A_754 = arith.cmpf ole, %parallel_loop3A_753, %get3A_228 : vector<16xf32>
      %parallel_loop3A_755 = arith.index_cast %parallel_loop3A_750 : i32 to index
      %parallel_loop3A_756 = tpu.vector_load %arg25[%parallel_loop3A_755] {strides = array<i32>} : memref<4000xf32, #tpu.memory_space<vmem>>, vector<16xf32>,
      %parallel_loop3A_757 = vector.shape_cast %parallel_loop3A_756 : vector<16xf32> to vector<16xf32>
      %parallel_loop3A_758 = arith.cmpf olt, %get3A_228, %parallel_loop3A_757 : vector<16xf32>
      %parallel_loop3A_759 = arith.andi %parallel_loop3A_754, %parallel_loop3A_758 : vector<16xi1>
      %parallel_loop3A_760 = arith.index_cast %parallel_loop3A_750 : i32 to index
      %parallel_loop3A_761 = tpu.vector_load %arg17[%parallel_loop3A_760] {strides = array<i32>} : memref<4000xf32, #tpu.memory_space<vmem>>, vector<16xf32>,
      %parallel_loop3A_762 = vector.shape_cast %parallel_loop3A_761 : vector<16xf32> to vector<16xf32>
      %parallel_loop3A_763 = arith.constant 0.000000e+00 : f32
      %parallel_loop3A_764 = vector.broadcast %parallel_loop3A_763 : f32 to vector<16xf32>
      %parallel_loop3A_765 = arith.select %parallel_loop3A_759, %parallel_loop3A_762, %parallel_loop3A_764 : vector<16xi1>, vector<16xf32>
      %parallel_loop3A_766 = arith.index_cast %parallel_loop3A_750 : i32 to index
      %parallel_loop3A_767 = tpu.vector_load %arg17[%parallel_loop3A_766] {strides = array<i32>} : memref<4000xf32, #tpu.memory_space<vmem>>, vector<16xf32>,
      %parallel_loop3A_768 = vector.shape_cast %parallel_loop3A_767 : vector<16xf32> to vector<16xf32>
      %parallel_loop3A_769 = vector.shape_cast %parallel_loop3A_765 : vector<16xf32> to vector<16xf32>
      tpu.vector_store %arg17[%parallel_loop3A_766], %parallel_loop3A_769 {strides = array<i32>} : memref<4000xf32, #tpu.memory_space<vmem>>, vector<16xf32>,
    } {sc.loop_unroll_factor = 8 : i64, sc.parallel_access}
    %dma_start3A_357 = arith.constant 0 : i32
    %dma_start3A_358 = tpu.memref_slice %arg9[%dma_start3A_357] : memref<1000448xf32, #tpu.memory_space<vmem_shared>> -> memref<1000448xf32, #tpu.memory_space<vmem_shared>>
    tpu.enqueue_indirect_dma source(%arg17 : memref<4000xf32, #tpu.memory_space<vmem>>) target(%dma_start3A_358 : memref<1000448xf32, #tpu.memory_space<vmem_shared>>) offsets(%arg13 : memref<4000xi32, #tpu.memory_space<vmem>>) semaphore(%arg34 : memref<!tpu.dma_semaphore, #tpu.memory_space<semaphore_mem>>) {add = true}
    %scan3A = arith.constant 0 : i32
    %scan3A_359 = arith.constant 1 : i32
    %scan3A_360 = arith.constant 6 : i32
    %scan3A_361 = arith.addi %scan3A_359, %scan3A_360 : i32
    %scan3A_362 = arith.constant 1 : i32
    %scan3A_363 = scf.for %scan3A_750 = %scan3A_359 to %scan3A_361 step %scan3A_362 iter_args(%scan3A_751 = %scan3A) -> (i32)  : i32 {
      %mul3A_752 = arith.constant 4 : i32
      %mul3A_753 = arith.muli %scan3A_750, %mul3A_752 : i32
      %add3A_754 = arith.constant 0 : i32
      %add3A_755 = arith.addi %mul3A_753, %add3A_754 : i32
      %add3A_756 = arith.constant 0 : i32
      %add3A_757 = arith.addi %mul3A_753, %add3A_756 : i32
      %add3A_758 = arith.constant 1 : i32
      %add3A_759 = arith.addi %add3A_757, %add3A_758 : i32
      %dma_wait3A_760 = arith.constant 0 : i32
      %dma_wait3A_761 = tpu.memref_slice %arg9[%dma_wait3A_760] : memref<1000448xf32, #tpu.memory_space<vmem_shared>> -> memref<1000448xf32, #tpu.memory_space<vmem_shared>>
      tpu.wait_indirect_dma semaphore(%arg32 : memref<!tpu.dma_semaphore, #tpu.memory_space<semaphore_mem>>) src(%arg15 : memref<4000xf32, #tpu.memory_space<vmem>>) dst(%dma_wait3A_761 : memref<1000448xf32, #tpu.memory_space<vmem_shared>>)
      %mul3A_762 = arith.constant 32 : i32
      %mul3A_763 = arith.muli %add3A_759, %mul3A_762 : i32
      %add3A_764 = arith.addi %add3A, %mul3A_763 : i32
      %mul3A_765 = arith.constant 4000 : i32
      %mul3A_766 = arith.muli %add3A_764, %mul3A_765 : i32
      %dma_start3A_767 = tpu.memref_slice %arg2[%mul3A_766] : memref<4000000xi32, #tpu.memory_space<hbm>> -> memref<4000xi32, #tpu.memory_space<hbm>>
      %dma_start3A_768 = tpu.memref_slice %arg2[%mul3A_766] : memref<4000000xi32, #tpu.memory_space<hbm>> -> memref<4000xi32, #tpu.memory_space<hbm>>
      tpu.enqueue_dma source(%dma_start3A_768 : memref<4000xi32, #tpu.memory_space<hbm>>) target(%arg11 : memref<4000xi32, #tpu.memory_space<vmem>>) target_semaphore(%arg28 : memref<!tpu.dma_semaphore, #tpu.memory_space<semaphore_mem>>)
      %dma_start3A_769 = tpu.memref_slice %arg3[%mul3A_766] : memref<4000000xf32, #tpu.memory_space<hbm>> -> memref<4000xf32, #tpu.memory_space<hbm>>
      %dma_start3A_770 = tpu.memref_slice %arg3[%mul3A_766] : memref<4000000xf32, #tpu.memory_space<hbm>> -> memref<4000xf32, #tpu.memory_space<hbm>>
      tpu.enqueue_dma source(%dma_start3A_770 : memref<4000xf32, #tpu.memory_space<hbm>>) target(%arg15 : memref<4000xf32, #tpu.memory_space<vmem>>) target_semaphore(%arg28 : memref<!tpu.dma_semaphore, #tpu.memory_space<semaphore_mem>>)
      %dma_start3A_771 = tpu.memref_slice %arg4[%mul3A_766] : memref<4000000xf32, #tpu.memory_space<hbm>> -> memref<4000xf32, #tpu.memory_space<hbm>>
      %dma_start3A_772 = tpu.memref_slice %arg4[%mul3A_766] : memref<4000000xf32, #tpu.memory_space<hbm>> -> memref<4000xf32, #tpu.memory_space<hbm>>
      tpu.enqueue_dma source(%dma_start3A_772 : memref<4000xf32, #tpu.memory_space<hbm>>) target(%arg19 : memref<4000xf32, #tpu.memory_space<vmem>>) target_semaphore(%arg28 : memref<!tpu.dma_semaphore, #tpu.memory_space<semaphore_mem>>)
      %dma_start3A_773 = tpu.memref_slice %arg5[%mul3A_766] : memref<4000000xf32, #tpu.memory_space<hbm>> -> memref<4000xf32, #tpu.memory_space<hbm>>
      %dma_start3A_774 = tpu.memref_slice %arg5[%mul3A_766] : memref<4000000xf32, #tpu.memory_space<hbm>> -> memref<4000xf32, #tpu.memory_space<hbm>>
      tpu.enqueue_dma source(%dma_start3A_774 : memref<4000xf32, #tpu.memory_space<hbm>>) target(%arg23 : memref<4000xf32, #tpu.memory_space<vmem>>) target_semaphore(%arg28 : memref<!tpu.dma_semaphore, #tpu.memory_space<semaphore_mem>>)
      %mul3A_775 = arith.constant 32 : i32
      %mul3A_776 = arith.muli %add3A_755, %mul3A_775 : i32
      %add3A_777 = arith.addi %add3A, %mul3A_776 : i32
      %mul3A_778 = arith.constant 4000 : i32
      %mul3A_779 = arith.muli %add3A_777, %mul3A_778 : i32
      %dma_wait3A_780 = tpu.memref_slice %arg2[%mul3A_779] : memref<4000000xi32, #tpu.memory_space<hbm>> -> memref<4000xi32, #tpu.memory_space<hbm>>
      %dma_wait3A_781 = tpu.memref_slice %arg2[%mul3A_779] : memref<4000000xi32, #tpu.memory_space<hbm>> -> memref<4000xi32, #tpu.memory_space<hbm>>
      tpu.wait_dma2 semaphore(%arg27 : memref<!tpu.dma_semaphore, #tpu.memory_space<semaphore_mem>>) src(%dma_wait3A_781 : memref<4000xi32, #tpu.memory_space<hbm>>) dst(%arg10 : memref<4000xi32, #tpu.memory_space<vmem>>)
      %dma_wait3A_782 = tpu.memref_slice %arg3[%mul3A_779] : memref<4000000xf32, #tpu.memory_space<hbm>> -> memref<4000xf32, #tpu.memory_space<hbm>>
      %dma_wait3A_783 = tpu.memref_slice %arg3[%mul3A_779] : memref<4000000xf32, #tpu.memory_space<hbm>> -> memref<4000xf32, #tpu.memory_space<hbm>>
      tpu.wait_dma2 semaphore(%arg27 : memref<!tpu.dma_semaphore, #tpu.memory_space<semaphore_mem>>) src(%dma_wait3A_783 : memref<4000xf32, #tpu.memory_space<hbm>>) dst(%arg14 : memref<4000xf32, #tpu.memory_space<vmem>>)
      %dma_wait3A_784 = tpu.memref_slice %arg4[%mul3A_779] : memref<4000000xf32, #tpu.memory_space<hbm>> -> memref<4000xf32, #tpu.memory_space<hbm>>
      %dma_wait3A_785 = tpu.memref_slice %arg4[%mul3A_779] : memref<4000000xf32, #tpu.memory_space<hbm>> -> memref<4000xf32, #tpu.memory_space<hbm>>
      tpu.wait_dma2 semaphore(%arg27 : memref<!tpu.dma_semaphore, #tpu.memory_space<semaphore_mem>>) src(%dma_wait3A_785 : memref<4000xf32, #tpu.memory_space<hbm>>) dst(%arg18 : memref<4000xf32, #tpu.memory_space<vmem>>)
      %dma_wait3A_786 = tpu.memref_slice %arg5[%mul3A_779] : memref<4000000xf32, #tpu.memory_space<hbm>> -> memref<4000xf32, #tpu.memory_space<hbm>>
      %dma_wait3A_787 = tpu.memref_slice %arg5[%mul3A_779] : memref<4000000xf32, #tpu.memory_space<hbm>> -> memref<4000xf32, #tpu.memory_space<hbm>>
      tpu.wait_dma2 semaphore(%arg27 : memref<!tpu.dma_semaphore, #tpu.memory_space<semaphore_mem>>) src(%dma_wait3A_787 : memref<4000xf32, #tpu.memory_space<hbm>>) dst(%arg22 : memref<4000xf32, #tpu.memory_space<vmem>>)
      %parallel_loop3A_788 = arith.constant 0 : i32
      %parallel_loop3A_789 = arith.constant 4000 : i32
      %parallel_loop3A_790 = arith.constant 16 : i32
      scf.for %parallel_loop3A_911 = %parallel_loop3A_788 to %parallel_loop3A_789 step %parallel_loop3A_790  : i32 {
        %parallel_loop3A_912 = arith.index_cast %parallel_loop3A_911 : i32 to index
        %parallel_loop3A_913 = tpu.vector_load %arg18[%parallel_loop3A_912] {strides = array<i32>} : memref<4000xf32, #tpu.memory_space<vmem>>, vector<16xf32>,
        %parallel_loop3A_914 = vector.shape_cast %parallel_loop3A_913 : vector<16xf32> to vector<16xf32>
        %parallel_loop3A_915 = arith.cmpf ole, %parallel_loop3A_914, %get3A_228 : vector<16xf32>
        %parallel_loop3A_916 = arith.index_cast %parallel_loop3A_911 : i32 to index
        %parallel_loop3A_917 = tpu.vector_load %arg22[%parallel_loop3A_916] {strides = array<i32>} : memref<4000xf32, #tpu.memory_space<vmem>>, vector<16xf32>,
        %parallel_loop3A_918 = vector.shape_cast %parallel_loop3A_917 : vector<16xf32> to vector<16xf32>
        %parallel_loop3A_919 = arith.cmpf olt, %get3A_228, %parallel_loop3A_918 : vector<16xf32>
        %parallel_loop3A_920 = arith.andi %parallel_loop3A_915, %parallel_loop3A_919 : vector<16xi1>
        %parallel_loop3A_921 = arith.index_cast %parallel_loop3A_911 : i32 to index
        %parallel_loop3A_922 = tpu.vector_load %arg14[%parallel_loop3A_921] {strides = array<i32>} : memref<4000xf32, #tpu.memory_space<vmem>>, vector<16xf32>,
        %parallel_loop3A_923 = vector.shape_cast %parallel_loop3A_922 : vector<16xf32> to vector<16xf32>
        %parallel_loop3A_924 = arith.constant 0.000000e+00 : f32
        %parallel_loop3A_925 = vector.broadcast %parallel_loop3A_924 : f32 to vector<16xf32>
        %parallel_loop3A_926 = arith.select %parallel_loop3A_920, %parallel_loop3A_923, %parallel_loop3A_925 : vector<16xi1>, vector<16xf32>
        %parallel_loop3A_927 = arith.index_cast %parallel_loop3A_911 : i32 to index
        %parallel_loop3A_928 = tpu.vector_load %arg14[%parallel_loop3A_927] {strides = array<i32>} : memref<4000xf32, #tpu.memory_space<vmem>>, vector<16xf32>,
        %parallel_loop3A_929 = vector.shape_cast %parallel_loop3A_928 : vector<16xf32> to vector<16xf32>
        %parallel_loop3A_930 = vector.shape_cast %parallel_loop3A_926 : vector<16xf32> to vector<16xf32>
        tpu.vector_store %arg14[%parallel_loop3A_927], %parallel_loop3A_930 {strides = array<i32>} : memref<4000xf32, #tpu.memory_space<vmem>>, vector<16xf32>,
      } {sc.loop_unroll_factor = 8 : i64, sc.parallel_access}
      %dma_start3A_791 = arith.constant 0 : i32
      %dma_start3A_792 = tpu.memref_slice %arg9[%dma_start3A_791] : memref<1000448xf32, #tpu.memory_space<vmem_shared>> -> memref<1000448xf32, #tpu.memory_space<vmem_shared>>
      tpu.enqueue_indirect_dma source(%arg14 : memref<4000xf32, #tpu.memory_space<vmem>>) target(%dma_start3A_792 : memref<1000448xf32, #tpu.memory_space<vmem_shared>>) offsets(%arg10 : memref<4000xi32, #tpu.memory_space<vmem>>) semaphore(%arg31 : memref<!tpu.dma_semaphore, #tpu.memory_space<semaphore_mem>>) {add = true}
      %add3A_793 = arith.constant 1 : i32
      %add3A_794 = arith.addi %mul3A_753, %add3A_793 : i32
      %add3A_795 = arith.constant 1 : i32
      %add3A_796 = arith.addi %mul3A_753, %add3A_795 : i32
      %add3A_797 = arith.constant 1 : i32
      %add3A_798 = arith.addi %add3A_796, %add3A_797 : i32
      %dma_wait3A_799 = arith.constant 0 : i32
      %dma_wait3A_800 = tpu.memref_slice %arg9[%dma_wait3A_799] : memref<1000448xf32, #tpu.memory_space<vmem_shared>> -> memref<1000448xf32, #tpu.memory_space<vmem_shared>>
      tpu.wait_indirect_dma semaphore(%arg33 : memref<!tpu.dma_semaphore, #tpu.memory_space<semaphore_mem>>) src(%arg16 : memref<4000xf32, #tpu.memory_space<vmem>>) dst(%dma_wait3A_800 : memref<1000448xf32, #tpu.memory_space<vmem_shared>>)
      %mul3A_801 = arith.constant 32 : i32
      %mul3A_802 = arith.muli %add3A_798, %mul3A_801 : i32
      %add3A_803 = arith.addi %add3A, %mul3A_802 : i32
      %mul3A_804 = arith.constant 4000 : i32
      %mul3A_805 = arith.muli %add3A_803, %mul3A_804 : i32
      %dma_start3A_806 = tpu.memref_slice %arg2[%mul3A_805] : memref<4000000xi32, #tpu.memory_space<hbm>> -> memref<4000xi32, #tpu.memory_space<hbm>>
      %dma_start3A_807 = tpu.memref_slice %arg2[%mul3A_805] : memref<4000000xi32, #tpu.memory_space<hbm>> -> memref<4000xi32, #tpu.memory_space<hbm>>
      tpu.enqueue_dma source(%dma_start3A_807 : memref<4000xi32, #tpu.memory_space<hbm>>) target(%arg12 : memref<4000xi32, #tpu.memory_space<vmem>>) target_semaphore(%arg29 : memref<!tpu.dma_semaphore, #tpu.memory_space<semaphore_mem>>)
      %dma_start3A_808 = tpu.memref_slice %arg3[%mul3A_805] : memref<4000000xf32, #tpu.memory_space<hbm>> -> memref<4000xf32, #tpu.memory_space<hbm>>
      %dma_start3A_809 = tpu.memref_slice %arg3[%mul3A_805] : memref<4000000xf32, #tpu.memory_space<hbm>> -> memref<4000xf32, #tpu.memory_space<hbm>>
      tpu.enqueue_dma source(%dma_start3A_809 : memref<4000xf32, #tpu.memory_space<hbm>>) target(%arg16 : memref<4000xf32, #tpu.memory_space<vmem>>) target_semaphore(%arg29 : memref<!tpu.dma_semaphore, #tpu.memory_space<semaphore_mem>>)
      %dma_start3A_810 = tpu.memref_slice %arg4[%mul3A_805] : memref<4000000xf32, #tpu.memory_space<hbm>> -> memref<4000xf32, #tpu.memory_space<hbm>>
      %dma_start3A_811 = tpu.memref_slice %arg4[%mul3A_805] : memref<4000000xf32, #tpu.memory_space<hbm>> -> memref<4000xf32, #tpu.memory_space<hbm>>
      tpu.enqueue_dma source(%dma_start3A_811 : memref<4000xf32, #tpu.memory_space<hbm>>) target(%arg20 : memref<4000xf32, #tpu.memory_space<vmem>>) target_semaphore(%arg29 : memref<!tpu.dma_semaphore, #tpu.memory_space<semaphore_mem>>)
      %dma_start3A_812 = tpu.memref_slice %arg5[%mul3A_805] : memref<4000000xf32, #tpu.memory_space<hbm>> -> memref<4000xf32, #tpu.memory_space<hbm>>
      %dma_start3A_813 = tpu.memref_slice %arg5[%mul3A_805] : memref<4000000xf32, #tpu.memory_space<hbm>> -> memref<4000xf32, #tpu.memory_space<hbm>>
      tpu.enqueue_dma source(%dma_start3A_813 : memref<4000xf32, #tpu.memory_space<hbm>>) target(%arg24 : memref<4000xf32, #tpu.memory_space<vmem>>) target_semaphore(%arg29 : memref<!tpu.dma_semaphore, #tpu.memory_space<semaphore_mem>>)
      %mul3A_814 = arith.constant 32 : i32
      %mul3A_815 = arith.muli %add3A_794, %mul3A_814 : i32
      %add3A_816 = arith.addi %add3A, %mul3A_815 : i32
      %mul3A_817 = arith.constant 4000 : i32
      %mul3A_818 = arith.muli %add3A_816, %mul3A_817 : i32
      %dma_wait3A_819 = tpu.memref_slice %arg2[%mul3A_818] : memref<4000000xi32, #tpu.memory_space<hbm>> -> memref<4000xi32, #tpu.memory_space<hbm>>
      %dma_wait3A_820 = tpu.memref_slice %arg2[%mul3A_818] : memref<4000000xi32, #tpu.memory_space<hbm>> -> memref<4000xi32, #tpu.memory_space<hbm>>
      tpu.wait_dma2 semaphore(%arg28 : memref<!tpu.dma_semaphore, #tpu.memory_space<semaphore_mem>>) src(%dma_wait3A_820 : memref<4000xi32, #tpu.memory_space<hbm>>) dst(%arg11 : memref<4000xi32, #tpu.memory_space<vmem>>)
      %dma_wait3A_821 = tpu.memref_slice %arg3[%mul3A_818] : memref<4000000xf32, #tpu.memory_space<hbm>> -> memref<4000xf32, #tpu.memory_space<hbm>>
      %dma_wait3A_822 = tpu.memref_slice %arg3[%mul3A_818] : memref<4000000xf32, #tpu.memory_space<hbm>> -> memref<4000xf32, #tpu.memory_space<hbm>>
      tpu.wait_dma2 semaphore(%arg28 : memref<!tpu.dma_semaphore, #tpu.memory_space<semaphore_mem>>) src(%dma_wait3A_822 : memref<4000xf32, #tpu.memory_space<hbm>>) dst(%arg15 : memref<4000xf32, #tpu.memory_space<vmem>>)
      %dma_wait3A_823 = tpu.memref_slice %arg4[%mul3A_818] : memref<4000000xf32, #tpu.memory_space<hbm>> -> memref<4000xf32, #tpu.memory_space<hbm>>
      %dma_wait3A_824 = tpu.memref_slice %arg4[%mul3A_818] : memref<4000000xf32, #tpu.memory_space<hbm>> -> memref<4000xf32, #tpu.memory_space<hbm>>
      tpu.wait_dma2 semaphore(%arg28 : memref<!tpu.dma_semaphore, #tpu.memory_space<semaphore_mem>>) src(%dma_wait3A_824 : memref<4000xf32, #tpu.memory_space<hbm>>) dst(%arg19 : memref<4000xf32, #tpu.memory_space<vmem>>)
      %dma_wait3A_825 = tpu.memref_slice %arg5[%mul3A_818] : memref<4000000xf32, #tpu.memory_space<hbm>> -> memref<4000xf32, #tpu.memory_space<hbm>>
      %dma_wait3A_826 = tpu.memref_slice %arg5[%mul3A_818] : memref<4000000xf32, #tpu.memory_space<hbm>> -> memref<4000xf32, #tpu.memory_space<hbm>>
      tpu.wait_dma2 semaphore(%arg28 : memref<!tpu.dma_semaphore, #tpu.memory_space<semaphore_mem>>) src(%dma_wait3A_826 : memref<4000xf32, #tpu.memory_space<hbm>>) dst(%arg23 : memref<4000xf32, #tpu.memory_space<vmem>>)
      %parallel_loop3A_827 = arith.constant 0 : i32
      %parallel_loop3A_828 = arith.constant 4000 : i32
      %parallel_loop3A_829 = arith.constant 16 : i32
      scf.for %parallel_loop3A_911 = %parallel_loop3A_827 to %parallel_loop3A_828 step %parallel_loop3A_829  : i32 {
        %parallel_loop3A_912 = arith.index_cast %parallel_loop3A_911 : i32 to index
        %parallel_loop3A_913 = tpu.vector_load %arg19[%parallel_loop3A_912] {strides = array<i32>} : memref<4000xf32, #tpu.memory_space<vmem>>, vector<16xf32>,
        %parallel_loop3A_914 = vector.shape_cast %parallel_loop3A_913 : vector<16xf32> to vector<16xf32>
        %parallel_loop3A_915 = arith.cmpf ole, %parallel_loop3A_914, %get3A_228 : vector<16xf32>
        %parallel_loop3A_916 = arith.index_cast %parallel_loop3A_911 : i32 to index
        %parallel_loop3A_917 = tpu.vector_load %arg23[%parallel_loop3A_916] {strides = array<i32>} : memref<4000xf32, #tpu.memory_space<vmem>>, vector<16xf32>,
        %parallel_loop3A_918 = vector.shape_cast %parallel_loop3A_917 : vector<16xf32> to vector<16xf32>
        %parallel_loop3A_919 = arith.cmpf olt, %get3A_228, %parallel_loop3A_918 : vector<16xf32>
        %parallel_loop3A_920 = arith.andi %parallel_loop3A_915, %parallel_loop3A_919 : vector<16xi1>
        %parallel_loop3A_921 = arith.index_cast %parallel_loop3A_911 : i32 to index
        %parallel_loop3A_922 = tpu.vector_load %arg15[%parallel_loop3A_921] {strides = array<i32>} : memref<4000xf32, #tpu.memory_space<vmem>>, vector<16xf32>,
        %parallel_loop3A_923 = vector.shape_cast %parallel_loop3A_922 : vector<16xf32> to vector<16xf32>
        %parallel_loop3A_924 = arith.constant 0.000000e+00 : f32
        %parallel_loop3A_925 = vector.broadcast %parallel_loop3A_924 : f32 to vector<16xf32>
        %parallel_loop3A_926 = arith.select %parallel_loop3A_920, %parallel_loop3A_923, %parallel_loop3A_925 : vector<16xi1>, vector<16xf32>
        %parallel_loop3A_927 = arith.index_cast %parallel_loop3A_911 : i32 to index
        %parallel_loop3A_928 = tpu.vector_load %arg15[%parallel_loop3A_927] {strides = array<i32>} : memref<4000xf32, #tpu.memory_space<vmem>>, vector<16xf32>,
        %parallel_loop3A_929 = vector.shape_cast %parallel_loop3A_928 : vector<16xf32> to vector<16xf32>
        %parallel_loop3A_930 = vector.shape_cast %parallel_loop3A_926 : vector<16xf32> to vector<16xf32>
        tpu.vector_store %arg15[%parallel_loop3A_927], %parallel_loop3A_930 {strides = array<i32>} : memref<4000xf32, #tpu.memory_space<vmem>>, vector<16xf32>,
      } {sc.loop_unroll_factor = 8 : i64, sc.parallel_access}
      %dma_start3A_830 = arith.constant 0 : i32
      %dma_start3A_831 = tpu.memref_slice %arg9[%dma_start3A_830] : memref<1000448xf32, #tpu.memory_space<vmem_shared>> -> memref<1000448xf32, #tpu.memory_space<vmem_shared>>
      tpu.enqueue_indirect_dma source(%arg15 : memref<4000xf32, #tpu.memory_space<vmem>>) target(%dma_start3A_831 : memref<1000448xf32, #tpu.memory_space<vmem_shared>>) offsets(%arg11 : memref<4000xi32, #tpu.memory_space<vmem>>) semaphore(%arg32 : memref<!tpu.dma_semaphore, #tpu.memory_space<semaphore_mem>>) {add = true}
      %add3A_832 = arith.constant 2 : i32
      %add3A_833 = arith.addi %mul3A_753, %add3A_832 : i32
      %add3A_834 = arith.constant 2 : i32
      %add3A_835 = arith.addi %mul3A_753, %add3A_834 : i32
      %add3A_836 = arith.constant 1 : i32
      %add3A_837 = arith.addi %add3A_835, %add3A_836 : i32
      %dma_wait3A_838 = arith.constant 0 : i32
      %dma_wait3A_839 = tpu.memref_slice %arg9[%dma_wait3A_838] : memref<1000448xf32, #tpu.memory_space<vmem_shared>> -> memref<1000448xf32, #tpu.memory_space<vmem_shared>>
      tpu.wait_indirect_dma semaphore(%arg34 : memref<!tpu.dma_semaphore, #tpu.memory_space<semaphore_mem>>) src(%arg17 : memref<4000xf32, #tpu.memory_space<vmem>>) dst(%dma_wait3A_839 : memref<1000448xf32, #tpu.memory_space<vmem_shared>>)
      %mul3A_840 = arith.constant 32 : i32
      %mul3A_841 = arith.muli %add3A_837, %mul3A_840 : i32
      %add3A_842 = arith.addi %add3A, %mul3A_841 : i32
      %mul3A_843 = arith.constant 4000 : i32
      %mul3A_844 = arith.muli %add3A_842, %mul3A_843 : i32
      %dma_start3A_845 = tpu.memref_slice %arg2[%mul3A_844] : memref<4000000xi32, #tpu.memory_space<hbm>> -> memref<4000xi32, #tpu.memory_space<hbm>>
      %dma_start3A_846 = tpu.memref_slice %arg2[%mul3A_844] : memref<4000000xi32, #tpu.memory_space<hbm>> -> memref<4000xi32, #tpu.memory_space<hbm>>
      tpu.enqueue_dma source(%dma_start3A_846 : memref<4000xi32, #tpu.memory_space<hbm>>) target(%arg13 : memref<4000xi32, #tpu.memory_space<vmem>>) target_semaphore(%arg30 : memref<!tpu.dma_semaphore, #tpu.memory_space<semaphore_mem>>)
      %dma_start3A_847 = tpu.memref_slice %arg3[%mul3A_844] : memref<4000000xf32, #tpu.memory_space<hbm>> -> memref<4000xf32, #tpu.memory_space<hbm>>
      %dma_start3A_848 = tpu.memref_slice %arg3[%mul3A_844] : memref<4000000xf32, #tpu.memory_space<hbm>> -> memref<4000xf32, #tpu.memory_space<hbm>>
      tpu.enqueue_dma source(%dma_start3A_848 : memref<4000xf32, #tpu.memory_space<hbm>>) target(%arg17 : memref<4000xf32, #tpu.memory_space<vmem>>) target_semaphore(%arg30 : memref<!tpu.dma_semaphore, #tpu.memory_space<semaphore_mem>>)
      %dma_start3A_849 = tpu.memref_slice %arg4[%mul3A_844] : memref<4000000xf32, #tpu.memory_space<hbm>> -> memref<4000xf32, #tpu.memory_space<hbm>>
      %dma_start3A_850 = tpu.memref_slice %arg4[%mul3A_844] : memref<4000000xf32, #tpu.memory_space<hbm>> -> memref<4000xf32, #tpu.memory_space<hbm>>
      tpu.enqueue_dma source(%dma_start3A_850 : memref<4000xf32, #tpu.memory_space<hbm>>) target(%arg21 : memref<4000xf32, #tpu.memory_space<vmem>>) target_semaphore(%arg30 : memref<!tpu.dma_semaphore, #tpu.memory_space<semaphore_mem>>)
      %dma_start3A_851 = tpu.memref_slice %arg5[%mul3A_844] : memref<4000000xf32, #tpu.memory_space<hbm>> -> memref<4000xf32, #tpu.memory_space<hbm>>
      %dma_start3A_852 = tpu.memref_slice %arg5[%mul3A_844] : memref<4000000xf32, #tpu.memory_space<hbm>> -> memref<4000xf32, #tpu.memory_space<hbm>>
      tpu.enqueue_dma source(%dma_start3A_852 : memref<4000xf32, #tpu.memory_space<hbm>>) target(%arg25 : memref<4000xf32, #tpu.memory_space<vmem>>) target_semaphore(%arg30 : memref<!tpu.dma_semaphore, #tpu.memory_space<semaphore_mem>>)
      %mul3A_853 = arith.constant 32 : i32
      %mul3A_854 = arith.muli %add3A_833, %mul3A_853 : i32
      %add3A_855 = arith.addi %add3A, %mul3A_854 : i32
      %mul3A_856 = arith.constant 4000 : i32
      %mul3A_857 = arith.muli %add3A_855, %mul3A_856 : i32
      %dma_wait3A_858 = tpu.memref_slice %arg2[%mul3A_857] : memref<4000000xi32, #tpu.memory_space<hbm>> -> memref<4000xi32, #tpu.memory_space<hbm>>
      %dma_wait3A_859 = tpu.memref_slice %arg2[%mul3A_857] : memref<4000000xi32, #tpu.memory_space<hbm>> -> memref<4000xi32, #tpu.memory_space<hbm>>
      tpu.wait_dma2 semaphore(%arg29 : memref<!tpu.dma_semaphore, #tpu.memory_space<semaphore_mem>>) src(%dma_wait3A_859 : memref<4000xi32, #tpu.memory_space<hbm>>) dst(%arg12 : memref<4000xi32, #tpu.memory_space<vmem>>)
      %dma_wait3A_860 = tpu.memref_slice %arg3[%mul3A_857] : memref<4000000xf32, #tpu.memory_space<hbm>> -> memref<4000xf32, #tpu.memory_space<hbm>>
      %dma_wait3A_861 = tpu.memref_slice %arg3[%mul3A_857] : memref<4000000xf32, #tpu.memory_space<hbm>> -> memref<4000xf32, #tpu.memory_space<hbm>>
      tpu.wait_dma2 semaphore(%arg29 : memref<!tpu.dma_semaphore, #tpu.memory_space<semaphore_mem>>) src(%dma_wait3A_861 : memref<4000xf32, #tpu.memory_space<hbm>>) dst(%arg16 : memref<4000xf32, #tpu.memory_space<vmem>>)
      %dma_wait3A_862 = tpu.memref_slice %arg4[%mul3A_857] : memref<4000000xf32, #tpu.memory_space<hbm>> -> memref<4000xf32, #tpu.memory_space<hbm>>
      %dma_wait3A_863 = tpu.memref_slice %arg4[%mul3A_857] : memref<4000000xf32, #tpu.memory_space<hbm>> -> memref<4000xf32, #tpu.memory_space<hbm>>
      tpu.wait_dma2 semaphore(%arg29 : memref<!tpu.dma_semaphore, #tpu.memory_space<semaphore_mem>>) src(%dma_wait3A_863 : memref<4000xf32, #tpu.memory_space<hbm>>) dst(%arg20 : memref<4000xf32, #tpu.memory_space<vmem>>)
      %dma_wait3A_864 = tpu.memref_slice %arg5[%mul3A_857] : memref<4000000xf32, #tpu.memory_space<hbm>> -> memref<4000xf32, #tpu.memory_space<hbm>>
      %dma_wait3A_865 = tpu.memref_slice %arg5[%mul3A_857] : memref<4000000xf32, #tpu.memory_space<hbm>> -> memref<4000xf32, #tpu.memory_space<hbm>>
      tpu.wait_dma2 semaphore(%arg29 : memref<!tpu.dma_semaphore, #tpu.memory_space<semaphore_mem>>) src(%dma_wait3A_865 : memref<4000xf32, #tpu.memory_space<hbm>>) dst(%arg24 : memref<4000xf32, #tpu.memory_space<vmem>>)
      %parallel_loop3A_866 = arith.constant 0 : i32
      %parallel_loop3A_867 = arith.constant 4000 : i32
      %parallel_loop3A_868 = arith.constant 16 : i32
      scf.for %parallel_loop3A_911 = %parallel_loop3A_866 to %parallel_loop3A_867 step %parallel_loop3A_868  : i32 {
        %parallel_loop3A_912 = arith.index_cast %parallel_loop3A_911 : i32 to index
        %parallel_loop3A_913 = tpu.vector_load %arg20[%parallel_loop3A_912] {strides = array<i32>} : memref<4000xf32, #tpu.memory_space<vmem>>, vector<16xf32>,
        %parallel_loop3A_914 = vector.shape_cast %parallel_loop3A_913 : vector<16xf32> to vector<16xf32>
        %parallel_loop3A_915 = arith.cmpf ole, %parallel_loop3A_914, %get3A_228 : vector<16xf32>
        %parallel_loop3A_916 = arith.index_cast %parallel_loop3A_911 : i32 to index
        %parallel_loop3A_917 = tpu.vector_load %arg24[%parallel_loop3A_916] {strides = array<i32>} : memref<4000xf32, #tpu.memory_space<vmem>>, vector<16xf32>,
        %parallel_loop3A_918 = vector.shape_cast %parallel_loop3A_917 : vector<16xf32> to vector<16xf32>
        %parallel_loop3A_919 = arith.cmpf olt, %get3A_228, %parallel_loop3A_918 : vector<16xf32>
        %parallel_loop3A_920 = arith.andi %parallel_loop3A_915, %parallel_loop3A_919 : vector<16xi1>
        %parallel_loop3A_921 = arith.index_cast %parallel_loop3A_911 : i32 to index
        %parallel_loop3A_922 = tpu.vector_load %arg16[%parallel_loop3A_921] {strides = array<i32>} : memref<4000xf32, #tpu.memory_space<vmem>>, vector<16xf32>,
        %parallel_loop3A_923 = vector.shape_cast %parallel_loop3A_922 : vector<16xf32> to vector<16xf32>
        %parallel_loop3A_924 = arith.constant 0.000000e+00 : f32
        %parallel_loop3A_925 = vector.broadcast %parallel_loop3A_924 : f32 to vector<16xf32>
        %parallel_loop3A_926 = arith.select %parallel_loop3A_920, %parallel_loop3A_923, %parallel_loop3A_925 : vector<16xi1>, vector<16xf32>
        %parallel_loop3A_927 = arith.index_cast %parallel_loop3A_911 : i32 to index
        %parallel_loop3A_928 = tpu.vector_load %arg16[%parallel_loop3A_927] {strides = array<i32>} : memref<4000xf32, #tpu.memory_space<vmem>>, vector<16xf32>,
        %parallel_loop3A_929 = vector.shape_cast %parallel_loop3A_928 : vector<16xf32> to vector<16xf32>
        %parallel_loop3A_930 = vector.shape_cast %parallel_loop3A_926 : vector<16xf32> to vector<16xf32>
        tpu.vector_store %arg16[%parallel_loop3A_927], %parallel_loop3A_930 {strides = array<i32>} : memref<4000xf32, #tpu.memory_space<vmem>>, vector<16xf32>,
      } {sc.loop_unroll_factor = 8 : i64, sc.parallel_access}
      %dma_start3A_869 = arith.constant 0 : i32
      %dma_start3A_870 = tpu.memref_slice %arg9[%dma_start3A_869] : memref<1000448xf32, #tpu.memory_space<vmem_shared>> -> memref<1000448xf32, #tpu.memory_space<vmem_shared>>
      tpu.enqueue_indirect_dma source(%arg16 : memref<4000xf32, #tpu.memory_space<vmem>>) target(%dma_start3A_870 : memref<1000448xf32, #tpu.memory_space<vmem_shared>>) offsets(%arg12 : memref<4000xi32, #tpu.memory_space<vmem>>) semaphore(%arg33 : memref<!tpu.dma_semaphore, #tpu.memory_space<semaphore_mem>>) {add = true}
      %add3A_871 = arith.constant 3 : i32
      %add3A_872 = arith.addi %mul3A_753, %add3A_871 : i32
      %add3A_873 = arith.constant 3 : i32
      %add3A_874 = arith.addi %mul3A_753, %add3A_873 : i32
      %add3A_875 = arith.constant 1 : i32
      %add3A_876 = arith.addi %add3A_874, %add3A_875 : i32
      %dma_wait3A_877 = arith.constant 0 : i32
      %dma_wait3A_878 = tpu.memref_slice %arg9[%dma_wait3A_877] : memref<1000448xf32, #tpu.memory_space<vmem_shared>> -> memref<1000448xf32, #tpu.memory_space<vmem_shared>>
      tpu.wait_indirect_dma semaphore(%arg31 : memref<!tpu.dma_semaphore, #tpu.memory_space<semaphore_mem>>) src(%arg14 : memref<4000xf32, #tpu.memory_space<vmem>>) dst(%dma_wait3A_878 : memref<1000448xf32, #tpu.memory_space<vmem_shared>>)
      %mul3A_879 = arith.constant 32 : i32
      %mul3A_880 = arith.muli %add3A_876, %mul3A_879 : i32
      %add3A_881 = arith.addi %add3A, %mul3A_880 : i32
      %mul3A_882 = arith.constant 4000 : i32
      %mul3A_883 = arith.muli %add3A_881, %mul3A_882 : i32
      %dma_start3A_884 = tpu.memref_slice %arg2[%mul3A_883] : memref<4000000xi32, #tpu.memory_space<hbm>> -> memref<4000xi32, #tpu.memory_space<hbm>>
      %dma_start3A_885 = tpu.memref_slice %arg2[%mul3A_883] : memref<4000000xi32, #tpu.memory_space<hbm>> -> memref<4000xi32, #tpu.memory_space<hbm>>
      tpu.enqueue_dma source(%dma_start3A_885 : memref<4000xi32, #tpu.memory_space<hbm>>) target(%arg10 : memref<4000xi32, #tpu.memory_space<vmem>>) target_semaphore(%arg27 : memref<!tpu.dma_semaphore, #tpu.memory_space<semaphore_mem>>)
      %dma_start3A_886 = tpu.memref_slice %arg3[%mul3A_883] : memref<4000000xf32, #tpu.memory_space<hbm>> -> memref<4000xf32, #tpu.memory_space<hbm>>
      %dma_start3A_887 = tpu.memref_slice %arg3[%mul3A_883] : memref<4000000xf32, #tpu.memory_space<hbm>> -> memref<4000xf32, #tpu.memory_space<hbm>>
      tpu.enqueue_dma source(%dma_start3A_887 : memref<4000xf32, #tpu.memory_space<hbm>>) target(%arg14 : memref<4000xf32, #tpu.memory_space<vmem>>) target_semaphore(%arg27 : memref<!tpu.dma_semaphore, #tpu.memory_space<semaphore_mem>>)
      %dma_start3A_888 = tpu.memref_slice %arg4[%mul3A_883] : memref<4000000xf32, #tpu.memory_space<hbm>> -> memref<4000xf32, #tpu.memory_space<hbm>>
      %dma_start3A_889 = tpu.memref_slice %arg4[%mul3A_883] : memref<4000000xf32, #tpu.memory_space<hbm>> -> memref<4000xf32, #tpu.memory_space<hbm>>
      tpu.enqueue_dma source(%dma_start3A_889 : memref<4000xf32, #tpu.memory_space<hbm>>) target(%arg18 : memref<4000xf32, #tpu.memory_space<vmem>>) target_semaphore(%arg27 : memref<!tpu.dma_semaphore, #tpu.memory_space<semaphore_mem>>)
      %dma_start3A_890 = tpu.memref_slice %arg5[%mul3A_883] : memref<4000000xf32, #tpu.memory_space<hbm>> -> memref<4000xf32, #tpu.memory_space<hbm>>
      %dma_start3A_891 = tpu.memref_slice %arg5[%mul3A_883] : memref<4000000xf32, #tpu.memory_space<hbm>> -> memref<4000xf32, #tpu.memory_space<hbm>>
      tpu.enqueue_dma source(%dma_start3A_891 : memref<4000xf32, #tpu.memory_space<hbm>>) target(%arg22 : memref<4000xf32, #tpu.memory_space<vmem>>) target_semaphore(%arg27 : memref<!tpu.dma_semaphore, #tpu.memory_space<semaphore_mem>>)
      %mul3A_892 = arith.constant 32 : i32
      %mul3A_893 = arith.muli %add3A_872, %mul3A_892 : i32
      %add3A_894 = arith.addi %add3A, %mul3A_893 : i32
      %mul3A_895 = arith.constant 4000 : i32
      %mul3A_896 = arith.muli %add3A_894, %mul3A_895 : i32
      %dma_wait3A_897 = tpu.memref_slice %arg2[%mul3A_896] : memref<4000000xi32, #tpu.memory_space<hbm>> -> memref<4000xi32, #tpu.memory_space<hbm>>
      %dma_wait3A_898 = tpu.memref_slice %arg2[%mul3A_896] : memref<4000000xi32, #tpu.memory_space<hbm>> -> memref<4000xi32, #tpu.memory_space<hbm>>
      tpu.wait_dma2 semaphore(%arg30 : memref<!tpu.dma_semaphore, #tpu.memory_space<semaphore_mem>>) src(%dma_wait3A_898 : memref<4000xi32, #tpu.memory_space<hbm>>) dst(%arg13 : memref<4000xi32, #tpu.memory_space<vmem>>)
      %dma_wait3A_899 = tpu.memref_slice %arg3[%mul3A_896] : memref<4000000xf32, #tpu.memory_space<hbm>> -> memref<4000xf32, #tpu.memory_space<hbm>>
      %dma_wait3A_900 = tpu.memref_slice %arg3[%mul3A_896] : memref<4000000xf32, #tpu.memory_space<hbm>> -> memref<4000xf32, #tpu.memory_space<hbm>>
      tpu.wait_dma2 semaphore(%arg30 : memref<!tpu.dma_semaphore, #tpu.memory_space<semaphore_mem>>) src(%dma_wait3A_900 : memref<4000xf32, #tpu.memory_space<hbm>>) dst(%arg17 : memref<4000xf32, #tpu.memory_space<vmem>>)
      %dma_wait3A_901 = tpu.memref_slice %arg4[%mul3A_896] : memref<4000000xf32, #tpu.memory_space<hbm>> -> memref<4000xf32, #tpu.memory_space<hbm>>
      %dma_wait3A_902 = tpu.memref_slice %arg4[%mul3A_896] : memref<4000000xf32, #tpu.memory_space<hbm>> -> memref<4000xf32, #tpu.memory_space<hbm>>
      tpu.wait_dma2 semaphore(%arg30 : memref<!tpu.dma_semaphore, #tpu.memory_space<semaphore_mem>>) src(%dma_wait3A_902 : memref<4000xf32, #tpu.memory_space<hbm>>) dst(%arg21 : memref<4000xf32, #tpu.memory_space<vmem>>)
      %dma_wait3A_903 = tpu.memref_slice %arg5[%mul3A_896] : memref<4000000xf32, #tpu.memory_space<hbm>> -> memref<4000xf32, #tpu.memory_space<hbm>>
      %dma_wait3A_904 = tpu.memref_slice %arg5[%mul3A_896] : memref<4000000xf32, #tpu.memory_space<hbm>> -> memref<4000xf32, #tpu.memory_space<hbm>>
      tpu.wait_dma2 semaphore(%arg30 : memref<!tpu.dma_semaphore, #tpu.memory_space<semaphore_mem>>) src(%dma_wait3A_904 : memref<4000xf32, #tpu.memory_space<hbm>>) dst(%arg25 : memref<4000xf32, #tpu.memory_space<vmem>>)
      %parallel_loop3A_905 = arith.constant 0 : i32
      %parallel_loop3A_906 = arith.constant 4000 : i32
      %parallel_loop3A_907 = arith.constant 16 : i32
      scf.for %parallel_loop3A_911 = %parallel_loop3A_905 to %parallel_loop3A_906 step %parallel_loop3A_907  : i32 {
        %parallel_loop3A_912 = arith.index_cast %parallel_loop3A_911 : i32 to index
        %parallel_loop3A_913 = tpu.vector_load %arg21[%parallel_loop3A_912] {strides = array<i32>} : memref<4000xf32, #tpu.memory_space<vmem>>, vector<16xf32>,
        %parallel_loop3A_914 = vector.shape_cast %parallel_loop3A_913 : vector<16xf32> to vector<16xf32>
        %parallel_loop3A_915 = arith.cmpf ole, %parallel_loop3A_914, %get3A_228 : vector<16xf32>
        %parallel_loop3A_916 = arith.index_cast %parallel_loop3A_911 : i32 to index
        %parallel_loop3A_917 = tpu.vector_load %arg25[%parallel_loop3A_916] {strides = array<i32>} : memref<4000xf32, #tpu.memory_space<vmem>>, vector<16xf32>,
        %parallel_loop3A_918 = vector.shape_cast %parallel_loop3A_917 : vector<16xf32> to vector<16xf32>
        %parallel_loop3A_919 = arith.cmpf olt, %get3A_228, %parallel_loop3A_918 : vector<16xf32>
        %parallel_loop3A_920 = arith.andi %parallel_loop3A_915, %parallel_loop3A_919 : vector<16xi1>
        %parallel_loop3A_921 = arith.index_cast %parallel_loop3A_911 : i32 to index
        %parallel_loop3A_922 = tpu.vector_load %arg17[%parallel_loop3A_921] {strides = array<i32>} : memref<4000xf32, #tpu.memory_space<vmem>>, vector<16xf32>,
        %parallel_loop3A_923 = vector.shape_cast %parallel_loop3A_922 : vector<16xf32> to vector<16xf32>
        %parallel_loop3A_924 = arith.constant 0.000000e+00 : f32
        %parallel_loop3A_925 = vector.broadcast %parallel_loop3A_924 : f32 to vector<16xf32>
        %parallel_loop3A_926 = arith.select %parallel_loop3A_920, %parallel_loop3A_923, %parallel_loop3A_925 : vector<16xi1>, vector<16xf32>
        %parallel_loop3A_927 = arith.index_cast %parallel_loop3A_911 : i32 to index
        %parallel_loop3A_928 = tpu.vector_load %arg17[%parallel_loop3A_927] {strides = array<i32>} : memref<4000xf32, #tpu.memory_space<vmem>>, vector<16xf32>,
        %parallel_loop3A_929 = vector.shape_cast %parallel_loop3A_928 : vector<16xf32> to vector<16xf32>
        %parallel_loop3A_930 = vector.shape_cast %parallel_loop3A_926 : vector<16xf32> to vector<16xf32>
        tpu.vector_store %arg17[%parallel_loop3A_927], %parallel_loop3A_930 {strides = array<i32>} : memref<4000xf32, #tpu.memory_space<vmem>>, vector<16xf32>,
      } {sc.loop_unroll_factor = 8 : i64, sc.parallel_access}
      %dma_start3A_908 = arith.constant 0 : i32
      %dma_start3A_909 = tpu.memref_slice %arg9[%dma_start3A_908] : memref<1000448xf32, #tpu.memory_space<vmem_shared>> -> memref<1000448xf32, #tpu.memory_space<vmem_shared>>
      tpu.enqueue_indirect_dma source(%arg17 : memref<4000xf32, #tpu.memory_space<vmem>>) target(%dma_start3A_909 : memref<1000448xf32, #tpu.memory_space<vmem_shared>>) offsets(%arg13 : memref<4000xi32, #tpu.memory_space<vmem>>) semaphore(%arg34 : memref<!tpu.dma_semaphore, #tpu.memory_space<semaphore_mem>>) {add = true}
      %scan3A_910 = arith.constant 0 : i32
      scf.yield %scan3A_910 : i32
    }
    %scan3A_364 = arith.constant 6 : i32
    %add3A_365 = arith.constant 992 : i32
    %add3A_366 = arith.addi %add3A, %add3A_365 : i32
    %lt3A = arith.constant 1000 : i32
    %lt3A_367 = arith.cmpi slt, %add3A_366, %lt3A : i32
    %dma_wait3A_368 = arith.constant 0 : i32
    %dma_wait3A_369 = tpu.memref_slice %arg9[%dma_wait3A_368] : memref<1000448xf32, #tpu.memory_space<vmem_shared>> -> memref<1000448xf32, #tpu.memory_space<vmem_shared>>
    tpu.wait_indirect_dma semaphore(%arg32 : memref<!tpu.dma_semaphore, #tpu.memory_space<semaphore_mem>>) src(%arg15 : memref<4000xf32, #tpu.memory_space<vmem>>) dst(%dma_wait3A_369 : memref<1000448xf32, #tpu.memory_space<vmem_shared>>)
    %add3A_370 = arith.constant 928 : i32
    %add3A_371 = arith.addi %add3A, %add3A_370 : i32
    %mul3A_372 = arith.constant 4000 : i32
    %mul3A_373 = arith.muli %add3A_371, %mul3A_372 : i32
    %dma_start3A_374 = tpu.memref_slice %arg2[%mul3A_373] : memref<4000000xi32, #tpu.memory_space<hbm>> -> memref<4000xi32, #tpu.memory_space<hbm>>
    %dma_start3A_375 = tpu.memref_slice %arg2[%mul3A_373] : memref<4000000xi32, #tpu.memory_space<hbm>> -> memref<4000xi32, #tpu.memory_space<hbm>>
    tpu.enqueue_dma source(%dma_start3A_375 : memref<4000xi32, #tpu.memory_space<hbm>>) target(%arg11 : memref<4000xi32, #tpu.memory_space<vmem>>) target_semaphore(%arg28 : memref<!tpu.dma_semaphore, #tpu.memory_space<semaphore_mem>>)
    %dma_start3A_376 = tpu.memref_slice %arg3[%mul3A_373] : memref<4000000xf32, #tpu.memory_space<hbm>> -> memref<4000xf32, #tpu.memory_space<hbm>>
    %dma_start3A_377 = tpu.memref_slice %arg3[%mul3A_373] : memref<4000000xf32, #tpu.memory_space<hbm>> -> memref<4000xf32, #tpu.memory_space<hbm>>
    tpu.enqueue_dma source(%dma_start3A_377 : memref<4000xf32, #tpu.memory_space<hbm>>) target(%arg15 : memref<4000xf32, #tpu.memory_space<vmem>>) target_semaphore(%arg28 : memref<!tpu.dma_semaphore, #tpu.memory_space<semaphore_mem>>)
    %dma_start3A_378 = tpu.memref_slice %arg4[%mul3A_373] : memref<4000000xf32, #tpu.memory_space<hbm>> -> memref<4000xf32, #tpu.memory_space<hbm>>
    %dma_start3A_379 = tpu.memref_slice %arg4[%mul3A_373] : memref<4000000xf32, #tpu.memory_space<hbm>> -> memref<4000xf32, #tpu.memory_space<hbm>>
    tpu.enqueue_dma source(%dma_start3A_379 : memref<4000xf32, #tpu.memory_space<hbm>>) target(%arg19 : memref<4000xf32, #tpu.memory_space<vmem>>) target_semaphore(%arg28 : memref<!tpu.dma_semaphore, #tpu.memory_space<semaphore_mem>>)
    %dma_start3A_380 = tpu.memref_slice %arg5[%mul3A_373] : memref<4000000xf32, #tpu.memory_space<hbm>> -> memref<4000xf32, #tpu.memory_space<hbm>>
    %dma_start3A_381 = tpu.memref_slice %arg5[%mul3A_373] : memref<4000000xf32, #tpu.memory_space<hbm>> -> memref<4000xf32, #tpu.memory_space<hbm>>
    tpu.enqueue_dma source(%dma_start3A_381 : memref<4000xf32, #tpu.memory_space<hbm>>) target(%arg23 : memref<4000xf32, #tpu.memory_space<vmem>>) target_semaphore(%arg28 : memref<!tpu.dma_semaphore, #tpu.memory_space<semaphore_mem>>)
    %add3A_382 = arith.constant 896 : i32
    %add3A_383 = arith.addi %add3A, %add3A_382 : i32
    %mul3A_384 = arith.constant 4000 : i32
    %mul3A_385 = arith.muli %add3A_383, %mul3A_384 : i32
    %dma_wait3A_386 = tpu.memref_slice %arg2[%mul3A_385] : memref<4000000xi32, #tpu.memory_space<hbm>> -> memref<4000xi32, #tpu.memory_space<hbm>>
    %dma_wait3A_387 = tpu.memref_slice %arg2[%mul3A_385] : memref<4000000xi32, #tpu.memory_space<hbm>> -> memref<4000xi32, #tpu.memory_space<hbm>>
    tpu.wait_dma2 semaphore(%arg27 : memref<!tpu.dma_semaphore, #tpu.memory_space<semaphore_mem>>) src(%dma_wait3A_387 : memref<4000xi32, #tpu.memory_space<hbm>>) dst(%arg10 : memref<4000xi32, #tpu.memory_space<vmem>>)
    %dma_wait3A_388 = tpu.memref_slice %arg3[%mul3A_385] : memref<4000000xf32, #tpu.memory_space<hbm>> -> memref<4000xf32, #tpu.memory_space<hbm>>
    %dma_wait3A_389 = tpu.memref_slice %arg3[%mul3A_385] : memref<4000000xf32, #tpu.memory_space<hbm>> -> memref<4000xf32, #tpu.memory_space<hbm>>
    tpu.wait_dma2 semaphore(%arg27 : memref<!tpu.dma_semaphore, #tpu.memory_space<semaphore_mem>>) src(%dma_wait3A_389 : memref<4000xf32, #tpu.memory_space<hbm>>) dst(%arg14 : memref<4000xf32, #tpu.memory_space<vmem>>)
    %dma_wait3A_390 = tpu.memref_slice %arg4[%mul3A_385] : memref<4000000xf32, #tpu.memory_space<hbm>> -> memref<4000xf32, #tpu.memory_space<hbm>>
    %dma_wait3A_391 = tpu.memref_slice %arg4[%mul3A_385] : memref<4000000xf32, #tpu.memory_space<hbm>> -> memref<4000xf32, #tpu.memory_space<hbm>>
    tpu.wait_dma2 semaphore(%arg27 : memref<!tpu.dma_semaphore, #tpu.memory_space<semaphore_mem>>) src(%dma_wait3A_391 : memref<4000xf32, #tpu.memory_space<hbm>>) dst(%arg18 : memref<4000xf32, #tpu.memory_space<vmem>>)
    %dma_wait3A_392 = tpu.memref_slice %arg5[%mul3A_385] : memref<4000000xf32, #tpu.memory_space<hbm>> -> memref<4000xf32, #tpu.memory_space<hbm>>
    %dma_wait3A_393 = tpu.memref_slice %arg5[%mul3A_385] : memref<4000000xf32, #tpu.memory_space<hbm>> -> memref<4000xf32, #tpu.memory_space<hbm>>
    tpu.wait_dma2 semaphore(%arg27 : memref<!tpu.dma_semaphore, #tpu.memory_space<semaphore_mem>>) src(%dma_wait3A_393 : memref<4000xf32, #tpu.memory_space<hbm>>) dst(%arg22 : memref<4000xf32, #tpu.memory_space<vmem>>)
    %parallel_loop3A_394 = arith.constant 0 : i32
    %parallel_loop3A_395 = arith.constant 4000 : i32
    %parallel_loop3A_396 = arith.constant 16 : i32
    scf.for %parallel_loop3A_750 = %parallel_loop3A_394 to %parallel_loop3A_395 step %parallel_loop3A_396  : i32 {
      %parallel_loop3A_751 = arith.index_cast %parallel_loop3A_750 : i32 to index
      %parallel_loop3A_752 = tpu.vector_load %arg18[%parallel_loop3A_751] {strides = array<i32>} : memref<4000xf32, #tpu.memory_space<vmem>>, vector<16xf32>,
      %parallel_loop3A_753 = vector.shape_cast %parallel_loop3A_752 : vector<16xf32> to vector<16xf32>
      %parallel_loop3A_754 = arith.cmpf ole, %parallel_loop3A_753, %get3A_228 : vector<16xf32>
      %parallel_loop3A_755 = arith.index_cast %parallel_loop3A_750 : i32 to index
      %parallel_loop3A_756 = tpu.vector_load %arg22[%parallel_loop3A_755] {strides = array<i32>} : memref<4000xf32, #tpu.memory_space<vmem>>, vector<16xf32>,
      %parallel_loop3A_757 = vector.shape_cast %parallel_loop3A_756 : vector<16xf32> to vector<16xf32>
      %parallel_loop3A_758 = arith.cmpf olt, %get3A_228, %parallel_loop3A_757 : vector<16xf32>
      %parallel_loop3A_759 = arith.andi %parallel_loop3A_754, %parallel_loop3A_758 : vector<16xi1>
      %parallel_loop3A_760 = arith.index_cast %parallel_loop3A_750 : i32 to index
      %parallel_loop3A_761 = tpu.vector_load %arg14[%parallel_loop3A_760] {strides = array<i32>} : memref<4000xf32, #tpu.memory_space<vmem>>, vector<16xf32>,
      %parallel_loop3A_762 = vector.shape_cast %parallel_loop3A_761 : vector<16xf32> to vector<16xf32>
      %parallel_loop3A_763 = arith.constant 0.000000e+00 : f32
      %parallel_loop3A_764 = vector.broadcast %parallel_loop3A_763 : f32 to vector<16xf32>
      %parallel_loop3A_765 = arith.select %parallel_loop3A_759, %parallel_loop3A_762, %parallel_loop3A_764 : vector<16xi1>, vector<16xf32>
      %parallel_loop3A_766 = arith.index_cast %parallel_loop3A_750 : i32 to index
      %parallel_loop3A_767 = tpu.vector_load %arg14[%parallel_loop3A_766] {strides = array<i32>} : memref<4000xf32, #tpu.memory_space<vmem>>, vector<16xf32>,
      %parallel_loop3A_768 = vector.shape_cast %parallel_loop3A_767 : vector<16xf32> to vector<16xf32>
      %parallel_loop3A_769 = vector.shape_cast %parallel_loop3A_765 : vector<16xf32> to vector<16xf32>
      tpu.vector_store %arg14[%parallel_loop3A_766], %parallel_loop3A_769 {strides = array<i32>} : memref<4000xf32, #tpu.memory_space<vmem>>, vector<16xf32>,
    } {sc.loop_unroll_factor = 8 : i64, sc.parallel_access}
    %dma_start3A_397 = arith.constant 0 : i32
    %dma_start3A_398 = tpu.memref_slice %arg9[%dma_start3A_397] : memref<1000448xf32, #tpu.memory_space<vmem_shared>> -> memref<1000448xf32, #tpu.memory_space<vmem_shared>>
    tpu.enqueue_indirect_dma source(%arg14 : memref<4000xf32, #tpu.memory_space<vmem>>) target(%dma_start3A_398 : memref<1000448xf32, #tpu.memory_space<vmem_shared>>) offsets(%arg10 : memref<4000xi32, #tpu.memory_space<vmem>>) semaphore(%arg31 : memref<!tpu.dma_semaphore, #tpu.memory_space<semaphore_mem>>) {add = true}
    %dma_wait3A_399 = arith.constant 0 : i32
    %dma_wait3A_400 = tpu.memref_slice %arg9[%dma_wait3A_399] : memref<1000448xf32, #tpu.memory_space<vmem_shared>> -> memref<1000448xf32, #tpu.memory_space<vmem_shared>>
    tpu.wait_indirect_dma semaphore(%arg33 : memref<!tpu.dma_semaphore, #tpu.memory_space<semaphore_mem>>) src(%arg16 : memref<4000xf32, #tpu.memory_space<vmem>>) dst(%dma_wait3A_400 : memref<1000448xf32, #tpu.memory_space<vmem_shared>>)
    %add3A_401 = arith.constant 960 : i32
    %add3A_402 = arith.addi %add3A, %add3A_401 : i32
    %mul3A_403 = arith.constant 4000 : i32
    %mul3A_404 = arith.muli %add3A_402, %mul3A_403 : i32
    %dma_start3A_405 = tpu.memref_slice %arg2[%mul3A_404] : memref<4000000xi32, #tpu.memory_space<hbm>> -> memref<4000xi32, #tpu.memory_space<hbm>>
    %dma_start3A_406 = tpu.memref_slice %arg2[%mul3A_404] : memref<4000000xi32, #tpu.memory_space<hbm>> -> memref<4000xi32, #tpu.memory_space<hbm>>
    tpu.enqueue_dma source(%dma_start3A_406 : memref<4000xi32, #tpu.memory_space<hbm>>) target(%arg12 : memref<4000xi32, #tpu.memory_space<vmem>>) target_semaphore(%arg29 : memref<!tpu.dma_semaphore, #tpu.memory_space<semaphore_mem>>)
    %dma_start3A_407 = tpu.memref_slice %arg3[%mul3A_404] : memref<4000000xf32, #tpu.memory_space<hbm>> -> memref<4000xf32, #tpu.memory_space<hbm>>
    %dma_start3A_408 = tpu.memref_slice %arg3[%mul3A_404] : memref<4000000xf32, #tpu.memory_space<hbm>> -> memref<4000xf32, #tpu.memory_space<hbm>>
    tpu.enqueue_dma source(%dma_start3A_408 : memref<4000xf32, #tpu.memory_space<hbm>>) target(%arg16 : memref<4000xf32, #tpu.memory_space<vmem>>) target_semaphore(%arg29 : memref<!tpu.dma_semaphore, #tpu.memory_space<semaphore_mem>>)
    %dma_start3A_409 = tpu.memref_slice %arg4[%mul3A_404] : memref<4000000xf32, #tpu.memory_space<hbm>> -> memref<4000xf32, #tpu.memory_space<hbm>>
    %dma_start3A_410 = tpu.memref_slice %arg4[%mul3A_404] : memref<4000000xf32, #tpu.memory_space<hbm>> -> memref<4000xf32, #tpu.memory_space<hbm>>
    tpu.enqueue_dma source(%dma_start3A_410 : memref<4000xf32, #tpu.memory_space<hbm>>) target(%arg20 : memref<4000xf32, #tpu.memory_space<vmem>>) target_semaphore(%arg29 : memref<!tpu.dma_semaphore, #tpu.memory_space<semaphore_mem>>)
    %dma_start3A_411 = tpu.memref_slice %arg5[%mul3A_404] : memref<4000000xf32, #tpu.memory_space<hbm>> -> memref<4000xf32, #tpu.memory_space<hbm>>
    %dma_start3A_412 = tpu.memref_slice %arg5[%mul3A_404] : memref<4000000xf32, #tpu.memory_space<hbm>> -> memref<4000xf32, #tpu.memory_space<hbm>>
    tpu.enqueue_dma source(%dma_start3A_412 : memref<4000xf32, #tpu.memory_space<hbm>>) target(%arg24 : memref<4000xf32, #tpu.memory_space<vmem>>) target_semaphore(%arg29 : memref<!tpu.dma_semaphore, #tpu.memory_space<semaphore_mem>>)
    %add3A_413 = arith.constant 928 : i32
    %add3A_414 = arith.addi %add3A, %add3A_413 : i32
    %mul3A_415 = arith.constant 4000 : i32
    %mul3A_416 = arith.muli %add3A_414, %mul3A_415 : i32
    %dma_wait3A_417 = tpu.memref_slice %arg2[%mul3A_416] : memref<4000000xi32, #tpu.memory_space<hbm>> -> memref<4000xi32, #tpu.memory_space<hbm>>
    %dma_wait3A_418 = tpu.memref_slice %arg2[%mul3A_416] : memref<4000000xi32, #tpu.memory_space<hbm>> -> memref<4000xi32, #tpu.memory_space<hbm>>
    tpu.wait_dma2 semaphore(%arg28 : memref<!tpu.dma_semaphore, #tpu.memory_space<semaphore_mem>>) src(%dma_wait3A_418 : memref<4000xi32, #tpu.memory_space<hbm>>) dst(%arg11 : memref<4000xi32, #tpu.memory_space<vmem>>)
    %dma_wait3A_419 = tpu.memref_slice %arg3[%mul3A_416] : memref<4000000xf32, #tpu.memory_space<hbm>> -> memref<4000xf32, #tpu.memory_space<hbm>>
    %dma_wait3A_420 = tpu.memref_slice %arg3[%mul3A_416] : memref<4000000xf32, #tpu.memory_space<hbm>> -> memref<4000xf32, #tpu.memory_space<hbm>>
    tpu.wait_dma2 semaphore(%arg28 : memref<!tpu.dma_semaphore, #tpu.memory_space<semaphore_mem>>) src(%dma_wait3A_420 : memref<4000xf32, #tpu.memory_space<hbm>>) dst(%arg15 : memref<4000xf32, #tpu.memory_space<vmem>>)
    %dma_wait3A_421 = tpu.memref_slice %arg4[%mul3A_416] : memref<4000000xf32, #tpu.memory_space<hbm>> -> memref<4000xf32, #tpu.memory_space<hbm>>
    %dma_wait3A_422 = tpu.memref_slice %arg4[%mul3A_416] : memref<4000000xf32, #tpu.memory_space<hbm>> -> memref<4000xf32, #tpu.memory_space<hbm>>
    tpu.wait_dma2 semaphore(%arg28 : memref<!tpu.dma_semaphore, #tpu.memory_space<semaphore_mem>>) src(%dma_wait3A_422 : memref<4000xf32, #tpu.memory_space<hbm>>) dst(%arg19 : memref<4000xf32, #tpu.memory_space<vmem>>)
    %dma_wait3A_423 = tpu.memref_slice %arg5[%mul3A_416] : memref<4000000xf32, #tpu.memory_space<hbm>> -> memref<4000xf32, #tpu.memory_space<hbm>>
    %dma_wait3A_424 = tpu.memref_slice %arg5[%mul3A_416] : memref<4000000xf32, #tpu.memory_space<hbm>> -> memref<4000xf32, #tpu.memory_space<hbm>>
    tpu.wait_dma2 semaphore(%arg28 : memref<!tpu.dma_semaphore, #tpu.memory_space<semaphore_mem>>) src(%dma_wait3A_424 : memref<4000xf32, #tpu.memory_space<hbm>>) dst(%arg23 : memref<4000xf32, #tpu.memory_space<vmem>>)
    %parallel_loop3A_425 = arith.constant 0 : i32
    %parallel_loop3A_426 = arith.constant 4000 : i32
    %parallel_loop3A_427 = arith.constant 16 : i32
    scf.for %parallel_loop3A_750 = %parallel_loop3A_425 to %parallel_loop3A_426 step %parallel_loop3A_427  : i32 {
      %parallel_loop3A_751 = arith.index_cast %parallel_loop3A_750 : i32 to index
      %parallel_loop3A_752 = tpu.vector_load %arg19[%parallel_loop3A_751] {strides = array<i32>} : memref<4000xf32, #tpu.memory_space<vmem>>, vector<16xf32>,
      %parallel_loop3A_753 = vector.shape_cast %parallel_loop3A_752 : vector<16xf32> to vector<16xf32>
      %parallel_loop3A_754 = arith.cmpf ole, %parallel_loop3A_753, %get3A_228 : vector<16xf32>
      %parallel_loop3A_755 = arith.index_cast %parallel_loop3A_750 : i32 to index
      %parallel_loop3A_756 = tpu.vector_load %arg23[%parallel_loop3A_755] {strides = array<i32>} : memref<4000xf32, #tpu.memory_space<vmem>>, vector<16xf32>,
      %parallel_loop3A_757 = vector.shape_cast %parallel_loop3A_756 : vector<16xf32> to vector<16xf32>
      %parallel_loop3A_758 = arith.cmpf olt, %get3A_228, %parallel_loop3A_757 : vector<16xf32>
      %parallel_loop3A_759 = arith.andi %parallel_loop3A_754, %parallel_loop3A_758 : vector<16xi1>
      %parallel_loop3A_760 = arith.index_cast %parallel_loop3A_750 : i32 to index
      %parallel_loop3A_761 = tpu.vector_load %arg15[%parallel_loop3A_760] {strides = array<i32>} : memref<4000xf32, #tpu.memory_space<vmem>>, vector<16xf32>,
      %parallel_loop3A_762 = vector.shape_cast %parallel_loop3A_761 : vector<16xf32> to vector<16xf32>
      %parallel_loop3A_763 = arith.constant 0.000000e+00 : f32
      %parallel_loop3A_764 = vector.broadcast %parallel_loop3A_763 : f32 to vector<16xf32>
      %parallel_loop3A_765 = arith.select %parallel_loop3A_759, %parallel_loop3A_762, %parallel_loop3A_764 : vector<16xi1>, vector<16xf32>
      %parallel_loop3A_766 = arith.index_cast %parallel_loop3A_750 : i32 to index
      %parallel_loop3A_767 = tpu.vector_load %arg15[%parallel_loop3A_766] {strides = array<i32>} : memref<4000xf32, #tpu.memory_space<vmem>>, vector<16xf32>,
      %parallel_loop3A_768 = vector.shape_cast %parallel_loop3A_767 : vector<16xf32> to vector<16xf32>
      %parallel_loop3A_769 = vector.shape_cast %parallel_loop3A_765 : vector<16xf32> to vector<16xf32>
      tpu.vector_store %arg15[%parallel_loop3A_766], %parallel_loop3A_769 {strides = array<i32>} : memref<4000xf32, #tpu.memory_space<vmem>>, vector<16xf32>,
    } {sc.loop_unroll_factor = 8 : i64, sc.parallel_access}
    %dma_start3A_428 = arith.constant 0 : i32
    %dma_start3A_429 = tpu.memref_slice %arg9[%dma_start3A_428] : memref<1000448xf32, #tpu.memory_space<vmem_shared>> -> memref<1000448xf32, #tpu.memory_space<vmem_shared>>
    tpu.enqueue_indirect_dma source(%arg15 : memref<4000xf32, #tpu.memory_space<vmem>>) target(%dma_start3A_429 : memref<1000448xf32, #tpu.memory_space<vmem_shared>>) offsets(%arg11 : memref<4000xi32, #tpu.memory_space<vmem>>) semaphore(%arg32 : memref<!tpu.dma_semaphore, #tpu.memory_space<semaphore_mem>>) {add = true}
    %dma_wait3A_430 = arith.constant 0 : i32
    %dma_wait3A_431 = tpu.memref_slice %arg9[%dma_wait3A_430] : memref<1000448xf32, #tpu.memory_space<vmem_shared>> -> memref<1000448xf32, #tpu.memory_space<vmem_shared>>
    tpu.wait_indirect_dma semaphore(%arg34 : memref<!tpu.dma_semaphore, #tpu.memory_space<semaphore_mem>>) src(%arg17 : memref<4000xf32, #tpu.memory_space<vmem>>) dst(%dma_wait3A_431 : memref<1000448xf32, #tpu.memory_space<vmem_shared>>)
    %convert_element_type3A = arith.extui %lt3A_367 : i1 to i32
    %cond3A = arith.constant 0 : i32
    %cond3A_432 = arith.cmpi ne, %convert_element_type3A, %cond3A : i32
    scf.if %cond3A_432 {
      %add3A_750 = arith.constant 992 : i32
      %add3A_751 = arith.addi %add3A, %add3A_750 : i32
      %mul3A_752 = arith.constant 4000 : i32
      %mul3A_753 = arith.muli %add3A_751, %mul3A_752 : i32
      %dma_start3A_754 = tpu.memref_slice %arg2[%mul3A_753] : memref<4000000xi32, #tpu.memory_space<hbm>> -> memref<4000xi32, #tpu.memory_space<hbm>>
      %dma_start3A_755 = tpu.memref_slice %arg2[%mul3A_753] : memref<4000000xi32, #tpu.memory_space<hbm>> -> memref<4000xi32, #tpu.memory_space<hbm>>
      tpu.enqueue_dma source(%dma_start3A_755 : memref<4000xi32, #tpu.memory_space<hbm>>) target(%arg13 : memref<4000xi32, #tpu.memory_space<vmem>>) target_semaphore(%arg30 : memref<!tpu.dma_semaphore, #tpu.memory_space<semaphore_mem>>)
      %dma_start3A_756 = tpu.memref_slice %arg3[%mul3A_753] : memref<4000000xf32, #tpu.memory_space<hbm>> -> memref<4000xf32, #tpu.memory_space<hbm>>
      %dma_start3A_757 = tpu.memref_slice %arg3[%mul3A_753] : memref<4000000xf32, #tpu.memory_space<hbm>> -> memref<4000xf32, #tpu.memory_space<hbm>>
      tpu.enqueue_dma source(%dma_start3A_757 : memref<4000xf32, #tpu.memory_space<hbm>>) target(%arg17 : memref<4000xf32, #tpu.memory_space<vmem>>) target_semaphore(%arg30 : memref<!tpu.dma_semaphore, #tpu.memory_space<semaphore_mem>>)
      %dma_start3A_758 = tpu.memref_slice %arg4[%mul3A_753] : memref<4000000xf32, #tpu.memory_space<hbm>> -> memref<4000xf32, #tpu.memory_space<hbm>>
      %dma_start3A_759 = tpu.memref_slice %arg4[%mul3A_753] : memref<4000000xf32, #tpu.memory_space<hbm>> -> memref<4000xf32, #tpu.memory_space<hbm>>
      tpu.enqueue_dma source(%dma_start3A_759 : memref<4000xf32, #tpu.memory_space<hbm>>) target(%arg21 : memref<4000xf32, #tpu.memory_space<vmem>>) target_semaphore(%arg30 : memref<!tpu.dma_semaphore, #tpu.memory_space<semaphore_mem>>)
      %dma_start3A_760 = tpu.memref_slice %arg5[%mul3A_753] : memref<4000000xf32, #tpu.memory_space<hbm>> -> memref<4000xf32, #tpu.memory_space<hbm>>
      %dma_start3A_761 = tpu.memref_slice %arg5[%mul3A_753] : memref<4000000xf32, #tpu.memory_space<hbm>> -> memref<4000xf32, #tpu.memory_space<hbm>>
      tpu.enqueue_dma source(%dma_start3A_761 : memref<4000xf32, #tpu.memory_space<hbm>>) target(%arg25 : memref<4000xf32, #tpu.memory_space<vmem>>) target_semaphore(%arg30 : memref<!tpu.dma_semaphore, #tpu.memory_space<semaphore_mem>>)
    } else {
    }
    %add3A_433 = arith.constant 960 : i32
    %add3A_434 = arith.addi %add3A, %add3A_433 : i32
    %mul3A_435 = arith.constant 4000 : i32
    %mul3A_436 = arith.muli %add3A_434, %mul3A_435 : i32
    %dma_wait3A_437 = tpu.memref_slice %arg2[%mul3A_436] : memref<4000000xi32, #tpu.memory_space<hbm>> -> memref<4000xi32, #tpu.memory_space<hbm>>
    %dma_wait3A_438 = tpu.memref_slice %arg2[%mul3A_436] : memref<4000000xi32, #tpu.memory_space<hbm>> -> memref<4000xi32, #tpu.memory_space<hbm>>
    tpu.wait_dma2 semaphore(%arg29 : memref<!tpu.dma_semaphore, #tpu.memory_space<semaphore_mem>>) src(%dma_wait3A_438 : memref<4000xi32, #tpu.memory_space<hbm>>) dst(%arg12 : memref<4000xi32, #tpu.memory_space<vmem>>)
    %dma_wait3A_439 = tpu.memref_slice %arg3[%mul3A_436] : memref<4000000xf32, #tpu.memory_space<hbm>> -> memref<4000xf32, #tpu.memory_space<hbm>>
    %dma_wait3A_440 = tpu.memref_slice %arg3[%mul3A_436] : memref<4000000xf32, #tpu.memory_space<hbm>> -> memref<4000xf32, #tpu.memory_space<hbm>>
    tpu.wait_dma2 semaphore(%arg29 : memref<!tpu.dma_semaphore, #tpu.memory_space<semaphore_mem>>) src(%dma_wait3A_440 : memref<4000xf32, #tpu.memory_space<hbm>>) dst(%arg16 : memref<4000xf32, #tpu.memory_space<vmem>>)
    %dma_wait3A_441 = tpu.memref_slice %arg4[%mul3A_436] : memref<4000000xf32, #tpu.memory_space<hbm>> -> memref<4000xf32, #tpu.memory_space<hbm>>
    %dma_wait3A_442 = tpu.memref_slice %arg4[%mul3A_436] : memref<4000000xf32, #tpu.memory_space<hbm>> -> memref<4000xf32, #tpu.memory_space<hbm>>
    tpu.wait_dma2 semaphore(%arg29 : memref<!tpu.dma_semaphore, #tpu.memory_space<semaphore_mem>>) src(%dma_wait3A_442 : memref<4000xf32, #tpu.memory_space<hbm>>) dst(%arg20 : memref<4000xf32, #tpu.memory_space<vmem>>)
    %dma_wait3A_443 = tpu.memref_slice %arg5[%mul3A_436] : memref<4000000xf32, #tpu.memory_space<hbm>> -> memref<4000xf32, #tpu.memory_space<hbm>>
    %dma_wait3A_444 = tpu.memref_slice %arg5[%mul3A_436] : memref<4000000xf32, #tpu.memory_space<hbm>> -> memref<4000xf32, #tpu.memory_space<hbm>>
    tpu.wait_dma2 semaphore(%arg29 : memref<!tpu.dma_semaphore, #tpu.memory_space<semaphore_mem>>) src(%dma_wait3A_444 : memref<4000xf32, #tpu.memory_space<hbm>>) dst(%arg24 : memref<4000xf32, #tpu.memory_space<vmem>>)
    %parallel_loop3A_445 = arith.constant 0 : i32
    %parallel_loop3A_446 = arith.constant 4000 : i32
    %parallel_loop3A_447 = arith.constant 16 : i32
    scf.for %parallel_loop3A_750 = %parallel_loop3A_445 to %parallel_loop3A_446 step %parallel_loop3A_447  : i32 {
      %parallel_loop3A_751 = arith.index_cast %parallel_loop3A_750 : i32 to index
      %parallel_loop3A_752 = tpu.vector_load %arg20[%parallel_loop3A_751] {strides = array<i32>} : memref<4000xf32, #tpu.memory_space<vmem>>, vector<16xf32>,
      %parallel_loop3A_753 = vector.shape_cast %parallel_loop3A_752 : vector<16xf32> to vector<16xf32>
      %parallel_loop3A_754 = arith.cmpf ole, %parallel_loop3A_753, %get3A_228 : vector<16xf32>
      %parallel_loop3A_755 = arith.index_cast %parallel_loop3A_750 : i32 to index
      %parallel_loop3A_756 = tpu.vector_load %arg24[%parallel_loop3A_755] {strides = array<i32>} : memref<4000xf32, #tpu.memory_space<vmem>>, vector<16xf32>,
      %parallel_loop3A_757 = vector.shape_cast %parallel_loop3A_756 : vector<16xf32> to vector<16xf32>
      %parallel_loop3A_758 = arith.cmpf olt, %get3A_228, %parallel_loop3A_757 : vector<16xf32>
      %parallel_loop3A_759 = arith.andi %parallel_loop3A_754, %parallel_loop3A_758 : vector<16xi1>
      %parallel_loop3A_760 = arith.index_cast %parallel_loop3A_750 : i32 to index
      %parallel_loop3A_761 = tpu.vector_load %arg16[%parallel_loop3A_760] {strides = array<i32>} : memref<4000xf32, #tpu.memory_space<vmem>>, vector<16xf32>,
      %parallel_loop3A_762 = vector.shape_cast %parallel_loop3A_761 : vector<16xf32> to vector<16xf32>
      %parallel_loop3A_763 = arith.constant 0.000000e+00 : f32
      %parallel_loop3A_764 = vector.broadcast %parallel_loop3A_763 : f32 to vector<16xf32>
      %parallel_loop3A_765 = arith.select %parallel_loop3A_759, %parallel_loop3A_762, %parallel_loop3A_764 : vector<16xi1>, vector<16xf32>
      %parallel_loop3A_766 = arith.index_cast %parallel_loop3A_750 : i32 to index
      %parallel_loop3A_767 = tpu.vector_load %arg16[%parallel_loop3A_766] {strides = array<i32>} : memref<4000xf32, #tpu.memory_space<vmem>>, vector<16xf32>,
      %parallel_loop3A_768 = vector.shape_cast %parallel_loop3A_767 : vector<16xf32> to vector<16xf32>
      %parallel_loop3A_769 = vector.shape_cast %parallel_loop3A_765 : vector<16xf32> to vector<16xf32>
      tpu.vector_store %arg16[%parallel_loop3A_766], %parallel_loop3A_769 {strides = array<i32>} : memref<4000xf32, #tpu.memory_space<vmem>>, vector<16xf32>,
    } {sc.loop_unroll_factor = 8 : i64, sc.parallel_access}
    %dma_start3A_448 = arith.constant 0 : i32
    %dma_start3A_449 = tpu.memref_slice %arg9[%dma_start3A_448] : memref<1000448xf32, #tpu.memory_space<vmem_shared>> -> memref<1000448xf32, #tpu.memory_space<vmem_shared>>
    tpu.enqueue_indirect_dma source(%arg16 : memref<4000xf32, #tpu.memory_space<vmem>>) target(%dma_start3A_449 : memref<1000448xf32, #tpu.memory_space<vmem_shared>>) offsets(%arg12 : memref<4000xi32, #tpu.memory_space<vmem>>) semaphore(%arg33 : memref<!tpu.dma_semaphore, #tpu.memory_space<semaphore_mem>>) {add = true}
    %dma_wait3A_450 = arith.constant 0 : i32
    %dma_wait3A_451 = tpu.memref_slice %arg9[%dma_wait3A_450] : memref<1000448xf32, #tpu.memory_space<vmem_shared>> -> memref<1000448xf32, #tpu.memory_space<vmem_shared>>
    tpu.wait_indirect_dma semaphore(%arg31 : memref<!tpu.dma_semaphore, #tpu.memory_space<semaphore_mem>>) src(%arg14 : memref<4000xf32, #tpu.memory_space<vmem>>) dst(%dma_wait3A_451 : memref<1000448xf32, #tpu.memory_space<vmem_shared>>)
    %convert_element_type3A_452 = arith.extui %lt3A_367 : i1 to i32
    %cond3A_453 = arith.constant 0 : i32
    %cond3A_454 = arith.cmpi ne, %convert_element_type3A_452, %cond3A_453 : i32
    scf.if %cond3A_454 {
      %add3A_750 = arith.constant 992 : i32
      %add3A_751 = arith.addi %add3A, %add3A_750 : i32
      %mul3A_752 = arith.constant 4000 : i32
      %mul3A_753 = arith.muli %add3A_751, %mul3A_752 : i32
      %dma_wait3A_754 = tpu.memref_slice %arg2[%mul3A_753] : memref<4000000xi32, #tpu.memory_space<hbm>> -> memref<4000xi32, #tpu.memory_space<hbm>>
      %dma_wait3A_755 = tpu.memref_slice %arg2[%mul3A_753] : memref<4000000xi32, #tpu.memory_space<hbm>> -> memref<4000xi32, #tpu.memory_space<hbm>>
      tpu.wait_dma2 semaphore(%arg30 : memref<!tpu.dma_semaphore, #tpu.memory_space<semaphore_mem>>) src(%dma_wait3A_755 : memref<4000xi32, #tpu.memory_space<hbm>>) dst(%arg13 : memref<4000xi32, #tpu.memory_space<vmem>>)
      %dma_wait3A_756 = tpu.memref_slice %arg3[%mul3A_753] : memref<4000000xf32, #tpu.memory_space<hbm>> -> memref<4000xf32, #tpu.memory_space<hbm>>
      %dma_wait3A_757 = tpu.memref_slice %arg3[%mul3A_753] : memref<4000000xf32, #tpu.memory_space<hbm>> -> memref<4000xf32, #tpu.memory_space<hbm>>
      tpu.wait_dma2 semaphore(%arg30 : memref<!tpu.dma_semaphore, #tpu.memory_space<semaphore_mem>>) src(%dma_wait3A_757 : memref<4000xf32, #tpu.memory_space<hbm>>) dst(%arg17 : memref<4000xf32, #tpu.memory_space<vmem>>)
      %dma_wait3A_758 = tpu.memref_slice %arg4[%mul3A_753] : memref<4000000xf32, #tpu.memory_space<hbm>> -> memref<4000xf32, #tpu.memory_space<hbm>>
      %dma_wait3A_759 = tpu.memref_slice %arg4[%mul3A_753] : memref<4000000xf32, #tpu.memory_space<hbm>> -> memref<4000xf32, #tpu.memory_space<hbm>>
      tpu.wait_dma2 semaphore(%arg30 : memref<!tpu.dma_semaphore, #tpu.memory_space<semaphore_mem>>) src(%dma_wait3A_759 : memref<4000xf32, #tpu.memory_space<hbm>>) dst(%arg21 : memref<4000xf32, #tpu.memory_space<vmem>>)
      %dma_wait3A_760 = tpu.memref_slice %arg5[%mul3A_753] : memref<4000000xf32, #tpu.memory_space<hbm>> -> memref<4000xf32, #tpu.memory_space<hbm>>
      %dma_wait3A_761 = tpu.memref_slice %arg5[%mul3A_753] : memref<4000000xf32, #tpu.memory_space<hbm>> -> memref<4000xf32, #tpu.memory_space<hbm>>
      tpu.wait_dma2 semaphore(%arg30 : memref<!tpu.dma_semaphore, #tpu.memory_space<semaphore_mem>>) src(%dma_wait3A_761 : memref<4000xf32, #tpu.memory_space<hbm>>) dst(%arg25 : memref<4000xf32, #tpu.memory_space<vmem>>)
      %parallel_loop3A_762 = arith.constant 0 : i32
      %parallel_loop3A_763 = arith.constant 4000 : i32
      %parallel_loop3A_764 = arith.constant 16 : i32
      scf.for %parallel_loop3A_767 = %parallel_loop3A_762 to %parallel_loop3A_763 step %parallel_loop3A_764  : i32 {
        %parallel_loop3A_768 = arith.index_cast %parallel_loop3A_767 : i32 to index
        %parallel_loop3A_769 = tpu.vector_load %arg21[%parallel_loop3A_768] {strides = array<i32>} : memref<4000xf32, #tpu.memory_space<vmem>>, vector<16xf32>,
        %parallel_loop3A_770 = vector.shape_cast %parallel_loop3A_769 : vector<16xf32> to vector<16xf32>
        %parallel_loop3A_771 = arith.cmpf ole, %parallel_loop3A_770, %get3A_228 : vector<16xf32>
        %parallel_loop3A_772 = arith.index_cast %parallel_loop3A_767 : i32 to index
        %parallel_loop3A_773 = tpu.vector_load %arg25[%parallel_loop3A_772] {strides = array<i32>} : memref<4000xf32, #tpu.memory_space<vmem>>, vector<16xf32>,
        %parallel_loop3A_774 = vector.shape_cast %parallel_loop3A_773 : vector<16xf32> to vector<16xf32>
        %parallel_loop3A_775 = arith.cmpf olt, %get3A_228, %parallel_loop3A_774 : vector<16xf32>
        %parallel_loop3A_776 = arith.andi %parallel_loop3A_771, %parallel_loop3A_775 : vector<16xi1>
        %parallel_loop3A_777 = arith.index_cast %parallel_loop3A_767 : i32 to index
        %parallel_loop3A_778 = tpu.vector_load %arg17[%parallel_loop3A_777] {strides = array<i32>} : memref<4000xf32, #tpu.memory_space<vmem>>, vector<16xf32>,
        %parallel_loop3A_779 = vector.shape_cast %parallel_loop3A_778 : vector<16xf32> to vector<16xf32>
        %parallel_loop3A_780 = arith.constant 0.000000e+00 : f32
        %parallel_loop3A_781 = vector.broadcast %parallel_loop3A_780 : f32 to vector<16xf32>
        %parallel_loop3A_782 = arith.select %parallel_loop3A_776, %parallel_loop3A_779, %parallel_loop3A_781 : vector<16xi1>, vector<16xf32>
        %parallel_loop3A_783 = arith.index_cast %parallel_loop3A_767 : i32 to index
        %parallel_loop3A_784 = tpu.vector_load %arg17[%parallel_loop3A_783] {strides = array<i32>} : memref<4000xf32, #tpu.memory_space<vmem>>, vector<16xf32>,
        %parallel_loop3A_785 = vector.shape_cast %parallel_loop3A_784 : vector<16xf32> to vector<16xf32>
        %parallel_loop3A_786 = vector.shape_cast %parallel_loop3A_782 : vector<16xf32> to vector<16xf32>
        tpu.vector_store %arg17[%parallel_loop3A_783], %parallel_loop3A_786 {strides = array<i32>} : memref<4000xf32, #tpu.memory_space<vmem>>, vector<16xf32>,
      } {sc.loop_unroll_factor = 8 : i64, sc.parallel_access}
      %dma_start3A_765 = arith.constant 0 : i32
      %dma_start3A_766 = tpu.memref_slice %arg9[%dma_start3A_765] : memref<1000448xf32, #tpu.memory_space<vmem_shared>> -> memref<1000448xf32, #tpu.memory_space<vmem_shared>>
      tpu.enqueue_indirect_dma source(%arg17 : memref<4000xf32, #tpu.memory_space<vmem>>) target(%dma_start3A_766 : memref<1000448xf32, #tpu.memory_space<vmem_shared>>) offsets(%arg13 : memref<4000xi32, #tpu.memory_space<vmem>>) semaphore(%arg34 : memref<!tpu.dma_semaphore, #tpu.memory_space<semaphore_mem>>) {add = true}
    } else {
    }
    %dma_wait3A_455 = arith.constant 0 : i32
    %dma_wait3A_456 = tpu.memref_slice %arg9[%dma_wait3A_455] : memref<1000448xf32, #tpu.memory_space<vmem_shared>> -> memref<1000448xf32, #tpu.memory_space<vmem_shared>>
    tpu.wait_indirect_dma semaphore(%arg32 : memref<!tpu.dma_semaphore, #tpu.memory_space<semaphore_mem>>) src(%arg15 : memref<4000xf32, #tpu.memory_space<vmem>>) dst(%dma_wait3A_456 : memref<1000448xf32, #tpu.memory_space<vmem_shared>>)
    %dma_wait3A_457 = arith.constant 0 : i32
    %dma_wait3A_458 = tpu.memref_slice %arg9[%dma_wait3A_457] : memref<1000448xf32, #tpu.memory_space<vmem_shared>> -> memref<1000448xf32, #tpu.memory_space<vmem_shared>>
    tpu.wait_indirect_dma semaphore(%arg33 : memref<!tpu.dma_semaphore, #tpu.memory_space<semaphore_mem>>) src(%arg16 : memref<4000xf32, #tpu.memory_space<vmem>>) dst(%dma_wait3A_458 : memref<1000448xf32, #tpu.memory_space<vmem_shared>>)
    %convert_element_type3A_459 = arith.extui %lt3A_367 : i1 to i32
    %cond3A_460 = arith.constant 0 : i32
    %cond3A_461 = arith.cmpi ne, %convert_element_type3A_459, %cond3A_460 : i32
    scf.if %cond3A_461 {
      %dma_wait3A_750 = arith.constant 0 : i32
      %dma_wait3A_751 = tpu.memref_slice %arg9[%dma_wait3A_750] : memref<1000448xf32, #tpu.memory_space<vmem_shared>> -> memref<1000448xf32, #tpu.memory_space<vmem_shared>>
      tpu.wait_indirect_dma semaphore(%arg34 : memref<!tpu.dma_semaphore, #tpu.memory_space<semaphore_mem>>) src(%arg17 : memref<4000xf32, #tpu.memory_space<vmem>>) dst(%dma_wait3A_751 : memref<1000448xf32, #tpu.memory_space<vmem_shared>>)
    } else {
    }
    %barrier3A_462 = arith.constant 0 : index
    tpu.barrier barrier_id(%barrier3A_462)
    %add3A_463 = arith.constant 0 : i32
    %add3A_464 = arith.addi %mul3A_4, %add3A_463 : i32
    "tpu.region"() ({
      %run_scoped3A = tpu.sem_alloc : memref<!tpu.dma_semaphore, #tpu.memory_space<semaphore_mem>>
      %dma_start3A_750 = arith.constant 0 : i32
      %dma_start3A_751 = tpu.memref_slice %arg14[%dma_start3A_750] : memref<4000xf32, #tpu.memory_space<vmem>> -> memref<4000xf32, #tpu.memory_space<vmem>>
      %dma_start3A_752 = tpu.memref_slice %arg9[%add3A_464] : memref<1000448xf32, #tpu.memory_space<vmem_shared>> -> memref<4000xf32, #tpu.memory_space<vmem_shared>>
      %dma_start3A_753 = arith.constant 0 : i32
      %dma_start3A_754 = tpu.memref_slice %arg14[%dma_start3A_753] : memref<4000xf32, #tpu.memory_space<vmem>> -> memref<4000xf32, #tpu.memory_space<vmem>>
      %dma_start3A_755 = tpu.memref_slice %arg9[%add3A_464] : memref<1000448xf32, #tpu.memory_space<vmem_shared>> -> memref<4000xf32, #tpu.memory_space<vmem_shared>>
      tpu.enqueue_dma source(%dma_start3A_755 : memref<4000xf32, #tpu.memory_space<vmem_shared>>) target(%dma_start3A_754 : memref<4000xf32, #tpu.memory_space<vmem>>) target_semaphore(%run_scoped3A : memref<!tpu.dma_semaphore, #tpu.memory_space<semaphore_mem>>)
      %dma_wait3A_756 = arith.constant 0 : i32
      %dma_wait3A_757 = tpu.memref_slice %arg14[%dma_wait3A_756] : memref<4000xf32, #tpu.memory_space<vmem>> -> memref<4000xf32, #tpu.memory_space<vmem>>
      %dma_wait3A_758 = tpu.memref_slice %arg9[%add3A_464] : memref<1000448xf32, #tpu.memory_space<vmem_shared>> -> memref<4000xf32, #tpu.memory_space<vmem_shared>>
      %dma_wait3A_759 = arith.constant 0 : i32
      %dma_wait3A_760 = tpu.memref_slice %arg14[%dma_wait3A_759] : memref<4000xf32, #tpu.memory_space<vmem>> -> memref<4000xf32, #tpu.memory_space<vmem>>
      %dma_wait3A_761 = tpu.memref_slice %arg9[%add3A_464] : memref<1000448xf32, #tpu.memory_space<vmem_shared>> -> memref<4000xf32, #tpu.memory_space<vmem_shared>>
      tpu.wait_dma2 semaphore(%run_scoped3A : memref<!tpu.dma_semaphore, #tpu.memory_space<semaphore_mem>>) src(%dma_wait3A_761 : memref<4000xf32, #tpu.memory_space<vmem_shared>>) dst(%dma_wait3A_760 : memref<4000xf32, #tpu.memory_space<vmem>>)
      tpu.yield
    }) : () -> ()
    %eq3A = arith.constant 0 : i32
    %eq3A_465 = arith.cmpi eq, %arg0, %eq3A : i32
    %convert_element_type3A_466 = arith.extui %eq3A_465 : i1 to i32
    %cond3A_467 = arith.constant 0 : i32
    %cond3A_468 = arith.cmpi ne, %convert_element_type3A_466, %cond3A_467 : i32
    scf.if %cond3A_468 {
      %dma_start3A_750 = arith.constant 0 : i32
      %dma_start3A_751 = tpu.memref_slice %arg14[%dma_start3A_750] : memref<4000xf32, #tpu.memory_space<vmem>> -> memref<4000xf32, #tpu.memory_space<vmem>>
      %dma_start3A_752 = tpu.memref_slice %arg7[%add3A_464] : memref<1000448xf32, #tpu.memory_space<hbm>> -> memref<4000xf32, #tpu.memory_space<hbm>>
      %dma_start3A_753 = tpu.memref_slice %arg7[%add3A_464] : memref<1000448xf32, #tpu.memory_space<hbm>> -> memref<4000xf32, #tpu.memory_space<hbm>>
      %dma_start3A_754 = arith.constant 0 : i32
      %dma_start3A_755 = tpu.memref_slice %arg14[%dma_start3A_754] : memref<4000xf32, #tpu.memory_space<vmem>> -> memref<4000xf32, #tpu.memory_space<vmem>>
      tpu.enqueue_dma source(%dma_start3A_755 : memref<4000xf32, #tpu.memory_space<vmem>>) target(%dma_start3A_753 : memref<4000xf32, #tpu.memory_space<hbm>>) target_semaphore(%arg31 : memref<!tpu.dma_semaphore, #tpu.memory_space<semaphore_mem>>)
    } else {
    }
    %eq3A_469 = arith.constant 1 : i32
    %eq3A_470 = arith.cmpi eq, %arg0, %eq3A_469 : i32
    %convert_element_type3A_471 = arith.extui %eq3A_470 : i1 to i32
    %cond3A_472 = arith.constant 0 : i32
    %cond3A_473 = arith.cmpi ne, %convert_element_type3A_471, %cond3A_472 : i32
    scf.if %cond3A_473 {
      %dma_start3A_750 = arith.constant 0 : i32
      %dma_start3A_751 = tpu.memref_slice %arg14[%dma_start3A_750] : memref<4000xf32, #tpu.memory_space<vmem>> -> memref<4000xf32, #tpu.memory_space<vmem>>
      %dma_start3A_752 = tpu.memref_slice %arg8[%add3A_464] : memref<1000448xf32, #tpu.memory_space<hbm>> -> memref<4000xf32, #tpu.memory_space<hbm>>
      %dma_start3A_753 = tpu.memref_slice %arg8[%add3A_464] : memref<1000448xf32, #tpu.memory_space<hbm>> -> memref<4000xf32, #tpu.memory_space<hbm>>
      %dma_start3A_754 = arith.constant 0 : i32
      %dma_start3A_755 = tpu.memref_slice %arg14[%dma_start3A_754] : memref<4000xf32, #tpu.memory_space<vmem>> -> memref<4000xf32, #tpu.memory_space<vmem>>
      tpu.enqueue_dma source(%dma_start3A_755 : memref<4000xf32, #tpu.memory_space<vmem>>) target(%dma_start3A_753 : memref<4000xf32, #tpu.memory_space<hbm>>) target_semaphore(%arg31 : memref<!tpu.dma_semaphore, #tpu.memory_space<semaphore_mem>>)
    } else {
    }
    %add3A_474 = arith.constant 4000 : i32
    %add3A_475 = arith.addi %mul3A_4, %add3A_474 : i32
    "tpu.region"() ({
      %run_scoped3A = tpu.sem_alloc : memref<!tpu.dma_semaphore, #tpu.memory_space<semaphore_mem>>
      %dma_start3A_750 = arith.constant 0 : i32
      %dma_start3A_751 = tpu.memref_slice %arg15[%dma_start3A_750] : memref<4000xf32, #tpu.memory_space<vmem>> -> memref<4000xf32, #tpu.memory_space<vmem>>
      %dma_start3A_752 = tpu.memref_slice %arg9[%add3A_475] : memref<1000448xf32, #tpu.memory_space<vmem_shared>> -> memref<4000xf32, #tpu.memory_space<vmem_shared>>
      %dma_start3A_753 = arith.constant 0 : i32
      %dma_start3A_754 = tpu.memref_slice %arg15[%dma_start3A_753] : memref<4000xf32, #tpu.memory_space<vmem>> -> memref<4000xf32, #tpu.memory_space<vmem>>
      %dma_start3A_755 = tpu.memref_slice %arg9[%add3A_475] : memref<1000448xf32, #tpu.memory_space<vmem_shared>> -> memref<4000xf32, #tpu.memory_space<vmem_shared>>
      tpu.enqueue_dma source(%dma_start3A_755 : memref<4000xf32, #tpu.memory_space<vmem_shared>>) target(%dma_start3A_754 : memref<4000xf32, #tpu.memory_space<vmem>>) target_semaphore(%run_scoped3A : memref<!tpu.dma_semaphore, #tpu.memory_space<semaphore_mem>>)
      %dma_wait3A_756 = arith.constant 0 : i32
      %dma_wait3A_757 = tpu.memref_slice %arg15[%dma_wait3A_756] : memref<4000xf32, #tpu.memory_space<vmem>> -> memref<4000xf32, #tpu.memory_space<vmem>>
      %dma_wait3A_758 = tpu.memref_slice %arg9[%add3A_475] : memref<1000448xf32, #tpu.memory_space<vmem_shared>> -> memref<4000xf32, #tpu.memory_space<vmem_shared>>
      %dma_wait3A_759 = arith.constant 0 : i32
      %dma_wait3A_760 = tpu.memref_slice %arg15[%dma_wait3A_759] : memref<4000xf32, #tpu.memory_space<vmem>> -> memref<4000xf32, #tpu.memory_space<vmem>>
      %dma_wait3A_761 = tpu.memref_slice %arg9[%add3A_475] : memref<1000448xf32, #tpu.memory_space<vmem_shared>> -> memref<4000xf32, #tpu.memory_space<vmem_shared>>
      tpu.wait_dma2 semaphore(%run_scoped3A : memref<!tpu.dma_semaphore, #tpu.memory_space<semaphore_mem>>) src(%dma_wait3A_761 : memref<4000xf32, #tpu.memory_space<vmem_shared>>) dst(%dma_wait3A_760 : memref<4000xf32, #tpu.memory_space<vmem>>)
      tpu.yield
    }) : () -> ()
    %dma_wait3A_476 = arith.constant 0 : i32
    %dma_wait3A_477 = tpu.memref_slice %arg14[%dma_wait3A_476] : memref<4000xf32, #tpu.memory_space<vmem>> -> memref<4000xf32, #tpu.memory_space<vmem>>
    %dma_wait3A_478 = tpu.memref_slice %arg7[%add3A_464] : memref<1000448xf32, #tpu.memory_space<hbm>> -> memref<4000xf32, #tpu.memory_space<hbm>>
    %dma_wait3A_479 = tpu.memref_slice %arg7[%add3A_464] : memref<1000448xf32, #tpu.memory_space<hbm>> -> memref<4000xf32, #tpu.memory_space<hbm>>
    %dma_wait3A_480 = arith.constant 0 : i32
    %dma_wait3A_481 = tpu.memref_slice %arg14[%dma_wait3A_480] : memref<4000xf32, #tpu.memory_space<vmem>> -> memref<4000xf32, #tpu.memory_space<vmem>>
    tpu.wait_dma2 semaphore(%arg31 : memref<!tpu.dma_semaphore, #tpu.memory_space<semaphore_mem>>) src(%dma_wait3A_481 : memref<4000xf32, #tpu.memory_space<vmem>>) dst(%dma_wait3A_479 : memref<4000xf32, #tpu.memory_space<hbm>>)
    %eq3A_482 = arith.constant 0 : i32
    %eq3A_483 = arith.cmpi eq, %arg0, %eq3A_482 : i32
    %convert_element_type3A_484 = arith.extui %eq3A_483 : i1 to i32
    %cond3A_485 = arith.constant 0 : i32
    %cond3A_486 = arith.cmpi ne, %convert_element_type3A_484, %cond3A_485 : i32
    scf.if %cond3A_486 {
      %dma_start3A_750 = arith.constant 0 : i32
      %dma_start3A_751 = tpu.memref_slice %arg15[%dma_start3A_750] : memref<4000xf32, #tpu.memory_space<vmem>> -> memref<4000xf32, #tpu.memory_space<vmem>>
      %dma_start3A_752 = tpu.memref_slice %arg7[%add3A_475] : memref<1000448xf32, #tpu.memory_space<hbm>> -> memref<4000xf32, #tpu.memory_space<hbm>>
      %dma_start3A_753 = tpu.memref_slice %arg7[%add3A_475] : memref<1000448xf32, #tpu.memory_space<hbm>> -> memref<4000xf32, #tpu.memory_space<hbm>>
      %dma_start3A_754 = arith.constant 0 : i32
      %dma_start3A_755 = tpu.memref_slice %arg15[%dma_start3A_754] : memref<4000xf32, #tpu.memory_space<vmem>> -> memref<4000xf32, #tpu.memory_space<vmem>>
      tpu.enqueue_dma source(%dma_start3A_755 : memref<4000xf32, #tpu.memory_space<vmem>>) target(%dma_start3A_753 : memref<4000xf32, #tpu.memory_space<hbm>>) target_semaphore(%arg31 : memref<!tpu.dma_semaphore, #tpu.memory_space<semaphore_mem>>)
    } else {
    }
    %eq3A_487 = arith.constant 1 : i32
    %eq3A_488 = arith.cmpi eq, %arg0, %eq3A_487 : i32
    %convert_element_type3A_489 = arith.extui %eq3A_488 : i1 to i32
    %cond3A_490 = arith.constant 0 : i32
    %cond3A_491 = arith.cmpi ne, %convert_element_type3A_489, %cond3A_490 : i32
    scf.if %cond3A_491 {
      %dma_start3A_750 = arith.constant 0 : i32
      %dma_start3A_751 = tpu.memref_slice %arg15[%dma_start3A_750] : memref<4000xf32, #tpu.memory_space<vmem>> -> memref<4000xf32, #tpu.memory_space<vmem>>
      %dma_start3A_752 = tpu.memref_slice %arg8[%add3A_475] : memref<1000448xf32, #tpu.memory_space<hbm>> -> memref<4000xf32, #tpu.memory_space<hbm>>
      %dma_start3A_753 = tpu.memref_slice %arg8[%add3A_475] : memref<1000448xf32, #tpu.memory_space<hbm>> -> memref<4000xf32, #tpu.memory_space<hbm>>
      %dma_start3A_754 = arith.constant 0 : i32
      %dma_start3A_755 = tpu.memref_slice %arg15[%dma_start3A_754] : memref<4000xf32, #tpu.memory_space<vmem>> -> memref<4000xf32, #tpu.memory_space<vmem>>
      tpu.enqueue_dma source(%dma_start3A_755 : memref<4000xf32, #tpu.memory_space<vmem>>) target(%dma_start3A_753 : memref<4000xf32, #tpu.memory_space<hbm>>) target_semaphore(%arg31 : memref<!tpu.dma_semaphore, #tpu.memory_space<semaphore_mem>>)
    } else {
    }
    %add3A_492 = arith.constant 8000 : i32
    %add3A_493 = arith.addi %mul3A_4, %add3A_492 : i32
    "tpu.region"() ({
      %run_scoped3A = tpu.sem_alloc : memref<!tpu.dma_semaphore, #tpu.memory_space<semaphore_mem>>
      %dma_start3A_750 = arith.constant 0 : i32
      %dma_start3A_751 = tpu.memref_slice %arg14[%dma_start3A_750] : memref<4000xf32, #tpu.memory_space<vmem>> -> memref<4000xf32, #tpu.memory_space<vmem>>
      %dma_start3A_752 = tpu.memref_slice %arg9[%add3A_493] : memref<1000448xf32, #tpu.memory_space<vmem_shared>> -> memref<4000xf32, #tpu.memory_space<vmem_shared>>
      %dma_start3A_753 = arith.constant 0 : i32
      %dma_start3A_754 = tpu.memref_slice %arg14[%dma_start3A_753] : memref<4000xf32, #tpu.memory_space<vmem>> -> memref<4000xf32, #tpu.memory_space<vmem>>
      %dma_start3A_755 = tpu.memref_slice %arg9[%add3A_493] : memref<1000448xf32, #tpu.memory_space<vmem_shared>> -> memref<4000xf32, #tpu.memory_space<vmem_shared>>
      tpu.enqueue_dma source(%dma_start3A_755 : memref<4000xf32, #tpu.memory_space<vmem_shared>>) target(%dma_start3A_754 : memref<4000xf32, #tpu.memory_space<vmem>>) target_semaphore(%run_scoped3A : memref<!tpu.dma_semaphore, #tpu.memory_space<semaphore_mem>>)
      %dma_wait3A_756 = arith.constant 0 : i32
      %dma_wait3A_757 = tpu.memref_slice %arg14[%dma_wait3A_756] : memref<4000xf32, #tpu.memory_space<vmem>> -> memref<4000xf32, #tpu.memory_space<vmem>>
      %dma_wait3A_758 = tpu.memref_slice %arg9[%add3A_493] : memref<1000448xf32, #tpu.memory_space<vmem_shared>> -> memref<4000xf32, #tpu.memory_space<vmem_shared>>
      %dma_wait3A_759 = arith.constant 0 : i32
      %dma_wait3A_760 = tpu.memref_slice %arg14[%dma_wait3A_759] : memref<4000xf32, #tpu.memory_space<vmem>> -> memref<4000xf32, #tpu.memory_space<vmem>>
      %dma_wait3A_761 = tpu.memref_slice %arg9[%add3A_493] : memref<1000448xf32, #tpu.memory_space<vmem_shared>> -> memref<4000xf32, #tpu.memory_space<vmem_shared>>
      tpu.wait_dma2 semaphore(%run_scoped3A : memref<!tpu.dma_semaphore, #tpu.memory_space<semaphore_mem>>) src(%dma_wait3A_761 : memref<4000xf32, #tpu.memory_space<vmem_shared>>) dst(%dma_wait3A_760 : memref<4000xf32, #tpu.memory_space<vmem>>)
      tpu.yield
    }) : () -> ()
    %dma_wait3A_494 = arith.constant 0 : i32
    %dma_wait3A_495 = tpu.memref_slice %arg15[%dma_wait3A_494] : memref<4000xf32, #tpu.memory_space<vmem>> -> memref<4000xf32, #tpu.memory_space<vmem>>
    %dma_wait3A_496 = tpu.memref_slice %arg7[%add3A_475] : memref<1000448xf32, #tpu.memory_space<hbm>> -> memref<4000xf32, #tpu.memory_space<hbm>>
    %dma_wait3A_497 = tpu.memref_slice %arg7[%add3A_475] : memref<1000448xf32, #tpu.memory_space<hbm>> -> memref<4000xf32, #tpu.memory_space<hbm>>
    %dma_wait3A_498 = arith.constant 0 : i32
    %dma_wait3A_499 = tpu.memref_slice %arg15[%dma_wait3A_498] : memref<4000xf32, #tpu.memory_space<vmem>> -> memref<4000xf32, #tpu.memory_space<vmem>>
    tpu.wait_dma2 semaphore(%arg31 : memref<!tpu.dma_semaphore, #tpu.memory_space<semaphore_mem>>) src(%dma_wait3A_499 : memref<4000xf32, #tpu.memory_space<vmem>>) dst(%dma_wait3A_497 : memref<4000xf32, #tpu.memory_space<hbm>>)
    %eq3A_500 = arith.constant 0 : i32
    %eq3A_501 = arith.cmpi eq, %arg0, %eq3A_500 : i32
    %convert_element_type3A_502 = arith.extui %eq3A_501 : i1 to i32
    %cond3A_503 = arith.constant 0 : i32
    %cond3A_504 = arith.cmpi ne, %convert_element_type3A_502, %cond3A_503 : i32
    scf.if %cond3A_504 {
      %dma_start3A_750 = arith.constant 0 : i32
      %dma_start3A_751 = tpu.memref_slice %arg14[%dma_start3A_750] : memref<4000xf32, #tpu.memory_space<vmem>> -> memref<4000xf32, #tpu.memory_space<vmem>>
      %dma_start3A_752 = tpu.memref_slice %arg7[%add3A_493] : memref<1000448xf32, #tpu.memory_space<hbm>> -> memref<4000xf32, #tpu.memory_space<hbm>>
      %dma_start3A_753 = tpu.memref_slice %arg7[%add3A_493] : memref<1000448xf32, #tpu.memory_space<hbm>> -> memref<4000xf32, #tpu.memory_space<hbm>>
      %dma_start3A_754 = arith.constant 0 : i32
      %dma_start3A_755 = tpu.memref_slice %arg14[%dma_start3A_754] : memref<4000xf32, #tpu.memory_space<vmem>> -> memref<4000xf32, #tpu.memory_space<vmem>>
      tpu.enqueue_dma source(%dma_start3A_755 : memref<4000xf32, #tpu.memory_space<vmem>>) target(%dma_start3A_753 : memref<4000xf32, #tpu.memory_space<hbm>>) target_semaphore(%arg31 : memref<!tpu.dma_semaphore, #tpu.memory_space<semaphore_mem>>)
    } else {
    }
    %eq3A_505 = arith.constant 1 : i32
    %eq3A_506 = arith.cmpi eq, %arg0, %eq3A_505 : i32
    %convert_element_type3A_507 = arith.extui %eq3A_506 : i1 to i32
    %cond3A_508 = arith.constant 0 : i32
    %cond3A_509 = arith.cmpi ne, %convert_element_type3A_507, %cond3A_508 : i32
    scf.if %cond3A_509 {
      %dma_start3A_750 = arith.constant 0 : i32
      %dma_start3A_751 = tpu.memref_slice %arg14[%dma_start3A_750] : memref<4000xf32, #tpu.memory_space<vmem>> -> memref<4000xf32, #tpu.memory_space<vmem>>
      %dma_start3A_752 = tpu.memref_slice %arg8[%add3A_493] : memref<1000448xf32, #tpu.memory_space<hbm>> -> memref<4000xf32, #tpu.memory_space<hbm>>
      %dma_start3A_753 = tpu.memref_slice %arg8[%add3A_493] : memref<1000448xf32, #tpu.memory_space<hbm>> -> memref<4000xf32, #tpu.memory_space<hbm>>
      %dma_start3A_754 = arith.constant 0 : i32
      %dma_start3A_755 = tpu.memref_slice %arg14[%dma_start3A_754] : memref<4000xf32, #tpu.memory_space<vmem>> -> memref<4000xf32, #tpu.memory_space<vmem>>
      tpu.enqueue_dma source(%dma_start3A_755 : memref<4000xf32, #tpu.memory_space<vmem>>) target(%dma_start3A_753 : memref<4000xf32, #tpu.memory_space<hbm>>) target_semaphore(%arg31 : memref<!tpu.dma_semaphore, #tpu.memory_space<semaphore_mem>>)
    } else {
    }
    %add3A_510 = arith.constant 12000 : i32
    %add3A_511 = arith.addi %mul3A_4, %add3A_510 : i32
    "tpu.region"() ({
      %run_scoped3A = tpu.sem_alloc : memref<!tpu.dma_semaphore, #tpu.memory_space<semaphore_mem>>
      %dma_start3A_750 = arith.constant 0 : i32
      %dma_start3A_751 = tpu.memref_slice %arg15[%dma_start3A_750] : memref<4000xf32, #tpu.memory_space<vmem>> -> memref<4000xf32, #tpu.memory_space<vmem>>
      %dma_start3A_752 = tpu.memref_slice %arg9[%add3A_511] : memref<1000448xf32, #tpu.memory_space<vmem_shared>> -> memref<4000xf32, #tpu.memory_space<vmem_shared>>
      %dma_start3A_753 = arith.constant 0 : i32
      %dma_start3A_754 = tpu.memref_slice %arg15[%dma_start3A_753] : memref<4000xf32, #tpu.memory_space<vmem>> -> memref<4000xf32, #tpu.memory_space<vmem>>
      %dma_start3A_755 = tpu.memref_slice %arg9[%add3A_511] : memref<1000448xf32, #tpu.memory_space<vmem_shared>> -> memref<4000xf32, #tpu.memory_space<vmem_shared>>
      tpu.enqueue_dma source(%dma_start3A_755 : memref<4000xf32, #tpu.memory_space<vmem_shared>>) target(%dma_start3A_754 : memref<4000xf32, #tpu.memory_space<vmem>>) target_semaphore(%run_scoped3A : memref<!tpu.dma_semaphore, #tpu.memory_space<semaphore_mem>>)
      %dma_wait3A_756 = arith.constant 0 : i32
      %dma_wait3A_757 = tpu.memref_slice %arg15[%dma_wait3A_756] : memref<4000xf32, #tpu.memory_space<vmem>> -> memref<4000xf32, #tpu.memory_space<vmem>>
      %dma_wait3A_758 = tpu.memref_slice %arg9[%add3A_511] : memref<1000448xf32, #tpu.memory_space<vmem_shared>> -> memref<4000xf32, #tpu.memory_space<vmem_shared>>
      %dma_wait3A_759 = arith.constant 0 : i32
      %dma_wait3A_760 = tpu.memref_slice %arg15[%dma_wait3A_759] : memref<4000xf32, #tpu.memory_space<vmem>> -> memref<4000xf32, #tpu.memory_space<vmem>>
      %dma_wait3A_761 = tpu.memref_slice %arg9[%add3A_511] : memref<1000448xf32, #tpu.memory_space<vmem_shared>> -> memref<4000xf32, #tpu.memory_space<vmem_shared>>
      tpu.wait_dma2 semaphore(%run_scoped3A : memref<!tpu.dma_semaphore, #tpu.memory_space<semaphore_mem>>) src(%dma_wait3A_761 : memref<4000xf32, #tpu.memory_space<vmem_shared>>) dst(%dma_wait3A_760 : memref<4000xf32, #tpu.memory_space<vmem>>)
      tpu.yield
    }) : () -> ()
    %dma_wait3A_512 = arith.constant 0 : i32
    %dma_wait3A_513 = tpu.memref_slice %arg14[%dma_wait3A_512] : memref<4000xf32, #tpu.memory_space<vmem>> -> memref<4000xf32, #tpu.memory_space<vmem>>
    %dma_wait3A_514 = tpu.memref_slice %arg7[%add3A_493] : memref<1000448xf32, #tpu.memory_space<hbm>> -> memref<4000xf32, #tpu.memory_space<hbm>>
    %dma_wait3A_515 = tpu.memref_slice %arg7[%add3A_493] : memref<1000448xf32, #tpu.memory_space<hbm>> -> memref<4000xf32, #tpu.memory_space<hbm>>
    %dma_wait3A_516 = arith.constant 0 : i32
    %dma_wait3A_517 = tpu.memref_slice %arg14[%dma_wait3A_516] : memref<4000xf32, #tpu.memory_space<vmem>> -> memref<4000xf32, #tpu.memory_space<vmem>>
    tpu.wait_dma2 semaphore(%arg31 : memref<!tpu.dma_semaphore, #tpu.memory_space<semaphore_mem>>) src(%dma_wait3A_517 : memref<4000xf32, #tpu.memory_space<vmem>>) dst(%dma_wait3A_515 : memref<4000xf32, #tpu.memory_space<hbm>>)
    %eq3A_518 = arith.constant 0 : i32
    %eq3A_519 = arith.cmpi eq, %arg0, %eq3A_518 : i32
    %convert_element_type3A_520 = arith.extui %eq3A_519 : i1 to i32
    %cond3A_521 = arith.constant 0 : i32
    %cond3A_522 = arith.cmpi ne, %convert_element_type3A_520, %cond3A_521 : i32
    scf.if %cond3A_522 {
      %dma_start3A_750 = arith.constant 0 : i32
      %dma_start3A_751 = tpu.memref_slice %arg15[%dma_start3A_750] : memref<4000xf32, #tpu.memory_space<vmem>> -> memref<4000xf32, #tpu.memory_space<vmem>>
      %dma_start3A_752 = tpu.memref_slice %arg7[%add3A_511] : memref<1000448xf32, #tpu.memory_space<hbm>> -> memref<4000xf32, #tpu.memory_space<hbm>>
      %dma_start3A_753 = tpu.memref_slice %arg7[%add3A_511] : memref<1000448xf32, #tpu.memory_space<hbm>> -> memref<4000xf32, #tpu.memory_space<hbm>>
      %dma_start3A_754 = arith.constant 0 : i32
      %dma_start3A_755 = tpu.memref_slice %arg15[%dma_start3A_754] : memref<4000xf32, #tpu.memory_space<vmem>> -> memref<4000xf32, #tpu.memory_space<vmem>>
      tpu.enqueue_dma source(%dma_start3A_755 : memref<4000xf32, #tpu.memory_space<vmem>>) target(%dma_start3A_753 : memref<4000xf32, #tpu.memory_space<hbm>>) target_semaphore(%arg31 : memref<!tpu.dma_semaphore, #tpu.memory_space<semaphore_mem>>)
    } else {
    }
    %eq3A_523 = arith.constant 1 : i32
    %eq3A_524 = arith.cmpi eq, %arg0, %eq3A_523 : i32
    %convert_element_type3A_525 = arith.extui %eq3A_524 : i1 to i32
    %cond3A_526 = arith.constant 0 : i32
    %cond3A_527 = arith.cmpi ne, %convert_element_type3A_525, %cond3A_526 : i32
    scf.if %cond3A_527 {
      %dma_start3A_750 = arith.constant 0 : i32
      %dma_start3A_751 = tpu.memref_slice %arg15[%dma_start3A_750] : memref<4000xf32, #tpu.memory_space<vmem>> -> memref<4000xf32, #tpu.memory_space<vmem>>
      %dma_start3A_752 = tpu.memref_slice %arg8[%add3A_511] : memref<1000448xf32, #tpu.memory_space<hbm>> -> memref<4000xf32, #tpu.memory_space<hbm>>
      %dma_start3A_753 = tpu.memref_slice %arg8[%add3A_511] : memref<1000448xf32, #tpu.memory_space<hbm>> -> memref<4000xf32, #tpu.memory_space<hbm>>
      %dma_start3A_754 = arith.constant 0 : i32
      %dma_start3A_755 = tpu.memref_slice %arg15[%dma_start3A_754] : memref<4000xf32, #tpu.memory_space<vmem>> -> memref<4000xf32, #tpu.memory_space<vmem>>
      tpu.enqueue_dma source(%dma_start3A_755 : memref<4000xf32, #tpu.memory_space<vmem>>) target(%dma_start3A_753 : memref<4000xf32, #tpu.memory_space<hbm>>) target_semaphore(%arg31 : memref<!tpu.dma_semaphore, #tpu.memory_space<semaphore_mem>>)
    } else {
    }
    %add3A_528 = arith.constant 16000 : i32
    %add3A_529 = arith.addi %mul3A_4, %add3A_528 : i32
    "tpu.region"() ({
      %run_scoped3A = tpu.sem_alloc : memref<!tpu.dma_semaphore, #tpu.memory_space<semaphore_mem>>
      %dma_start3A_750 = arith.constant 0 : i32
      %dma_start3A_751 = tpu.memref_slice %arg14[%dma_start3A_750] : memref<4000xf32, #tpu.memory_space<vmem>> -> memref<4000xf32, #tpu.memory_space<vmem>>
      %dma_start3A_752 = tpu.memref_slice %arg9[%add3A_529] : memref<1000448xf32, #tpu.memory_space<vmem_shared>> -> memref<4000xf32, #tpu.memory_space<vmem_shared>>
      %dma_start3A_753 = arith.constant 0 : i32
      %dma_start3A_754 = tpu.memref_slice %arg14[%dma_start3A_753] : memref<4000xf32, #tpu.memory_space<vmem>> -> memref<4000xf32, #tpu.memory_space<vmem>>
      %dma_start3A_755 = tpu.memref_slice %arg9[%add3A_529] : memref<1000448xf32, #tpu.memory_space<vmem_shared>> -> memref<4000xf32, #tpu.memory_space<vmem_shared>>
      tpu.enqueue_dma source(%dma_start3A_755 : memref<4000xf32, #tpu.memory_space<vmem_shared>>) target(%dma_start3A_754 : memref<4000xf32, #tpu.memory_space<vmem>>) target_semaphore(%run_scoped3A : memref<!tpu.dma_semaphore, #tpu.memory_space<semaphore_mem>>)
      %dma_wait3A_756 = arith.constant 0 : i32
      %dma_wait3A_757 = tpu.memref_slice %arg14[%dma_wait3A_756] : memref<4000xf32, #tpu.memory_space<vmem>> -> memref<4000xf32, #tpu.memory_space<vmem>>
      %dma_wait3A_758 = tpu.memref_slice %arg9[%add3A_529] : memref<1000448xf32, #tpu.memory_space<vmem_shared>> -> memref<4000xf32, #tpu.memory_space<vmem_shared>>
      %dma_wait3A_759 = arith.constant 0 : i32
      %dma_wait3A_760 = tpu.memref_slice %arg14[%dma_wait3A_759] : memref<4000xf32, #tpu.memory_space<vmem>> -> memref<4000xf32, #tpu.memory_space<vmem>>
      %dma_wait3A_761 = tpu.memref_slice %arg9[%add3A_529] : memref<1000448xf32, #tpu.memory_space<vmem_shared>> -> memref<4000xf32, #tpu.memory_space<vmem_shared>>
      tpu.wait_dma2 semaphore(%run_scoped3A : memref<!tpu.dma_semaphore, #tpu.memory_space<semaphore_mem>>) src(%dma_wait3A_761 : memref<4000xf32, #tpu.memory_space<vmem_shared>>) dst(%dma_wait3A_760 : memref<4000xf32, #tpu.memory_space<vmem>>)
      tpu.yield
    }) : () -> ()
    %dma_wait3A_530 = arith.constant 0 : i32
    %dma_wait3A_531 = tpu.memref_slice %arg15[%dma_wait3A_530] : memref<4000xf32, #tpu.memory_space<vmem>> -> memref<4000xf32, #tpu.memory_space<vmem>>
    %dma_wait3A_532 = tpu.memref_slice %arg7[%add3A_511] : memref<1000448xf32, #tpu.memory_space<hbm>> -> memref<4000xf32, #tpu.memory_space<hbm>>
    %dma_wait3A_533 = tpu.memref_slice %arg7[%add3A_511] : memref<1000448xf32, #tpu.memory_space<hbm>> -> memref<4000xf32, #tpu.memory_space<hbm>>
    %dma_wait3A_534 = arith.constant 0 : i32
    %dma_wait3A_535 = tpu.memref_slice %arg15[%dma_wait3A_534] : memref<4000xf32, #tpu.memory_space<vmem>> -> memref<4000xf32, #tpu.memory_space<vmem>>
    tpu.wait_dma2 semaphore(%arg31 : memref<!tpu.dma_semaphore, #tpu.memory_space<semaphore_mem>>) src(%dma_wait3A_535 : memref<4000xf32, #tpu.memory_space<vmem>>) dst(%dma_wait3A_533 : memref<4000xf32, #tpu.memory_space<hbm>>)
    %eq3A_536 = arith.constant 0 : i32
    %eq3A_537 = arith.cmpi eq, %arg0, %eq3A_536 : i32
    %convert_element_type3A_538 = arith.extui %eq3A_537 : i1 to i32
    %cond3A_539 = arith.constant 0 : i32
    %cond3A_540 = arith.cmpi ne, %convert_element_type3A_538, %cond3A_539 : i32
    scf.if %cond3A_540 {
      %dma_start3A_750 = arith.constant 0 : i32
      %dma_start3A_751 = tpu.memref_slice %arg14[%dma_start3A_750] : memref<4000xf32, #tpu.memory_space<vmem>> -> memref<4000xf32, #tpu.memory_space<vmem>>
      %dma_start3A_752 = tpu.memref_slice %arg7[%add3A_529] : memref<1000448xf32, #tpu.memory_space<hbm>> -> memref<4000xf32, #tpu.memory_space<hbm>>
      %dma_start3A_753 = tpu.memref_slice %arg7[%add3A_529] : memref<1000448xf32, #tpu.memory_space<hbm>> -> memref<4000xf32, #tpu.memory_space<hbm>>
      %dma_start3A_754 = arith.constant 0 : i32
      %dma_start3A_755 = tpu.memref_slice %arg14[%dma_start3A_754] : memref<4000xf32, #tpu.memory_space<vmem>> -> memref<4000xf32, #tpu.memory_space<vmem>>
      tpu.enqueue_dma source(%dma_start3A_755 : memref<4000xf32, #tpu.memory_space<vmem>>) target(%dma_start3A_753 : memref<4000xf32, #tpu.memory_space<hbm>>) target_semaphore(%arg31 : memref<!tpu.dma_semaphore, #tpu.memory_space<semaphore_mem>>)
    } else {
    }
    %eq3A_541 = arith.constant 1 : i32
    %eq3A_542 = arith.cmpi eq, %arg0, %eq3A_541 : i32
    %convert_element_type3A_543 = arith.extui %eq3A_542 : i1 to i32
    %cond3A_544 = arith.constant 0 : i32
    %cond3A_545 = arith.cmpi ne, %convert_element_type3A_543, %cond3A_544 : i32
    scf.if %cond3A_545 {
      %dma_start3A_750 = arith.constant 0 : i32
      %dma_start3A_751 = tpu.memref_slice %arg14[%dma_start3A_750] : memref<4000xf32, #tpu.memory_space<vmem>> -> memref<4000xf32, #tpu.memory_space<vmem>>
      %dma_start3A_752 = tpu.memref_slice %arg8[%add3A_529] : memref<1000448xf32, #tpu.memory_space<hbm>> -> memref<4000xf32, #tpu.memory_space<hbm>>
      %dma_start3A_753 = tpu.memref_slice %arg8[%add3A_529] : memref<1000448xf32, #tpu.memory_space<hbm>> -> memref<4000xf32, #tpu.memory_space<hbm>>
      %dma_start3A_754 = arith.constant 0 : i32
      %dma_start3A_755 = tpu.memref_slice %arg14[%dma_start3A_754] : memref<4000xf32, #tpu.memory_space<vmem>> -> memref<4000xf32, #tpu.memory_space<vmem>>
      tpu.enqueue_dma source(%dma_start3A_755 : memref<4000xf32, #tpu.memory_space<vmem>>) target(%dma_start3A_753 : memref<4000xf32, #tpu.memory_space<hbm>>) target_semaphore(%arg31 : memref<!tpu.dma_semaphore, #tpu.memory_space<semaphore_mem>>)
    } else {
    }
    %add3A_546 = arith.constant 20000 : i32
    %add3A_547 = arith.addi %mul3A_4, %add3A_546 : i32
    "tpu.region"() ({
      %run_scoped3A = tpu.sem_alloc : memref<!tpu.dma_semaphore, #tpu.memory_space<semaphore_mem>>
      %dma_start3A_750 = arith.constant 0 : i32
      %dma_start3A_751 = tpu.memref_slice %arg15[%dma_start3A_750] : memref<4000xf32, #tpu.memory_space<vmem>> -> memref<4000xf32, #tpu.memory_space<vmem>>
      %dma_start3A_752 = tpu.memref_slice %arg9[%add3A_547] : memref<1000448xf32, #tpu.memory_space<vmem_shared>> -> memref<4000xf32, #tpu.memory_space<vmem_shared>>
      %dma_start3A_753 = arith.constant 0 : i32
      %dma_start3A_754 = tpu.memref_slice %arg15[%dma_start3A_753] : memref<4000xf32, #tpu.memory_space<vmem>> -> memref<4000xf32, #tpu.memory_space<vmem>>
      %dma_start3A_755 = tpu.memref_slice %arg9[%add3A_547] : memref<1000448xf32, #tpu.memory_space<vmem_shared>> -> memref<4000xf32, #tpu.memory_space<vmem_shared>>
      tpu.enqueue_dma source(%dma_start3A_755 : memref<4000xf32, #tpu.memory_space<vmem_shared>>) target(%dma_start3A_754 : memref<4000xf32, #tpu.memory_space<vmem>>) target_semaphore(%run_scoped3A : memref<!tpu.dma_semaphore, #tpu.memory_space<semaphore_mem>>)
      %dma_wait3A_756 = arith.constant 0 : i32
      %dma_wait3A_757 = tpu.memref_slice %arg15[%dma_wait3A_756] : memref<4000xf32, #tpu.memory_space<vmem>> -> memref<4000xf32, #tpu.memory_space<vmem>>
      %dma_wait3A_758 = tpu.memref_slice %arg9[%add3A_547] : memref<1000448xf32, #tpu.memory_space<vmem_shared>> -> memref<4000xf32, #tpu.memory_space<vmem_shared>>
      %dma_wait3A_759 = arith.constant 0 : i32
      %dma_wait3A_760 = tpu.memref_slice %arg15[%dma_wait3A_759] : memref<4000xf32, #tpu.memory_space<vmem>> -> memref<4000xf32, #tpu.memory_space<vmem>>
      %dma_wait3A_761 = tpu.memref_slice %arg9[%add3A_547] : memref<1000448xf32, #tpu.memory_space<vmem_shared>> -> memref<4000xf32, #tpu.memory_space<vmem_shared>>
      tpu.wait_dma2 semaphore(%run_scoped3A : memref<!tpu.dma_semaphore, #tpu.memory_space<semaphore_mem>>) src(%dma_wait3A_761 : memref<4000xf32, #tpu.memory_space<vmem_shared>>) dst(%dma_wait3A_760 : memref<4000xf32, #tpu.memory_space<vmem>>)
      tpu.yield
    }) : () -> ()
    %dma_wait3A_548 = arith.constant 0 : i32
    %dma_wait3A_549 = tpu.memref_slice %arg14[%dma_wait3A_548] : memref<4000xf32, #tpu.memory_space<vmem>> -> memref<4000xf32, #tpu.memory_space<vmem>>
    %dma_wait3A_550 = tpu.memref_slice %arg7[%add3A_529] : memref<1000448xf32, #tpu.memory_space<hbm>> -> memref<4000xf32, #tpu.memory_space<hbm>>
    %dma_wait3A_551 = tpu.memref_slice %arg7[%add3A_529] : memref<1000448xf32, #tpu.memory_space<hbm>> -> memref<4000xf32, #tpu.memory_space<hbm>>
    %dma_wait3A_552 = arith.constant 0 : i32
    %dma_wait3A_553 = tpu.memref_slice %arg14[%dma_wait3A_552] : memref<4000xf32, #tpu.memory_space<vmem>> -> memref<4000xf32, #tpu.memory_space<vmem>>
    tpu.wait_dma2 semaphore(%arg31 : memref<!tpu.dma_semaphore, #tpu.memory_space<semaphore_mem>>) src(%dma_wait3A_553 : memref<4000xf32, #tpu.memory_space<vmem>>) dst(%dma_wait3A_551 : memref<4000xf32, #tpu.memory_space<hbm>>)
    %eq3A_554 = arith.constant 0 : i32
    %eq3A_555 = arith.cmpi eq, %arg0, %eq3A_554 : i32
    %convert_element_type3A_556 = arith.extui %eq3A_555 : i1 to i32
    %cond3A_557 = arith.constant 0 : i32
    %cond3A_558 = arith.cmpi ne, %convert_element_type3A_556, %cond3A_557 : i32
    scf.if %cond3A_558 {
      %dma_start3A_750 = arith.constant 0 : i32
      %dma_start3A_751 = tpu.memref_slice %arg15[%dma_start3A_750] : memref<4000xf32, #tpu.memory_space<vmem>> -> memref<4000xf32, #tpu.memory_space<vmem>>
      %dma_start3A_752 = tpu.memref_slice %arg7[%add3A_547] : memref<1000448xf32, #tpu.memory_space<hbm>> -> memref<4000xf32, #tpu.memory_space<hbm>>
      %dma_start3A_753 = tpu.memref_slice %arg7[%add3A_547] : memref<1000448xf32, #tpu.memory_space<hbm>> -> memref<4000xf32, #tpu.memory_space<hbm>>
      %dma_start3A_754 = arith.constant 0 : i32
      %dma_start3A_755 = tpu.memref_slice %arg15[%dma_start3A_754] : memref<4000xf32, #tpu.memory_space<vmem>> -> memref<4000xf32, #tpu.memory_space<vmem>>
      tpu.enqueue_dma source(%dma_start3A_755 : memref<4000xf32, #tpu.memory_space<vmem>>) target(%dma_start3A_753 : memref<4000xf32, #tpu.memory_space<hbm>>) target_semaphore(%arg31 : memref<!tpu.dma_semaphore, #tpu.memory_space<semaphore_mem>>)
    } else {
    }
    %eq3A_559 = arith.constant 1 : i32
    %eq3A_560 = arith.cmpi eq, %arg0, %eq3A_559 : i32
    %convert_element_type3A_561 = arith.extui %eq3A_560 : i1 to i32
    %cond3A_562 = arith.constant 0 : i32
    %cond3A_563 = arith.cmpi ne, %convert_element_type3A_561, %cond3A_562 : i32
    scf.if %cond3A_563 {
      %dma_start3A_750 = arith.constant 0 : i32
      %dma_start3A_751 = tpu.memref_slice %arg15[%dma_start3A_750] : memref<4000xf32, #tpu.memory_space<vmem>> -> memref<4000xf32, #tpu.memory_space<vmem>>
      %dma_start3A_752 = tpu.memref_slice %arg8[%add3A_547] : memref<1000448xf32, #tpu.memory_space<hbm>> -> memref<4000xf32, #tpu.memory_space<hbm>>
      %dma_start3A_753 = tpu.memref_slice %arg8[%add3A_547] : memref<1000448xf32, #tpu.memory_space<hbm>> -> memref<4000xf32, #tpu.memory_space<hbm>>
      %dma_start3A_754 = arith.constant 0 : i32
      %dma_start3A_755 = tpu.memref_slice %arg15[%dma_start3A_754] : memref<4000xf32, #tpu.memory_space<vmem>> -> memref<4000xf32, #tpu.memory_space<vmem>>
      tpu.enqueue_dma source(%dma_start3A_755 : memref<4000xf32, #tpu.memory_space<vmem>>) target(%dma_start3A_753 : memref<4000xf32, #tpu.memory_space<hbm>>) target_semaphore(%arg31 : memref<!tpu.dma_semaphore, #tpu.memory_space<semaphore_mem>>)
    } else {
    }
    %add3A_564 = arith.constant 24000 : i32
    %add3A_565 = arith.addi %mul3A_4, %add3A_564 : i32
    "tpu.region"() ({
      %run_scoped3A = tpu.sem_alloc : memref<!tpu.dma_semaphore, #tpu.memory_space<semaphore_mem>>
      %dma_start3A_750 = arith.constant 0 : i32
      %dma_start3A_751 = tpu.memref_slice %arg14[%dma_start3A_750] : memref<4000xf32, #tpu.memory_space<vmem>> -> memref<4000xf32, #tpu.memory_space<vmem>>
      %dma_start3A_752 = tpu.memref_slice %arg9[%add3A_565] : memref<1000448xf32, #tpu.memory_space<vmem_shared>> -> memref<4000xf32, #tpu.memory_space<vmem_shared>>
      %dma_start3A_753 = arith.constant 0 : i32
      %dma_start3A_754 = tpu.memref_slice %arg14[%dma_start3A_753] : memref<4000xf32, #tpu.memory_space<vmem>> -> memref<4000xf32, #tpu.memory_space<vmem>>
      %dma_start3A_755 = tpu.memref_slice %arg9[%add3A_565] : memref<1000448xf32, #tpu.memory_space<vmem_shared>> -> memref<4000xf32, #tpu.memory_space<vmem_shared>>
      tpu.enqueue_dma source(%dma_start3A_755 : memref<4000xf32, #tpu.memory_space<vmem_shared>>) target(%dma_start3A_754 : memref<4000xf32, #tpu.memory_space<vmem>>) target_semaphore(%run_scoped3A : memref<!tpu.dma_semaphore, #tpu.memory_space<semaphore_mem>>)
      %dma_wait3A_756 = arith.constant 0 : i32
      %dma_wait3A_757 = tpu.memref_slice %arg14[%dma_wait3A_756] : memref<4000xf32, #tpu.memory_space<vmem>> -> memref<4000xf32, #tpu.memory_space<vmem>>
      %dma_wait3A_758 = tpu.memref_slice %arg9[%add3A_565] : memref<1000448xf32, #tpu.memory_space<vmem_shared>> -> memref<4000xf32, #tpu.memory_space<vmem_shared>>
      %dma_wait3A_759 = arith.constant 0 : i32
      %dma_wait3A_760 = tpu.memref_slice %arg14[%dma_wait3A_759] : memref<4000xf32, #tpu.memory_space<vmem>> -> memref<4000xf32, #tpu.memory_space<vmem>>
      %dma_wait3A_761 = tpu.memref_slice %arg9[%add3A_565] : memref<1000448xf32, #tpu.memory_space<vmem_shared>> -> memref<4000xf32, #tpu.memory_space<vmem_shared>>
      tpu.wait_dma2 semaphore(%run_scoped3A : memref<!tpu.dma_semaphore, #tpu.memory_space<semaphore_mem>>) src(%dma_wait3A_761 : memref<4000xf32, #tpu.memory_space<vmem_shared>>) dst(%dma_wait3A_760 : memref<4000xf32, #tpu.memory_space<vmem>>)
      tpu.yield
    }) : () -> ()
    %dma_wait3A_566 = arith.constant 0 : i32
    %dma_wait3A_567 = tpu.memref_slice %arg15[%dma_wait3A_566] : memref<4000xf32, #tpu.memory_space<vmem>> -> memref<4000xf32, #tpu.memory_space<vmem>>
    %dma_wait3A_568 = tpu.memref_slice %arg7[%add3A_547] : memref<1000448xf32, #tpu.memory_space<hbm>> -> memref<4000xf32, #tpu.memory_space<hbm>>
    %dma_wait3A_569 = tpu.memref_slice %arg7[%add3A_547] : memref<1000448xf32, #tpu.memory_space<hbm>> -> memref<4000xf32, #tpu.memory_space<hbm>>
    %dma_wait3A_570 = arith.constant 0 : i32
    %dma_wait3A_571 = tpu.memref_slice %arg15[%dma_wait3A_570] : memref<4000xf32, #tpu.memory_space<vmem>> -> memref<4000xf32, #tpu.memory_space<vmem>>
    tpu.wait_dma2 semaphore(%arg31 : memref<!tpu.dma_semaphore, #tpu.memory_space<semaphore_mem>>) src(%dma_wait3A_571 : memref<4000xf32, #tpu.memory_space<vmem>>) dst(%dma_wait3A_569 : memref<4000xf32, #tpu.memory_space<hbm>>)
    %eq3A_572 = arith.constant 0 : i32
    %eq3A_573 = arith.cmpi eq, %arg0, %eq3A_572 : i32
    %convert_element_type3A_574 = arith.extui %eq3A_573 : i1 to i32
    %cond3A_575 = arith.constant 0 : i32
    %cond3A_576 = arith.cmpi ne, %convert_element_type3A_574, %cond3A_575 : i32
    scf.if %cond3A_576 {
      %dma_start3A_750 = arith.constant 0 : i32
      %dma_start3A_751 = tpu.memref_slice %arg14[%dma_start3A_750] : memref<4000xf32, #tpu.memory_space<vmem>> -> memref<4000xf32, #tpu.memory_space<vmem>>
      %dma_start3A_752 = tpu.memref_slice %arg7[%add3A_565] : memref<1000448xf32, #tpu.memory_space<hbm>> -> memref<4000xf32, #tpu.memory_space<hbm>>
      %dma_start3A_753 = tpu.memref_slice %arg7[%add3A_565] : memref<1000448xf32, #tpu.memory_space<hbm>> -> memref<4000xf32, #tpu.memory_space<hbm>>
      %dma_start3A_754 = arith.constant 0 : i32
      %dma_start3A_755 = tpu.memref_slice %arg14[%dma_start3A_754] : memref<4000xf32, #tpu.memory_space<vmem>> -> memref<4000xf32, #tpu.memory_space<vmem>>
      tpu.enqueue_dma source(%dma_start3A_755 : memref<4000xf32, #tpu.memory_space<vmem>>) target(%dma_start3A_753 : memref<4000xf32, #tpu.memory_space<hbm>>) target_semaphore(%arg31 : memref<!tpu.dma_semaphore, #tpu.memory_space<semaphore_mem>>)
    } else {
    }
    %eq3A_577 = arith.constant 1 : i32
    %eq3A_578 = arith.cmpi eq, %arg0, %eq3A_577 : i32
    %convert_element_type3A_579 = arith.extui %eq3A_578 : i1 to i32
    %cond3A_580 = arith.constant 0 : i32
    %cond3A_581 = arith.cmpi ne, %convert_element_type3A_579, %cond3A_580 : i32
    scf.if %cond3A_581 {
      %dma_start3A_750 = arith.constant 0 : i32
      %dma_start3A_751 = tpu.memref_slice %arg14[%dma_start3A_750] : memref<4000xf32, #tpu.memory_space<vmem>> -> memref<4000xf32, #tpu.memory_space<vmem>>
      %dma_start3A_752 = tpu.memref_slice %arg8[%add3A_565] : memref<1000448xf32, #tpu.memory_space<hbm>> -> memref<4000xf32, #tpu.memory_space<hbm>>
      %dma_start3A_753 = tpu.memref_slice %arg8[%add3A_565] : memref<1000448xf32, #tpu.memory_space<hbm>> -> memref<4000xf32, #tpu.memory_space<hbm>>
      %dma_start3A_754 = arith.constant 0 : i32
      %dma_start3A_755 = tpu.memref_slice %arg14[%dma_start3A_754] : memref<4000xf32, #tpu.memory_space<vmem>> -> memref<4000xf32, #tpu.memory_space<vmem>>
      tpu.enqueue_dma source(%dma_start3A_755 : memref<4000xf32, #tpu.memory_space<vmem>>) target(%dma_start3A_753 : memref<4000xf32, #tpu.memory_space<hbm>>) target_semaphore(%arg31 : memref<!tpu.dma_semaphore, #tpu.memory_space<semaphore_mem>>)
    } else {
    }
    %add3A_582 = arith.constant 28000 : i32
    %add3A_583 = arith.addi %mul3A_4, %add3A_582 : i32
    "tpu.region"() ({
      %run_scoped3A = tpu.sem_alloc : memref<!tpu.dma_semaphore, #tpu.memory_space<semaphore_mem>>
      %dma_start3A_750 = arith.constant 0 : i32
      %dma_start3A_751 = tpu.memref_slice %arg15[%dma_start3A_750] : memref<4000xf32, #tpu.memory_space<vmem>> -> memref<4000xf32, #tpu.memory_space<vmem>>
      %dma_start3A_752 = tpu.memref_slice %arg9[%add3A_583] : memref<1000448xf32, #tpu.memory_space<vmem_shared>> -> memref<4000xf32, #tpu.memory_space<vmem_shared>>
      %dma_start3A_753 = arith.constant 0 : i32
      %dma_start3A_754 = tpu.memref_slice %arg15[%dma_start3A_753] : memref<4000xf32, #tpu.memory_space<vmem>> -> memref<4000xf32, #tpu.memory_space<vmem>>
      %dma_start3A_755 = tpu.memref_slice %arg9[%add3A_583] : memref<1000448xf32, #tpu.memory_space<vmem_shared>> -> memref<4000xf32, #tpu.memory_space<vmem_shared>>
      tpu.enqueue_dma source(%dma_start3A_755 : memref<4000xf32, #tpu.memory_space<vmem_shared>>) target(%dma_start3A_754 : memref<4000xf32, #tpu.memory_space<vmem>>) target_semaphore(%run_scoped3A : memref<!tpu.dma_semaphore, #tpu.memory_space<semaphore_mem>>)
      %dma_wait3A_756 = arith.constant 0 : i32
      %dma_wait3A_757 = tpu.memref_slice %arg15[%dma_wait3A_756] : memref<4000xf32, #tpu.memory_space<vmem>> -> memref<4000xf32, #tpu.memory_space<vmem>>
      %dma_wait3A_758 = tpu.memref_slice %arg9[%add3A_583] : memref<1000448xf32, #tpu.memory_space<vmem_shared>> -> memref<4000xf32, #tpu.memory_space<vmem_shared>>
      %dma_wait3A_759 = arith.constant 0 : i32
      %dma_wait3A_760 = tpu.memref_slice %arg15[%dma_wait3A_759] : memref<4000xf32, #tpu.memory_space<vmem>> -> memref<4000xf32, #tpu.memory_space<vmem>>
      %dma_wait3A_761 = tpu.memref_slice %arg9[%add3A_583] : memref<1000448xf32, #tpu.memory_space<vmem_shared>> -> memref<4000xf32, #tpu.memory_space<vmem_shared>>
      tpu.wait_dma2 semaphore(%run_scoped3A : memref<!tpu.dma_semaphore, #tpu.memory_space<semaphore_mem>>) src(%dma_wait3A_761 : memref<4000xf32, #tpu.memory_space<vmem_shared>>) dst(%dma_wait3A_760 : memref<4000xf32, #tpu.memory_space<vmem>>)
      tpu.yield
    }) : () -> ()
    %dma_wait3A_584 = arith.constant 0 : i32
    %dma_wait3A_585 = tpu.memref_slice %arg14[%dma_wait3A_584] : memref<4000xf32, #tpu.memory_space<vmem>> -> memref<4000xf32, #tpu.memory_space<vmem>>
    %dma_wait3A_586 = tpu.memref_slice %arg7[%add3A_565] : memref<1000448xf32, #tpu.memory_space<hbm>> -> memref<4000xf32, #tpu.memory_space<hbm>>
    %dma_wait3A_587 = tpu.memref_slice %arg7[%add3A_565] : memref<1000448xf32, #tpu.memory_space<hbm>> -> memref<4000xf32, #tpu.memory_space<hbm>>
    %dma_wait3A_588 = arith.constant 0 : i32
    %dma_wait3A_589 = tpu.memref_slice %arg14[%dma_wait3A_588] : memref<4000xf32, #tpu.memory_space<vmem>> -> memref<4000xf32, #tpu.memory_space<vmem>>
    tpu.wait_dma2 semaphore(%arg31 : memref<!tpu.dma_semaphore, #tpu.memory_space<semaphore_mem>>) src(%dma_wait3A_589 : memref<4000xf32, #tpu.memory_space<vmem>>) dst(%dma_wait3A_587 : memref<4000xf32, #tpu.memory_space<hbm>>)
    %eq3A_590 = arith.constant 0 : i32
    %eq3A_591 = arith.cmpi eq, %arg0, %eq3A_590 : i32
    %convert_element_type3A_592 = arith.extui %eq3A_591 : i1 to i32
    %cond3A_593 = arith.constant 0 : i32
    %cond3A_594 = arith.cmpi ne, %convert_element_type3A_592, %cond3A_593 : i32
    scf.if %cond3A_594 {
      %dma_start3A_750 = arith.constant 0 : i32
      %dma_start3A_751 = tpu.memref_slice %arg15[%dma_start3A_750] : memref<4000xf32, #tpu.memory_space<vmem>> -> memref<4000xf32, #tpu.memory_space<vmem>>
      %dma_start3A_752 = tpu.memref_slice %arg7[%add3A_583] : memref<1000448xf32, #tpu.memory_space<hbm>> -> memref<4000xf32, #tpu.memory_space<hbm>>
      %dma_start3A_753 = tpu.memref_slice %arg7[%add3A_583] : memref<1000448xf32, #tpu.memory_space<hbm>> -> memref<4000xf32, #tpu.memory_space<hbm>>
      %dma_start3A_754 = arith.constant 0 : i32
      %dma_start3A_755 = tpu.memref_slice %arg15[%dma_start3A_754] : memref<4000xf32, #tpu.memory_space<vmem>> -> memref<4000xf32, #tpu.memory_space<vmem>>
      tpu.enqueue_dma source(%dma_start3A_755 : memref<4000xf32, #tpu.memory_space<vmem>>) target(%dma_start3A_753 : memref<4000xf32, #tpu.memory_space<hbm>>) target_semaphore(%arg31 : memref<!tpu.dma_semaphore, #tpu.memory_space<semaphore_mem>>)
    } else {
    }
    %eq3A_595 = arith.constant 1 : i32
    %eq3A_596 = arith.cmpi eq, %arg0, %eq3A_595 : i32
    %convert_element_type3A_597 = arith.extui %eq3A_596 : i1 to i32
    %cond3A_598 = arith.constant 0 : i32
    %cond3A_599 = arith.cmpi ne, %convert_element_type3A_597, %cond3A_598 : i32
    scf.if %cond3A_599 {
      %dma_start3A_750 = arith.constant 0 : i32
      %dma_start3A_751 = tpu.memref_slice %arg15[%dma_start3A_750] : memref<4000xf32, #tpu.memory_space<vmem>> -> memref<4000xf32, #tpu.memory_space<vmem>>
      %dma_start3A_752 = tpu.memref_slice %arg8[%add3A_583] : memref<1000448xf32, #tpu.memory_space<hbm>> -> memref<4000xf32, #tpu.memory_space<hbm>>
      %dma_start3A_753 = tpu.memref_slice %arg8[%add3A_583] : memref<1000448xf32, #tpu.memory_space<hbm>> -> memref<4000xf32, #tpu.memory_space<hbm>>
      %dma_start3A_754 = arith.constant 0 : i32
      %dma_start3A_755 = tpu.memref_slice %arg15[%dma_start3A_754] : memref<4000xf32, #tpu.memory_space<vmem>> -> memref<4000xf32, #tpu.memory_space<vmem>>
      tpu.enqueue_dma source(%dma_start3A_755 : memref<4000xf32, #tpu.memory_space<vmem>>) target(%dma_start3A_753 : memref<4000xf32, #tpu.memory_space<hbm>>) target_semaphore(%arg31 : memref<!tpu.dma_semaphore, #tpu.memory_space<semaphore_mem>>)
    } else {
    }
    %add3A_600 = arith.constant 32000 : i32
    %add3A_601 = arith.addi %mul3A_4, %add3A_600 : i32
    "tpu.region"() ({
      %run_scoped3A = tpu.sem_alloc : memref<!tpu.dma_semaphore, #tpu.memory_space<semaphore_mem>>
      %dma_start3A_750 = arith.constant 0 : i32
      %dma_start3A_751 = tpu.memref_slice %arg14[%dma_start3A_750] : memref<4000xf32, #tpu.memory_space<vmem>> -> memref<4000xf32, #tpu.memory_space<vmem>>
      %dma_start3A_752 = tpu.memref_slice %arg9[%add3A_601] : memref<1000448xf32, #tpu.memory_space<vmem_shared>> -> memref<4000xf32, #tpu.memory_space<vmem_shared>>
      %dma_start3A_753 = arith.constant 0 : i32
      %dma_start3A_754 = tpu.memref_slice %arg14[%dma_start3A_753] : memref<4000xf32, #tpu.memory_space<vmem>> -> memref<4000xf32, #tpu.memory_space<vmem>>
      %dma_start3A_755 = tpu.memref_slice %arg9[%add3A_601] : memref<1000448xf32, #tpu.memory_space<vmem_shared>> -> memref<4000xf32, #tpu.memory_space<vmem_shared>>
      tpu.enqueue_dma source(%dma_start3A_755 : memref<4000xf32, #tpu.memory_space<vmem_shared>>) target(%dma_start3A_754 : memref<4000xf32, #tpu.memory_space<vmem>>) target_semaphore(%run_scoped3A : memref<!tpu.dma_semaphore, #tpu.memory_space<semaphore_mem>>)
      %dma_wait3A_756 = arith.constant 0 : i32
      %dma_wait3A_757 = tpu.memref_slice %arg14[%dma_wait3A_756] : memref<4000xf32, #tpu.memory_space<vmem>> -> memref<4000xf32, #tpu.memory_space<vmem>>
      %dma_wait3A_758 = tpu.memref_slice %arg9[%add3A_601] : memref<1000448xf32, #tpu.memory_space<vmem_shared>> -> memref<4000xf32, #tpu.memory_space<vmem_shared>>
      %dma_wait3A_759 = arith.constant 0 : i32
      %dma_wait3A_760 = tpu.memref_slice %arg14[%dma_wait3A_759] : memref<4000xf32, #tpu.memory_space<vmem>> -> memref<4000xf32, #tpu.memory_space<vmem>>
      %dma_wait3A_761 = tpu.memref_slice %arg9[%add3A_601] : memref<1000448xf32, #tpu.memory_space<vmem_shared>> -> memref<4000xf32, #tpu.memory_space<vmem_shared>>
      tpu.wait_dma2 semaphore(%run_scoped3A : memref<!tpu.dma_semaphore, #tpu.memory_space<semaphore_mem>>) src(%dma_wait3A_761 : memref<4000xf32, #tpu.memory_space<vmem_shared>>) dst(%dma_wait3A_760 : memref<4000xf32, #tpu.memory_space<vmem>>)
      tpu.yield
    }) : () -> ()
    %dma_wait3A_602 = arith.constant 0 : i32
    %dma_wait3A_603 = tpu.memref_slice %arg15[%dma_wait3A_602] : memref<4000xf32, #tpu.memory_space<vmem>> -> memref<4000xf32, #tpu.memory_space<vmem>>
    %dma_wait3A_604 = tpu.memref_slice %arg7[%add3A_583] : memref<1000448xf32, #tpu.memory_space<hbm>> -> memref<4000xf32, #tpu.memory_space<hbm>>
    %dma_wait3A_605 = tpu.memref_slice %arg7[%add3A_583] : memref<1000448xf32, #tpu.memory_space<hbm>> -> memref<4000xf32, #tpu.memory_space<hbm>>
    %dma_wait3A_606 = arith.constant 0 : i32
    %dma_wait3A_607 = tpu.memref_slice %arg15[%dma_wait3A_606] : memref<4000xf32, #tpu.memory_space<vmem>> -> memref<4000xf32, #tpu.memory_space<vmem>>
    tpu.wait_dma2 semaphore(%arg31 : memref<!tpu.dma_semaphore, #tpu.memory_space<semaphore_mem>>) src(%dma_wait3A_607 : memref<4000xf32, #tpu.memory_space<vmem>>) dst(%dma_wait3A_605 : memref<4000xf32, #tpu.memory_space<hbm>>)
    %eq3A_608 = arith.constant 0 : i32
    %eq3A_609 = arith.cmpi eq, %arg0, %eq3A_608 : i32
    %convert_element_type3A_610 = arith.extui %eq3A_609 : i1 to i32
    %cond3A_611 = arith.constant 0 : i32
    %cond3A_612 = arith.cmpi ne, %convert_element_type3A_610, %cond3A_611 : i32
    scf.if %cond3A_612 {
      %dma_start3A_750 = arith.constant 0 : i32
      %dma_start3A_751 = tpu.memref_slice %arg14[%dma_start3A_750] : memref<4000xf32, #tpu.memory_space<vmem>> -> memref<4000xf32, #tpu.memory_space<vmem>>
      %dma_start3A_752 = tpu.memref_slice %arg7[%add3A_601] : memref<1000448xf32, #tpu.memory_space<hbm>> -> memref<4000xf32, #tpu.memory_space<hbm>>
      %dma_start3A_753 = tpu.memref_slice %arg7[%add3A_601] : memref<1000448xf32, #tpu.memory_space<hbm>> -> memref<4000xf32, #tpu.memory_space<hbm>>
      %dma_start3A_754 = arith.constant 0 : i32
      %dma_start3A_755 = tpu.memref_slice %arg14[%dma_start3A_754] : memref<4000xf32, #tpu.memory_space<vmem>> -> memref<4000xf32, #tpu.memory_space<vmem>>
      tpu.enqueue_dma source(%dma_start3A_755 : memref<4000xf32, #tpu.memory_space<vmem>>) target(%dma_start3A_753 : memref<4000xf32, #tpu.memory_space<hbm>>) target_semaphore(%arg31 : memref<!tpu.dma_semaphore, #tpu.memory_space<semaphore_mem>>)
    } else {
    }
    %eq3A_613 = arith.constant 1 : i32
    %eq3A_614 = arith.cmpi eq, %arg0, %eq3A_613 : i32
    %convert_element_type3A_615 = arith.extui %eq3A_614 : i1 to i32
    %cond3A_616 = arith.constant 0 : i32
    %cond3A_617 = arith.cmpi ne, %convert_element_type3A_615, %cond3A_616 : i32
    scf.if %cond3A_617 {
      %dma_start3A_750 = arith.constant 0 : i32
      %dma_start3A_751 = tpu.memref_slice %arg14[%dma_start3A_750] : memref<4000xf32, #tpu.memory_space<vmem>> -> memref<4000xf32, #tpu.memory_space<vmem>>
      %dma_start3A_752 = tpu.memref_slice %arg8[%add3A_601] : memref<1000448xf32, #tpu.memory_space<hbm>> -> memref<4000xf32, #tpu.memory_space<hbm>>
      %dma_start3A_753 = tpu.memref_slice %arg8[%add3A_601] : memref<1000448xf32, #tpu.memory_space<hbm>> -> memref<4000xf32, #tpu.memory_space<hbm>>
      %dma_start3A_754 = arith.constant 0 : i32
      %dma_start3A_755 = tpu.memref_slice %arg14[%dma_start3A_754] : memref<4000xf32, #tpu.memory_space<vmem>> -> memref<4000xf32, #tpu.memory_space<vmem>>
      tpu.enqueue_dma source(%dma_start3A_755 : memref<4000xf32, #tpu.memory_space<vmem>>) target(%dma_start3A_753 : memref<4000xf32, #tpu.memory_space<hbm>>) target_semaphore(%arg31 : memref<!tpu.dma_semaphore, #tpu.memory_space<semaphore_mem>>)
    } else {
    }
    %add3A_618 = arith.constant 36000 : i32
    %add3A_619 = arith.addi %mul3A_4, %add3A_618 : i32
    "tpu.region"() ({
      %run_scoped3A = tpu.sem_alloc : memref<!tpu.dma_semaphore, #tpu.memory_space<semaphore_mem>>
      %dma_start3A_750 = arith.constant 0 : i32
      %dma_start3A_751 = tpu.memref_slice %arg15[%dma_start3A_750] : memref<4000xf32, #tpu.memory_space<vmem>> -> memref<4000xf32, #tpu.memory_space<vmem>>
      %dma_start3A_752 = tpu.memref_slice %arg9[%add3A_619] : memref<1000448xf32, #tpu.memory_space<vmem_shared>> -> memref<4000xf32, #tpu.memory_space<vmem_shared>>
      %dma_start3A_753 = arith.constant 0 : i32
      %dma_start3A_754 = tpu.memref_slice %arg15[%dma_start3A_753] : memref<4000xf32, #tpu.memory_space<vmem>> -> memref<4000xf32, #tpu.memory_space<vmem>>
      %dma_start3A_755 = tpu.memref_slice %arg9[%add3A_619] : memref<1000448xf32, #tpu.memory_space<vmem_shared>> -> memref<4000xf32, #tpu.memory_space<vmem_shared>>
      tpu.enqueue_dma source(%dma_start3A_755 : memref<4000xf32, #tpu.memory_space<vmem_shared>>) target(%dma_start3A_754 : memref<4000xf32, #tpu.memory_space<vmem>>) target_semaphore(%run_scoped3A : memref<!tpu.dma_semaphore, #tpu.memory_space<semaphore_mem>>)
      %dma_wait3A_756 = arith.constant 0 : i32
      %dma_wait3A_757 = tpu.memref_slice %arg15[%dma_wait3A_756] : memref<4000xf32, #tpu.memory_space<vmem>> -> memref<4000xf32, #tpu.memory_space<vmem>>
      %dma_wait3A_758 = tpu.memref_slice %arg9[%add3A_619] : memref<1000448xf32, #tpu.memory_space<vmem_shared>> -> memref<4000xf32, #tpu.memory_space<vmem_shared>>
      %dma_wait3A_759 = arith.constant 0 : i32
      %dma_wait3A_760 = tpu.memref_slice %arg15[%dma_wait3A_759] : memref<4000xf32, #tpu.memory_space<vmem>> -> memref<4000xf32, #tpu.memory_space<vmem>>
      %dma_wait3A_761 = tpu.memref_slice %arg9[%add3A_619] : memref<1000448xf32, #tpu.memory_space<vmem_shared>> -> memref<4000xf32, #tpu.memory_space<vmem_shared>>
      tpu.wait_dma2 semaphore(%run_scoped3A : memref<!tpu.dma_semaphore, #tpu.memory_space<semaphore_mem>>) src(%dma_wait3A_761 : memref<4000xf32, #tpu.memory_space<vmem_shared>>) dst(%dma_wait3A_760 : memref<4000xf32, #tpu.memory_space<vmem>>)
      tpu.yield
    }) : () -> ()
    %dma_wait3A_620 = arith.constant 0 : i32
    %dma_wait3A_621 = tpu.memref_slice %arg14[%dma_wait3A_620] : memref<4000xf32, #tpu.memory_space<vmem>> -> memref<4000xf32, #tpu.memory_space<vmem>>
    %dma_wait3A_622 = tpu.memref_slice %arg7[%add3A_601] : memref<1000448xf32, #tpu.memory_space<hbm>> -> memref<4000xf32, #tpu.memory_space<hbm>>
    %dma_wait3A_623 = tpu.memref_slice %arg7[%add3A_601] : memref<1000448xf32, #tpu.memory_space<hbm>> -> memref<4000xf32, #tpu.memory_space<hbm>>
    %dma_wait3A_624 = arith.constant 0 : i32
    %dma_wait3A_625 = tpu.memref_slice %arg14[%dma_wait3A_624] : memref<4000xf32, #tpu.memory_space<vmem>> -> memref<4000xf32, #tpu.memory_space<vmem>>
    tpu.wait_dma2 semaphore(%arg31 : memref<!tpu.dma_semaphore, #tpu.memory_space<semaphore_mem>>) src(%dma_wait3A_625 : memref<4000xf32, #tpu.memory_space<vmem>>) dst(%dma_wait3A_623 : memref<4000xf32, #tpu.memory_space<hbm>>)
    %eq3A_626 = arith.constant 0 : i32
    %eq3A_627 = arith.cmpi eq, %arg0, %eq3A_626 : i32
    %convert_element_type3A_628 = arith.extui %eq3A_627 : i1 to i32
    %cond3A_629 = arith.constant 0 : i32
    %cond3A_630 = arith.cmpi ne, %convert_element_type3A_628, %cond3A_629 : i32
    scf.if %cond3A_630 {
      %dma_start3A_750 = arith.constant 0 : i32
      %dma_start3A_751 = tpu.memref_slice %arg15[%dma_start3A_750] : memref<4000xf32, #tpu.memory_space<vmem>> -> memref<4000xf32, #tpu.memory_space<vmem>>
      %dma_start3A_752 = tpu.memref_slice %arg7[%add3A_619] : memref<1000448xf32, #tpu.memory_space<hbm>> -> memref<4000xf32, #tpu.memory_space<hbm>>
      %dma_start3A_753 = tpu.memref_slice %arg7[%add3A_619] : memref<1000448xf32, #tpu.memory_space<hbm>> -> memref<4000xf32, #tpu.memory_space<hbm>>
      %dma_start3A_754 = arith.constant 0 : i32
      %dma_start3A_755 = tpu.memref_slice %arg15[%dma_start3A_754] : memref<4000xf32, #tpu.memory_space<vmem>> -> memref<4000xf32, #tpu.memory_space<vmem>>
      tpu.enqueue_dma source(%dma_start3A_755 : memref<4000xf32, #tpu.memory_space<vmem>>) target(%dma_start3A_753 : memref<4000xf32, #tpu.memory_space<hbm>>) target_semaphore(%arg31 : memref<!tpu.dma_semaphore, #tpu.memory_space<semaphore_mem>>)
    } else {
    }
    %eq3A_631 = arith.constant 1 : i32
    %eq3A_632 = arith.cmpi eq, %arg0, %eq3A_631 : i32
    %convert_element_type3A_633 = arith.extui %eq3A_632 : i1 to i32
    %cond3A_634 = arith.constant 0 : i32
    %cond3A_635 = arith.cmpi ne, %convert_element_type3A_633, %cond3A_634 : i32
    scf.if %cond3A_635 {
      %dma_start3A_750 = arith.constant 0 : i32
      %dma_start3A_751 = tpu.memref_slice %arg15[%dma_start3A_750] : memref<4000xf32, #tpu.memory_space<vmem>> -> memref<4000xf32, #tpu.memory_space<vmem>>
      %dma_start3A_752 = tpu.memref_slice %arg8[%add3A_619] : memref<1000448xf32, #tpu.memory_space<hbm>> -> memref<4000xf32, #tpu.memory_space<hbm>>
      %dma_start3A_753 = tpu.memref_slice %arg8[%add3A_619] : memref<1000448xf32, #tpu.memory_space<hbm>> -> memref<4000xf32, #tpu.memory_space<hbm>>
      %dma_start3A_754 = arith.constant 0 : i32
      %dma_start3A_755 = tpu.memref_slice %arg15[%dma_start3A_754] : memref<4000xf32, #tpu.memory_space<vmem>> -> memref<4000xf32, #tpu.memory_space<vmem>>
      tpu.enqueue_dma source(%dma_start3A_755 : memref<4000xf32, #tpu.memory_space<vmem>>) target(%dma_start3A_753 : memref<4000xf32, #tpu.memory_space<hbm>>) target_semaphore(%arg31 : memref<!tpu.dma_semaphore, #tpu.memory_space<semaphore_mem>>)
    } else {
    }
    %add3A_636 = arith.constant 40000 : i32
    %add3A_637 = arith.addi %mul3A_4, %add3A_636 : i32
    "tpu.region"() ({
      %run_scoped3A = tpu.sem_alloc : memref<!tpu.dma_semaphore, #tpu.memory_space<semaphore_mem>>
      %dma_start3A_750 = arith.constant 0 : i32
      %dma_start3A_751 = tpu.memref_slice %arg14[%dma_start3A_750] : memref<4000xf32, #tpu.memory_space<vmem>> -> memref<4000xf32, #tpu.memory_space<vmem>>
      %dma_start3A_752 = tpu.memref_slice %arg9[%add3A_637] : memref<1000448xf32, #tpu.memory_space<vmem_shared>> -> memref<4000xf32, #tpu.memory_space<vmem_shared>>
      %dma_start3A_753 = arith.constant 0 : i32
      %dma_start3A_754 = tpu.memref_slice %arg14[%dma_start3A_753] : memref<4000xf32, #tpu.memory_space<vmem>> -> memref<4000xf32, #tpu.memory_space<vmem>>
      %dma_start3A_755 = tpu.memref_slice %arg9[%add3A_637] : memref<1000448xf32, #tpu.memory_space<vmem_shared>> -> memref<4000xf32, #tpu.memory_space<vmem_shared>>
      tpu.enqueue_dma source(%dma_start3A_755 : memref<4000xf32, #tpu.memory_space<vmem_shared>>) target(%dma_start3A_754 : memref<4000xf32, #tpu.memory_space<vmem>>) target_semaphore(%run_scoped3A : memref<!tpu.dma_semaphore, #tpu.memory_space<semaphore_mem>>)
      %dma_wait3A_756 = arith.constant 0 : i32
      %dma_wait3A_757 = tpu.memref_slice %arg14[%dma_wait3A_756] : memref<4000xf32, #tpu.memory_space<vmem>> -> memref<4000xf32, #tpu.memory_space<vmem>>
      %dma_wait3A_758 = tpu.memref_slice %arg9[%add3A_637] : memref<1000448xf32, #tpu.memory_space<vmem_shared>> -> memref<4000xf32, #tpu.memory_space<vmem_shared>>
      %dma_wait3A_759 = arith.constant 0 : i32
      %dma_wait3A_760 = tpu.memref_slice %arg14[%dma_wait3A_759] : memref<4000xf32, #tpu.memory_space<vmem>> -> memref<4000xf32, #tpu.memory_space<vmem>>
      %dma_wait3A_761 = tpu.memref_slice %arg9[%add3A_637] : memref<1000448xf32, #tpu.memory_space<vmem_shared>> -> memref<4000xf32, #tpu.memory_space<vmem_shared>>
      tpu.wait_dma2 semaphore(%run_scoped3A : memref<!tpu.dma_semaphore, #tpu.memory_space<semaphore_mem>>) src(%dma_wait3A_761 : memref<4000xf32, #tpu.memory_space<vmem_shared>>) dst(%dma_wait3A_760 : memref<4000xf32, #tpu.memory_space<vmem>>)
      tpu.yield
    }) : () -> ()
    %dma_wait3A_638 = arith.constant 0 : i32
    %dma_wait3A_639 = tpu.memref_slice %arg15[%dma_wait3A_638] : memref<4000xf32, #tpu.memory_space<vmem>> -> memref<4000xf32, #tpu.memory_space<vmem>>
    %dma_wait3A_640 = tpu.memref_slice %arg7[%add3A_619] : memref<1000448xf32, #tpu.memory_space<hbm>> -> memref<4000xf32, #tpu.memory_space<hbm>>
    %dma_wait3A_641 = tpu.memref_slice %arg7[%add3A_619] : memref<1000448xf32, #tpu.memory_space<hbm>> -> memref<4000xf32, #tpu.memory_space<hbm>>
    %dma_wait3A_642 = arith.constant 0 : i32
    %dma_wait3A_643 = tpu.memref_slice %arg15[%dma_wait3A_642] : memref<4000xf32, #tpu.memory_space<vmem>> -> memref<4000xf32, #tpu.memory_space<vmem>>
    tpu.wait_dma2 semaphore(%arg31 : memref<!tpu.dma_semaphore, #tpu.memory_space<semaphore_mem>>) src(%dma_wait3A_643 : memref<4000xf32, #tpu.memory_space<vmem>>) dst(%dma_wait3A_641 : memref<4000xf32, #tpu.memory_space<hbm>>)
    %eq3A_644 = arith.constant 0 : i32
    %eq3A_645 = arith.cmpi eq, %arg0, %eq3A_644 : i32
    %convert_element_type3A_646 = arith.extui %eq3A_645 : i1 to i32
    %cond3A_647 = arith.constant 0 : i32
    %cond3A_648 = arith.cmpi ne, %convert_element_type3A_646, %cond3A_647 : i32
    scf.if %cond3A_648 {
      %dma_start3A_750 = arith.constant 0 : i32
      %dma_start3A_751 = tpu.memref_slice %arg14[%dma_start3A_750] : memref<4000xf32, #tpu.memory_space<vmem>> -> memref<4000xf32, #tpu.memory_space<vmem>>
      %dma_start3A_752 = tpu.memref_slice %arg7[%add3A_637] : memref<1000448xf32, #tpu.memory_space<hbm>> -> memref<4000xf32, #tpu.memory_space<hbm>>
      %dma_start3A_753 = tpu.memref_slice %arg7[%add3A_637] : memref<1000448xf32, #tpu.memory_space<hbm>> -> memref<4000xf32, #tpu.memory_space<hbm>>
      %dma_start3A_754 = arith.constant 0 : i32
      %dma_start3A_755 = tpu.memref_slice %arg14[%dma_start3A_754] : memref<4000xf32, #tpu.memory_space<vmem>> -> memref<4000xf32, #tpu.memory_space<vmem>>
      tpu.enqueue_dma source(%dma_start3A_755 : memref<4000xf32, #tpu.memory_space<vmem>>) target(%dma_start3A_753 : memref<4000xf32, #tpu.memory_space<hbm>>) target_semaphore(%arg31 : memref<!tpu.dma_semaphore, #tpu.memory_space<semaphore_mem>>)
    } else {
    }
    %eq3A_649 = arith.constant 1 : i32
    %eq3A_650 = arith.cmpi eq, %arg0, %eq3A_649 : i32
    %convert_element_type3A_651 = arith.extui %eq3A_650 : i1 to i32
    %cond3A_652 = arith.constant 0 : i32
    %cond3A_653 = arith.cmpi ne, %convert_element_type3A_651, %cond3A_652 : i32
    scf.if %cond3A_653 {
      %dma_start3A_750 = arith.constant 0 : i32
      %dma_start3A_751 = tpu.memref_slice %arg14[%dma_start3A_750] : memref<4000xf32, #tpu.memory_space<vmem>> -> memref<4000xf32, #tpu.memory_space<vmem>>
      %dma_start3A_752 = tpu.memref_slice %arg8[%add3A_637] : memref<1000448xf32, #tpu.memory_space<hbm>> -> memref<4000xf32, #tpu.memory_space<hbm>>
      %dma_start3A_753 = tpu.memref_slice %arg8[%add3A_637] : memref<1000448xf32, #tpu.memory_space<hbm>> -> memref<4000xf32, #tpu.memory_space<hbm>>
      %dma_start3A_754 = arith.constant 0 : i32
      %dma_start3A_755 = tpu.memref_slice %arg14[%dma_start3A_754] : memref<4000xf32, #tpu.memory_space<vmem>> -> memref<4000xf32, #tpu.memory_space<vmem>>
      tpu.enqueue_dma source(%dma_start3A_755 : memref<4000xf32, #tpu.memory_space<vmem>>) target(%dma_start3A_753 : memref<4000xf32, #tpu.memory_space<hbm>>) target_semaphore(%arg31 : memref<!tpu.dma_semaphore, #tpu.memory_space<semaphore_mem>>)
    } else {
    }
    %add3A_654 = arith.constant 44000 : i32
    %add3A_655 = arith.addi %mul3A_4, %add3A_654 : i32
    "tpu.region"() ({
      %run_scoped3A = tpu.sem_alloc : memref<!tpu.dma_semaphore, #tpu.memory_space<semaphore_mem>>
      %dma_start3A_750 = arith.constant 0 : i32
      %dma_start3A_751 = tpu.memref_slice %arg15[%dma_start3A_750] : memref<4000xf32, #tpu.memory_space<vmem>> -> memref<4000xf32, #tpu.memory_space<vmem>>
      %dma_start3A_752 = tpu.memref_slice %arg9[%add3A_655] : memref<1000448xf32, #tpu.memory_space<vmem_shared>> -> memref<4000xf32, #tpu.memory_space<vmem_shared>>
      %dma_start3A_753 = arith.constant 0 : i32
      %dma_start3A_754 = tpu.memref_slice %arg15[%dma_start3A_753] : memref<4000xf32, #tpu.memory_space<vmem>> -> memref<4000xf32, #tpu.memory_space<vmem>>
      %dma_start3A_755 = tpu.memref_slice %arg9[%add3A_655] : memref<1000448xf32, #tpu.memory_space<vmem_shared>> -> memref<4000xf32, #tpu.memory_space<vmem_shared>>
      tpu.enqueue_dma source(%dma_start3A_755 : memref<4000xf32, #tpu.memory_space<vmem_shared>>) target(%dma_start3A_754 : memref<4000xf32, #tpu.memory_space<vmem>>) target_semaphore(%run_scoped3A : memref<!tpu.dma_semaphore, #tpu.memory_space<semaphore_mem>>)
      %dma_wait3A_756 = arith.constant 0 : i32
      %dma_wait3A_757 = tpu.memref_slice %arg15[%dma_wait3A_756] : memref<4000xf32, #tpu.memory_space<vmem>> -> memref<4000xf32, #tpu.memory_space<vmem>>
      %dma_wait3A_758 = tpu.memref_slice %arg9[%add3A_655] : memref<1000448xf32, #tpu.memory_space<vmem_shared>> -> memref<4000xf32, #tpu.memory_space<vmem_shared>>
      %dma_wait3A_759 = arith.constant 0 : i32
      %dma_wait3A_760 = tpu.memref_slice %arg15[%dma_wait3A_759] : memref<4000xf32, #tpu.memory_space<vmem>> -> memref<4000xf32, #tpu.memory_space<vmem>>
      %dma_wait3A_761 = tpu.memref_slice %arg9[%add3A_655] : memref<1000448xf32, #tpu.memory_space<vmem_shared>> -> memref<4000xf32, #tpu.memory_space<vmem_shared>>
      tpu.wait_dma2 semaphore(%run_scoped3A : memref<!tpu.dma_semaphore, #tpu.memory_space<semaphore_mem>>) src(%dma_wait3A_761 : memref<4000xf32, #tpu.memory_space<vmem_shared>>) dst(%dma_wait3A_760 : memref<4000xf32, #tpu.memory_space<vmem>>)
      tpu.yield
    }) : () -> ()
    %dma_wait3A_656 = arith.constant 0 : i32
    %dma_wait3A_657 = tpu.memref_slice %arg14[%dma_wait3A_656] : memref<4000xf32, #tpu.memory_space<vmem>> -> memref<4000xf32, #tpu.memory_space<vmem>>
    %dma_wait3A_658 = tpu.memref_slice %arg7[%add3A_637] : memref<1000448xf32, #tpu.memory_space<hbm>> -> memref<4000xf32, #tpu.memory_space<hbm>>
    %dma_wait3A_659 = tpu.memref_slice %arg7[%add3A_637] : memref<1000448xf32, #tpu.memory_space<hbm>> -> memref<4000xf32, #tpu.memory_space<hbm>>
    %dma_wait3A_660 = arith.constant 0 : i32
    %dma_wait3A_661 = tpu.memref_slice %arg14[%dma_wait3A_660] : memref<4000xf32, #tpu.memory_space<vmem>> -> memref<4000xf32, #tpu.memory_space<vmem>>
    tpu.wait_dma2 semaphore(%arg31 : memref<!tpu.dma_semaphore, #tpu.memory_space<semaphore_mem>>) src(%dma_wait3A_661 : memref<4000xf32, #tpu.memory_space<vmem>>) dst(%dma_wait3A_659 : memref<4000xf32, #tpu.memory_space<hbm>>)
    %eq3A_662 = arith.constant 0 : i32
    %eq3A_663 = arith.cmpi eq, %arg0, %eq3A_662 : i32
    %convert_element_type3A_664 = arith.extui %eq3A_663 : i1 to i32
    %cond3A_665 = arith.constant 0 : i32
    %cond3A_666 = arith.cmpi ne, %convert_element_type3A_664, %cond3A_665 : i32
    scf.if %cond3A_666 {
      %dma_start3A_750 = arith.constant 0 : i32
      %dma_start3A_751 = tpu.memref_slice %arg15[%dma_start3A_750] : memref<4000xf32, #tpu.memory_space<vmem>> -> memref<4000xf32, #tpu.memory_space<vmem>>
      %dma_start3A_752 = tpu.memref_slice %arg7[%add3A_655] : memref<1000448xf32, #tpu.memory_space<hbm>> -> memref<4000xf32, #tpu.memory_space<hbm>>
      %dma_start3A_753 = tpu.memref_slice %arg7[%add3A_655] : memref<1000448xf32, #tpu.memory_space<hbm>> -> memref<4000xf32, #tpu.memory_space<hbm>>
      %dma_start3A_754 = arith.constant 0 : i32
      %dma_start3A_755 = tpu.memref_slice %arg15[%dma_start3A_754] : memref<4000xf32, #tpu.memory_space<vmem>> -> memref<4000xf32, #tpu.memory_space<vmem>>
      tpu.enqueue_dma source(%dma_start3A_755 : memref<4000xf32, #tpu.memory_space<vmem>>) target(%dma_start3A_753 : memref<4000xf32, #tpu.memory_space<hbm>>) target_semaphore(%arg31 : memref<!tpu.dma_semaphore, #tpu.memory_space<semaphore_mem>>)
    } else {
    }
    %eq3A_667 = arith.constant 1 : i32
    %eq3A_668 = arith.cmpi eq, %arg0, %eq3A_667 : i32
    %convert_element_type3A_669 = arith.extui %eq3A_668 : i1 to i32
    %cond3A_670 = arith.constant 0 : i32
    %cond3A_671 = arith.cmpi ne, %convert_element_type3A_669, %cond3A_670 : i32
    scf.if %cond3A_671 {
      %dma_start3A_750 = arith.constant 0 : i32
      %dma_start3A_751 = tpu.memref_slice %arg15[%dma_start3A_750] : memref<4000xf32, #tpu.memory_space<vmem>> -> memref<4000xf32, #tpu.memory_space<vmem>>
      %dma_start3A_752 = tpu.memref_slice %arg8[%add3A_655] : memref<1000448xf32, #tpu.memory_space<hbm>> -> memref<4000xf32, #tpu.memory_space<hbm>>
      %dma_start3A_753 = tpu.memref_slice %arg8[%add3A_655] : memref<1000448xf32, #tpu.memory_space<hbm>> -> memref<4000xf32, #tpu.memory_space<hbm>>
      %dma_start3A_754 = arith.constant 0 : i32
      %dma_start3A_755 = tpu.memref_slice %arg15[%dma_start3A_754] : memref<4000xf32, #tpu.memory_space<vmem>> -> memref<4000xf32, #tpu.memory_space<vmem>>
      tpu.enqueue_dma source(%dma_start3A_755 : memref<4000xf32, #tpu.memory_space<vmem>>) target(%dma_start3A_753 : memref<4000xf32, #tpu.memory_space<hbm>>) target_semaphore(%arg31 : memref<!tpu.dma_semaphore, #tpu.memory_space<semaphore_mem>>)
    } else {
    }
    %add3A_672 = arith.constant 48000 : i32
    %add3A_673 = arith.addi %mul3A_4, %add3A_672 : i32
    "tpu.region"() ({
      %run_scoped3A = tpu.sem_alloc : memref<!tpu.dma_semaphore, #tpu.memory_space<semaphore_mem>>
      %dma_start3A_750 = arith.constant 0 : i32
      %dma_start3A_751 = tpu.memref_slice %arg14[%dma_start3A_750] : memref<4000xf32, #tpu.memory_space<vmem>> -> memref<4000xf32, #tpu.memory_space<vmem>>
      %dma_start3A_752 = tpu.memref_slice %arg9[%add3A_673] : memref<1000448xf32, #tpu.memory_space<vmem_shared>> -> memref<4000xf32, #tpu.memory_space<vmem_shared>>
      %dma_start3A_753 = arith.constant 0 : i32
      %dma_start3A_754 = tpu.memref_slice %arg14[%dma_start3A_753] : memref<4000xf32, #tpu.memory_space<vmem>> -> memref<4000xf32, #tpu.memory_space<vmem>>
      %dma_start3A_755 = tpu.memref_slice %arg9[%add3A_673] : memref<1000448xf32, #tpu.memory_space<vmem_shared>> -> memref<4000xf32, #tpu.memory_space<vmem_shared>>
      tpu.enqueue_dma source(%dma_start3A_755 : memref<4000xf32, #tpu.memory_space<vmem_shared>>) target(%dma_start3A_754 : memref<4000xf32, #tpu.memory_space<vmem>>) target_semaphore(%run_scoped3A : memref<!tpu.dma_semaphore, #tpu.memory_space<semaphore_mem>>)
      %dma_wait3A_756 = arith.constant 0 : i32
      %dma_wait3A_757 = tpu.memref_slice %arg14[%dma_wait3A_756] : memref<4000xf32, #tpu.memory_space<vmem>> -> memref<4000xf32, #tpu.memory_space<vmem>>
      %dma_wait3A_758 = tpu.memref_slice %arg9[%add3A_673] : memref<1000448xf32, #tpu.memory_space<vmem_shared>> -> memref<4000xf32, #tpu.memory_space<vmem_shared>>
      %dma_wait3A_759 = arith.constant 0 : i32
      %dma_wait3A_760 = tpu.memref_slice %arg14[%dma_wait3A_759] : memref<4000xf32, #tpu.memory_space<vmem>> -> memref<4000xf32, #tpu.memory_space<vmem>>
      %dma_wait3A_761 = tpu.memref_slice %arg9[%add3A_673] : memref<1000448xf32, #tpu.memory_space<vmem_shared>> -> memref<4000xf32, #tpu.memory_space<vmem_shared>>
      tpu.wait_dma2 semaphore(%run_scoped3A : memref<!tpu.dma_semaphore, #tpu.memory_space<semaphore_mem>>) src(%dma_wait3A_761 : memref<4000xf32, #tpu.memory_space<vmem_shared>>) dst(%dma_wait3A_760 : memref<4000xf32, #tpu.memory_space<vmem>>)
      tpu.yield
    }) : () -> ()
    %dma_wait3A_674 = arith.constant 0 : i32
    %dma_wait3A_675 = tpu.memref_slice %arg15[%dma_wait3A_674] : memref<4000xf32, #tpu.memory_space<vmem>> -> memref<4000xf32, #tpu.memory_space<vmem>>
    %dma_wait3A_676 = tpu.memref_slice %arg7[%add3A_655] : memref<1000448xf32, #tpu.memory_space<hbm>> -> memref<4000xf32, #tpu.memory_space<hbm>>
    %dma_wait3A_677 = tpu.memref_slice %arg7[%add3A_655] : memref<1000448xf32, #tpu.memory_space<hbm>> -> memref<4000xf32, #tpu.memory_space<hbm>>
    %dma_wait3A_678 = arith.constant 0 : i32
    %dma_wait3A_679 = tpu.memref_slice %arg15[%dma_wait3A_678] : memref<4000xf32, #tpu.memory_space<vmem>> -> memref<4000xf32, #tpu.memory_space<vmem>>
    tpu.wait_dma2 semaphore(%arg31 : memref<!tpu.dma_semaphore, #tpu.memory_space<semaphore_mem>>) src(%dma_wait3A_679 : memref<4000xf32, #tpu.memory_space<vmem>>) dst(%dma_wait3A_677 : memref<4000xf32, #tpu.memory_space<hbm>>)
    %eq3A_680 = arith.constant 0 : i32
    %eq3A_681 = arith.cmpi eq, %arg0, %eq3A_680 : i32
    %convert_element_type3A_682 = arith.extui %eq3A_681 : i1 to i32
    %cond3A_683 = arith.constant 0 : i32
    %cond3A_684 = arith.cmpi ne, %convert_element_type3A_682, %cond3A_683 : i32
    scf.if %cond3A_684 {
      %dma_start3A_750 = arith.constant 0 : i32
      %dma_start3A_751 = tpu.memref_slice %arg14[%dma_start3A_750] : memref<4000xf32, #tpu.memory_space<vmem>> -> memref<4000xf32, #tpu.memory_space<vmem>>
      %dma_start3A_752 = tpu.memref_slice %arg7[%add3A_673] : memref<1000448xf32, #tpu.memory_space<hbm>> -> memref<4000xf32, #tpu.memory_space<hbm>>
      %dma_start3A_753 = tpu.memref_slice %arg7[%add3A_673] : memref<1000448xf32, #tpu.memory_space<hbm>> -> memref<4000xf32, #tpu.memory_space<hbm>>
      %dma_start3A_754 = arith.constant 0 : i32
      %dma_start3A_755 = tpu.memref_slice %arg14[%dma_start3A_754] : memref<4000xf32, #tpu.memory_space<vmem>> -> memref<4000xf32, #tpu.memory_space<vmem>>
      tpu.enqueue_dma source(%dma_start3A_755 : memref<4000xf32, #tpu.memory_space<vmem>>) target(%dma_start3A_753 : memref<4000xf32, #tpu.memory_space<hbm>>) target_semaphore(%arg31 : memref<!tpu.dma_semaphore, #tpu.memory_space<semaphore_mem>>)
    } else {
    }
    %eq3A_685 = arith.constant 1 : i32
    %eq3A_686 = arith.cmpi eq, %arg0, %eq3A_685 : i32
    %convert_element_type3A_687 = arith.extui %eq3A_686 : i1 to i32
    %cond3A_688 = arith.constant 0 : i32
    %cond3A_689 = arith.cmpi ne, %convert_element_type3A_687, %cond3A_688 : i32
    scf.if %cond3A_689 {
      %dma_start3A_750 = arith.constant 0 : i32
      %dma_start3A_751 = tpu.memref_slice %arg14[%dma_start3A_750] : memref<4000xf32, #tpu.memory_space<vmem>> -> memref<4000xf32, #tpu.memory_space<vmem>>
      %dma_start3A_752 = tpu.memref_slice %arg8[%add3A_673] : memref<1000448xf32, #tpu.memory_space<hbm>> -> memref<4000xf32, #tpu.memory_space<hbm>>
      %dma_start3A_753 = tpu.memref_slice %arg8[%add3A_673] : memref<1000448xf32, #tpu.memory_space<hbm>> -> memref<4000xf32, #tpu.memory_space<hbm>>
      %dma_start3A_754 = arith.constant 0 : i32
      %dma_start3A_755 = tpu.memref_slice %arg14[%dma_start3A_754] : memref<4000xf32, #tpu.memory_space<vmem>> -> memref<4000xf32, #tpu.memory_space<vmem>>
      tpu.enqueue_dma source(%dma_start3A_755 : memref<4000xf32, #tpu.memory_space<vmem>>) target(%dma_start3A_753 : memref<4000xf32, #tpu.memory_space<hbm>>) target_semaphore(%arg31 : memref<!tpu.dma_semaphore, #tpu.memory_space<semaphore_mem>>)
    } else {
    }
    %add3A_690 = arith.constant 52000 : i32
    %add3A_691 = arith.addi %mul3A_4, %add3A_690 : i32
    "tpu.region"() ({
      %run_scoped3A = tpu.sem_alloc : memref<!tpu.dma_semaphore, #tpu.memory_space<semaphore_mem>>
      %dma_start3A_750 = arith.constant 0 : i32
      %dma_start3A_751 = tpu.memref_slice %arg15[%dma_start3A_750] : memref<4000xf32, #tpu.memory_space<vmem>> -> memref<4000xf32, #tpu.memory_space<vmem>>
      %dma_start3A_752 = tpu.memref_slice %arg9[%add3A_691] : memref<1000448xf32, #tpu.memory_space<vmem_shared>> -> memref<4000xf32, #tpu.memory_space<vmem_shared>>
      %dma_start3A_753 = arith.constant 0 : i32
      %dma_start3A_754 = tpu.memref_slice %arg15[%dma_start3A_753] : memref<4000xf32, #tpu.memory_space<vmem>> -> memref<4000xf32, #tpu.memory_space<vmem>>
      %dma_start3A_755 = tpu.memref_slice %arg9[%add3A_691] : memref<1000448xf32, #tpu.memory_space<vmem_shared>> -> memref<4000xf32, #tpu.memory_space<vmem_shared>>
      tpu.enqueue_dma source(%dma_start3A_755 : memref<4000xf32, #tpu.memory_space<vmem_shared>>) target(%dma_start3A_754 : memref<4000xf32, #tpu.memory_space<vmem>>) target_semaphore(%run_scoped3A : memref<!tpu.dma_semaphore, #tpu.memory_space<semaphore_mem>>)
      %dma_wait3A_756 = arith.constant 0 : i32
      %dma_wait3A_757 = tpu.memref_slice %arg15[%dma_wait3A_756] : memref<4000xf32, #tpu.memory_space<vmem>> -> memref<4000xf32, #tpu.memory_space<vmem>>
      %dma_wait3A_758 = tpu.memref_slice %arg9[%add3A_691] : memref<1000448xf32, #tpu.memory_space<vmem_shared>> -> memref<4000xf32, #tpu.memory_space<vmem_shared>>
      %dma_wait3A_759 = arith.constant 0 : i32
      %dma_wait3A_760 = tpu.memref_slice %arg15[%dma_wait3A_759] : memref<4000xf32, #tpu.memory_space<vmem>> -> memref<4000xf32, #tpu.memory_space<vmem>>
      %dma_wait3A_761 = tpu.memref_slice %arg9[%add3A_691] : memref<1000448xf32, #tpu.memory_space<vmem_shared>> -> memref<4000xf32, #tpu.memory_space<vmem_shared>>
      tpu.wait_dma2 semaphore(%run_scoped3A : memref<!tpu.dma_semaphore, #tpu.memory_space<semaphore_mem>>) src(%dma_wait3A_761 : memref<4000xf32, #tpu.memory_space<vmem_shared>>) dst(%dma_wait3A_760 : memref<4000xf32, #tpu.memory_space<vmem>>)
      tpu.yield
    }) : () -> ()
    %dma_wait3A_692 = arith.constant 0 : i32
    %dma_wait3A_693 = tpu.memref_slice %arg14[%dma_wait3A_692] : memref<4000xf32, #tpu.memory_space<vmem>> -> memref<4000xf32, #tpu.memory_space<vmem>>
    %dma_wait3A_694 = tpu.memref_slice %arg7[%add3A_673] : memref<1000448xf32, #tpu.memory_space<hbm>> -> memref<4000xf32, #tpu.memory_space<hbm>>
    %dma_wait3A_695 = tpu.memref_slice %arg7[%add3A_673] : memref<1000448xf32, #tpu.memory_space<hbm>> -> memref<4000xf32, #tpu.memory_space<hbm>>
    %dma_wait3A_696 = arith.constant 0 : i32
    %dma_wait3A_697 = tpu.memref_slice %arg14[%dma_wait3A_696] : memref<4000xf32, #tpu.memory_space<vmem>> -> memref<4000xf32, #tpu.memory_space<vmem>>
    tpu.wait_dma2 semaphore(%arg31 : memref<!tpu.dma_semaphore, #tpu.memory_space<semaphore_mem>>) src(%dma_wait3A_697 : memref<4000xf32, #tpu.memory_space<vmem>>) dst(%dma_wait3A_695 : memref<4000xf32, #tpu.memory_space<hbm>>)
    %eq3A_698 = arith.constant 0 : i32
    %eq3A_699 = arith.cmpi eq, %arg0, %eq3A_698 : i32
    %convert_element_type3A_700 = arith.extui %eq3A_699 : i1 to i32
    %cond3A_701 = arith.constant 0 : i32
    %cond3A_702 = arith.cmpi ne, %convert_element_type3A_700, %cond3A_701 : i32
    scf.if %cond3A_702 {
      %dma_start3A_750 = arith.constant 0 : i32
      %dma_start3A_751 = tpu.memref_slice %arg15[%dma_start3A_750] : memref<4000xf32, #tpu.memory_space<vmem>> -> memref<4000xf32, #tpu.memory_space<vmem>>
      %dma_start3A_752 = tpu.memref_slice %arg7[%add3A_691] : memref<1000448xf32, #tpu.memory_space<hbm>> -> memref<4000xf32, #tpu.memory_space<hbm>>
      %dma_start3A_753 = tpu.memref_slice %arg7[%add3A_691] : memref<1000448xf32, #tpu.memory_space<hbm>> -> memref<4000xf32, #tpu.memory_space<hbm>>
      %dma_start3A_754 = arith.constant 0 : i32
      %dma_start3A_755 = tpu.memref_slice %arg15[%dma_start3A_754] : memref<4000xf32, #tpu.memory_space<vmem>> -> memref<4000xf32, #tpu.memory_space<vmem>>
      tpu.enqueue_dma source(%dma_start3A_755 : memref<4000xf32, #tpu.memory_space<vmem>>) target(%dma_start3A_753 : memref<4000xf32, #tpu.memory_space<hbm>>) target_semaphore(%arg31 : memref<!tpu.dma_semaphore, #tpu.memory_space<semaphore_mem>>)
    } else {
    }
    %eq3A_703 = arith.constant 1 : i32
    %eq3A_704 = arith.cmpi eq, %arg0, %eq3A_703 : i32
    %convert_element_type3A_705 = arith.extui %eq3A_704 : i1 to i32
    %cond3A_706 = arith.constant 0 : i32
    %cond3A_707 = arith.cmpi ne, %convert_element_type3A_705, %cond3A_706 : i32
    scf.if %cond3A_707 {
      %dma_start3A_750 = arith.constant 0 : i32
      %dma_start3A_751 = tpu.memref_slice %arg15[%dma_start3A_750] : memref<4000xf32, #tpu.memory_space<vmem>> -> memref<4000xf32, #tpu.memory_space<vmem>>
      %dma_start3A_752 = tpu.memref_slice %arg8[%add3A_691] : memref<1000448xf32, #tpu.memory_space<hbm>> -> memref<4000xf32, #tpu.memory_space<hbm>>
      %dma_start3A_753 = tpu.memref_slice %arg8[%add3A_691] : memref<1000448xf32, #tpu.memory_space<hbm>> -> memref<4000xf32, #tpu.memory_space<hbm>>
      %dma_start3A_754 = arith.constant 0 : i32
      %dma_start3A_755 = tpu.memref_slice %arg15[%dma_start3A_754] : memref<4000xf32, #tpu.memory_space<vmem>> -> memref<4000xf32, #tpu.memory_space<vmem>>
      tpu.enqueue_dma source(%dma_start3A_755 : memref<4000xf32, #tpu.memory_space<vmem>>) target(%dma_start3A_753 : memref<4000xf32, #tpu.memory_space<hbm>>) target_semaphore(%arg31 : memref<!tpu.dma_semaphore, #tpu.memory_space<semaphore_mem>>)
    } else {
    }
    %add3A_708 = arith.constant 56000 : i32
    %add3A_709 = arith.addi %mul3A_4, %add3A_708 : i32
    "tpu.region"() ({
      %run_scoped3A = tpu.sem_alloc : memref<!tpu.dma_semaphore, #tpu.memory_space<semaphore_mem>>
      %dma_start3A_750 = arith.constant 0 : i32
      %dma_start3A_751 = tpu.memref_slice %arg14[%dma_start3A_750] : memref<4000xf32, #tpu.memory_space<vmem>> -> memref<4000xf32, #tpu.memory_space<vmem>>
      %dma_start3A_752 = tpu.memref_slice %arg9[%add3A_709] : memref<1000448xf32, #tpu.memory_space<vmem_shared>> -> memref<4000xf32, #tpu.memory_space<vmem_shared>>
      %dma_start3A_753 = arith.constant 0 : i32
      %dma_start3A_754 = tpu.memref_slice %arg14[%dma_start3A_753] : memref<4000xf32, #tpu.memory_space<vmem>> -> memref<4000xf32, #tpu.memory_space<vmem>>
      %dma_start3A_755 = tpu.memref_slice %arg9[%add3A_709] : memref<1000448xf32, #tpu.memory_space<vmem_shared>> -> memref<4000xf32, #tpu.memory_space<vmem_shared>>
      tpu.enqueue_dma source(%dma_start3A_755 : memref<4000xf32, #tpu.memory_space<vmem_shared>>) target(%dma_start3A_754 : memref<4000xf32, #tpu.memory_space<vmem>>) target_semaphore(%run_scoped3A : memref<!tpu.dma_semaphore, #tpu.memory_space<semaphore_mem>>)
      %dma_wait3A_756 = arith.constant 0 : i32
      %dma_wait3A_757 = tpu.memref_slice %arg14[%dma_wait3A_756] : memref<4000xf32, #tpu.memory_space<vmem>> -> memref<4000xf32, #tpu.memory_space<vmem>>
      %dma_wait3A_758 = tpu.memref_slice %arg9[%add3A_709] : memref<1000448xf32, #tpu.memory_space<vmem_shared>> -> memref<4000xf32, #tpu.memory_space<vmem_shared>>
      %dma_wait3A_759 = arith.constant 0 : i32
      %dma_wait3A_760 = tpu.memref_slice %arg14[%dma_wait3A_759] : memref<4000xf32, #tpu.memory_space<vmem>> -> memref<4000xf32, #tpu.memory_space<vmem>>
      %dma_wait3A_761 = tpu.memref_slice %arg9[%add3A_709] : memref<1000448xf32, #tpu.memory_space<vmem_shared>> -> memref<4000xf32, #tpu.memory_space<vmem_shared>>
      tpu.wait_dma2 semaphore(%run_scoped3A : memref<!tpu.dma_semaphore, #tpu.memory_space<semaphore_mem>>) src(%dma_wait3A_761 : memref<4000xf32, #tpu.memory_space<vmem_shared>>) dst(%dma_wait3A_760 : memref<4000xf32, #tpu.memory_space<vmem>>)
      tpu.yield
    }) : () -> ()
    %dma_wait3A_710 = arith.constant 0 : i32
    %dma_wait3A_711 = tpu.memref_slice %arg15[%dma_wait3A_710] : memref<4000xf32, #tpu.memory_space<vmem>> -> memref<4000xf32, #tpu.memory_space<vmem>>
    %dma_wait3A_712 = tpu.memref_slice %arg7[%add3A_691] : memref<1000448xf32, #tpu.memory_space<hbm>> -> memref<4000xf32, #tpu.memory_space<hbm>>
    %dma_wait3A_713 = tpu.memref_slice %arg7[%add3A_691] : memref<1000448xf32, #tpu.memory_space<hbm>> -> memref<4000xf32, #tpu.memory_space<hbm>>
    %dma_wait3A_714 = arith.constant 0 : i32
    %dma_wait3A_715 = tpu.memref_slice %arg15[%dma_wait3A_714] : memref<4000xf32, #tpu.memory_space<vmem>> -> memref<4000xf32, #tpu.memory_space<vmem>>
    tpu.wait_dma2 semaphore(%arg31 : memref<!tpu.dma_semaphore, #tpu.memory_space<semaphore_mem>>) src(%dma_wait3A_715 : memref<4000xf32, #tpu.memory_space<vmem>>) dst(%dma_wait3A_713 : memref<4000xf32, #tpu.memory_space<hbm>>)
    %eq3A_716 = arith.constant 0 : i32
    %eq3A_717 = arith.cmpi eq, %arg0, %eq3A_716 : i32
    %convert_element_type3A_718 = arith.extui %eq3A_717 : i1 to i32
    %cond3A_719 = arith.constant 0 : i32
    %cond3A_720 = arith.cmpi ne, %convert_element_type3A_718, %cond3A_719 : i32
    scf.if %cond3A_720 {
      %dma_start3A_750 = arith.constant 0 : i32
      %dma_start3A_751 = tpu.memref_slice %arg14[%dma_start3A_750] : memref<4000xf32, #tpu.memory_space<vmem>> -> memref<4000xf32, #tpu.memory_space<vmem>>
      %dma_start3A_752 = tpu.memref_slice %arg7[%add3A_709] : memref<1000448xf32, #tpu.memory_space<hbm>> -> memref<4000xf32, #tpu.memory_space<hbm>>
      %dma_start3A_753 = tpu.memref_slice %arg7[%add3A_709] : memref<1000448xf32, #tpu.memory_space<hbm>> -> memref<4000xf32, #tpu.memory_space<hbm>>
      %dma_start3A_754 = arith.constant 0 : i32
      %dma_start3A_755 = tpu.memref_slice %arg14[%dma_start3A_754] : memref<4000xf32, #tpu.memory_space<vmem>> -> memref<4000xf32, #tpu.memory_space<vmem>>
      tpu.enqueue_dma source(%dma_start3A_755 : memref<4000xf32, #tpu.memory_space<vmem>>) target(%dma_start3A_753 : memref<4000xf32, #tpu.memory_space<hbm>>) target_semaphore(%arg31 : memref<!tpu.dma_semaphore, #tpu.memory_space<semaphore_mem>>)
    } else {
    }
    %eq3A_721 = arith.constant 1 : i32
    %eq3A_722 = arith.cmpi eq, %arg0, %eq3A_721 : i32
    %convert_element_type3A_723 = arith.extui %eq3A_722 : i1 to i32
    %cond3A_724 = arith.constant 0 : i32
    %cond3A_725 = arith.cmpi ne, %convert_element_type3A_723, %cond3A_724 : i32
    scf.if %cond3A_725 {
      %dma_start3A_750 = arith.constant 0 : i32
      %dma_start3A_751 = tpu.memref_slice %arg14[%dma_start3A_750] : memref<4000xf32, #tpu.memory_space<vmem>> -> memref<4000xf32, #tpu.memory_space<vmem>>
      %dma_start3A_752 = tpu.memref_slice %arg8[%add3A_709] : memref<1000448xf32, #tpu.memory_space<hbm>> -> memref<4000xf32, #tpu.memory_space<hbm>>
      %dma_start3A_753 = tpu.memref_slice %arg8[%add3A_709] : memref<1000448xf32, #tpu.memory_space<hbm>> -> memref<4000xf32, #tpu.memory_space<hbm>>
      %dma_start3A_754 = arith.constant 0 : i32
      %dma_start3A_755 = tpu.memref_slice %arg14[%dma_start3A_754] : memref<4000xf32, #tpu.memory_space<vmem>> -> memref<4000xf32, #tpu.memory_space<vmem>>
      tpu.enqueue_dma source(%dma_start3A_755 : memref<4000xf32, #tpu.memory_space<vmem>>) target(%dma_start3A_753 : memref<4000xf32, #tpu.memory_space<hbm>>) target_semaphore(%arg31 : memref<!tpu.dma_semaphore, #tpu.memory_space<semaphore_mem>>)
    } else {
    }
    %add3A_726 = arith.constant 60000 : i32
    %add3A_727 = arith.addi %mul3A_4, %add3A_726 : i32
    "tpu.region"() ({
      %run_scoped3A = tpu.sem_alloc : memref<!tpu.dma_semaphore, #tpu.memory_space<semaphore_mem>>
      %dma_start3A_750 = arith.constant 0 : i32
      %dma_start3A_751 = tpu.memref_slice %arg15[%dma_start3A_750] : memref<4000xf32, #tpu.memory_space<vmem>> -> memref<2528xf32, #tpu.memory_space<vmem>>
      %dma_start3A_752 = tpu.memref_slice %arg9[%add3A_727] : memref<1000448xf32, #tpu.memory_space<vmem_shared>> -> memref<2528xf32, #tpu.memory_space<vmem_shared>>
      %dma_start3A_753 = arith.constant 0 : i32
      %dma_start3A_754 = tpu.memref_slice %arg15[%dma_start3A_753] : memref<4000xf32, #tpu.memory_space<vmem>> -> memref<2528xf32, #tpu.memory_space<vmem>>
      %dma_start3A_755 = tpu.memref_slice %arg9[%add3A_727] : memref<1000448xf32, #tpu.memory_space<vmem_shared>> -> memref<2528xf32, #tpu.memory_space<vmem_shared>>
      tpu.enqueue_dma source(%dma_start3A_755 : memref<2528xf32, #tpu.memory_space<vmem_shared>>) target(%dma_start3A_754 : memref<2528xf32, #tpu.memory_space<vmem>>) target_semaphore(%run_scoped3A : memref<!tpu.dma_semaphore, #tpu.memory_space<semaphore_mem>>)
      %dma_wait3A_756 = arith.constant 0 : i32
      %dma_wait3A_757 = tpu.memref_slice %arg15[%dma_wait3A_756] : memref<4000xf32, #tpu.memory_space<vmem>> -> memref<2528xf32, #tpu.memory_space<vmem>>
      %dma_wait3A_758 = tpu.memref_slice %arg9[%add3A_727] : memref<1000448xf32, #tpu.memory_space<vmem_shared>> -> memref<2528xf32, #tpu.memory_space<vmem_shared>>
      %dma_wait3A_759 = arith.constant 0 : i32
      %dma_wait3A_760 = tpu.memref_slice %arg15[%dma_wait3A_759] : memref<4000xf32, #tpu.memory_space<vmem>> -> memref<2528xf32, #tpu.memory_space<vmem>>
      %dma_wait3A_761 = tpu.memref_slice %arg9[%add3A_727] : memref<1000448xf32, #tpu.memory_space<vmem_shared>> -> memref<2528xf32, #tpu.memory_space<vmem_shared>>
      tpu.wait_dma2 semaphore(%run_scoped3A : memref<!tpu.dma_semaphore, #tpu.memory_space<semaphore_mem>>) src(%dma_wait3A_761 : memref<2528xf32, #tpu.memory_space<vmem_shared>>) dst(%dma_wait3A_760 : memref<2528xf32, #tpu.memory_space<vmem>>)
      tpu.yield
    }) : () -> ()
    %dma_wait3A_728 = arith.constant 0 : i32
    %dma_wait3A_729 = tpu.memref_slice %arg14[%dma_wait3A_728] : memref<4000xf32, #tpu.memory_space<vmem>> -> memref<4000xf32, #tpu.memory_space<vmem>>
    %dma_wait3A_730 = tpu.memref_slice %arg7[%add3A_709] : memref<1000448xf32, #tpu.memory_space<hbm>> -> memref<4000xf32, #tpu.memory_space<hbm>>
    %dma_wait3A_731 = tpu.memref_slice %arg7[%add3A_709] : memref<1000448xf32, #tpu.memory_space<hbm>> -> memref<4000xf32, #tpu.memory_space<hbm>>
    %dma_wait3A_732 = arith.constant 0 : i32
    %dma_wait3A_733 = tpu.memref_slice %arg14[%dma_wait3A_732] : memref<4000xf32, #tpu.memory_space<vmem>> -> memref<4000xf32, #tpu.memory_space<vmem>>
    tpu.wait_dma2 semaphore(%arg31 : memref<!tpu.dma_semaphore, #tpu.memory_space<semaphore_mem>>) src(%dma_wait3A_733 : memref<4000xf32, #tpu.memory_space<vmem>>) dst(%dma_wait3A_731 : memref<4000xf32, #tpu.memory_space<hbm>>)
    %eq3A_734 = arith.constant 0 : i32
    %eq3A_735 = arith.cmpi eq, %arg0, %eq3A_734 : i32
    %convert_element_type3A_736 = arith.extui %eq3A_735 : i1 to i32
    %cond3A_737 = arith.constant 0 : i32
    %cond3A_738 = arith.cmpi ne, %convert_element_type3A_736, %cond3A_737 : i32
    scf.if %cond3A_738 {
      %dma_start3A_750 = arith.constant 0 : i32
      %dma_start3A_751 = tpu.memref_slice %arg15[%dma_start3A_750] : memref<4000xf32, #tpu.memory_space<vmem>> -> memref<2528xf32, #tpu.memory_space<vmem>>
      %dma_start3A_752 = tpu.memref_slice %arg7[%add3A_727] : memref<1000448xf32, #tpu.memory_space<hbm>> -> memref<2528xf32, #tpu.memory_space<hbm>>
      %dma_start3A_753 = tpu.memref_slice %arg7[%add3A_727] : memref<1000448xf32, #tpu.memory_space<hbm>> -> memref<2528xf32, #tpu.memory_space<hbm>>
      %dma_start3A_754 = arith.constant 0 : i32
      %dma_start3A_755 = tpu.memref_slice %arg15[%dma_start3A_754] : memref<4000xf32, #tpu.memory_space<vmem>> -> memref<2528xf32, #tpu.memory_space<vmem>>
      tpu.enqueue_dma source(%dma_start3A_755 : memref<2528xf32, #tpu.memory_space<vmem>>) target(%dma_start3A_753 : memref<2528xf32, #tpu.memory_space<hbm>>) target_semaphore(%arg31 : memref<!tpu.dma_semaphore, #tpu.memory_space<semaphore_mem>>)
    } else {
    }
    %eq3A_739 = arith.constant 1 : i32
    %eq3A_740 = arith.cmpi eq, %arg0, %eq3A_739 : i32
    %convert_element_type3A_741 = arith.extui %eq3A_740 : i1 to i32
    %cond3A_742 = arith.constant 0 : i32
    %cond3A_743 = arith.cmpi ne, %convert_element_type3A_741, %cond3A_742 : i32
    scf.if %cond3A_743 {
      %dma_start3A_750 = arith.constant 0 : i32
      %dma_start3A_751 = tpu.memref_slice %arg15[%dma_start3A_750] : memref<4000xf32, #tpu.memory_space<vmem>> -> memref<2528xf32, #tpu.memory_space<vmem>>
      %dma_start3A_752 = tpu.memref_slice %arg8[%add3A_727] : memref<1000448xf32, #tpu.memory_space<hbm>> -> memref<2528xf32, #tpu.memory_space<hbm>>
      %dma_start3A_753 = tpu.memref_slice %arg8[%add3A_727] : memref<1000448xf32, #tpu.memory_space<hbm>> -> memref<2528xf32, #tpu.memory_space<hbm>>
      %dma_start3A_754 = arith.constant 0 : i32
      %dma_start3A_755 = tpu.memref_slice %arg15[%dma_start3A_754] : memref<4000xf32, #tpu.memory_space<vmem>> -> memref<2528xf32, #tpu.memory_space<vmem>>
      tpu.enqueue_dma source(%dma_start3A_755 : memref<2528xf32, #tpu.memory_space<vmem>>) target(%dma_start3A_753 : memref<2528xf32, #tpu.memory_space<hbm>>) target_semaphore(%arg31 : memref<!tpu.dma_semaphore, #tpu.memory_space<semaphore_mem>>)
    } else {
    }
    %dma_wait3A_744 = arith.constant 0 : i32
    %dma_wait3A_745 = tpu.memref_slice %arg15[%dma_wait3A_744] : memref<4000xf32, #tpu.memory_space<vmem>> -> memref<2528xf32, #tpu.memory_space<vmem>>
    %dma_wait3A_746 = tpu.memref_slice %arg7[%add3A_727] : memref<1000448xf32, #tpu.memory_space<hbm>> -> memref<2528xf32, #tpu.memory_space<hbm>>
    %dma_wait3A_747 = tpu.memref_slice %arg7[%add3A_727] : memref<1000448xf32, #tpu.memory_space<hbm>> -> memref<2528xf32, #tpu.memory_space<hbm>>
    %dma_wait3A_748 = arith.constant 0 : i32
    %dma_wait3A_749 = tpu.memref_slice %arg15[%dma_wait3A_748] : memref<4000xf32, #tpu.memory_space<vmem>> -> memref<2528xf32, #tpu.memory_space<vmem>>
    tpu.wait_dma2 semaphore(%arg31 : memref<!tpu.dma_semaphore, #tpu.memory_space<semaphore_mem>>) src(%dma_wait3A_749 : memref<2528xf32, #tpu.memory_space<vmem>>) dst(%dma_wait3A_747 : memref<2528xf32, #tpu.memory_space<hbm>>)
    return
  }
}

module attributes {stable_mosaic.version = 14 : i64} {
  func.func @_combine_body(%arg0: memref<7816x128xf32, #tpu.memory_space<vmem>>, %arg1: memref<7816x128xf32, #tpu.memory_space<vmem>>, %arg2: memref<7816x128xf32, #tpu.memory_space<vmem>>) attributes {dimension_semantics = [], scalar_prefetch = 0 : i64, scratch_operands = 0 : i64, tpu.core_type = #tpu.core_type<tc>} {
    %get3A = arith.constant 0 : index
    %get3A_0 = arith.constant 0 : index
    %get3A_1 = vector.load %arg0[%get3A, %get3A_0] : memref<7816x128xf32, #tpu.memory_space<vmem>>, vector<7816x128xf32>
    %get3A_2 = arith.constant 0 : index
    %get3A_3 = arith.constant 0 : index
    %get3A_4 = vector.load %arg1[%get3A_2, %get3A_3] : memref<7816x128xf32, #tpu.memory_space<vmem>>, vector<7816x128xf32>
    %add3A = arith.addf %get3A_1, %get3A_4 : vector<7816x128xf32>
    %swap3A = arith.constant 0 : index
    %swap3A_5 = arith.constant 0 : index
    %swap3A_6 = vector.load %arg2[%swap3A, %swap3A_5] : memref<7816x128xf32, #tpu.memory_space<vmem>>, vector<7816x128xf32>
    tpu.vector_store %arg2[%swap3A, %swap3A_5], %add3A {strides = array<i32>} : memref<7816x128xf32, #tpu.memory_space<vmem>>, vector<7816x128xf32>,
    return
  }
}

</mosaic_0001>

<sc_bundles>
// kernel: kernel.4.cloned.1.call-start
scs
__scs_entry_jumppad:
0x0: {  	(pc) =	sbr.rel $0x88, $3  }
0x1: {  	(tag) =	ssettag $0x0;
	lr =	simm.s32 $0x1  }
0x2: {  	[smem:$0x3F9C] =	sst lr;
	_ =	strace $0xD0000000  }
0x3: {  	_ = 	snop  }
0x4: {  	_ = 	snop  }
0x5: {  	_ = 	snop  }
0x6: {  	_ = 	snop  }
0x7: {  	_ = 	snop  }
__scs_overlays_trampoline_lowered:
0x8: {  	[smem:$0x3FAB] =	sst s0  }
0x9: {  	[smem:$0x3FAC] =	sst s1  }
0xa: {  	[smem:$0x3FAD] =	sst s2  }
0xb: {  	[smem:$0x3FAE] =	sst s3  }
0xc: {  	[smem:$0x3FAF] =	sst s4  }
0xd: {  	[smem:$0x3FB0] =	sst s5  }
0xe: {  	[smem:$0x3FB1] =	sst s6  }
0xf: {  	[smem:$0x3FB2] =	sst s7  }
0x10: {  	[smem:$0x3FB3] =	sst s8  }
0x11: {  	[smem:$0x3FB4] =	sst s9;
	s0 =	simm.s32 @!p0 $0x0  }
0x12: {  	s1 =	sld [smem:$0x3F9A];
	s0 =	simm.s32 @p0 $0x1  }
0x13: {  	[smem:$0x3FB5] =	sst s0;
	s0 =	simm.s32 @!p1 $0x0  }
0x14: {  	s2 =	sld [smem:$0x3F99];
	s0 =	simm.s32 @p1 $0x1  }
0x15: {  	[smem:$0x3FB6] =	sst s0;
	s0 =	simm.s32 @!p2 $0x0  }
0x16: {  	s3 =	sld [smem:$0x3FDB];
	s0 =	simm.s32 @p2 $0x1  }
0x17: {  	s4 =	simm.s32 $0x1BF5;
	[smem:$0x3FB8] =	sst s0  }
0x18: {  	s0 =	sld [smem:$0x3F9B];
	_ =	swait.ge [sflag:s4], $0x0  }
0x19: {  	s7 =	sld [smem:$0x3F9C]  }
0x1a: {  	s8 =	sadd.s32 $0xFFFFE003, lr  }
0x1b: {  	s9 =	sadd.s32 $0xFFFFFEF7, lr;
	s5 =	simm.s32 $0xFFFFFFFF;
	p2 =	slt.u32 s8, $0xFFFFF086  }
0x1c: {  	p1 =	slt.u32 s9, $0xF7A;
	s5 =	simm.s32 @!p2 $0x0  }
0x1d: {  	s5 =	simm.s32 @p1 $0x1;
	p0 =	seq.s32 s7, s2  }
0x1e: {  	s7 =	smul.u32 @!p0 $0xF7A, s2;
	p2 =	seq.s32 @!p0 s5, $0x0  }
0x1f: {  	s9 =	smul.u32 $0xF7A, s1;
	s8 =	simm.s32 @!p0 $0x1BF5;
	p2 =	por !p2, p0  }
0x20: {  	[sflag:s8] =	ssyncset.s32 @!p0 $0xFFFFF086;
	s6 =	sadd.s32 @!p0 s3, s7;
	s7 =	simm.s32 @!p0 $0x108  }
0x21: {  	s3 =	sadd.s32 s3, s9;
	s6 =	sadd.s32 @!p0 $0x88, s6;
	s7 =	simm.s32 @p2 $0x1082  }
0x22: {  	[simem:s7], [sflag:s8] =	dma.local @!p0 [hbm:s6], $0xF7A  }
0x23: {  	s9 =	sor.u32 $0xD0000000, s2;
	s6 =	simm.s32 $0x108;
	_ =	swait.ge @!p0 [sflag:s8], $0x0  }
0x24: {  	s3 =	sadd.s32 $0x88, s3;
	s6 =	simm.s32 @!p1 $0x1082;
	[sflag:s4] =	ssyncset.s32 $0xFFFFF086  }
0x25: {  	[simem:s6], [sflag:s4] =	dma.local [hbm:s3], $0xF7A  }
0x26: {  	[smem:$0x3F9C] =	sst s1;
	(tag) =	ssettag s2;
	_ =	strace s9  }
0x27: {  	s1 =	sld [smem:$0x3FAC]  }
0x28: {  	s2 =	sld [smem:$0x3FAD]  }
0x29: {  	s4 =	sld [smem:$0x3FAF]  }
0x2a: {  	p0 =	seq.s32 s5, $0x0;
	s5 =	sld [smem:$0x3FB0]  }
0x2b: {  	s6 =	sld [smem:$0x3FB1]  }
0x2c: {  	s7 =	sld [smem:$0x3FB2]  }
0x2d: {  	s3 =	simm.s32 $0x108;
	s8 =	sld [smem:$0x3FB3]  }
0x2e: {  	s3 =	simm.s32 @!p0 $0x1082;
	s9 =	sld [smem:$0x3FB4]  }
0x2f: {  	lr =	sadd.s32 s0, s3;
	s0 =	sld [smem:$0x3FAB]  }
0x30: {  	s3 =	sld [smem:$0x3FAE]  }
0x31: {  	[smem:$0x3FB7] =	sst s10  }
0x32: {  	s10 =	sld [smem:$0x3FB5];
	_ =	sdelay $0x3  }
0x33: {  	p0 =	seq.s32 s10, $0x1;
	s10 =	sld [smem:$0x3FB7];
	_ =	sdelay $0x3  }
0x34: {  	[smem:$0x3FB7] =	sst s10  }
0x35: {  	s10 =	sld [smem:$0x3FB6];
	_ =	sdelay $0x3  }
0x36: {  	p1 =	seq.s32 s10, $0x1;
	s10 =	sld [smem:$0x3FB7];
	_ =	sdelay $0x3  }
0x37: {  	[smem:$0x3FB7] =	sst s10  }
0x38: {  	s10 =	sld [smem:$0x3FB8]  }
0x39: {  	_ = 	snop;
	(pc) =	sbr.ind lr, $3  }
0x3a: {  	_ = 	snop  }
0x3b: {  	_ = 	snop  }
0x3c: {  	p2 =	seq.s32 s10, $0x1;
	s10 =	sld [smem:$0x3FB7]  }
0x3d: {  	_ =	shalt  }
0x3e: {  	_ =	shalt  }
0x3f: {  	_ =	shalt  }
0x40: {  	_ =	shalt  }
0x41: {  	_ =	shalt  }
0x42: {  	_ =	shalt  }
0x43: {  	_ =	shalt  }
0x44: {  	_ =	shalt  }
0x45: {  	_ =	shalt  }
0x46: {  	_ =	shalt  }
0x47: {  	_ =	shalt  }
0x48: {  	_ =	shalt  }
0x49: {  	_ =	shalt  }
0x4a: {  	_ =	shalt  }
0x4b: {  	_ =	shalt  }
0x4c: {  	_ =	shalt  }
0x4d: {  	_ =	shalt  }
0x4e: {  	_ =	shalt  }
0x4f: {  	_ =	shalt  }
0x50: {  	_ =	shalt  }
0x51: {  	_ =	shalt  }
0x52: {  	_ =	shalt  }
0x53: {  	_ =	shalt  }
0x54: {  	_ =	shalt  }
0x55: {  	_ =	shalt  }
0x56: {  	_ =	shalt  }
0x57: {  	_ =	shalt  }
0x58: {  	_ =	shalt  }
0x59: {  	_ =	shalt  }
0x5a: {  	_ =	shalt  }
0x5b: {  	_ =	shalt  }
0x5c: {  	_ =	shalt  }
0x5d: {  	_ =	shalt  }
0x5e: {  	_ =	shalt  }
0x5f: {  	_ =	shalt  }
0x60: {  	_ =	shalt  }
0x61: {  	_ =	shalt  }
0x62: {  	_ =	shalt  }
0x63: {  	_ =	shalt  }
0x64: {  	_ =	shalt  }
0x65: {  	_ =	shalt  }
0x66: {  	_ =	shalt  }
0x67: {  	_ =	shalt  }
0x68: {  	_ =	shalt  }
0x69: {  	_ =	shalt  }
0x6a: {  	_ =	shalt  }
0x6b: {  	_ =	shalt  }
0x6c: {  	_ =	shalt  }
0x6d: {  	_ =	shalt  }
0x6e: {  	_ =	shalt  }
0x6f: {  	_ =	shalt  }
0x70: {  	_ =	shalt  }
0x71: {  	_ =	shalt  }
0x72: {  	_ =	shalt  }
0x73: {  	_ =	shalt  }
0x74: {  	_ =	shalt  }
0x75: {  	_ =	shalt  }
0x76: {  	_ =	shalt  }
0x77: {  	_ =	shalt  }
0x78: {  	_ =	shalt  }
0x79: {  	_ =	shalt  }
0x7a: {  	_ =	shalt  }
0x7b: {  	_ =	shalt  }
0x7c: {  	_ =	shalt  }
0x7d: {  	_ =	shalt  }
0x7e: {  	_ =	shalt  }
0x7f: {  	_ =	shalt  }
0x80: {  	_ =	shalt  }
0x81: {  	_ =	shalt  }
0x82: {  	_ =	shalt  }
0x83: {  	_ =	shalt  }
0x84: {  	_ =	shalt  }
0x85: {  	_ =	shalt  }
0x86: {  	_ =	shalt  }
0x87: {  	_ =	shalt  }
.Lfunc_end0:
.L_simem_size_0:
called_computation_lowered:
.L_overlay_start_0:
0x88: {  	s2 =	sld [smem:$0x3FD9]  }
0x89: {  	s3 =	sld [smem:$0x3FFE];
	_ =	sdelay $0x1  }
0x8a: {  	s1 =	srdreg.scid  }
0x8b: {  	s0 =	sand.u32 $0x1, s1  }
0x8c: {  	s17 =	sshll.u32 s0, $0xA;
	s2 =	sadd.s32 s3, s2  }
0x8d: {  	s2 =	sadd.s32 s2, s17  }
0x8e: {  	[smem:$0x3FC3] =	sst s2  }
0x8f: {  	_ = 	snop  }
0x90: {  	s2 =	sld [smem:$0x3FC9]  }
0x91: {  	s18 =	sld [smem:$0x3FC8]  }
0x92: {  	s4 =	sld [smem:$0x3FC7]  }
0x93: {  	s5 =	sld [smem:$0x3FC6]  }
0x94: {  	s6 =	sld [smem:$0x3FD0];
	(tm) =	ssettm $0x1  }
0x95: {  	s7 =	sld [smem:$0x3FFB];
	_ =	sdelay $0x3  }
0x96: {  	_ =	strace s7  }
0x97: {  	s7 =	sld [smem:$0x3FFC];
	_ =	sdelay $0x3  }
0x98: {  	_ =	strace s7  }
0x99: {  	s7 =	sld [smem:$0x3FFD];
	_ =	sdelay $0x3  }
0x9a: {  	_ =	strace s7  }
0x9b: {  	_ =	strace $0x8FFFFFFF  }
0x9c: {  	s19 =	sld [smem:$0x3FDB];
	_ =	sdelay $0x1  }
0x9d: {  	s8 =	simm.s32 $_scs_section_size  }
0x9e: {  	s9 =	simm.s32 $_size__tile_overlayer_lowered;
	s10 =	simm.s32 $_tile_overlayer_lowered  }
0x9f: {  	s22 =	simm.s32 $0x1BFF;
	s21 =	sshll.u32 s10, $0x1;
	s7 =	sadd.s32 s8, s19  }
0xa0: {  	s11 =	simm.s32 $0x0;
	s20 =	sshll.u32 s9, $0x1;
	s9 =	sadd.s32 s21, s7  }
0xa1: {  	[timem:s11], [sflag:s22] =	dma.local [hbm:s9], s20  }
0xa2: {  	_ =	swait.ge [sflag:s22], s20  }
0xa3: {  	s8 =	ssub.s32 $0x0, s20;
	[sflag:s22] =	ssyncset.done $0x0  }
0xa4: {  	[sflag:s22] =	ssyncadd.s32 s8;
	_ =	sdelay $0x1  }
0xa5: {  	s23 =	simm.s32 $0x1B8B  }
0xa6: {  	_ =	swait.ge [sflag:s23], $0x1  }
0xa7: {  	[sflag:s23] =	ssyncset.done $0x0  }
0xa8: {  	s25 =	simm.s32 $0x1B8E;
	s24 =	sld [smem:$0x3FFE];
	[sflag:s23] =	ssyncadd.s32 $0xFFFFFFFF  }
0xa9: {  	s26 =	simm.s32 $execute0_lowered;
	[smem:$0x3FD2] =	sst s25  }
0xaa: {  	s9 =	sshll.u32 s26, $0x1;
	_ =	strace $0x80000046;
	[dreg:$0x1] =	wrdreg $0xFFFFFFFF  }
0xab: {  	s28 =	simm.s32 $_size_execute0_lowered;
	s7 =	sadd.s32 s7, s9;
	[dreg:$0x0] =	wrdreg $0x0  }
0xac: {  	s9 =	sshll.u32 s28, $0x1;
	[dreg:$0x2] =	wrdreg s7  }
0xad: {  	[dreg:$0x3] =	wrdreg s9  }
0xae: {  	[dreg:$0x4] =	wrdreg $0xC0  }
0xaf: {  	_ =	task [dreg:s11], $0x5FFFF  }
0xb0: {  	[dreg:$0x1] =	wrdreg $0xFFFFFFFF  }
0xb1: {  	[dreg:$0x0] =	wrdreg $0x60  }
0xb2: {  	[dreg:$0x2] =	wrdreg s2  }
0xb3: {  	[dreg:$0x3] =	wrdreg s18  }
0xb4: {  	[dreg:$0x4] =	wrdreg s4  }
0xb5: {  	[dreg:$0x5] =	wrdreg s5  }
0xb6: {  	[dreg:$0x6] =	wrdreg s24  }
0xb7: {  	[dreg:$0x7] =	wrdreg s6  }
0xb8: {  	[dreg:$0x8] =	wrdreg $0x0  }
0xb9: {  	[dreg:$0x9] =	wrdreg $0x9  }
0xba: {  	_ =	task.clear_ibuf [dreg:s11], $0xAFFFF;
	_ =	strace $0x90000046  }
0xbb: {  	s29 =	simm.s32 $0x9;
	_ =	strace $0x80000048  }
0xbc: {  	_ =	swait.ge [sflag:s29], $0x1  }
0xbd: {  	[sflag:s29] =	ssyncadd.s32 $0xFFFFFFFF  }
0xbe: {  	_ =	strace $0x90000048  }
0xbf: {  	_ =	sfence  }
0xc0: {  	s30 =	sld [smem:$0x0];
	_ =	sdelay $0x2  }
0xc1: {  	s31 =	sshll.u32 s1, $0xD;
	s1 =	sshrl.u32 s1, $0x2  }
0xc2: {  	s3 =	sand.u32 $0x4000, s31;
	s1 =	sadd.s32 s1, s30  }
0xc3: {  	s0 =	sor.u32 s3, s0;
	s1 =	sshll.u32 s1, $0x11  }
0xc4: {  	s0 =	sor.u32 s1, s0  }
0xc5: {  	s0 =	sadd.s32 $0x8F2B, s0  }
0xc6: {  	[sflag:s0] =	ssyncadd.remote.s32 $0x1  }
0xc7: {  	_ =	sfence.sel $0xFFFF  }
0xc8: {  	[dreg:$0x0] =	wrdreg $0xFFFFFFFF;
	(pc) =	sbr.abs _section_cstart, $3  }
0xc9: {  	[dreg:$0x1] =	wrdreg $0xFFFFFFFF  }
0xca: {  	_ =	task.clear_ibuf [dreg:s11], $0x2FFFF;
	_ =	strace $0x9FFFFFFF  }
0xcb: {  	(tm) =	ssettm $0x7FFFFFFF  }
tec
execute0_lowered:
.L_overlay_start_1:
0x0: {  	(tag) =	ssettag $0x1  }
0x1: {  	s2 =	rddreg [dreg:$0x4]  }
0x2: {  	s0 =	srdreg.scid;
	s3 =	rddreg [dreg:$0x5]  }
0x3: {  	s1 =	simm.s32 $0x0;
	s28 =	stileid.u32;
	s4 =	sand.u32 $0x1, s0  }
0x4: {  	[smem:$0x7FF] =	sst s1;
	s6 =	smul.u32 $0xF440, s28;
	s25 =	sshll.u32 s28, $0x1  }
0x5: {  	s7 =	sadd.s32 $0xE00, s2;
	s0 =	ssub.s32 $0x2, s4;
	s29 =	sor.u32 s4, s25  }
0x6: {  	p0 =	seq.s32 s4, $0x0;
	s5 =	sshrl.u32 s0, $0x1;
	s8 =	sadd.s32 $0x1F40, s6  }
0x7: {  	s9 =	sadd.s32 $0x2EE0, s6;
	s10 =	sadd.s32 $0x3E80, s6;
	s12 =	sadd.s32 $0x5DC0, s6  }
0x8: {  	s13 =	sadd.s32 $0x6D60, s6;
	s26 =	sshrl.u32 s6, $0x3;
	s7 =	smov.u32 @p0 s3  }
0x9: {  	s14 =	sadd.s32 $0x7D00, s6;
	s16 =	sshrl.u32 s8, $0x3;
	s4 =	sadd.s32 s7, s26  }
0xa: {  	s17 =	sshrl.u32 s9, $0x3;
	[dreg:$0x9] =	wrdreg s4;
	s24 =	sadd.s32 s7, s16  }
0xb: {  	s20 =	sshrl.u32 s10, $0x3;
	s25 =	sadd.s32 s7, s17;
	[dreg:$0xb] =	wrdreg s24  }
0xc: {  	s22 =	sshrl.u32 s12, $0x3;
	s26 =	sadd.s32 s7, s20;
	[dreg:$0xc] =	wrdreg s25  }
0xd: {  	s23 =	sshrl.u32 s13, $0x3;
	s16 =	sadd.s32 s7, s22;
	[dreg:$0xd] =	wrdreg s26  }
0xe: {  	s3 =	sshrl.u32 s14, $0x3;
	s17 =	sadd.s32 s7, s23;
	[dreg:$0xf] =	wrdreg s16  }
0xf: {  	s11 =	sadd.s32 $0x4E20, s6;
	s3 =	sadd.s32 s7, s3;
	[dreg:$0x10] =	wrdreg s17  }
0x10: {  	s0 =	ssub.s32 s0, s5;
	s5 =	sadd.s32 $0xFA0, s6;
	[dreg:$0x11] =	wrdreg s3  }
0x11: {  	s18 =	sadd.s32 $0x8CA0, s6;
	s15 =	sshrl.u32 s5, $0x3;
	s16 =	rddreg [dreg:$0x1]  }
0x12: {  	s20 =	sshrl.u32 s18, $0x3;
	s15 =	sadd.s32 s7, s15;
	s17 =	rddreg [dreg:$0x2]  }
0x13: {  	s21 =	sshrl.u32 s11, $0x3;
	s4 =	sadd.s32 s7, s20;
	[dreg:$0xa] =	wrdreg s15  }
0x14: {  	s19 =	sadd.s32 $0x9C40, s6;
	s15 =	sadd.s32 s7, s21;
	[dreg:$0x12] =	wrdreg s4  }
0x15: {  	s3 =	sadd.s32 $0xABE0, s6;
	s20 =	sadd.s32 $0xCB20, s6;
	[dreg:$0xe] =	wrdreg s15  }
0x16: {  	s21 =	sshrl.u32 s19, $0x3;
	s22 =	sshrl.u32 s3, $0x3;
	s15 =	rddreg [dreg:$0x0]  }
0x17: {  	s4 =	sadd.s32 s7, s21;
	s23 =	sadd.s32 s7, s22;
	s22 =	rddreg [dreg:$0x6]  }
0x18: {  	s25 =	sshrl.u32 s20, $0x3;
	[dreg:$0x13] =	wrdreg s4;
	s4 =	sadd.s32 $0xBB80, s6  }
0x19: {  	s26 =	sadd.s32 s7, s25;
	[dreg:$0x14] =	wrdreg s23;
	s24 =	sshrl.u32 s4, $0x3  }
0x1a: {  	[dreg:$0x16] =	wrdreg s26;
	s23 =	sadd.s32 $0xDAC0, s6;
	s21 =	sadd.s32 s7, s24  }
0x1b: {  	s25 =	sshrl.u32 s23, $0x3;
	s24 =	sadd.s32 $0xEA60, s6;
	[dreg:$0x15] =	wrdreg s21  }
0x1c: {  	s25 =	sadd.s32 s7, s25;
	s21 =	rddreg [dreg:$0x3];
	s26 =	sshrl.u32 s24, $0x3  }
0x1d: {  	[dreg:$0x17] =	wrdreg s25;
	s7 =	sadd.s32 s7, s26  }
0x1e: {  	s2 =	sadd.s32 $0xC00, s2;
	[dreg:$0x18] =	wrdreg s7  }
0x1f: {  	s9 =	sadd.s32 s9, s22;
	_ =	strace $0x80000047;
	[dreg:$0x19] =	wrdreg s2  }
0x20: {  	s26 =	sadd.s32 s10, s22;
	[dreg:$0x1d] =	wrdreg s9  }
0x21: {  	s7 =	sadd.s32 s11, s22;
	[dreg:$0x1e] =	wrdreg s26  }
0x22: {  	s25 =	sadd.s32 s8, s22;
	s8 =	sadd.s32 s14, s22;
	[dreg:$0x1f] =	wrdreg s7  }
0x23: {  	s11 =	sadd.s32 s19, s22;
	[smem:$0x7D2] =	sst s8  }
0x24: {  	s3 =	sadd.s32 s3, s22;
	[smem:$0x7D4] =	sst s11  }
0x25: {  	s4 =	sadd.s32 s4, s22;
	[smem:$0x7D5] =	sst s3  }
0x26: {  	s0 =	smax.u32 s0, $0x1;
	[smem:$0x7D6] =	sst s4  }
0x27: {  	[smem:$0x7F8] =	sst s0  }
0x28: {  	s6 =	sadd.s32 s6, s22;
	[dreg:$0x8] =	wrdreg s29  }
0x29: {  	s5 =	sadd.s32 s5, s22;
	[dreg:$0x1a] =	wrdreg s6  }
0x2a: {  	[dreg:$0x1b] =	wrdreg s5  }
0x2b: {  	s12 =	sadd.s32 s12, s22;
	[dreg:$0x1c] =	wrdreg s25  }
0x2c: {  	s13 =	sadd.s32 s13, s22;
	[smem:$0x7FA] =	sst s12  }
0x2d: {  	s20 =	sadd.s32 s20, s22;
	[smem:$0x7FB] =	sst s13  }
0x2e: {  	s23 =	sadd.s32 s23, s22;
	[smem:$0x7FC] =	sst s20  }
0x2f: {  	s10 =	smul.u32 $0x1F4, s29;
	s9 =	sadd.s32 s18, s22;
	[smem:$0x7FD] =	sst s23  }
0x30: {  	s18 =	sadd.s32 s24, s22;
	[smem:$0x7D3] =	sst s9  }
0x31: {  	s19 =	sadd.s32 s15, s10;
	[smem:$0x7D7] =	sst s18  }
0x32: {  	s14 =	smul.u32 $0xFA0, s29;
	s24 =	sadd.s32 s16, s10;
	[smem:$0x7D8] =	sst s19  }
0x33: {  	s26 =	sadd.s32 s17, s10;
	[smem:$0x7D9] =	sst s24  }
0x34: {  	s3 =	sshrl.u32 s14, $0x3;
	s2 =	sadd.s32 s21, s10;
	[smem:$0x7DA] =	sst s26  }
0x35: {  	s29 =	sor.u32 $0x80, s29;
	s7 =	sadd.s32 $0x3E80, s3;
	[smem:$0x7DB] =	sst s2  }
0x36: {  	[smem:$0x7F9] =	sst s29;
	s8 =	sadd.s32 s15, s7  }
0x37: {  	s9 =	sadd.s32 s16, s7;
	[smem:$0x7DC] =	sst s8  }
0x38: {  	s10 =	sadd.s32 s17, s7;
	[smem:$0x7DD] =	sst s9  }
0x39: {  	s14 =	sadd.s32 $0x7D00, s3;
	s11 =	sadd.s32 s21, s7;
	[smem:$0x7DE] =	sst s10  }
0x3a: {  	s18 =	sadd.s32 s15, s14;
	[smem:$0x7DF] =	sst s11  }
0x3b: {  	s19 =	sadd.s32 s16, s14;
	[smem:$0x7E0] =	sst s18  }
0x3c: {  	s26 =	sadd.s32 s17, s14;
	[smem:$0x7E1] =	sst s19  }
0x3d: {  	s24 =	sadd.s32 $0xBB80, s3;
	s2 =	sadd.s32 s21, s14;
	[smem:$0x7E2] =	sst s26  }
0x3e: {  	s4 =	sadd.s32 s21, s24;
	[smem:$0x7E3] =	sst s2  }
0x3f: {  	s8 =	sadd.s32 s15, s24;
	[smem:$0x7E7] =	sst s4  }
0x40: {  	s9 =	sadd.s32 s16, s24;
	[smem:$0x7E4] =	sst s8  }
0x41: {  	s10 =	sadd.s32 s17, s24;
	s11 =	sadd.s32 $0xFA00, s3;
	[smem:$0x7E5] =	sst s9  }
0x42: {  	[smem:$0x7E6] =	sst s10;
	s14 =	sadd.s32 s15, s11  }
0x43: {  	s18 =	sadd.s32 s16, s11;
	[smem:$0x7E8] =	sst s14  }
0x44: {  	s19 =	sadd.s32 s17, s11;
	[smem:$0x7E9] =	sst s18  }
0x45: {  	s24 =	sadd.s32 $0x71480, s3;
	s2 =	sadd.s32 s21, s11;
	[smem:$0x7EA] =	sst s19  }
0x46: {  	s26 =	sadd.s32 s15, s24;
	[smem:$0x7EB] =	sst s2  }
0x47: {  	s30 =	simm.s32 $0xFA0;
	s7 =	sadd.s32 s16, s24;
	[smem:$0x7EC] =	sst s26  }
0x48: {  	s31 =	simm.s32 $0x11440;
	s8 =	sadd.s32 s17, s24;
	[smem:$0x7ED] =	sst s7  }
0x49: {  	s9 =	sadd.s32 $0x75300, s3;
	[smem:$0x7EE] =	sst s8;
	s2 =	sadd.s32 s21, s24  }
0x4a: {  	p0 =	sgt.u32 s28, $0x3;
	s10 =	sadd.s32 s15, s9;
	[smem:$0x7EF] =	sst s2  }
0x4b: {  	s28 =	simm.s32 $0x0;
	s11 =	sadd.s32 s16, s9;
	[smem:$0x7F0] =	sst s10  }
0x4c: {  	s3 =	sadd.s32 $0x79180, s3;
	s14 =	sadd.s32 s17, s9;
	[smem:$0x7F1] =	sst s11  }
0x4d: {  	s4 =	simm.s32 $0x2;
	s18 =	sadd.s32 s15, s3;
	[smem:$0x7F2] =	sst s14  }
0x4e: {  	s19 =	sadd.s32 s16, s3;
	s24 =	sadd.s32 s17, s3;
	[smem:$0x7F4] =	sst s18  }
0x4f: {  	s26 =	sadd.s32 s21, s3;
	s3 =	simm.s32 $0x9;
	[smem:$0x7F5] =	sst s19  }
.Ltmp0:
0x50: {  	s7 =	simm.s32 $0x6;
	[smem:$0x7F6] =	sst s24;
	(pc) =	sbr.rel .LBB2_1-.Ltmp0, $4  }
0x51: {  	s8 =	simm.s32 $0x7;
	s2 =	sadd.s32 s21, s9;
	[smem:$0x7F7] =	sst s26  }
0x52: {  	s14 =	simm.s32 $0x13440;
	s19 =	simm.s32 $0x1;
	s26 =	simm.s32 $0x14440  }
0x53: {  	s18 =	simm.s32 $0x15440;
	s9 =	simm.s32 $0x3;
	s10 =	simm.s32 $0x5  }
0x54: {  	v0 =	vimm.f32 $0.0e+00;
	s11 =	simm.s32 $0x4;
	s24 =	simm.s32 $0x8;
	[smem:$0x7F3] =	sst s2  }
.LBB2_50:
0x55: {  	s13 =	sld [smem:$0x7FB]  }
0x56: {  	s0 =	simm.s32 $0x7;
	s20 =	sld [smem:$0x7FC]  }
0x57: {  	s2 =	simm.s32 $0x6;
	s3 =	simm.s32 $0x9;
	s28 =	sld [smem:$0x7D1]  }
.LBB2_56:
0x58: {  	_ =	swait.ge [sflag:s2], $0xFA0  }
0x59: {  	[sflag:s2] =	ssyncset.done $0x0  }
0x5a: {  	[sflag:s2] =	ssyncadd.s32 $0xFFFFF060  }
0x5b: {  	_ =	swait.ge [sflag:s0], $0xFA0  }
0x5c: {  	[sflag:s0] =	ssyncset.done $0x0  }
0x5d: {  	[sflag:s0] =	ssyncadd.s32 $0xFFFFF060  }
0x5e: {  	[bflag:$0x0] =	sbarrier.arrive $0xFFFF  }
0x5f: {  	s6 =	rddreg [dreg:$0x1a]  }
0x60: {  	[tilespmem:s14], [sflag:$0x9] =	stream.linear.gather [spmem:s6], $0xFA0, $0x38;
	[tilespmem:$0x1F4C0] =	vst v63  }
0x61: {  	_ =	swait.ge [sflag:s3], $0xFA0  }
0x62: {  	[sflag:s3] =	ssyncset.done $0x0  }
0x63: {  	s23 =	rddreg [dreg:$0x9];
	[sflag:s3] =	ssyncadd.s32 $0xFFFFF060  }
0x64: {  	[hbm4b:s23+s1] =	stream.linear.scatter [tilespmem:s14], [sflag:$0x5], $0xFA0, $0x38;
	[tilespmem:$0x1F4C0] =	vst v63  }
0x65: {  	s5 =	rddreg [dreg:$0x1b]  }
0x66: {  	[tilespmem:s26], [sflag:$0x9] =	stream.linear.gather [spmem:s5], $0xFA0, $0x38;
	[tilespmem:$0x1F4C0] =	vst v63  }
0x67: {  	_ =	swait.ge [sflag:s3], $0xFA0  }
0x68: {  	[sflag:s3] =	ssyncset.done $0x0  }
0x69: {  	[sflag:s3] =	ssyncadd.s32 $0xFFFFF060  }
0x6a: {  	_ =	swait.ge [sflag:s10], $0xFA0  }
0x6b: {  	[sflag:s10] =	ssyncset.done $0x0  }
0x6c: {  	s29 =	rddreg [dreg:$0xa];
	[sflag:s10] =	ssyncadd.s32 $0xFFFFF060  }
0x6d: {  	[hbm4b:s29+s1] =	stream.linear.scatter [tilespmem:s26], [sflag:$0x5], $0xFA0, $0x38;
	[tilespmem:$0x1F4C0] =	vst v63  }
0x6e: {  	_ = 	snop  }
0x6f: {  	[tilespmem:s14], [sflag:$0x9] =	stream.linear.gather [spmem:s25], $0xFA0, $0x38;
	[tilespmem:$0x1F4C0] =	vst v63  }
0x70: {  	_ =	swait.ge [sflag:s3], $0xFA0  }
0x71: {  	[sflag:s3] =	ssyncset.done $0x0  }
0x72: {  	[sflag:s3] =	ssyncadd.s32 $0xFFFFF060  }
0x73: {  	_ =	swait.ge [sflag:s10], $0xFA0  }
0x74: {  	[sflag:s10] =	ssyncset.done $0x0  }
0x75: {  	s2 =	rddreg [dreg:$0xb];
	[sflag:s10] =	ssyncadd.s32 $0xFFFFF060  }
0x76: {  	[hbm4b:s2+s1] =	stream.linear.scatter [tilespmem:s14], [sflag:$0x5], $0xFA0, $0x38;
	[tilespmem:$0x1F4C0] =	vst v63  }
0x77: {  	s12 =	rddreg [dreg:$0x1d]  }
0x78: {  	[tilespmem:s26], [sflag:$0x9] =	stream.linear.gather [spmem:s12], $0xFA0, $0x38;
	[tilespmem:$0x1F4C0] =	vst v63  }
0x79: {  	_ =	swait.ge [sflag:s3], $0xFA0  }
0x7a: {  	[sflag:s3] =	ssyncset.done $0x0  }
0x7b: {  	[sflag:s3] =	ssyncadd.s32 $0xFFFFF060  }
0x7c: {  	_ =	swait.ge [sflag:s10], $0xFA0  }
0x7d: {  	[sflag:s10] =	ssyncset.done $0x0  }
0x7e: {  	s23 =	rddreg [dreg:$0xc];
	[sflag:s10] =	ssyncadd.s32 $0xFFFFF060  }
0x7f: {  	[hbm4b:s23+s1] =	stream.linear.scatter [tilespmem:s26], [sflag:$0x5], $0xFA0, $0x38;
	[tilespmem:$0x1F4C0] =	vst v63  }
0x80: {  	s29 =	rddreg [dreg:$0x1e]  }
0x81: {  	[tilespmem:s14], [sflag:$0x9] =	stream.linear.gather [spmem:s29], $0xFA0, $0x38;
	[tilespmem:$0x1F4C0] =	vst v63  }
0x82: {  	_ =	swait.ge [sflag:s3], $0xFA0  }
0x83: {  	[sflag:s3] =	ssyncset.done $0x0  }
0x84: {  	[sflag:s3] =	ssyncadd.s32 $0xFFFFF060  }
0x85: {  	_ =	swait.ge [sflag:s10], $0xFA0  }
0x86: {  	[sflag:s10] =	ssyncset.done $0x0  }
0x87: {  	s2 =	rddreg [dreg:$0xd];
	[sflag:s10] =	ssyncadd.s32 $0xFFFFF060  }
0x88: {  	[hbm4b:s2+s1] =	stream.linear.scatter [tilespmem:s14], [sflag:$0x5], $0xFA0, $0x38;
	[tilespmem:$0x1F4C0] =	vst v63  }
0x89: {  	s12 =	rddreg [dreg:$0x1f]  }
0x8a: {  	[tilespmem:s26], [sflag:$0x9] =	stream.linear.gather [spmem:s12], $0xFA0, $0x38;
	[tilespmem:$0x1F4C0] =	vst v63  }
0x8b: {  	_ =	swait.ge [sflag:s3], $0xFA0  }
0x8c: {  	[sflag:s3] =	ssyncset.done $0x0  }
0x8d: {  	[sflag:s3] =	ssyncadd.s32 $0xFFFFF060  }
0x8e: {  	_ =	swait.ge [sflag:s10], $0xFA0  }
0x8f: {  	[sflag:s10] =	ssyncset.done $0x0;
	s23 =	rddreg [dreg:$0xe]  }
0x90: {  	s12 =	sld [smem:$0x7FA];
	[sflag:s10] =	ssyncadd.s32 $0xFFFFF060  }
0x91: {  	[hbm4b:s23+s1] =	stream.linear.scatter [tilespmem:s26], [sflag:$0x5], $0xFA0, $0x38;
	[tilespmem:$0x1F4C0] =	vst v63  }
0x92: {  	_ = 	snop  }
0x93: {  	[tilespmem:s14], [sflag:$0x9] =	stream.linear.gather [spmem:s12], $0xFA0, $0x38;
	[tilespmem:$0x1F4C0] =	vst v63  }
0x94: {  	_ =	swait.ge [sflag:s3], $0xFA0  }
0x95: {  	[sflag:s3] =	ssyncset.done $0x0  }
0x96: {  	[sflag:s3] =	ssyncadd.s32 $0xFFFFF060  }
0x97: {  	_ =	swait.ge [sflag:s10], $0xFA0  }
0x98: {  	[sflag:s10] =	ssyncset.done $0x0  }
0x99: {  	s29 =	rddreg [dreg:$0xf];
	[sflag:s10] =	ssyncadd.s32 $0xFFFFF060  }
0x9a: {  	[hbm4b:s29+s1] =	stream.linear.scatter [tilespmem:s14], [sflag:$0x5], $0xFA0, $0x38;
	[tilespmem:$0x1F4C0] =	vst v63  }
0x9b: {  	_ = 	snop  }
0x9c: {  	[tilespmem:s26], [sflag:$0x9] =	stream.linear.gather [spmem:s13], $0xFA0, $0x38;
	[tilespmem:$0x1F4C0] =	vst v63  }
0x9d: {  	_ =	swait.ge [sflag:s3], $0xFA0  }
0x9e: {  	[sflag:s3] =	ssyncset.done $0x0  }
0x9f: {  	[sflag:s3] =	ssyncadd.s32 $0xFFFFF060  }
0xa0: {  	_ =	swait.ge [sflag:s10], $0xFA0  }
0xa1: {  	[sflag:s10] =	ssyncset.done $0x0;
	s2 =	rddreg [dreg:$0x10]  }
0xa2: {  	s23 =	sld [smem:$0x7D2];
	[sflag:s10] =	ssyncadd.s32 $0xFFFFF060  }
0xa3: {  	[hbm4b:s2+s1] =	stream.linear.scatter [tilespmem:s26], [sflag:$0x5], $0xFA0, $0x38;
	[tilespmem:$0x1F4C0] =	vst v63  }
0xa4: {  	_ = 	snop  }
0xa5: {  	[tilespmem:s14], [sflag:$0x9] =	stream.linear.gather [spmem:s23], $0xFA0, $0x38;
	[tilespmem:$0x1F4C0] =	vst v63  }
0xa6: {  	_ =	swait.ge [sflag:s3], $0xFA0  }
0xa7: {  	[sflag:s3] =	ssyncset.done $0x0  }
0xa8: {  	[sflag:s3] =	ssyncadd.s32 $0xFFFFF060  }
0xa9: {  	_ =	swait.ge [sflag:s10], $0xFA0  }
0xaa: {  	[sflag:s10] =	ssyncset.done $0x0;
	s29 =	rddreg [dreg:$0x11]  }
0xab: {  	s2 =	sld [smem:$0x7D3];
	[sflag:s10] =	ssyncadd.s32 $0xFFFFF060  }
0xac: {  	[hbm4b:s29+s1] =	stream.linear.scatter [tilespmem:s14], [sflag:$0x5], $0xFA0, $0x38;
	[tilespmem:$0x1F4C0] =	vst v63  }
0xad: {  	_ = 	snop  }
0xae: {  	[tilespmem:s26], [sflag:$0x9] =	stream.linear.gather [spmem:s2], $0xFA0, $0x38;
	[tilespmem:$0x1F4C0] =	vst v63  }
0xaf: {  	_ =	swait.ge [sflag:s3], $0xFA0  }
0xb0: {  	[sflag:s3] =	ssyncset.done $0x0  }
0xb1: {  	[sflag:s3] =	ssyncadd.s32 $0xFFFFF060  }
0xb2: {  	_ =	swait.ge [sflag:s10], $0xFA0  }
0xb3: {  	[sflag:s10] =	ssyncset.done $0x0;
	s23 =	rddreg [dreg:$0x12]  }
0xb4: {  	s29 =	sld [smem:$0x7D4];
	[sflag:s10] =	ssyncadd.s32 $0xFFFFF060  }
0xb5: {  	[hbm4b:s23+s1] =	stream.linear.scatter [tilespmem:s26], [sflag:$0x5], $0xFA0, $0x38;
	[tilespmem:$0x1F4C0] =	vst v63  }
0xb6: {  	_ = 	snop  }
0xb7: {  	[tilespmem:s14], [sflag:$0x9] =	stream.linear.gather [spmem:s29], $0xFA0, $0x38;
	[tilespmem:$0x1F4C0] =	vst v63  }
0xb8: {  	_ =	swait.ge [sflag:s3], $0xFA0  }
0xb9: {  	[sflag:s3] =	ssyncset.done $0x0  }
0xba: {  	[sflag:s3] =	ssyncadd.s32 $0xFFFFF060  }
0xbb: {  	_ =	swait.ge [sflag:s10], $0xFA0  }
0xbc: {  	[sflag:s10] =	ssyncset.done $0x0;
	s2 =	rddreg [dreg:$0x13]  }
0xbd: {  	s23 =	sld [smem:$0x7D5];
	[sflag:s10] =	ssyncadd.s32 $0xFFFFF060  }
0xbe: {  	[hbm4b:s2+s1] =	stream.linear.scatter [tilespmem:s14], [sflag:$0x5], $0xFA0, $0x38;
	[tilespmem:$0x1F4C0] =	vst v63  }
0xbf: {  	_ = 	snop  }
0xc0: {  	[tilespmem:s26], [sflag:$0x9] =	stream.linear.gather [spmem:s23], $0xFA0, $0x38;
	[tilespmem:$0x1F4C0] =	vst v63  }
0xc1: {  	_ =	swait.ge [sflag:s3], $0xFA0  }
0xc2: {  	[sflag:s3] =	ssyncset.done $0x0  }
0xc3: {  	[sflag:s3] =	ssyncadd.s32 $0xFFFFF060  }
0xc4: {  	_ =	swait.ge [sflag:s10], $0xFA0  }
0xc5: {  	[sflag:s10] =	ssyncset.done $0x0;
	s29 =	rddreg [dreg:$0x14]  }
0xc6: {  	s2 =	sld [smem:$0x7D6];
	[sflag:s10] =	ssyncadd.s32 $0xFFFFF060  }
0xc7: {  	[hbm4b:s29+s1] =	stream.linear.scatter [tilespmem:s26], [sflag:$0x5], $0xFA0, $0x38;
	[tilespmem:$0x1F4C0] =	vst v63  }
0xc8: {  	_ = 	snop  }
0xc9: {  	[tilespmem:s14], [sflag:$0x9] =	stream.linear.gather [spmem:s2], $0xFA0, $0x38;
	[tilespmem:$0x1F4C0] =	vst v63  }
0xca: {  	_ =	swait.ge [sflag:s3], $0xFA0  }
0xcb: {  	[sflag:s3] =	ssyncset.done $0x0  }
0xcc: {  	[sflag:s3] =	ssyncadd.s32 $0xFFFFF060  }
0xcd: {  	_ =	swait.ge [sflag:s10], $0xFA0  }
0xce: {  	[sflag:s10] =	ssyncset.done $0x0  }
0xcf: {  	s23 =	rddreg [dreg:$0x15];
	[sflag:s10] =	ssyncadd.s32 $0xFFFFF060  }
0xd0: {  	[hbm4b:s23+s1] =	stream.linear.scatter [tilespmem:s14], [sflag:$0x5], $0xFA0, $0x38;
	[tilespmem:$0x1F4C0] =	vst v63  }
0xd1: {  	_ = 	snop  }
0xd2: {  	[tilespmem:s26], [sflag:$0x9] =	stream.linear.gather [spmem:s20], $0xFA0, $0x38;
	[tilespmem:$0x1F4C0] =	vst v63  }
0xd3: {  	_ =	swait.ge [sflag:s3], $0xFA0  }
0xd4: {  	[sflag:s3] =	ssyncset.done $0x0  }
0xd5: {  	[sflag:s3] =	ssyncadd.s32 $0xFFFFF060  }
0xd6: {  	_ =	swait.ge [sflag:s10], $0xFA0  }
0xd7: {  	[sflag:s10] =	ssyncset.done $0x0;
	s29 =	rddreg [dreg:$0x16]  }
0xd8: {  	s23 =	sld [smem:$0x7FD];
	[sflag:s10] =	ssyncadd.s32 $0xFFFFF060  }
0xd9: {  	[hbm4b:s29+s1] =	stream.linear.scatter [tilespmem:s26], [sflag:$0x5], $0xFA0, $0x38;
	[tilespmem:$0x1F4C0] =	vst v63  }
0xda: {  	_ = 	snop  }
0xdb: {  	[tilespmem:s14], [sflag:$0x9] =	stream.linear.gather [spmem:s23], $0xFA0, $0x38;
	[tilespmem:$0x1F4C0] =	vst v63  }
0xdc: {  	_ =	swait.ge [sflag:s3], $0xFA0  }
0xdd: {  	[sflag:s3] =	ssyncset.done $0x0  }
0xde: {  	[sflag:s3] =	ssyncadd.s32 $0xFFFFF060  }
0xdf: {  	_ =	swait.ge [sflag:s10], $0xFA0  }
0xe0: {  	[sflag:s10] =	ssyncset.done $0x0;
	s2 =	rddreg [dreg:$0x17]  }
0xe1: {  	s29 =	sld [smem:$0x7D7];
	[sflag:s10] =	ssyncadd.s32 $0xFFFFF060  }
0xe2: {  	[hbm4b:s2+s1] =	stream.linear.scatter [tilespmem:s14], [sflag:$0x5], $0xFA0, $0x38;
	[tilespmem:$0x1F4C0] =	vst v63  }
0xe3: {  	_ = 	snop  }
0xe4: {  	[tilespmem:s26], [sflag:$0x9] =	stream.linear.gather [spmem:s29], $0x9E0, $0x38;
	[tilespmem:$0x1F4C0] =	vst v63  }
0xe5: {  	_ =	swait.ge [sflag:s3], $0x9E0  }
0xe6: {  	[sflag:s3] =	ssyncset.done $0x0  }
0xe7: {  	[sflag:s3] =	ssyncadd.s32 $0xFFFFF620  }
0xe8: {  	_ =	swait.ge [sflag:s10], $0xFA0  }
0xe9: {  	[sflag:s10] =	ssyncset.done $0x0  }
0xea: {  	s2 =	rddreg [dreg:$0x18];
	[sflag:s10] =	ssyncadd.s32 $0xFFFFF060  }
0xeb: {  	[hbm4b:s2+s1] =	stream.linear.scatter [tilespmem:s26], [sflag:$0x5], $0x9E0, $0x38;
	[tilespmem:$0x1F4C0] =	vst v63  }
0xec: {  	_ =	swait.ge [sflag:s10], $0x9E0  }
0xed: {  	s29 =	sld [smem:$0x7F8];
	_ =	sdelay $0x1  }
0xee: {  	s28 =	sadd.s32 $0x1, s28  }
0xef: {  	p1 =	sne.s32 s28, s29  }
.Ltmp1:
0xf0: {  	_ = 	snop;
	(pc) =	sbr.rel @!p1 .LBB2_57-.Ltmp1, $3  }
0xf1: {  	_ =	sdelay $0x1  }
0xf2: {  	[sflag:s10] =	ssyncset.done $0x0  }
0xf3: {  	[sflag:s10] =	ssyncadd.s32 $0xFFFFF620  }
.LBB2_1:
0xf4: {  	[smem:$0x7D1] =	sst s28  }
0xf5: {  	s0 =	simm.s32 $0x0;
	s2 =	simm.s32 $0x13440;
	[tilespmem:s14+$0x0] =	vst v0  }
.LBB2_2:
0xf6: {  	s0 =	sadd.s32 $0x10, s0  }
0xf7: {  	p1 =	slt.u32 s0, $0xF90  }
.Ltmp2:
0xf8: {  	_ = 	snop;
	(pc) =	sbr.rel @p1 .LBB2_2-.Ltmp2, $3  }
0xf9: {  	_ =	sdelay $0x1  }
0xfa: {  	s2 =	sadd.s32 $0x10, s2  }
0xfb: {  	[tilespmem:s2+$0x0] =	vst v0  }
0xfc: {  	[spmem:s6] =	stream.linear.scatter [tilespmem:s14], [sflag:$0x1], $0xFA0, $0x38;
	[tilespmem:$0x1F4C0] =	vst v63  }
0xfd: {  	_ = 	snop  }
0xfe: {  	[spmem:s5] =	stream.linear.scatter [tilespmem:s14], [sflag:$0x1], $0xFA0, $0x38;
	[tilespmem:$0x1F4C0] =	vst v63  }
0xff: {  	_ = 	snop  }
0x100: {  	[spmem:s25] =	stream.linear.scatter [tilespmem:s14], [sflag:$0x1], $0xFA0, $0x38;
	[tilespmem:$0x1F4C0] =	vst v63  }
0x101: {  	s0 =	rddreg [dreg:$0x1d]  }
0x102: {  	[spmem:s0] =	stream.linear.scatter [tilespmem:s14], [sflag:$0x1], $0xFA0, $0x38;
	[tilespmem:$0x1F4C0] =	vst v63  }
0x103: {  	s6 =	rddreg [dreg:$0x1e]  }
0x104: {  	[spmem:s6] =	stream.linear.scatter [tilespmem:s14], [sflag:$0x1], $0xFA0, $0x38;
	[tilespmem:$0x1F4C0] =	vst v63  }
0x105: {  	s25 =	rddreg [dreg:$0x1f]  }
0x106: {  	[spmem:s25] =	stream.linear.scatter [tilespmem:s14], [sflag:$0x1], $0xFA0, $0x38;
	[tilespmem:$0x1F4C0] =	vst v63  }
0x107: {  	_ = 	snop  }
0x108: {  	[spmem:s12] =	stream.linear.scatter [tilespmem:s14], [sflag:$0x1], $0xFA0, $0x38;
	[tilespmem:$0x1F4C0] =	vst v63  }
0x109: {  	s2 =	sld [smem:$0x7D2]  }
0x10a: {  	[spmem:s13] =	stream.linear.scatter [tilespmem:s14], [sflag:$0x1], $0xFA0, $0x38;
	[tilespmem:$0x1F4C0] =	vst v63  }
0x10b: {  	s5 =	sld [smem:$0x7D3]  }
0x10c: {  	[spmem:s2] =	stream.linear.scatter [tilespmem:s14], [sflag:$0x1], $0xFA0, $0x38;
	[tilespmem:$0x1F4C0] =	vst v63  }
0x10d: {  	s6 =	sld [smem:$0x7D4]  }
0x10e: {  	[spmem:s5] =	stream.linear.scatter [tilespmem:s14], [sflag:$0x1], $0xFA0, $0x38;
	[tilespmem:$0x1F4C0] =	vst v63  }
0x10f: {  	s12 =	sld [smem:$0x7D5]  }
0x110: {  	[spmem:s6] =	stream.linear.scatter [tilespmem:s14], [sflag:$0x1], $0xFA0, $0x38;
	[tilespmem:$0x1F4C0] =	vst v63  }
0x111: {  	s13 =	sld [smem:$0x7D6]  }
0x112: {  	[spmem:s12] =	stream.linear.scatter [tilespmem:s14], [sflag:$0x1], $0xFA0, $0x38;
	[tilespmem:$0x1F4C0] =	vst v63  }
0x113: {  	_ = 	snop  }
0x114: {  	[spmem:s13] =	stream.linear.scatter [tilespmem:s14], [sflag:$0x1], $0xFA0, $0x38;
	[tilespmem:$0x1F4C0] =	vst v63  }
0x115: {  	_ = 	snop  }
0x116: {  	[spmem:s20] =	stream.linear.scatter [tilespmem:s14], [sflag:$0x1], $0xFA0, $0x38;
	[tilespmem:$0x1F4C0] =	vst v63  }
0x117: {  	_ = 	snop  }
0x118: {  	[spmem:s23] =	stream.linear.scatter [tilespmem:s14], [sflag:$0x1], $0xFA0, $0x38;
	[tilespmem:$0x1F4C0] =	vst v63  }
0x119: {  	s23 =	sld [smem:$0x7D7];
	_ =	sdelay $0x2  }
0x11a: {  	[spmem:s23] =	stream.linear.scatter [tilespmem:s14], [sflag:$0x1], $0x9E0, $0x38;
	[tilespmem:$0x1F4C0] =	vst v63  }
0x11b: {  	_ =	swait.ge [sflag:s19], $0xFA0  }
0x11c: {  	[sflag:s19] =	ssyncset.done $0x0  }
0x11d: {  	[sflag:s19] =	ssyncadd.s32 $0xFFFFF060  }
0x11e: {  	_ =	swait.ge [sflag:s19], $0xFA0  }
0x11f: {  	[sflag:s19] =	ssyncset.done $0x0  }
0x120: {  	[sflag:s19] =	ssyncadd.s32 $0xFFFFF060  }
0x121: {  	_ =	swait.ge [sflag:s19], $0xFA0  }
0x122: {  	[sflag:s19] =	ssyncset.done $0x0  }
0x123: {  	[sflag:s19] =	ssyncadd.s32 $0xFFFFF060  }
0x124: {  	_ =	swait.ge [sflag:s19], $0xFA0  }
0x125: {  	[sflag:s19] =	ssyncset.done $0x0  }
0x126: {  	[sflag:s19] =	ssyncadd.s32 $0xFFFFF060  }
0x127: {  	_ =	swait.ge [sflag:s19], $0xFA0  }
0x128: {  	[sflag:s19] =	ssyncset.done $0x0  }
0x129: {  	[sflag:s19] =	ssyncadd.s32 $0xFFFFF060  }
0x12a: {  	_ =	swait.ge [sflag:s19], $0xFA0  }
0x12b: {  	[sflag:s19] =	ssyncset.done $0x0  }
0x12c: {  	[sflag:s19] =	ssyncadd.s32 $0xFFFFF060  }
0x12d: {  	_ =	swait.ge [sflag:s19], $0xFA0  }
0x12e: {  	[sflag:s19] =	ssyncset.done $0x0  }
0x12f: {  	[sflag:s19] =	ssyncadd.s32 $0xFFFFF060  }
0x130: {  	_ =	swait.ge [sflag:s19], $0xFA0  }
0x131: {  	[sflag:s19] =	ssyncset.done $0x0  }
0x132: {  	[sflag:s19] =	ssyncadd.s32 $0xFFFFF060  }
0x133: {  	_ =	swait.ge [sflag:s19], $0xFA0  }
0x134: {  	[sflag:s19] =	ssyncset.done $0x0  }
0x135: {  	[sflag:s19] =	ssyncadd.s32 $0xFFFFF060  }
0x136: {  	_ =	swait.ge [sflag:s19], $0xFA0  }
0x137: {  	[sflag:s19] =	ssyncset.done $0x0  }
0x138: {  	[sflag:s19] =	ssyncadd.s32 $0xFFFFF060  }
0x139: {  	_ =	swait.ge [sflag:s19], $0xFA0  }
0x13a: {  	[sflag:s19] =	ssyncset.done $0x0  }
0x13b: {  	[sflag:s19] =	ssyncadd.s32 $0xFFFFF060  }
0x13c: {  	_ =	swait.ge [sflag:s19], $0xFA0  }
0x13d: {  	[sflag:s19] =	ssyncset.done $0x0  }
0x13e: {  	[sflag:s19] =	ssyncadd.s32 $0xFFFFF060  }
0x13f: {  	_ =	swait.ge [sflag:s19], $0xFA0  }
0x140: {  	[sflag:s19] =	ssyncset.done $0x0  }
0x141: {  	[sflag:s19] =	ssyncadd.s32 $0xFFFFF060  }
0x142: {  	_ =	swait.ge [sflag:s19], $0xFA0  }
0x143: {  	[sflag:s19] =	ssyncset.done $0x0  }
0x144: {  	[sflag:s19] =	ssyncadd.s32 $0xFFFFF060  }
0x145: {  	_ =	swait.ge [sflag:s19], $0xFA0  }
0x146: {  	[sflag:s19] =	ssyncset.done $0x0  }
0x147: {  	[sflag:s19] =	ssyncadd.s32 $0xFFFFF060  }
0x148: {  	_ =	swait.ge [sflag:s19], $0x9E0  }
0x149: {  	[sflag:s19] =	ssyncset.done $0x0  }
0x14a: {  	[sflag:s19] =	ssyncadd.s32 $0xFFFFF620  }
0x14b: {  	[bflag:$0x0] =	sbarrier.arrive $0xFFFF  }
0x14c: {  	s2 =	simm.s32 $0x1F440;
	s25 =	rddreg [dreg:$0x19]  }
0x14d: {  	[tilespmem:s2], [sflag:$0x9] =	stream.linear.gather [hbm4b:s25+s1], $0x80, $0x38;
	[tilespmem:$0x1F4C0] =	vst v63  }
0x14e: {  	_ =	swait.ge [sflag:s3], $0x80  }
0x14f: {  	s5 =	sld [smem:$0x7D8]  }
0x150: {  	[sflag:s3] =	ssyncset.done $0x0  }
0x151: {  	s6 =	simm.s32 $0xF440;
	s12 =	sld [smem:$0x7D9];
	[sflag:s3] =	ssyncadd.s32 $0xFFFFFF80  }
0x152: {  	v1 =	vld [tilespmem:$0x1F440];
	[tilespmem:s6], [sflag:$0x1] =	stream.linear.gather [hbm4b:s5+s1], $0xFA0, $0x38  }
0x153: {  	s13 =	sld [smem:$0x7DA]  }
0x154: {  	[tilespmem:s14], [sflag:$0x1] =	stream.linear.gather [hbm4b:s12+s1], $0xFA0, $0x38;
	[tilespmem:$0x1F4C0] =	vst v63  }
0x155: {  	s20 =	simm.s32 $0x17440;
	s23 =	sld [smem:$0x7DB]  }
0x156: {  	[tilespmem:s20], [sflag:$0x1] =	stream.linear.gather [hbm4b:s13+s1], $0xFA0, $0x38;
	[tilespmem:$0x1F4C0] =	vst v63  }
0x157: {  	s25 =	simm.s32 $0x1B440;
	s2 =	sld [smem:$0x7DC]  }
0x158: {  	[tilespmem:s25], [sflag:$0x1] =	stream.linear.gather [hbm4b:s23+s1], $0xFA0, $0x38;
	[tilespmem:$0x1F4C0] =	vst v63  }
0x159: {  	s3 =	simm.s32 $0x10440;
	s5 =	sld [smem:$0x7DD]  }
0x15a: {  	[tilespmem:s3], [sflag:$0x2] =	stream.linear.gather [hbm4b:s2+s1], $0xFA0, $0x38;
	[tilespmem:$0x1F4C0] =	vst v63  }
0x15b: {  	s6 =	sld [smem:$0x7DE]  }
0x15c: {  	[tilespmem:s26], [sflag:$0x2] =	stream.linear.gather [hbm4b:s5+s1], $0xFA0, $0x38;
	[tilespmem:$0x1F4C0] =	vst v63  }
0x15d: {  	s12 =	simm.s32 $0x18440;
	s13 =	sld [smem:$0x7DF]  }
0x15e: {  	[tilespmem:s12], [sflag:$0x2] =	stream.linear.gather [hbm4b:s6+s1], $0xFA0, $0x38;
	[tilespmem:$0x1F4C0] =	vst v63  }
0x15f: {  	s20 =	simm.s32 $0x1C440  }
0x160: {  	[tilespmem:s20], [sflag:$0x2] =	stream.linear.gather [hbm4b:s13+s1], $0xFA0, $0x38;
	[tilespmem:$0x1F4C0] =	vst v63  }
0x161: {  	_ =	swait.ge [sflag:s19], $0xFA0  }
0x162: {  	[sflag:s19] =	ssyncset.done $0x0  }
0x163: {  	[sflag:s19] =	ssyncadd.s32 $0xFFFFF060  }
0x164: {  	_ =	swait.ge [sflag:s19], $0xFA0  }
0x165: {  	[sflag:s19] =	ssyncset.done $0x0  }
0x166: {  	[sflag:s19] =	ssyncadd.s32 $0xFFFFF060  }
0x167: {  	_ =	swait.ge [sflag:s19], $0xFA0  }
0x168: {  	[sflag:s19] =	ssyncset.done $0x0  }
0x169: {  	[sflag:s19] =	ssyncadd.s32 $0xFFFFF060  }
0x16a: {  	_ =	swait.ge [sflag:s19], $0xFA0  }
0x16b: {  	[sflag:s19] =	ssyncset.done $0x0  }
0x16c: {  	s23 =	simm.s32 $0x17480;
	[sflag:s19] =	ssyncadd.s32 $0xFFFFF060  }
0x16d: {  	s0 =	simm.s32 $0x1B480;
	v2 =	vld [tilespmem:s23+$0x30]  }
0x16e: {  	v3 =	vld [tilespmem:s0+$0x30]  }
0x16f: {  	s25 =	simm.s32 $0x13480;
	v4 =	vld [tilespmem:s0+$0xFFFFFFC0]  }
0x170: {  	v5 =	vld [tilespmem:s25+$0x30]  }
0x171: {  	v6 =	vld [tilespmem:s23+$0xFFFFFFD0]  }
0x172: {  	v7 =	vld [tilespmem:s0+$0xFFFFFFD0]  }
0x173: {  	v8 =	vld [tilespmem:s23+$0xFFFFFFE0]  }
0x174: {  	v9 =	vld [tilespmem:s0+$0xFFFFFFE0]  }
0x175: {  	v10 =	vld [tilespmem:s23+$0xFFFFFFF0]  }
0x176: {  	v11 =	vld [tilespmem:s0+$0xFFFFFFF0]  }
0x177: {  	v12 =	vld [tilespmem:s23+$0x0]  }
0x178: {  	v13 =	vld [tilespmem:s0+$0x0]  }
0x179: {  	v14 =	vld [tilespmem:s23+$0x10]  }
0x17a: {  	v15 =	vld [tilespmem:s0+$0x10]  }
0x17b: {  	v16 =	vld [tilespmem:s23+$0x20]  }
0x17c: {  	v17 =	vld [tilespmem:s0+$0x20];
	vm0 =	vle.f32 v2, v1;
	vm1 =	vlt.f32 v1, v3;
	vm4 =	vlt.f32 v1, v4  }
0x17d: {  	vm2 =	vle.f32 v6, v1;
	vm3 =	vlt.f32 v1, v7;
	vm5 =	vle.f32 v8, v1;
	v4 =	vld [tilespmem:s23+$0xFFFFFFC0]  }
0x17e: {  	vm6 =	vlt.f32 v1, v9;
	v6 =	vld [tilespmem:s25+$0xFFFFFFC0];
	vm7 =	vlt.f32 v1, v11;
	vm8 =	vle.f32 v12, v1  }
0x17f: {  	v9 =	vld [tilespmem:s25+$0xFFFFFFD0];
	vm9 =	vlt.f32 v1, v13;
	vm0 =	vmand vm0, vm1;
	vm1 =	vle.f32 v10, v1  }
0x180: {  	v2 =	vld [tilespmem:s25+$0xFFFFFFE0];
	vm10 =	vmand vm2, vm3;
	vm3 =	vle.f32 v14, v1;
	vm2 =	vmand vm8, vm9  }
0x181: {  	v3 =	vld [tilespmem:s25+$0xFFFFFFF0];
	v7 =	vnsel vm0, $0x0, v5;
	vm0 =	vmand vm5, vm6;
	vm1 =	vmand vm1, vm7  }
0x182: {  	s28 =	simm.s32 $0xF70;
	vm5 =	vlt.f32 v1, v15;
	vm6 =	vle.f32 v16, v1;
	vm7 =	vle.f32 v4, v1;
	v4 =	vld [tilespmem:s25+$0x0]  }
0x183: {  	s29 =	simm.s32 $0x143C0;
	s2 =	simm.s32 $0x0;
	s3 =	simm.s32 $0x183C0;
	v5 =	vld [tilespmem:s25+$0x10];
	vm3 =	vmand vm3, vm5;
	vm5 =	vlt.f32 v1, v17;
	vm4 =	vmand vm7, vm4  }
0x184: {  	s5 =	simm.s32 $0x17500;
	s20 =	simm.s32 $0x1C3C0;
	s13 =	simm.s32 $0x13480;
	[tilespmem:s25+$0x30] =	vst v7;
	vm5 =	vmand vm6, vm5;
	v7 =	vnsel vm10, $0x0, v9;
	v8 =	vnsel vm4, $0x0, v6;
	v6 =	vld [tilespmem:s25+$0x20]  }
.LBB2_4:
0x185: {  	v9 =	vld [tilespmem:s5+$0x30];
	[tilespmem:s25+$0xFFFFFFC0] =	vst v8;
	v2 =	vnsel vm0, $0x0, v2;
	s0 =	sadd.s32 $0x80, s0  }
0x186: {  	s2 =	sadd.s32 $0x80, s2;
	v8 =	vld [tilespmem:s0+$0x30];
	[tilespmem:s25+$0xFFFFFFD0] =	vst v7;
	v3 =	vnsel vm1, $0x0, v3  }
0x187: {  	p1 =	slt.u32 s2, $0xF00;
	s25 =	sadd.s32 $0x80, s25;
	v7 =	vld [tilespmem:s0+$0xFFFFFFC0];
	[tilespmem:s13+$0xFFFFFFE0] =	vst v2;
	v2 =	vnsel vm2, $0x0, v4  }
0x188: {  	v4 =	vld [tilespmem:s25+$0x30];
	[tilespmem:s13+$0xFFFFFFF0] =	vst v3;
	v3 =	vnsel vm3, $0x0, v5  }
0x189: {  	v5 =	vld [tilespmem:s5+$0xFFFFFFD0];
	[tilespmem:s13+$0x0] =	vst v2;
	v2 =	vnsel vm5, $0x0, v6  }
0x18a: {  	v6 =	vld [tilespmem:s0+$0xFFFFFFD0];
	[tilespmem:s13+$0x10] =	vst v3  }
0x18b: {  	vm0 =	vle.f32 v9, v1;
	v3 =	vld [tilespmem:s5+$0xFFFFFFE0];
	vm1 =	vlt.f32 v1, v8;
	[tilespmem:s13+$0x20] =	vst v2;
	s13 =	smov.u32 s25  }
0x18c: {  	vm4 =	vlt.f32 v1, v7;
	v2 =	vld [tilespmem:s0+$0xFFFFFFE0];
	vm0 =	vmand vm0, vm1  }
0x18d: {  	v7 =	vld [tilespmem:s5+$0xFFFFFFF0];
	v4 =	vnsel vm0, $0x0, v4  }
0x18e: {  	vm0 =	vle.f32 v5, v1;
	v5 =	vld [tilespmem:s0+$0xFFFFFFF0];
	[tilespmem:s25+$0x30] =	vst v4  }
0x18f: {  	vm1 =	vlt.f32 v1, v6;
	v4 =	vld [tilespmem:s5+$0x0]  }
0x190: {  	vm6 =	vmand vm0, vm1;
	vm0 =	vle.f32 v3, v1;
	v3 =	vld [tilespmem:s0+$0x0]  }
0x191: {  	vm1 =	vlt.f32 v1, v2;
	v2 =	vld [tilespmem:s5+$0x10]  }
0x192: {  	vm0 =	vmand vm0, vm1;
	vm1 =	vle.f32 v7, v1;
	v6 =	vld [tilespmem:s0+$0x10]  }
0x193: {  	vm2 =	vlt.f32 v1, v5;
	v5 =	vld [tilespmem:s5+$0x20]  }
0x194: {  	vm1 =	vmand vm1, vm2;
	vm2 =	vle.f32 v4, v1;
	v4 =	vld [tilespmem:s0+$0x20]  }
0x195: {  	v7 =	vld [tilespmem:s5+$0xFFFFFFC0];
	vm3 =	vlt.f32 v1, v3  }
0x196: {  	v8 =	vld [tilespmem:s25+$0xFFFFFFC0];
	vm2 =	vmand vm2, vm3;
	vm3 =	vle.f32 v2, v1  }
0x197: {  	v9 =	vld [tilespmem:s25+$0xFFFFFFD0];
	vm5 =	vlt.f32 v1, v6  }
.Ltmp3:
0x198: {  	v2 =	vld [tilespmem:s25+$0xFFFFFFE0];
	vm3 =	vmand vm3, vm5;
	vm5 =	vle.f32 v5, v1;
	(pc) =	sbr.rel @p1 .LBB2_4-.Ltmp3, $4  }
0x199: {  	v3 =	vld [tilespmem:s25+$0xFFFFFFF0];
	vm7 =	vlt.f32 v1, v4  }
0x19a: {  	vm8 =	vle.f32 v7, v1;
	v4 =	vld [tilespmem:s25+$0x0];
	vm5 =	vmand vm5, vm7  }
0x19b: {  	vm4 =	vmand vm8, vm4;
	v5 =	vld [tilespmem:s25+$0x10]  }
0x19c: {  	s5 =	sadd.s32 $0x80, s5;
	v8 =	vnsel vm4, $0x0, v8;
	v7 =	vnsel vm6, $0x0, v9;
	v6 =	vld [tilespmem:s25+$0x20]  }
0x19d: {  	[tilespmem:s25+$0xFFFFFFC0] =	vst v8  }
0x19e: {  	v2 =	vnsel vm0, $0x0, v2;
	[tilespmem:s25+$0xFFFFFFD0] =	vst v7  }
0x19f: {  	v3 =	vnsel vm1, $0x0, v3;
	[tilespmem:s13+$0xFFFFFFE0] =	vst v2  }
0x1a0: {  	v2 =	vnsel vm2, $0x0, v4;
	[tilespmem:s13+$0xFFFFFFF0] =	vst v3  }
0x1a1: {  	v3 =	vnsel vm3, $0x0, v5;
	[tilespmem:s13+$0x0] =	vst v2  }
0x1a2: {  	v2 =	vnsel vm5, $0x0, v6;
	[tilespmem:s13+$0x10] =	vst v3  }
0x1a3: {  	[tilespmem:s13+$0x20] =	vst v2  }
.LBB2_6:
0x1a4: {  	v2 =	vld [tilespmem:s3+$0x0]  }
0x1a5: {  	v3 =	vld [tilespmem:s20+$0x0];
	_ =	sdelay $0x1  }
0x1a6: {  	v4 =	vld [tilespmem:s29+$0x0];
	s28 =	sadd.s32 $0x10, s28  }
0x1a7: {  	p1 =	slt.u32 s28, $0xF90  }
.Ltmp4:
0x1a8: {  	_ = 	snop;
	(pc) =	sbr.rel @p1 .LBB2_6-.Ltmp4, $4  }
0x1a9: {  	vm0 =	vle.f32 v2, v1;
	vm1 =	vlt.f32 v1, v3  }
0x1aa: {  	vm0 =	vmand vm0, vm1  }
0x1ab: {  	v2 =	vnsel vm0, $0x0, v4  }
0x1ac: {  	s20 =	sadd.s32 $0x10, s20;
	s3 =	sadd.s32 $0x10, s3;
	[tilespmem:s29+$0x0] =	vst v2;
	s29 =	sadd.s32 $0x10, s29  }
0x1ad: {  	s0 =	simm.s32 $0xF440;
	s5 =	sld [smem:$0x7E0]  }
0x1ae: {  	[spmem:s22] =	stream.indirect.scatter.add.f32 [tilespmem:s14], [sflag:$0x5], $0x1, s0, s30, $0xb8;
	[tilespmem:$0x1F4C0] =	vst v63  }
0x1af: {  	s6 =	sld [smem:$0x7E1]  }
0x1b0: {  	[tilespmem:s31], [sflag:$0x3] =	stream.linear.gather [hbm4b:s5+s1], $0xFA0, $0x38;
	[tilespmem:$0x1F4C0] =	vst v63  }
0x1b1: {  	s12 =	sld [smem:$0x7E2]  }
0x1b2: {  	[tilespmem:s18], [sflag:$0x3] =	stream.linear.gather [hbm4b:s6+s1], $0xFA0, $0x38;
	[tilespmem:$0x1F4C0] =	vst v63  }
0x1b3: {  	s2 =	simm.s32 $0x19440;
	s13 =	sld [smem:$0x7E3]  }
0x1b4: {  	[tilespmem:s2], [sflag:$0x3] =	stream.linear.gather [hbm4b:s12+s1], $0xFA0, $0x38;
	[tilespmem:$0x1F4C0] =	vst v63  }
0x1b5: {  	s20 =	simm.s32 $0x1D440  }
0x1b6: {  	[tilespmem:s20], [sflag:$0x3] =	stream.linear.gather [hbm4b:s13+s1], $0xFA0, $0x38;
	[tilespmem:$0x1F4C0] =	vst v63  }
0x1b7: {  	_ =	swait.ge [sflag:s4], $0xFA0  }
0x1b8: {  	[sflag:s4] =	ssyncset.done $0x0  }
0x1b9: {  	[sflag:s4] =	ssyncadd.s32 $0xFFFFF060  }
0x1ba: {  	_ =	swait.ge [sflag:s4], $0xFA0  }
0x1bb: {  	[sflag:s4] =	ssyncset.done $0x0  }
0x1bc: {  	[sflag:s4] =	ssyncadd.s32 $0xFFFFF060  }
0x1bd: {  	_ =	swait.ge [sflag:s4], $0xFA0  }
0x1be: {  	[sflag:s4] =	ssyncset.done $0x0  }
0x1bf: {  	[sflag:s4] =	ssyncadd.s32 $0xFFFFF060  }
0x1c0: {  	_ =	swait.ge [sflag:s4], $0xFA0  }
0x1c1: {  	[sflag:s4] =	ssyncset.done $0x0  }
0x1c2: {  	s23 =	simm.s32 $0x18480;
	[sflag:s4] =	ssyncadd.s32 $0xFFFFF060  }
0x1c3: {  	s0 =	simm.s32 $0x1C480;
	v2 =	vld [tilespmem:s23+$0x30]  }
0x1c4: {  	v3 =	vld [tilespmem:s0+$0x30]  }
0x1c5: {  	s25 =	simm.s32 $0x14480;
	v4 =	vld [tilespmem:s0+$0xFFFFFFC0]  }
0x1c6: {  	v5 =	vld [tilespmem:s25+$0x30]  }
0x1c7: {  	v6 =	vld [tilespmem:s23+$0xFFFFFFD0]  }
0x1c8: {  	v7 =	vld [tilespmem:s0+$0xFFFFFFD0]  }
0x1c9: {  	v8 =	vld [tilespmem:s23+$0xFFFFFFE0]  }
0x1ca: {  	v9 =	vld [tilespmem:s0+$0xFFFFFFE0]  }
0x1cb: {  	v10 =	vld [tilespmem:s23+$0xFFFFFFF0]  }
0x1cc: {  	v11 =	vld [tilespmem:s0+$0xFFFFFFF0]  }
0x1cd: {  	v12 =	vld [tilespmem:s23+$0x0]  }
0x1ce: {  	v13 =	vld [tilespmem:s0+$0x0]  }
0x1cf: {  	v14 =	vld [tilespmem:s23+$0x10]  }
0x1d0: {  	v15 =	vld [tilespmem:s0+$0x10]  }
0x1d1: {  	v16 =	vld [tilespmem:s23+$0x20]  }
0x1d2: {  	v17 =	vld [tilespmem:s0+$0x20];
	vm0 =	vle.f32 v2, v1;
	vm1 =	vlt.f32 v1, v3;
	vm4 =	vlt.f32 v1, v4  }
0x1d3: {  	vm2 =	vle.f32 v6, v1;
	vm3 =	vlt.f32 v1, v7;
	vm5 =	vle.f32 v8, v1;
	v4 =	vld [tilespmem:s23+$0xFFFFFFC0]  }
0x1d4: {  	vm6 =	vlt.f32 v1, v9;
	v6 =	vld [tilespmem:s25+$0xFFFFFFC0];
	vm7 =	vlt.f32 v1, v11;
	vm8 =	vle.f32 v12, v1  }
0x1d5: {  	v9 =	vld [tilespmem:s25+$0xFFFFFFD0];
	vm9 =	vlt.f32 v1, v13;
	vm0 =	vmand vm0, vm1;
	vm1 =	vle.f32 v10, v1  }
0x1d6: {  	v2 =	vld [tilespmem:s25+$0xFFFFFFE0];
	vm10 =	vmand vm2, vm3;
	vm3 =	vle.f32 v14, v1;
	vm2 =	vmand vm8, vm9  }
0x1d7: {  	v3 =	vld [tilespmem:s25+$0xFFFFFFF0];
	v7 =	vnsel vm0, $0x0, v5;
	vm0 =	vmand vm5, vm6;
	vm1 =	vmand vm1, vm7  }
0x1d8: {  	vm5 =	vlt.f32 v1, v15;
	vm6 =	vle.f32 v16, v1;
	vm7 =	vle.f32 v4, v1;
	v4 =	vld [tilespmem:s25+$0x0]  }
0x1d9: {  	s3 =	simm.s32 $0x193C0;
	s28 =	simm.s32 $0x153C0;
	s29 =	simm.s32 $0x1D3C0;
	v5 =	vld [tilespmem:s25+$0x10];
	vm3 =	vmand vm3, vm5;
	vm5 =	vlt.f32 v1, v17;
	vm4 =	vmand vm7, vm4  }
0x1da: {  	s2 =	simm.s32 $0x0;
	s13 =	simm.s32 $0x18500;
	s20 =	simm.s32 $0x14480;
	[tilespmem:s25+$0x30] =	vst v7;
	vm5 =	vmand vm6, vm5;
	v7 =	vnsel vm10, $0x0, v9;
	v8 =	vnsel vm4, $0x0, v6;
	v6 =	vld [tilespmem:s25+$0x20]  }
.LBB2_8:
0x1db: {  	v9 =	vld [tilespmem:s13+$0x30];
	[tilespmem:s25+$0xFFFFFFC0] =	vst v8;
	v2 =	vnsel vm0, $0x0, v2;
	s0 =	sadd.s32 $0x80, s0  }
0x1dc: {  	s2 =	sadd.s32 $0x80, s2;
	v8 =	vld [tilespmem:s0+$0x30];
	[tilespmem:s25+$0xFFFFFFD0] =	vst v7;
	v3 =	vnsel vm1, $0x0, v3  }
0x1dd: {  	p1 =	slt.u32 s2, $0xF00;
	s25 =	sadd.s32 $0x80, s25;
	v7 =	vld [tilespmem:s0+$0xFFFFFFC0];
	[tilespmem:s20+$0xFFFFFFE0] =	vst v2;
	v2 =	vnsel vm2, $0x0, v4  }
0x1de: {  	v4 =	vld [tilespmem:s25+$0x30];
	[tilespmem:s20+$0xFFFFFFF0] =	vst v3;
	v3 =	vnsel vm3, $0x0, v5  }
0x1df: {  	v5 =	vld [tilespmem:s13+$0xFFFFFFD0];
	[tilespmem:s20+$0x0] =	vst v2;
	v2 =	vnsel vm5, $0x0, v6  }
0x1e0: {  	v6 =	vld [tilespmem:s0+$0xFFFFFFD0];
	[tilespmem:s20+$0x10] =	vst v3  }
0x1e1: {  	vm0 =	vle.f32 v9, v1;
	v3 =	vld [tilespmem:s13+$0xFFFFFFE0];
	vm1 =	vlt.f32 v1, v8;
	[tilespmem:s20+$0x20] =	vst v2;
	s20 =	smov.u32 s25  }
0x1e2: {  	vm4 =	vlt.f32 v1, v7;
	v2 =	vld [tilespmem:s0+$0xFFFFFFE0];
	vm0 =	vmand vm0, vm1  }
0x1e3: {  	v7 =	vld [tilespmem:s13+$0xFFFFFFF0];
	v4 =	vnsel vm0, $0x0, v4  }
0x1e4: {  	s5 =	simm.s32 $0xF70;
	vm0 =	vle.f32 v5, v1;
	v5 =	vld [tilespmem:s0+$0xFFFFFFF0];
	[tilespmem:s25+$0x30] =	vst v4  }
0x1e5: {  	vm1 =	vlt.f32 v1, v6;
	v4 =	vld [tilespmem:s13+$0x0]  }
0x1e6: {  	vm6 =	vmand vm0, vm1;
	vm0 =	vle.f32 v3, v1;
	v3 =	vld [tilespmem:s0+$0x0]  }
0x1e7: {  	vm1 =	vlt.f32 v1, v2;
	v2 =	vld [tilespmem:s13+$0x10]  }
0x1e8: {  	vm0 =	vmand vm0, vm1;
	vm1 =	vle.f32 v7, v1;
	v6 =	vld [tilespmem:s0+$0x10]  }
0x1e9: {  	vm2 =	vlt.f32 v1, v5;
	v5 =	vld [tilespmem:s13+$0x20]  }
0x1ea: {  	vm1 =	vmand vm1, vm2;
	vm2 =	vle.f32 v4, v1;
	v4 =	vld [tilespmem:s0+$0x20]  }
0x1eb: {  	v7 =	vld [tilespmem:s13+$0xFFFFFFC0];
	vm3 =	vlt.f32 v1, v3  }
0x1ec: {  	v8 =	vld [tilespmem:s25+$0xFFFFFFC0];
	vm2 =	vmand vm2, vm3;
	vm3 =	vle.f32 v2, v1  }
0x1ed: {  	v9 =	vld [tilespmem:s25+$0xFFFFFFD0];
	vm5 =	vlt.f32 v1, v6  }
.Ltmp5:
0x1ee: {  	v2 =	vld [tilespmem:s25+$0xFFFFFFE0];
	vm3 =	vmand vm3, vm5;
	vm5 =	vle.f32 v5, v1;
	(pc) =	sbr.rel @p1 .LBB2_8-.Ltmp5, $4  }
0x1ef: {  	v3 =	vld [tilespmem:s25+$0xFFFFFFF0];
	vm7 =	vlt.f32 v1, v4  }
0x1f0: {  	vm8 =	vle.f32 v7, v1;
	v4 =	vld [tilespmem:s25+$0x0];
	vm5 =	vmand vm5, vm7  }
0x1f1: {  	vm4 =	vmand vm8, vm4;
	v5 =	vld [tilespmem:s25+$0x10]  }
0x1f2: {  	s13 =	sadd.s32 $0x80, s13;
	v8 =	vnsel vm4, $0x0, v8;
	v7 =	vnsel vm6, $0x0, v9;
	v6 =	vld [tilespmem:s25+$0x20]  }
0x1f3: {  	[tilespmem:s25+$0xFFFFFFC0] =	vst v8  }
0x1f4: {  	v2 =	vnsel vm0, $0x0, v2;
	[tilespmem:s25+$0xFFFFFFD0] =	vst v7  }
0x1f5: {  	v3 =	vnsel vm1, $0x0, v3;
	[tilespmem:s20+$0xFFFFFFE0] =	vst v2  }
0x1f6: {  	v2 =	vnsel vm2, $0x0, v4;
	[tilespmem:s20+$0xFFFFFFF0] =	vst v3  }
0x1f7: {  	v3 =	vnsel vm3, $0x0, v5;
	[tilespmem:s20+$0x0] =	vst v2  }
0x1f8: {  	v2 =	vnsel vm5, $0x0, v6;
	[tilespmem:s20+$0x10] =	vst v3  }
0x1f9: {  	[tilespmem:s20+$0x20] =	vst v2  }
.LBB2_10:
0x1fa: {  	v2 =	vld [tilespmem:s3+$0x0]  }
0x1fb: {  	v3 =	vld [tilespmem:s29+$0x0];
	_ =	sdelay $0x1  }
0x1fc: {  	v4 =	vld [tilespmem:s28+$0x0];
	s5 =	sadd.s32 $0x10, s5  }
0x1fd: {  	p1 =	slt.u32 s5, $0xF90  }
.Ltmp6:
0x1fe: {  	_ = 	snop;
	(pc) =	sbr.rel @p1 .LBB2_10-.Ltmp6, $4  }
0x1ff: {  	vm0 =	vle.f32 v2, v1;
	vm1 =	vlt.f32 v1, v3  }
0x200: {  	vm0 =	vmand vm0, vm1  }
0x201: {  	v2 =	vnsel vm0, $0x0, v4  }
0x202: {  	s29 =	sadd.s32 $0x10, s29;
	s3 =	sadd.s32 $0x10, s3;
	[tilespmem:s28+$0x0] =	vst v2;
	s28 =	sadd.s32 $0x10, s28  }
0x203: {  	s0 =	simm.s32 $0x10440;
	s25 =	sld [smem:$0x7E4]  }
0x204: {  	[spmem:s22] =	stream.indirect.scatter.add.f32 [tilespmem:s26], [sflag:$0x6], $0x1, s0, s30, $0xb8;
	[tilespmem:$0x1F4C0] =	vst v63  }
0x205: {  	s2 =	simm.s32 $0x12440;
	s3 =	sld [smem:$0x7E5]  }
0x206: {  	[tilespmem:s2], [sflag:$0x4] =	stream.linear.gather [hbm4b:s25+s1], $0xFA0, $0x38;
	[tilespmem:$0x1F4C0] =	vst v63  }
0x207: {  	s5 =	simm.s32 $0x16440;
	s6 =	sld [smem:$0x7E6]  }
0x208: {  	[tilespmem:s5], [sflag:$0x4] =	stream.linear.gather [hbm4b:s3+s1], $0xFA0, $0x38;
	[tilespmem:$0x1F4C0] =	vst v63  }
0x209: {  	s12 =	simm.s32 $0x1A440;
	s13 =	sld [smem:$0x7E7]  }
0x20a: {  	[tilespmem:s12], [sflag:$0x4] =	stream.linear.gather [hbm4b:s6+s1], $0xFA0, $0x38;
	[tilespmem:$0x1F4C0] =	vst v63  }
0x20b: {  	s20 =	simm.s32 $0x1E440  }
0x20c: {  	[tilespmem:s20], [sflag:$0x4] =	stream.linear.gather [hbm4b:s13+s1], $0xFA0, $0x38;
	[tilespmem:$0x1F4C0] =	vst v63  }
0x20d: {  	_ =	swait.ge [sflag:s9], $0xFA0  }
0x20e: {  	[sflag:s9] =	ssyncset.done $0x0  }
0x20f: {  	[sflag:s9] =	ssyncadd.s32 $0xFFFFF060  }
0x210: {  	_ =	swait.ge [sflag:s9], $0xFA0  }
0x211: {  	[sflag:s9] =	ssyncset.done $0x0  }
0x212: {  	[sflag:s9] =	ssyncadd.s32 $0xFFFFF060  }
0x213: {  	_ =	swait.ge [sflag:s9], $0xFA0  }
0x214: {  	[sflag:s9] =	ssyncset.done $0x0  }
0x215: {  	[sflag:s9] =	ssyncadd.s32 $0xFFFFF060  }
0x216: {  	_ =	swait.ge [sflag:s9], $0xFA0  }
0x217: {  	[sflag:s9] =	ssyncset.done $0x0  }
0x218: {  	s23 =	simm.s32 $0x19480;
	[sflag:s9] =	ssyncadd.s32 $0xFFFFF060  }
0x219: {  	s0 =	simm.s32 $0x1D480;
	v2 =	vld [tilespmem:s23+$0x30]  }
0x21a: {  	v3 =	vld [tilespmem:s0+$0x30]  }
0x21b: {  	s25 =	simm.s32 $0x15480;
	v4 =	vld [tilespmem:s0+$0xFFFFFFC0]  }
0x21c: {  	v5 =	vld [tilespmem:s25+$0x30]  }
0x21d: {  	v6 =	vld [tilespmem:s23+$0xFFFFFFD0]  }
0x21e: {  	v7 =	vld [tilespmem:s0+$0xFFFFFFD0]  }
0x21f: {  	v8 =	vld [tilespmem:s23+$0xFFFFFFE0]  }
0x220: {  	v9 =	vld [tilespmem:s0+$0xFFFFFFE0]  }
0x221: {  	v10 =	vld [tilespmem:s23+$0xFFFFFFF0]  }
0x222: {  	v11 =	vld [tilespmem:s0+$0xFFFFFFF0]  }
0x223: {  	v12 =	vld [tilespmem:s23+$0x0]  }
0x224: {  	v13 =	vld [tilespmem:s0+$0x0]  }
0x225: {  	v14 =	vld [tilespmem:s23+$0x10]  }
0x226: {  	v15 =	vld [tilespmem:s0+$0x10]  }
0x227: {  	v16 =	vld [tilespmem:s23+$0x20]  }
0x228: {  	v17 =	vld [tilespmem:s0+$0x20];
	vm0 =	vle.f32 v2, v1;
	vm1 =	vlt.f32 v1, v3;
	vm4 =	vlt.f32 v1, v4  }
0x229: {  	vm2 =	vle.f32 v6, v1;
	vm3 =	vlt.f32 v1, v7;
	vm5 =	vle.f32 v8, v1;
	v4 =	vld [tilespmem:s23+$0xFFFFFFC0]  }
0x22a: {  	vm6 =	vlt.f32 v1, v9;
	v6 =	vld [tilespmem:s25+$0xFFFFFFC0];
	vm7 =	vlt.f32 v1, v11;
	vm8 =	vle.f32 v12, v1  }
0x22b: {  	v9 =	vld [tilespmem:s25+$0xFFFFFFD0];
	vm9 =	vlt.f32 v1, v13;
	vm0 =	vmand vm0, vm1;
	vm1 =	vle.f32 v10, v1  }
0x22c: {  	v2 =	vld [tilespmem:s25+$0xFFFFFFE0];
	vm10 =	vmand vm2, vm3;
	vm3 =	vle.f32 v14, v1;
	vm2 =	vmand vm8, vm9  }
0x22d: {  	v3 =	vld [tilespmem:s25+$0xFFFFFFF0];
	v7 =	vnsel vm0, $0x0, v5;
	vm0 =	vmand vm5, vm6;
	vm1 =	vmand vm1, vm7  }
0x22e: {  	vm5 =	vlt.f32 v1, v15;
	vm6 =	vle.f32 v16, v1;
	vm7 =	vle.f32 v4, v1;
	v4 =	vld [tilespmem:s25+$0x0]  }
0x22f: {  	s28 =	simm.s32 $0x163C0;
	s29 =	simm.s32 $0x1E3C0;
	s2 =	simm.s32 $0x0;
	v5 =	vld [tilespmem:s25+$0x10];
	vm3 =	vmand vm3, vm5;
	vm5 =	vlt.f32 v1, v17;
	vm4 =	vmand vm7, vm4  }
0x230: {  	s3 =	simm.s32 $0x1A3C0;
	s13 =	simm.s32 $0x19500;
	s20 =	simm.s32 $0x15480;
	[tilespmem:s25+$0x30] =	vst v7;
	vm5 =	vmand vm6, vm5;
	v7 =	vnsel vm10, $0x0, v9;
	v8 =	vnsel vm4, $0x0, v6;
	v6 =	vld [tilespmem:s25+$0x20]  }
.LBB2_12:
0x231: {  	v9 =	vld [tilespmem:s13+$0x30];
	[tilespmem:s25+$0xFFFFFFC0] =	vst v8;
	v2 =	vnsel vm0, $0x0, v2;
	s0 =	sadd.s32 $0x80, s0  }
0x232: {  	s2 =	sadd.s32 $0x80, s2;
	v8 =	vld [tilespmem:s0+$0x30];
	[tilespmem:s25+$0xFFFFFFD0] =	vst v7;
	v3 =	vnsel vm1, $0x0, v3  }
0x233: {  	p1 =	slt.u32 s2, $0xF00;
	s25 =	sadd.s32 $0x80, s25;
	v7 =	vld [tilespmem:s0+$0xFFFFFFC0];
	[tilespmem:s20+$0xFFFFFFE0] =	vst v2;
	v2 =	vnsel vm2, $0x0, v4  }
0x234: {  	v4 =	vld [tilespmem:s25+$0x30];
	[tilespmem:s20+$0xFFFFFFF0] =	vst v3;
	v3 =	vnsel vm3, $0x0, v5  }
0x235: {  	v5 =	vld [tilespmem:s13+$0xFFFFFFD0];
	[tilespmem:s20+$0x0] =	vst v2;
	v2 =	vnsel vm5, $0x0, v6  }
0x236: {  	v6 =	vld [tilespmem:s0+$0xFFFFFFD0];
	[tilespmem:s20+$0x10] =	vst v3  }
0x237: {  	vm0 =	vle.f32 v9, v1;
	v3 =	vld [tilespmem:s13+$0xFFFFFFE0];
	vm1 =	vlt.f32 v1, v8;
	[tilespmem:s20+$0x20] =	vst v2;
	s20 =	smov.u32 s25  }
0x238: {  	vm4 =	vlt.f32 v1, v7;
	v2 =	vld [tilespmem:s0+$0xFFFFFFE0];
	vm0 =	vmand vm0, vm1  }
0x239: {  	v7 =	vld [tilespmem:s13+$0xFFFFFFF0];
	v4 =	vnsel vm0, $0x0, v4  }
0x23a: {  	s5 =	simm.s32 $0xF70;
	vm0 =	vle.f32 v5, v1;
	v5 =	vld [tilespmem:s0+$0xFFFFFFF0];
	[tilespmem:s25+$0x30] =	vst v4  }
0x23b: {  	vm1 =	vlt.f32 v1, v6;
	v4 =	vld [tilespmem:s13+$0x0]  }
0x23c: {  	vm6 =	vmand vm0, vm1;
	vm0 =	vle.f32 v3, v1;
	v3 =	vld [tilespmem:s0+$0x0]  }
0x23d: {  	vm1 =	vlt.f32 v1, v2;
	v2 =	vld [tilespmem:s13+$0x10]  }
0x23e: {  	vm0 =	vmand vm0, vm1;
	vm1 =	vle.f32 v7, v1;
	v6 =	vld [tilespmem:s0+$0x10]  }
0x23f: {  	vm2 =	vlt.f32 v1, v5;
	v5 =	vld [tilespmem:s13+$0x20]  }
0x240: {  	vm1 =	vmand vm1, vm2;
	vm2 =	vle.f32 v4, v1;
	v4 =	vld [tilespmem:s0+$0x20]  }
0x241: {  	v7 =	vld [tilespmem:s13+$0xFFFFFFC0];
	vm3 =	vlt.f32 v1, v3  }
0x242: {  	v8 =	vld [tilespmem:s25+$0xFFFFFFC0];
	vm2 =	vmand vm2, vm3;
	vm3 =	vle.f32 v2, v1  }
0x243: {  	v9 =	vld [tilespmem:s25+$0xFFFFFFD0];
	vm5 =	vlt.f32 v1, v6  }
.Ltmp7:
0x244: {  	v2 =	vld [tilespmem:s25+$0xFFFFFFE0];
	vm3 =	vmand vm3, vm5;
	vm5 =	vle.f32 v5, v1;
	(pc) =	sbr.rel @p1 .LBB2_12-.Ltmp7, $4  }
0x245: {  	v3 =	vld [tilespmem:s25+$0xFFFFFFF0];
	vm7 =	vlt.f32 v1, v4  }
0x246: {  	vm8 =	vle.f32 v7, v1;
	v4 =	vld [tilespmem:s25+$0x0];
	vm5 =	vmand vm5, vm7  }
0x247: {  	vm4 =	vmand vm8, vm4;
	v5 =	vld [tilespmem:s25+$0x10]  }
0x248: {  	s13 =	sadd.s32 $0x80, s13;
	v8 =	vnsel vm4, $0x0, v8;
	v7 =	vnsel vm6, $0x0, v9;
	v6 =	vld [tilespmem:s25+$0x20]  }
0x249: {  	[tilespmem:s25+$0xFFFFFFC0] =	vst v8  }
0x24a: {  	v2 =	vnsel vm0, $0x0, v2;
	[tilespmem:s25+$0xFFFFFFD0] =	vst v7  }
0x24b: {  	v3 =	vnsel vm1, $0x0, v3;
	[tilespmem:s20+$0xFFFFFFE0] =	vst v2  }
0x24c: {  	v2 =	vnsel vm2, $0x0, v4;
	[tilespmem:s20+$0xFFFFFFF0] =	vst v3  }
0x24d: {  	v3 =	vnsel vm3, $0x0, v5;
	[tilespmem:s20+$0x0] =	vst v2  }
0x24e: {  	v2 =	vnsel vm5, $0x0, v6;
	[tilespmem:s20+$0x10] =	vst v3  }
0x24f: {  	[tilespmem:s20+$0x20] =	vst v2  }
.LBB2_14:
0x250: {  	v2 =	vld [tilespmem:s3+$0x0]  }
0x251: {  	v3 =	vld [tilespmem:s29+$0x0];
	_ =	sdelay $0x1  }
0x252: {  	v4 =	vld [tilespmem:s28+$0x0];
	s5 =	sadd.s32 $0x10, s5  }
0x253: {  	p1 =	slt.u32 s5, $0xF90  }
.Ltmp8:
0x254: {  	_ = 	snop;
	(pc) =	sbr.rel @p1 .LBB2_14-.Ltmp8, $4  }
0x255: {  	vm0 =	vle.f32 v2, v1;
	vm1 =	vlt.f32 v1, v3  }
0x256: {  	vm0 =	vmand vm0, vm1  }
0x257: {  	v2 =	vnsel vm0, $0x0, v4  }
0x258: {  	s29 =	sadd.s32 $0x10, s29;
	s3 =	sadd.s32 $0x10, s3;
	[tilespmem:s28+$0x0] =	vst v2;
	s28 =	sadd.s32 $0x10, s28  }
0x259: {  	[spmem:s22] =	stream.indirect.scatter.add.f32 [tilespmem:s18], [sflag:$0x7], $0x1, s31, s30, $0xb8;
	[tilespmem:$0x1F4C0] =	vst v63  }
0x25a: {  	_ =	swait.ge [sflag:s10], $0xFA0  }
0x25b: {  	s0 =	sld [smem:$0x7E8]  }
0x25c: {  	[sflag:s10] =	ssyncset.done $0x0  }
0x25d: {  	s2 =	simm.s32 $0xF440;
	s5 =	sld [smem:$0x7E9];
	[sflag:s10] =	ssyncadd.s32 $0xFFFFF060  }
0x25e: {  	[tilespmem:s2], [sflag:$0x1] =	stream.linear.gather [hbm4b:s0+s1], $0xFA0, $0x38;
	[tilespmem:$0x1F4C0] =	vst v63  }
0x25f: {  	s6 =	sld [smem:$0x7EA]  }
0x260: {  	[tilespmem:s14], [sflag:$0x1] =	stream.linear.gather [hbm4b:s5+s1], $0xFA0, $0x38;
	[tilespmem:$0x1F4C0] =	vst v63  }
0x261: {  	s12 =	simm.s32 $0x17440;
	s13 =	sld [smem:$0x7EB]  }
0x262: {  	[tilespmem:s12], [sflag:$0x1] =	stream.linear.gather [hbm4b:s6+s1], $0xFA0, $0x38;
	[tilespmem:$0x1F4C0] =	vst v63  }
0x263: {  	s20 =	simm.s32 $0x1B440  }
0x264: {  	[tilespmem:s20], [sflag:$0x1] =	stream.linear.gather [hbm4b:s13+s1], $0xFA0, $0x38;
	[tilespmem:$0x1F4C0] =	vst v63  }
0x265: {  	_ =	swait.ge [sflag:s11], $0xFA0  }
0x266: {  	[sflag:s11] =	ssyncset.done $0x0  }
0x267: {  	[sflag:s11] =	ssyncadd.s32 $0xFFFFF060  }
0x268: {  	_ =	swait.ge [sflag:s11], $0xFA0  }
0x269: {  	[sflag:s11] =	ssyncset.done $0x0  }
0x26a: {  	[sflag:s11] =	ssyncadd.s32 $0xFFFFF060  }
0x26b: {  	_ =	swait.ge [sflag:s11], $0xFA0  }
0x26c: {  	[sflag:s11] =	ssyncset.done $0x0  }
0x26d: {  	[sflag:s11] =	ssyncadd.s32 $0xFFFFF060  }
0x26e: {  	_ =	swait.ge [sflag:s11], $0xFA0  }
0x26f: {  	[sflag:s11] =	ssyncset.done $0x0  }
0x270: {  	s23 =	simm.s32 $0x1A480;
	[sflag:s11] =	ssyncadd.s32 $0xFFFFF060  }
0x271: {  	s0 =	simm.s32 $0x1E480;
	v2 =	vld [tilespmem:s23+$0x30]  }
0x272: {  	v3 =	vld [tilespmem:s0+$0x30]  }
0x273: {  	s25 =	simm.s32 $0x16480;
	v4 =	vld [tilespmem:s0+$0xFFFFFFC0]  }
0x274: {  	v5 =	vld [tilespmem:s25+$0x30]  }
0x275: {  	v6 =	vld [tilespmem:s23+$0xFFFFFFD0]  }
0x276: {  	v7 =	vld [tilespmem:s0+$0xFFFFFFD0]  }
0x277: {  	v8 =	vld [tilespmem:s23+$0xFFFFFFE0]  }
0x278: {  	v9 =	vld [tilespmem:s0+$0xFFFFFFE0]  }
0x279: {  	v10 =	vld [tilespmem:s23+$0xFFFFFFF0]  }
0x27a: {  	v11 =	vld [tilespmem:s0+$0xFFFFFFF0]  }
0x27b: {  	v12 =	vld [tilespmem:s23+$0x0]  }
0x27c: {  	v13 =	vld [tilespmem:s0+$0x0]  }
0x27d: {  	v14 =	vld [tilespmem:s23+$0x10]  }
0x27e: {  	v15 =	vld [tilespmem:s0+$0x10]  }
0x27f: {  	v16 =	vld [tilespmem:s23+$0x20]  }
0x280: {  	v17 =	vld [tilespmem:s0+$0x20];
	vm0 =	vle.f32 v2, v1;
	vm1 =	vlt.f32 v1, v3;
	vm4 =	vlt.f32 v1, v4  }
0x281: {  	vm2 =	vle.f32 v6, v1;
	vm3 =	vlt.f32 v1, v7;
	vm5 =	vle.f32 v8, v1;
	v4 =	vld [tilespmem:s23+$0xFFFFFFC0]  }
0x282: {  	vm6 =	vlt.f32 v1, v9;
	v6 =	vld [tilespmem:s25+$0xFFFFFFC0];
	vm7 =	vlt.f32 v1, v11;
	vm8 =	vle.f32 v12, v1  }
0x283: {  	v9 =	vld [tilespmem:s25+$0xFFFFFFD0];
	vm9 =	vlt.f32 v1, v13;
	vm0 =	vmand vm0, vm1;
	vm1 =	vle.f32 v10, v1  }
0x284: {  	v2 =	vld [tilespmem:s25+$0xFFFFFFE0];
	vm10 =	vmand vm2, vm3;
	vm3 =	vle.f32 v14, v1;
	vm2 =	vmand vm8, vm9  }
0x285: {  	v3 =	vld [tilespmem:s25+$0xFFFFFFF0];
	v7 =	vnsel vm0, $0x0, v5;
	vm0 =	vmand vm5, vm6;
	vm1 =	vmand vm1, vm7  }
0x286: {  	vm5 =	vlt.f32 v1, v15;
	vm6 =	vle.f32 v16, v1;
	vm7 =	vle.f32 v4, v1;
	v4 =	vld [tilespmem:s25+$0x0]  }
0x287: {  	s3 =	simm.s32 $0x1B3C0;
	s28 =	simm.s32 $0x173C0;
	s29 =	simm.s32 $0x1F3C0;
	v5 =	vld [tilespmem:s25+$0x10];
	vm3 =	vmand vm3, vm5;
	vm5 =	vlt.f32 v1, v17;
	vm4 =	vmand vm7, vm4  }
0x288: {  	s2 =	simm.s32 $0x0;
	s13 =	simm.s32 $0x1A500;
	s20 =	simm.s32 $0x16480;
	[tilespmem:s25+$0x30] =	vst v7;
	vm5 =	vmand vm6, vm5;
	v7 =	vnsel vm10, $0x0, v9;
	v8 =	vnsel vm4, $0x0, v6;
	v6 =	vld [tilespmem:s25+$0x20]  }
.LBB2_16:
0x289: {  	v9 =	vld [tilespmem:s13+$0x30];
	[tilespmem:s25+$0xFFFFFFC0] =	vst v8;
	v2 =	vnsel vm0, $0x0, v2;
	s0 =	sadd.s32 $0x80, s0  }
0x28a: {  	s2 =	sadd.s32 $0x80, s2;
	v8 =	vld [tilespmem:s0+$0x30];
	[tilespmem:s25+$0xFFFFFFD0] =	vst v7;
	v3 =	vnsel vm1, $0x0, v3  }
0x28b: {  	p1 =	slt.u32 s2, $0xF00;
	s25 =	sadd.s32 $0x80, s25;
	v7 =	vld [tilespmem:s0+$0xFFFFFFC0];
	[tilespmem:s20+$0xFFFFFFE0] =	vst v2;
	v2 =	vnsel vm2, $0x0, v4  }
0x28c: {  	v4 =	vld [tilespmem:s25+$0x30];
	[tilespmem:s20+$0xFFFFFFF0] =	vst v3;
	v3 =	vnsel vm3, $0x0, v5  }
0x28d: {  	v5 =	vld [tilespmem:s13+$0xFFFFFFD0];
	[tilespmem:s20+$0x0] =	vst v2;
	v2 =	vnsel vm5, $0x0, v6  }
0x28e: {  	v6 =	vld [tilespmem:s0+$0xFFFFFFD0];
	[tilespmem:s20+$0x10] =	vst v3  }
0x28f: {  	vm0 =	vle.f32 v9, v1;
	v3 =	vld [tilespmem:s13+$0xFFFFFFE0];
	vm1 =	vlt.f32 v1, v8;
	[tilespmem:s20+$0x20] =	vst v2;
	s20 =	smov.u32 s25  }
0x290: {  	vm4 =	vlt.f32 v1, v7;
	v2 =	vld [tilespmem:s0+$0xFFFFFFE0];
	vm0 =	vmand vm0, vm1  }
0x291: {  	v7 =	vld [tilespmem:s13+$0xFFFFFFF0];
	v4 =	vnsel vm0, $0x0, v4  }
0x292: {  	s5 =	simm.s32 $0xF70;
	vm0 =	vle.f32 v5, v1;
	v5 =	vld [tilespmem:s0+$0xFFFFFFF0];
	[tilespmem:s25+$0x30] =	vst v4  }
0x293: {  	vm1 =	vlt.f32 v1, v6;
	v4 =	vld [tilespmem:s13+$0x0]  }
0x294: {  	vm6 =	vmand vm0, vm1;
	vm0 =	vle.f32 v3, v1;
	v3 =	vld [tilespmem:s0+$0x0]  }
0x295: {  	vm1 =	vlt.f32 v1, v2;
	v2 =	vld [tilespmem:s13+$0x10]  }
0x296: {  	vm0 =	vmand vm0, vm1;
	vm1 =	vle.f32 v7, v1;
	v6 =	vld [tilespmem:s0+$0x10]  }
0x297: {  	vm2 =	vlt.f32 v1, v5;
	v5 =	vld [tilespmem:s13+$0x20]  }
0x298: {  	vm1 =	vmand vm1, vm2;
	vm2 =	vle.f32 v4, v1;
	v4 =	vld [tilespmem:s0+$0x20]  }
0x299: {  	v7 =	vld [tilespmem:s13+$0xFFFFFFC0];
	vm3 =	vlt.f32 v1, v3  }
0x29a: {  	v8 =	vld [tilespmem:s25+$0xFFFFFFC0];
	vm2 =	vmand vm2, vm3;
	vm3 =	vle.f32 v2, v1  }
0x29b: {  	v9 =	vld [tilespmem:s25+$0xFFFFFFD0];
	vm5 =	vlt.f32 v1, v6  }
.Ltmp9:
0x29c: {  	v2 =	vld [tilespmem:s25+$0xFFFFFFE0];
	vm3 =	vmand vm3, vm5;
	vm5 =	vle.f32 v5, v1;
	(pc) =	sbr.rel @p1 .LBB2_16-.Ltmp9, $4  }
0x29d: {  	v3 =	vld [tilespmem:s25+$0xFFFFFFF0];
	vm7 =	vlt.f32 v1, v4  }
0x29e: {  	vm8 =	vle.f32 v7, v1;
	v4 =	vld [tilespmem:s25+$0x0];
	vm5 =	vmand vm5, vm7  }
0x29f: {  	vm4 =	vmand vm8, vm4;
	v5 =	vld [tilespmem:s25+$0x10]  }
0x2a0: {  	s13 =	sadd.s32 $0x80, s13;
	v8 =	vnsel vm4, $0x0, v8;
	v7 =	vnsel vm6, $0x0, v9;
	v6 =	vld [tilespmem:s25+$0x20]  }
0x2a1: {  	[tilespmem:s25+$0xFFFFFFC0] =	vst v8  }
0x2a2: {  	v2 =	vnsel vm0, $0x0, v2;
	[tilespmem:s25+$0xFFFFFFD0] =	vst v7  }
0x2a3: {  	v3 =	vnsel vm1, $0x0, v3;
	[tilespmem:s20+$0xFFFFFFE0] =	vst v2  }
0x2a4: {  	v2 =	vnsel vm2, $0x0, v4;
	[tilespmem:s20+$0xFFFFFFF0] =	vst v3  }
0x2a5: {  	v3 =	vnsel vm3, $0x0, v5;
	[tilespmem:s20+$0x0] =	vst v2  }
0x2a6: {  	v2 =	vnsel vm5, $0x0, v6;
	[tilespmem:s20+$0x10] =	vst v3  }
0x2a7: {  	[tilespmem:s20+$0x20] =	vst v2  }
.LBB2_18:
0x2a8: {  	v2 =	vld [tilespmem:s3+$0x0]  }
0x2a9: {  	v3 =	vld [tilespmem:s29+$0x0];
	_ =	sdelay $0x1  }
0x2aa: {  	v4 =	vld [tilespmem:s28+$0x0];
	s5 =	sadd.s32 $0x10, s5  }
0x2ab: {  	p1 =	slt.u32 s5, $0xF90  }
.Ltmp10:
0x2ac: {  	_ = 	snop;
	(pc) =	sbr.rel @p1 .LBB2_18-.Ltmp10, $4  }
0x2ad: {  	vm0 =	vle.f32 v2, v1;
	vm1 =	vlt.f32 v1, v3  }
0x2ae: {  	vm0 =	vmand vm0, vm1  }
0x2af: {  	v2 =	vnsel vm0, $0x0, v4  }
0x2b0: {  	s29 =	sadd.s32 $0x10, s29;
	s3 =	sadd.s32 $0x10, s3;
	[tilespmem:s28+$0x0] =	vst v2;
	s28 =	sadd.s32 $0x10, s28  }
0x2b1: {  	s0 =	simm.s32 $0x12440;
	s2 =	simm.s32 $0x16440;
	s25 =	simm.s32 $0x1  }
0x2b2: {  	[spmem:s22] =	stream.indirect.scatter.add.f32 [tilespmem:s2], [sflag:$0x8], $0x1, s0, s30, $0xb8;
	[tilespmem:$0x1F4C0] =	vst v63  }
.LBB2_20:
0x2b3: {  	s28 =	sshll.u32 s25, $0x7;
	s0 =	rddreg [dreg:$0x8]  }
0x2b4: {  	s0 =	sor.u32 s28, s0  }
0x2b5: {  	s29 =	smul.u32 $0x1F4, s0  }
0x2b6: {  	_ =	swait.ge [sflag:s7], $0xFA0  }
0x2b7: {  	[sflag:s7] =	ssyncset.done $0x0;
	s0 =	sadd.s32 $0x3E80, s29  }
0x2b8: {  	s3 =	simm.s32 $0x10440;
	[sflag:s7] =	ssyncadd.s32 $0xFFFFF060;
	s2 =	sadd.s32 s15, s0  }
0x2b9: {  	[tilespmem:s3], [sflag:$0x2] =	stream.linear.gather [hbm4b:s2+s1], $0xFA0, $0x38;
	[tilespmem:$0x1F4C0] =	vst v63  }
0x2ba: {  	s6 =	sadd.s32 s16, s0  }
0x2bb: {  	[tilespmem:s26], [sflag:$0x2] =	stream.linear.gather [hbm4b:s6+s1], $0xFA0, $0x38;
	[tilespmem:$0x1F4C0] =	vst v63  }
0x2bc: {  	s13 =	simm.s32 $0x18440;
	s12 =	sadd.s32 s17, s0  }
0x2bd: {  	[tilespmem:s13], [sflag:$0x2] =	stream.linear.gather [hbm4b:s12+s1], $0xFA0, $0x38;
	[tilespmem:$0x1F4C0] =	vst v63  }
0x2be: {  	s20 =	simm.s32 $0x1C440;
	s0 =	sadd.s32 s21, s0  }
0x2bf: {  	[tilespmem:s20], [sflag:$0x2] =	stream.linear.gather [hbm4b:s0+s1], $0xFA0, $0x38;
	[tilespmem:$0x1F4C0] =	vst v63  }
0x2c0: {  	_ =	swait.ge [sflag:s19], $0xFA0  }
0x2c1: {  	[sflag:s19] =	ssyncset.done $0x0  }
0x2c2: {  	[sflag:s19] =	ssyncadd.s32 $0xFFFFF060  }
0x2c3: {  	_ =	swait.ge [sflag:s19], $0xFA0  }
0x2c4: {  	[sflag:s19] =	ssyncset.done $0x0  }
0x2c5: {  	[sflag:s19] =	ssyncadd.s32 $0xFFFFF060  }
0x2c6: {  	_ =	swait.ge [sflag:s19], $0xFA0  }
0x2c7: {  	[sflag:s19] =	ssyncset.done $0x0  }
0x2c8: {  	[sflag:s19] =	ssyncadd.s32 $0xFFFFF060  }
0x2c9: {  	_ =	swait.ge [sflag:s19], $0xFA0  }
0x2ca: {  	[sflag:s19] =	ssyncset.done $0x0  }
0x2cb: {  	s23 =	simm.s32 $0x17480;
	[sflag:s19] =	ssyncadd.s32 $0xFFFFF060  }
0x2cc: {  	s3 =	simm.s32 $0x1B480;
	v2 =	vld [tilespmem:s23+$0x30]  }
0x2cd: {  	v3 =	vld [tilespmem:s3+$0x30]  }
0x2ce: {  	s0 =	simm.s32 $0x13480;
	v4 =	vld [tilespmem:s3+$0xFFFFFFC0]  }
0x2cf: {  	v5 =	vld [tilespmem:s0+$0x30]  }
0x2d0: {  	v6 =	vld [tilespmem:s23+$0xFFFFFFD0]  }
0x2d1: {  	v7 =	vld [tilespmem:s3+$0xFFFFFFD0]  }
0x2d2: {  	v8 =	vld [tilespmem:s23+$0xFFFFFFE0]  }
0x2d3: {  	v9 =	vld [tilespmem:s3+$0xFFFFFFE0]  }
0x2d4: {  	v10 =	vld [tilespmem:s23+$0xFFFFFFF0]  }
0x2d5: {  	v11 =	vld [tilespmem:s3+$0xFFFFFFF0]  }
0x2d6: {  	v12 =	vld [tilespmem:s23+$0x0]  }
0x2d7: {  	v13 =	vld [tilespmem:s3+$0x0]  }
0x2d8: {  	v14 =	vld [tilespmem:s23+$0x10]  }
0x2d9: {  	v15 =	vld [tilespmem:s3+$0x10]  }
0x2da: {  	v16 =	vld [tilespmem:s23+$0x20]  }
0x2db: {  	v17 =	vld [tilespmem:s3+$0x20];
	vm0 =	vle.f32 v2, v1;
	vm1 =	vlt.f32 v1, v3;
	vm4 =	vlt.f32 v1, v4  }
0x2dc: {  	vm2 =	vle.f32 v6, v1;
	vm3 =	vlt.f32 v1, v7;
	vm5 =	vle.f32 v8, v1;
	v4 =	vld [tilespmem:s23+$0xFFFFFFC0]  }
0x2dd: {  	vm6 =	vlt.f32 v1, v9;
	v6 =	vld [tilespmem:s0+$0xFFFFFFC0];
	vm7 =	vlt.f32 v1, v11;
	vm8 =	vle.f32 v12, v1  }
0x2de: {  	v9 =	vld [tilespmem:s0+$0xFFFFFFD0];
	vm9 =	vlt.f32 v1, v13;
	vm0 =	vmand vm0, vm1;
	vm1 =	vle.f32 v10, v1  }
0x2df: {  	v2 =	vld [tilespmem:s0+$0xFFFFFFE0];
	vm10 =	vmand vm2, vm3;
	vm3 =	vle.f32 v14, v1;
	vm2 =	vmand vm8, vm9  }
0x2e0: {  	v3 =	vld [tilespmem:s0+$0xFFFFFFF0];
	v7 =	vnsel vm0, $0x0, v5;
	vm0 =	vmand vm5, vm6;
	vm1 =	vmand vm1, vm7  }
0x2e1: {  	vm5 =	vlt.f32 v1, v15;
	vm6 =	vle.f32 v16, v1;
	vm7 =	vle.f32 v4, v1;
	v4 =	vld [tilespmem:s0+$0x0]  }
0x2e2: {  	v5 =	vld [tilespmem:s0+$0x10];
	vm3 =	vmand vm3, vm5;
	vm5 =	vlt.f32 v1, v17;
	vm4 =	vmand vm7, vm4  }
0x2e3: {  	s2 =	simm.s32 $0x13480;
	s13 =	simm.s32 $0x0;
	s20 =	simm.s32 $0x17500;
	[tilespmem:s0+$0x30] =	vst v7;
	vm5 =	vmand vm6, vm5;
	v7 =	vnsel vm10, $0x0, v9;
	v8 =	vnsel vm4, $0x0, v6;
	v6 =	vld [tilespmem:s0+$0x20]  }
.LBB2_21:
0x2e4: {  	v9 =	vld [tilespmem:s20+$0x30];
	[tilespmem:s0+$0xFFFFFFC0] =	vst v8;
	v2 =	vnsel vm0, $0x0, v2;
	s3 =	sadd.s32 $0x80, s3  }
0x2e5: {  	s13 =	sadd.s32 $0x80, s13;
	v8 =	vld [tilespmem:s3+$0x30];
	[tilespmem:s0+$0xFFFFFFD0] =	vst v7;
	v3 =	vnsel vm1, $0x0, v3  }
0x2e6: {  	p1 =	slt.u32 s13, $0xF00;
	s0 =	sadd.s32 $0x80, s0;
	v7 =	vld [tilespmem:s3+$0xFFFFFFC0];
	[tilespmem:s2+$0xFFFFFFE0] =	vst v2;
	v2 =	vnsel vm2, $0x0, v4  }
0x2e7: {  	v4 =	vld [tilespmem:s0+$0x30];
	[tilespmem:s2+$0xFFFFFFF0] =	vst v3;
	v3 =	vnsel vm3, $0x0, v5  }
0x2e8: {  	v5 =	vld [tilespmem:s20+$0xFFFFFFD0];
	[tilespmem:s2+$0x0] =	vst v2;
	v2 =	vnsel vm5, $0x0, v6  }
0x2e9: {  	v6 =	vld [tilespmem:s3+$0xFFFFFFD0];
	[tilespmem:s2+$0x10] =	vst v3  }
0x2ea: {  	vm0 =	vle.f32 v9, v1;
	v3 =	vld [tilespmem:s20+$0xFFFFFFE0];
	vm1 =	vlt.f32 v1, v8;
	[tilespmem:s2+$0x20] =	vst v2;
	s2 =	smov.u32 s0  }
0x2eb: {  	vm4 =	vlt.f32 v1, v7;
	v2 =	vld [tilespmem:s3+$0xFFFFFFE0];
	vm0 =	vmand vm0, vm1  }
0x2ec: {  	s5 =	simm.s32 $0x183C0;
	v7 =	vld [tilespmem:s20+$0xFFFFFFF0];
	v4 =	vnsel vm0, $0x0, v4  }
0x2ed: {  	s6 =	simm.s32 $0xF70;
	s23 =	simm.s32 $0x143C0;
	s12 =	simm.s32 $0x1C3C0;
	vm0 =	vle.f32 v5, v1;
	v5 =	vld [tilespmem:s3+$0xFFFFFFF0];
	[tilespmem:s0+$0x30] =	vst v4  }
0x2ee: {  	vm1 =	vlt.f32 v1, v6;
	v4 =	vld [tilespmem:s20+$0x0]  }
0x2ef: {  	vm6 =	vmand vm0, vm1;
	vm0 =	vle.f32 v3, v1;
	v3 =	vld [tilespmem:s3+$0x0]  }
0x2f0: {  	vm1 =	vlt.f32 v1, v2;
	v2 =	vld [tilespmem:s20+$0x10]  }
0x2f1: {  	vm0 =	vmand vm0, vm1;
	vm1 =	vle.f32 v7, v1;
	v6 =	vld [tilespmem:s3+$0x10]  }
0x2f2: {  	vm2 =	vlt.f32 v1, v5;
	v5 =	vld [tilespmem:s20+$0x20]  }
0x2f3: {  	vm1 =	vmand vm1, vm2;
	vm2 =	vle.f32 v4, v1;
	v4 =	vld [tilespmem:s3+$0x20]  }
0x2f4: {  	v7 =	vld [tilespmem:s20+$0xFFFFFFC0];
	vm3 =	vlt.f32 v1, v3  }
0x2f5: {  	v8 =	vld [tilespmem:s0+$0xFFFFFFC0];
	vm2 =	vmand vm2, vm3;
	vm3 =	vle.f32 v2, v1  }
0x2f6: {  	v9 =	vld [tilespmem:s0+$0xFFFFFFD0];
	vm5 =	vlt.f32 v1, v6  }
.Ltmp11:
0x2f7: {  	v2 =	vld [tilespmem:s0+$0xFFFFFFE0];
	vm3 =	vmand vm3, vm5;
	vm5 =	vle.f32 v5, v1;
	(pc) =	sbr.rel @p1 .LBB2_21-.Ltmp11, $4  }
0x2f8: {  	v3 =	vld [tilespmem:s0+$0xFFFFFFF0];
	vm7 =	vlt.f32 v1, v4  }
0x2f9: {  	vm8 =	vle.f32 v7, v1;
	v4 =	vld [tilespmem:s0+$0x0];
	vm5 =	vmand vm5, vm7  }
0x2fa: {  	vm4 =	vmand vm8, vm4;
	v5 =	vld [tilespmem:s0+$0x10]  }
0x2fb: {  	s20 =	sadd.s32 $0x80, s20;
	v8 =	vnsel vm4, $0x0, v8;
	v7 =	vnsel vm6, $0x0, v9;
	v6 =	vld [tilespmem:s0+$0x20]  }
0x2fc: {  	[tilespmem:s0+$0xFFFFFFC0] =	vst v8  }
0x2fd: {  	v2 =	vnsel vm0, $0x0, v2;
	[tilespmem:s0+$0xFFFFFFD0] =	vst v7  }
0x2fe: {  	v3 =	vnsel vm1, $0x0, v3;
	[tilespmem:s2+$0xFFFFFFE0] =	vst v2  }
0x2ff: {  	v2 =	vnsel vm2, $0x0, v4;
	[tilespmem:s2+$0xFFFFFFF0] =	vst v3  }
0x300: {  	v3 =	vnsel vm3, $0x0, v5;
	[tilespmem:s2+$0x0] =	vst v2  }
0x301: {  	v2 =	vnsel vm5, $0x0, v6;
	[tilespmem:s2+$0x10] =	vst v3  }
0x302: {  	[tilespmem:s2+$0x20] =	vst v2  }
.LBB2_23:
0x303: {  	v2 =	vld [tilespmem:s5+$0x0]  }
0x304: {  	v3 =	vld [tilespmem:s12+$0x0];
	_ =	sdelay $0x1  }
0x305: {  	v4 =	vld [tilespmem:s23+$0x0];
	s6 =	sadd.s32 $0x10, s6  }
0x306: {  	p1 =	slt.u32 s6, $0xF90  }
.Ltmp12:
0x307: {  	_ = 	snop;
	(pc) =	sbr.rel @p1 .LBB2_23-.Ltmp12, $4  }
0x308: {  	vm0 =	vle.f32 v2, v1;
	vm1 =	vlt.f32 v1, v3  }
0x309: {  	vm0 =	vmand vm0, vm1  }
0x30a: {  	v2 =	vnsel vm0, $0x0, v4  }
0x30b: {  	s12 =	sadd.s32 $0x10, s12;
	s5 =	sadd.s32 $0x10, s5;
	[tilespmem:s23+$0x0] =	vst v2;
	s23 =	sadd.s32 $0x10, s23  }
0x30c: {  	s0 =	simm.s32 $0xF440  }
0x30d: {  	[spmem:s22] =	stream.indirect.scatter.add.f32 [tilespmem:s14], [sflag:$0x5], $0x1, s0, s30, $0xb8;
	[tilespmem:$0x1F4C0] =	vst v63  }
0x30e: {  	_ =	swait.ge [sflag:s8], $0xFA0  }
0x30f: {  	s6 =	sadd.s32 $0x7D00, s29;
	[sflag:s8] =	ssyncset.done $0x0  }
0x310: {  	s2 =	sadd.s32 s15, s6;
	[sflag:s8] =	ssyncadd.s32 $0xFFFFF060  }
0x311: {  	[tilespmem:s31], [sflag:$0x3] =	stream.linear.gather [hbm4b:s2+s1], $0xFA0, $0x38;
	[tilespmem:$0x1F4C0] =	vst v63  }
0x312: {  	s12 =	sadd.s32 s16, s6  }
0x313: {  	[tilespmem:s18], [sflag:$0x3] =	stream.linear.gather [hbm4b:s12+s1], $0xFA0, $0x38;
	[tilespmem:$0x1F4C0] =	vst v63  }
0x314: {  	s3 =	simm.s32 $0x19440;
	s13 =	sadd.s32 s17, s6  }
0x315: {  	[tilespmem:s3], [sflag:$0x3] =	stream.linear.gather [hbm4b:s13+s1], $0xFA0, $0x38;
	[tilespmem:$0x1F4C0] =	vst v63  }
0x316: {  	s20 =	simm.s32 $0x1D440;
	s0 =	sadd.s32 s21, s6  }
0x317: {  	[tilespmem:s20], [sflag:$0x3] =	stream.linear.gather [hbm4b:s0+s1], $0xFA0, $0x38;
	[tilespmem:$0x1F4C0] =	vst v63  }
0x318: {  	_ =	swait.ge [sflag:s4], $0xFA0  }
0x319: {  	[sflag:s4] =	ssyncset.done $0x0  }
0x31a: {  	[sflag:s4] =	ssyncadd.s32 $0xFFFFF060  }
0x31b: {  	_ =	swait.ge [sflag:s4], $0xFA0  }
0x31c: {  	[sflag:s4] =	ssyncset.done $0x0  }
0x31d: {  	[sflag:s4] =	ssyncadd.s32 $0xFFFFF060  }
0x31e: {  	_ =	swait.ge [sflag:s4], $0xFA0  }
0x31f: {  	[sflag:s4] =	ssyncset.done $0x0  }
0x320: {  	[sflag:s4] =	ssyncadd.s32 $0xFFFFF060  }
0x321: {  	_ =	swait.ge [sflag:s4], $0xFA0  }
0x322: {  	[sflag:s4] =	ssyncset.done $0x0  }
0x323: {  	s23 =	simm.s32 $0x18480;
	[sflag:s4] =	ssyncadd.s32 $0xFFFFF060  }
0x324: {  	s3 =	simm.s32 $0x1C480;
	v2 =	vld [tilespmem:s23+$0x30]  }
0x325: {  	v3 =	vld [tilespmem:s3+$0x30]  }
0x326: {  	s0 =	simm.s32 $0x14480;
	v4 =	vld [tilespmem:s3+$0xFFFFFFC0]  }
0x327: {  	v5 =	vld [tilespmem:s0+$0x30]  }
0x328: {  	v6 =	vld [tilespmem:s23+$0xFFFFFFD0]  }
0x329: {  	v7 =	vld [tilespmem:s3+$0xFFFFFFD0]  }
0x32a: {  	v8 =	vld [tilespmem:s23+$0xFFFFFFE0]  }
0x32b: {  	v9 =	vld [tilespmem:s3+$0xFFFFFFE0]  }
0x32c: {  	v10 =	vld [tilespmem:s23+$0xFFFFFFF0]  }
0x32d: {  	v11 =	vld [tilespmem:s3+$0xFFFFFFF0]  }
0x32e: {  	v12 =	vld [tilespmem:s23+$0x0]  }
0x32f: {  	v13 =	vld [tilespmem:s3+$0x0]  }
0x330: {  	v14 =	vld [tilespmem:s23+$0x10]  }
0x331: {  	v15 =	vld [tilespmem:s3+$0x10]  }
0x332: {  	v16 =	vld [tilespmem:s23+$0x20]  }
0x333: {  	v17 =	vld [tilespmem:s3+$0x20];
	vm0 =	vle.f32 v2, v1;
	vm1 =	vlt.f32 v1, v3;
	vm4 =	vlt.f32 v1, v4  }
0x334: {  	vm2 =	vle.f32 v6, v1;
	vm3 =	vlt.f32 v1, v7;
	vm5 =	vle.f32 v8, v1;
	v4 =	vld [tilespmem:s23+$0xFFFFFFC0]  }
0x335: {  	vm6 =	vlt.f32 v1, v9;
	v6 =	vld [tilespmem:s0+$0xFFFFFFC0];
	vm7 =	vlt.f32 v1, v11;
	vm8 =	vle.f32 v12, v1  }
0x336: {  	v9 =	vld [tilespmem:s0+$0xFFFFFFD0];
	vm9 =	vlt.f32 v1, v13;
	vm0 =	vmand vm0, vm1;
	vm1 =	vle.f32 v10, v1  }
0x337: {  	v2 =	vld [tilespmem:s0+$0xFFFFFFE0];
	vm10 =	vmand vm2, vm3;
	vm3 =	vle.f32 v14, v1;
	vm2 =	vmand vm8, vm9  }
0x338: {  	v3 =	vld [tilespmem:s0+$0xFFFFFFF0];
	v7 =	vnsel vm0, $0x0, v5;
	vm0 =	vmand vm5, vm6;
	vm1 =	vmand vm1, vm7  }
0x339: {  	vm5 =	vlt.f32 v1, v15;
	vm6 =	vle.f32 v16, v1;
	vm7 =	vle.f32 v4, v1;
	v4 =	vld [tilespmem:s0+$0x0]  }
0x33a: {  	v5 =	vld [tilespmem:s0+$0x10];
	vm3 =	vmand vm3, vm5;
	vm5 =	vlt.f32 v1, v17;
	vm4 =	vmand vm7, vm4  }
0x33b: {  	s2 =	simm.s32 $0x14480;
	s13 =	simm.s32 $0x0;
	s20 =	simm.s32 $0x18500;
	[tilespmem:s0+$0x30] =	vst v7;
	vm5 =	vmand vm6, vm5;
	v7 =	vnsel vm10, $0x0, v9;
	v8 =	vnsel vm4, $0x0, v6;
	v6 =	vld [tilespmem:s0+$0x20]  }
.LBB2_25:
0x33c: {  	v9 =	vld [tilespmem:s20+$0x30];
	[tilespmem:s0+$0xFFFFFFC0] =	vst v8;
	v2 =	vnsel vm0, $0x0, v2;
	s3 =	sadd.s32 $0x80, s3  }
0x33d: {  	s13 =	sadd.s32 $0x80, s13;
	v8 =	vld [tilespmem:s3+$0x30];
	[tilespmem:s0+$0xFFFFFFD0] =	vst v7;
	v3 =	vnsel vm1, $0x0, v3  }
0x33e: {  	p1 =	slt.u32 s13, $0xF00;
	s0 =	sadd.s32 $0x80, s0;
	v7 =	vld [tilespmem:s3+$0xFFFFFFC0];
	[tilespmem:s2+$0xFFFFFFE0] =	vst v2;
	v2 =	vnsel vm2, $0x0, v4  }
0x33f: {  	v4 =	vld [tilespmem:s0+$0x30];
	[tilespmem:s2+$0xFFFFFFF0] =	vst v3;
	v3 =	vnsel vm3, $0x0, v5  }
0x340: {  	v5 =	vld [tilespmem:s20+$0xFFFFFFD0];
	[tilespmem:s2+$0x0] =	vst v2;
	v2 =	vnsel vm5, $0x0, v6  }
0x341: {  	v6 =	vld [tilespmem:s3+$0xFFFFFFD0];
	[tilespmem:s2+$0x10] =	vst v3  }
0x342: {  	vm0 =	vle.f32 v9, v1;
	v3 =	vld [tilespmem:s20+$0xFFFFFFE0];
	vm1 =	vlt.f32 v1, v8;
	[tilespmem:s2+$0x20] =	vst v2;
	s2 =	smov.u32 s0  }
0x343: {  	vm4 =	vlt.f32 v1, v7;
	v2 =	vld [tilespmem:s3+$0xFFFFFFE0];
	vm0 =	vmand vm0, vm1  }
0x344: {  	s5 =	simm.s32 $0x193C0;
	v7 =	vld [tilespmem:s20+$0xFFFFFFF0];
	v4 =	vnsel vm0, $0x0, v4  }
0x345: {  	s6 =	simm.s32 $0xF70;
	s23 =	simm.s32 $0x153C0;
	s12 =	simm.s32 $0x1D3C0;
	vm0 =	vle.f32 v5, v1;
	v5 =	vld [tilespmem:s3+$0xFFFFFFF0];
	[tilespmem:s0+$0x30] =	vst v4  }
0x346: {  	vm1 =	vlt.f32 v1, v6;
	v4 =	vld [tilespmem:s20+$0x0]  }
0x347: {  	vm6 =	vmand vm0, vm1;
	vm0 =	vle.f32 v3, v1;
	v3 =	vld [tilespmem:s3+$0x0]  }
0x348: {  	vm1 =	vlt.f32 v1, v2;
	v2 =	vld [tilespmem:s20+$0x10]  }
0x349: {  	vm0 =	vmand vm0, vm1;
	vm1 =	vle.f32 v7, v1;
	v6 =	vld [tilespmem:s3+$0x10]  }
0x34a: {  	vm2 =	vlt.f32 v1, v5;
	v5 =	vld [tilespmem:s20+$0x20]  }
0x34b: {  	vm1 =	vmand vm1, vm2;
	vm2 =	vle.f32 v4, v1;
	v4 =	vld [tilespmem:s3+$0x20]  }
0x34c: {  	v7 =	vld [tilespmem:s20+$0xFFFFFFC0];
	vm3 =	vlt.f32 v1, v3  }
0x34d: {  	v8 =	vld [tilespmem:s0+$0xFFFFFFC0];
	vm2 =	vmand vm2, vm3;
	vm3 =	vle.f32 v2, v1  }
0x34e: {  	v9 =	vld [tilespmem:s0+$0xFFFFFFD0];
	vm5 =	vlt.f32 v1, v6  }
.Ltmp13:
0x34f: {  	v2 =	vld [tilespmem:s0+$0xFFFFFFE0];
	vm3 =	vmand vm3, vm5;
	vm5 =	vle.f32 v5, v1;
	(pc) =	sbr.rel @p1 .LBB2_25-.Ltmp13, $4  }
0x350: {  	v3 =	vld [tilespmem:s0+$0xFFFFFFF0];
	vm7 =	vlt.f32 v1, v4  }
0x351: {  	vm8 =	vle.f32 v7, v1;
	v4 =	vld [tilespmem:s0+$0x0];
	vm5 =	vmand vm5, vm7  }
0x352: {  	vm4 =	vmand vm8, vm4;
	v5 =	vld [tilespmem:s0+$0x10]  }
0x353: {  	s20 =	sadd.s32 $0x80, s20;
	v8 =	vnsel vm4, $0x0, v8;
	v7 =	vnsel vm6, $0x0, v9;
	v6 =	vld [tilespmem:s0+$0x20]  }
0x354: {  	[tilespmem:s0+$0xFFFFFFC0] =	vst v8  }
0x355: {  	v2 =	vnsel vm0, $0x0, v2;
	[tilespmem:s0+$0xFFFFFFD0] =	vst v7  }
0x356: {  	v3 =	vnsel vm1, $0x0, v3;
	[tilespmem:s2+$0xFFFFFFE0] =	vst v2  }
0x357: {  	v2 =	vnsel vm2, $0x0, v4;
	[tilespmem:s2+$0xFFFFFFF0] =	vst v3  }
0x358: {  	v3 =	vnsel vm3, $0x0, v5;
	[tilespmem:s2+$0x0] =	vst v2  }
0x359: {  	v2 =	vnsel vm5, $0x0, v6;
	[tilespmem:s2+$0x10] =	vst v3  }
0x35a: {  	[tilespmem:s2+$0x20] =	vst v2  }
.LBB2_27:
0x35b: {  	v2 =	vld [tilespmem:s5+$0x0]  }
0x35c: {  	v3 =	vld [tilespmem:s12+$0x0];
	_ =	sdelay $0x1  }
0x35d: {  	v4 =	vld [tilespmem:s23+$0x0];
	s6 =	sadd.s32 $0x10, s6  }
0x35e: {  	p1 =	slt.u32 s6, $0xF90  }
.Ltmp14:
0x35f: {  	_ = 	snop;
	(pc) =	sbr.rel @p1 .LBB2_27-.Ltmp14, $4  }
0x360: {  	vm0 =	vle.f32 v2, v1;
	vm1 =	vlt.f32 v1, v3  }
0x361: {  	vm0 =	vmand vm0, vm1  }
0x362: {  	v2 =	vnsel vm0, $0x0, v4  }
0x363: {  	s12 =	sadd.s32 $0x10, s12;
	s5 =	sadd.s32 $0x10, s5;
	[tilespmem:s23+$0x0] =	vst v2;
	s23 =	sadd.s32 $0x10, s23  }
0x364: {  	s0 =	simm.s32 $0x10440  }
0x365: {  	[spmem:s22] =	stream.indirect.scatter.add.f32 [tilespmem:s26], [sflag:$0x6], $0x1, s0, s30, $0xb8;
	[tilespmem:$0x1F4C0] =	vst v63  }
0x366: {  	_ =	swait.ge [sflag:s24], $0xFA0  }
0x367: {  	s5 =	sadd.s32 $0xBB80, s29;
	[sflag:s24] =	ssyncset.done $0x0  }
0x368: {  	s3 =	simm.s32 $0x12440;
	s2 =	sadd.s32 s15, s5;
	[sflag:s24] =	ssyncadd.s32 $0xFFFFF060  }
0x369: {  	[tilespmem:s3], [sflag:$0x4] =	stream.linear.gather [hbm4b:s2+s1], $0xFA0, $0x38;
	[tilespmem:$0x1F4C0] =	vst v63  }
0x36a: {  	s12 =	simm.s32 $0x16440;
	s6 =	sadd.s32 s16, s5  }
0x36b: {  	[tilespmem:s12], [sflag:$0x4] =	stream.linear.gather [hbm4b:s6+s1], $0xFA0, $0x38;
	[tilespmem:$0x1F4C0] =	vst v63  }
0x36c: {  	s20 =	simm.s32 $0x1A440;
	s13 =	sadd.s32 s17, s5  }
0x36d: {  	[tilespmem:s20], [sflag:$0x4] =	stream.linear.gather [hbm4b:s13+s1], $0xFA0, $0x38;
	[tilespmem:$0x1F4C0] =	vst v63  }
0x36e: {  	s23 =	simm.s32 $0x1E440;
	s0 =	sadd.s32 s21, s5  }
0x36f: {  	[tilespmem:s23], [sflag:$0x4] =	stream.linear.gather [hbm4b:s0+s1], $0xFA0, $0x38;
	[tilespmem:$0x1F4C0] =	vst v63  }
0x370: {  	_ =	swait.ge [sflag:s9], $0xFA0  }
0x371: {  	[sflag:s9] =	ssyncset.done $0x0  }
0x372: {  	[sflag:s9] =	ssyncadd.s32 $0xFFFFF060  }
0x373: {  	_ =	swait.ge [sflag:s9], $0xFA0  }
0x374: {  	[sflag:s9] =	ssyncset.done $0x0  }
0x375: {  	[sflag:s9] =	ssyncadd.s32 $0xFFFFF060  }
0x376: {  	_ =	swait.ge [sflag:s9], $0xFA0  }
0x377: {  	[sflag:s9] =	ssyncset.done $0x0  }
0x378: {  	[sflag:s9] =	ssyncadd.s32 $0xFFFFF060  }
0x379: {  	_ =	swait.ge [sflag:s9], $0xFA0  }
0x37a: {  	[sflag:s9] =	ssyncset.done $0x0  }
0x37b: {  	s29 =	simm.s32 $0x19480;
	[sflag:s9] =	ssyncadd.s32 $0xFFFFF060  }
0x37c: {  	s3 =	simm.s32 $0x1D480;
	v2 =	vld [tilespmem:s29+$0x30]  }
0x37d: {  	v3 =	vld [tilespmem:s3+$0x30]  }
0x37e: {  	s0 =	simm.s32 $0x15480;
	v4 =	vld [tilespmem:s3+$0xFFFFFFC0]  }
0x37f: {  	v5 =	vld [tilespmem:s0+$0x30]  }
0x380: {  	v6 =	vld [tilespmem:s29+$0xFFFFFFD0]  }
0x381: {  	v7 =	vld [tilespmem:s3+$0xFFFFFFD0]  }
0x382: {  	v8 =	vld [tilespmem:s29+$0xFFFFFFE0]  }
0x383: {  	v9 =	vld [tilespmem:s3+$0xFFFFFFE0]  }
0x384: {  	v10 =	vld [tilespmem:s29+$0xFFFFFFF0]  }
0x385: {  	v11 =	vld [tilespmem:s3+$0xFFFFFFF0]  }
0x386: {  	v12 =	vld [tilespmem:s29+$0x0]  }
0x387: {  	v13 =	vld [tilespmem:s3+$0x0]  }
0x388: {  	v14 =	vld [tilespmem:s29+$0x10]  }
0x389: {  	v15 =	vld [tilespmem:s3+$0x10]  }
0x38a: {  	v16 =	vld [tilespmem:s29+$0x20]  }
0x38b: {  	v17 =	vld [tilespmem:s3+$0x20];
	vm0 =	vle.f32 v2, v1;
	vm1 =	vlt.f32 v1, v3;
	vm4 =	vlt.f32 v1, v4  }
0x38c: {  	vm2 =	vle.f32 v6, v1;
	vm3 =	vlt.f32 v1, v7;
	vm5 =	vle.f32 v8, v1;
	v4 =	vld [tilespmem:s29+$0xFFFFFFC0]  }
0x38d: {  	vm6 =	vlt.f32 v1, v9;
	v6 =	vld [tilespmem:s0+$0xFFFFFFC0];
	vm7 =	vlt.f32 v1, v11;
	vm8 =	vle.f32 v12, v1  }
0x38e: {  	v9 =	vld [tilespmem:s0+$0xFFFFFFD0];
	vm9 =	vlt.f32 v1, v13;
	vm0 =	vmand vm0, vm1;
	vm1 =	vle.f32 v10, v1  }
0x38f: {  	v2 =	vld [tilespmem:s0+$0xFFFFFFE0];
	vm10 =	vmand vm2, vm3;
	vm3 =	vle.f32 v14, v1;
	vm2 =	vmand vm8, vm9  }
0x390: {  	v3 =	vld [tilespmem:s0+$0xFFFFFFF0];
	v7 =	vnsel vm0, $0x0, v5;
	vm0 =	vmand vm5, vm6;
	vm1 =	vmand vm1, vm7  }
0x391: {  	vm5 =	vlt.f32 v1, v15;
	vm6 =	vle.f32 v16, v1;
	vm7 =	vle.f32 v4, v1;
	v4 =	vld [tilespmem:s0+$0x0]  }
0x392: {  	v5 =	vld [tilespmem:s0+$0x10];
	vm3 =	vmand vm3, vm5;
	vm5 =	vlt.f32 v1, v17;
	vm4 =	vmand vm7, vm4  }
0x393: {  	s2 =	simm.s32 $0x15480;
	s13 =	simm.s32 $0x0;
	s20 =	simm.s32 $0x19500;
	[tilespmem:s0+$0x30] =	vst v7;
	vm5 =	vmand vm6, vm5;
	v7 =	vnsel vm10, $0x0, v9;
	v8 =	vnsel vm4, $0x0, v6;
	v6 =	vld [tilespmem:s0+$0x20]  }
.LBB2_29:
0x394: {  	v9 =	vld [tilespmem:s20+$0x30];
	[tilespmem:s0+$0xFFFFFFC0] =	vst v8;
	v2 =	vnsel vm0, $0x0, v2;
	s3 =	sadd.s32 $0x80, s3  }
0x395: {  	s13 =	sadd.s32 $0x80, s13;
	v8 =	vld [tilespmem:s3+$0x30];
	[tilespmem:s0+$0xFFFFFFD0] =	vst v7;
	v3 =	vnsel vm1, $0x0, v3  }
0x396: {  	p1 =	slt.u32 s13, $0xF00;
	s0 =	sadd.s32 $0x80, s0;
	v7 =	vld [tilespmem:s3+$0xFFFFFFC0];
	[tilespmem:s2+$0xFFFFFFE0] =	vst v2;
	v2 =	vnsel vm2, $0x0, v4  }
0x397: {  	v4 =	vld [tilespmem:s0+$0x30];
	[tilespmem:s2+$0xFFFFFFF0] =	vst v3;
	v3 =	vnsel vm3, $0x0, v5  }
0x398: {  	v5 =	vld [tilespmem:s20+$0xFFFFFFD0];
	[tilespmem:s2+$0x0] =	vst v2;
	v2 =	vnsel vm5, $0x0, v6  }
0x399: {  	v6 =	vld [tilespmem:s3+$0xFFFFFFD0];
	[tilespmem:s2+$0x10] =	vst v3  }
0x39a: {  	vm0 =	vle.f32 v9, v1;
	v3 =	vld [tilespmem:s20+$0xFFFFFFE0];
	vm1 =	vlt.f32 v1, v8;
	[tilespmem:s2+$0x20] =	vst v2;
	s2 =	smov.u32 s0  }
0x39b: {  	vm4 =	vlt.f32 v1, v7;
	v2 =	vld [tilespmem:s3+$0xFFFFFFE0];
	vm0 =	vmand vm0, vm1  }
0x39c: {  	s5 =	simm.s32 $0x1A3C0;
	v7 =	vld [tilespmem:s20+$0xFFFFFFF0];
	v4 =	vnsel vm0, $0x0, v4  }
0x39d: {  	s6 =	simm.s32 $0xF70;
	s23 =	simm.s32 $0x163C0;
	s12 =	simm.s32 $0x1E3C0;
	vm0 =	vle.f32 v5, v1;
	v5 =	vld [tilespmem:s3+$0xFFFFFFF0];
	[tilespmem:s0+$0x30] =	vst v4  }
0x39e: {  	vm1 =	vlt.f32 v1, v6;
	v4 =	vld [tilespmem:s20+$0x0]  }
0x39f: {  	vm6 =	vmand vm0, vm1;
	vm0 =	vle.f32 v3, v1;
	v3 =	vld [tilespmem:s3+$0x0]  }
0x3a0: {  	vm1 =	vlt.f32 v1, v2;
	v2 =	vld [tilespmem:s20+$0x10]  }
0x3a1: {  	vm0 =	vmand vm0, vm1;
	vm1 =	vle.f32 v7, v1;
	v6 =	vld [tilespmem:s3+$0x10]  }
0x3a2: {  	vm2 =	vlt.f32 v1, v5;
	v5 =	vld [tilespmem:s20+$0x20]  }
0x3a3: {  	vm1 =	vmand vm1, vm2;
	vm2 =	vle.f32 v4, v1;
	v4 =	vld [tilespmem:s3+$0x20]  }
0x3a4: {  	v7 =	vld [tilespmem:s20+$0xFFFFFFC0];
	vm3 =	vlt.f32 v1, v3  }
0x3a5: {  	v8 =	vld [tilespmem:s0+$0xFFFFFFC0];
	vm2 =	vmand vm2, vm3;
	vm3 =	vle.f32 v2, v1  }
0x3a6: {  	v9 =	vld [tilespmem:s0+$0xFFFFFFD0];
	vm5 =	vlt.f32 v1, v6  }
.Ltmp15:
0x3a7: {  	v2 =	vld [tilespmem:s0+$0xFFFFFFE0];
	vm3 =	vmand vm3, vm5;
	vm5 =	vle.f32 v5, v1;
	(pc) =	sbr.rel @p1 .LBB2_29-.Ltmp15, $4  }
0x3a8: {  	v3 =	vld [tilespmem:s0+$0xFFFFFFF0];
	vm7 =	vlt.f32 v1, v4  }
0x3a9: {  	vm8 =	vle.f32 v7, v1;
	v4 =	vld [tilespmem:s0+$0x0];
	vm5 =	vmand vm5, vm7  }
0x3aa: {  	vm4 =	vmand vm8, vm4;
	v5 =	vld [tilespmem:s0+$0x10]  }
0x3ab: {  	s20 =	sadd.s32 $0x80, s20;
	v8 =	vnsel vm4, $0x0, v8;
	v7 =	vnsel vm6, $0x0, v9;
	v6 =	vld [tilespmem:s0+$0x20]  }
0x3ac: {  	[tilespmem:s0+$0xFFFFFFC0] =	vst v8  }
0x3ad: {  	v2 =	vnsel vm0, $0x0, v2;
	[tilespmem:s0+$0xFFFFFFD0] =	vst v7  }
0x3ae: {  	v3 =	vnsel vm1, $0x0, v3;
	[tilespmem:s2+$0xFFFFFFE0] =	vst v2  }
0x3af: {  	v2 =	vnsel vm2, $0x0, v4;
	[tilespmem:s2+$0xFFFFFFF0] =	vst v3  }
0x3b0: {  	v3 =	vnsel vm3, $0x0, v5;
	[tilespmem:s2+$0x0] =	vst v2  }
0x3b1: {  	v2 =	vnsel vm5, $0x0, v6;
	[tilespmem:s2+$0x10] =	vst v3  }
0x3b2: {  	[tilespmem:s2+$0x20] =	vst v2  }
.LBB2_31:
0x3b3: {  	v2 =	vld [tilespmem:s5+$0x0]  }
0x3b4: {  	v3 =	vld [tilespmem:s12+$0x0];
	_ =	sdelay $0x1  }
0x3b5: {  	v4 =	vld [tilespmem:s23+$0x0];
	s6 =	sadd.s32 $0x10, s6  }
0x3b6: {  	p1 =	slt.u32 s6, $0xF90  }
.Ltmp16:
0x3b7: {  	_ = 	snop;
	(pc) =	sbr.rel @p1 .LBB2_31-.Ltmp16, $4  }
0x3b8: {  	vm0 =	vle.f32 v2, v1;
	vm1 =	vlt.f32 v1, v3  }
0x3b9: {  	vm0 =	vmand vm0, vm1  }
0x3ba: {  	v2 =	vnsel vm0, $0x0, v4  }
0x3bb: {  	s12 =	sadd.s32 $0x10, s12;
	s5 =	sadd.s32 $0x10, s5;
	[tilespmem:s23+$0x0] =	vst v2;
	s23 =	sadd.s32 $0x10, s23  }
0x3bc: {  	s0 =	sld [smem:$0x7F9];
	_ =	sdelay $0x1  }
0x3bd: {  	[spmem:s22] =	stream.indirect.scatter.add.f32 [tilespmem:s18], [sflag:$0x7], $0x1, s31, s30, $0xb8;
	[tilespmem:$0x1F4C0] =	vst v63  }
0x3be: {  	s0 =	sadd.s32 s0, s28  }
0x3bf: {  	_ =	swait.ge [sflag:s10], $0xFA0;
	s0 =	smul.u32 $0x1F4, s0  }
0x3c0: {  	[sflag:s10] =	ssyncset.done $0x0  }
0x3c1: {  	s3 =	simm.s32 $0xF440;
	[sflag:s10] =	ssyncadd.s32 $0xFFFFF060;
	s2 =	sadd.s32 s15, s0  }
0x3c2: {  	[tilespmem:s3], [sflag:$0x1] =	stream.linear.gather [hbm4b:s2+s1], $0xFA0, $0x38;
	[tilespmem:$0x1F4C0] =	vst v63  }
0x3c3: {  	s13 =	sadd.s32 s16, s0  }
0x3c4: {  	[tilespmem:s14], [sflag:$0x1] =	stream.linear.gather [hbm4b:s13+s1], $0xFA0, $0x38;
	[tilespmem:$0x1F4C0] =	vst v63  }
0x3c5: {  	s23 =	simm.s32 $0x17440;
	s20 =	sadd.s32 s17, s0  }
0x3c6: {  	[tilespmem:s23], [sflag:$0x1] =	stream.linear.gather [hbm4b:s20+s1], $0xFA0, $0x38;
	[tilespmem:$0x1F4C0] =	vst v63  }
0x3c7: {  	s28 =	simm.s32 $0x1B440;
	s0 =	sadd.s32 s21, s0  }
0x3c8: {  	[tilespmem:s28], [sflag:$0x1] =	stream.linear.gather [hbm4b:s0+s1], $0xFA0, $0x38;
	[tilespmem:$0x1F4C0] =	vst v63  }
0x3c9: {  	_ =	swait.ge [sflag:s11], $0xFA0  }
0x3ca: {  	[sflag:s11] =	ssyncset.done $0x0  }
0x3cb: {  	[sflag:s11] =	ssyncadd.s32 $0xFFFFF060  }
0x3cc: {  	_ =	swait.ge [sflag:s11], $0xFA0  }
0x3cd: {  	[sflag:s11] =	ssyncset.done $0x0  }
0x3ce: {  	[sflag:s11] =	ssyncadd.s32 $0xFFFFF060  }
0x3cf: {  	_ =	swait.ge [sflag:s11], $0xFA0  }
0x3d0: {  	[sflag:s11] =	ssyncset.done $0x0  }
0x3d1: {  	[sflag:s11] =	ssyncadd.s32 $0xFFFFF060  }
0x3d2: {  	_ =	swait.ge [sflag:s11], $0xFA0  }
0x3d3: {  	[sflag:s11] =	ssyncset.done $0x0  }
0x3d4: {  	s29 =	simm.s32 $0x1A480;
	[sflag:s11] =	ssyncadd.s32 $0xFFFFF060  }
0x3d5: {  	s3 =	simm.s32 $0x1E480;
	v2 =	vld [tilespmem:s29+$0x30]  }
0x3d6: {  	v3 =	vld [tilespmem:s3+$0x30]  }
0x3d7: {  	s0 =	simm.s32 $0x16480;
	v4 =	vld [tilespmem:s3+$0xFFFFFFC0]  }
0x3d8: {  	v5 =	vld [tilespmem:s0+$0x30]  }
0x3d9: {  	v6 =	vld [tilespmem:s29+$0xFFFFFFD0]  }
0x3da: {  	v7 =	vld [tilespmem:s3+$0xFFFFFFD0]  }
0x3db: {  	v8 =	vld [tilespmem:s29+$0xFFFFFFE0]  }
0x3dc: {  	v9 =	vld [tilespmem:s3+$0xFFFFFFE0]  }
0x3dd: {  	v10 =	vld [tilespmem:s29+$0xFFFFFFF0]  }
0x3de: {  	v11 =	vld [tilespmem:s3+$0xFFFFFFF0]  }
0x3df: {  	v12 =	vld [tilespmem:s29+$0x0]  }
0x3e0: {  	v13 =	vld [tilespmem:s3+$0x0]  }
0x3e1: {  	v14 =	vld [tilespmem:s29+$0x10]  }
0x3e2: {  	v15 =	vld [tilespmem:s3+$0x10]  }
0x3e3: {  	v16 =	vld [tilespmem:s29+$0x20]  }
0x3e4: {  	v17 =	vld [tilespmem:s3+$0x20];
	vm0 =	vle.f32 v2, v1;
	vm1 =	vlt.f32 v1, v3;
	vm4 =	vlt.f32 v1, v4  }
0x3e5: {  	vm2 =	vle.f32 v6, v1;
	vm3 =	vlt.f32 v1, v7;
	vm5 =	vle.f32 v8, v1;
	v4 =	vld [tilespmem:s29+$0xFFFFFFC0]  }
0x3e6: {  	vm6 =	vlt.f32 v1, v9;
	v6 =	vld [tilespmem:s0+$0xFFFFFFC0];
	vm7 =	vlt.f32 v1, v11;
	vm8 =	vle.f32 v12, v1  }
0x3e7: {  	v9 =	vld [tilespmem:s0+$0xFFFFFFD0];
	vm9 =	vlt.f32 v1, v13;
	vm0 =	vmand vm0, vm1;
	vm1 =	vle.f32 v10, v1  }
0x3e8: {  	v2 =	vld [tilespmem:s0+$0xFFFFFFE0];
	vm10 =	vmand vm2, vm3;
	vm3 =	vle.f32 v14, v1;
	vm2 =	vmand vm8, vm9  }
0x3e9: {  	v3 =	vld [tilespmem:s0+$0xFFFFFFF0];
	v7 =	vnsel vm0, $0x0, v5;
	vm0 =	vmand vm5, vm6;
	vm1 =	vmand vm1, vm7  }
0x3ea: {  	vm5 =	vlt.f32 v1, v15;
	vm6 =	vle.f32 v16, v1;
	vm7 =	vle.f32 v4, v1;
	v4 =	vld [tilespmem:s0+$0x0]  }
0x3eb: {  	v5 =	vld [tilespmem:s0+$0x10];
	vm3 =	vmand vm3, vm5;
	vm5 =	vlt.f32 v1, v17;
	vm4 =	vmand vm7, vm4  }
0x3ec: {  	s2 =	simm.s32 $0x16480;
	s13 =	simm.s32 $0x0;
	s20 =	simm.s32 $0x1A500;
	[tilespmem:s0+$0x30] =	vst v7;
	vm5 =	vmand vm6, vm5;
	v7 =	vnsel vm10, $0x0, v9;
	v8 =	vnsel vm4, $0x0, v6;
	v6 =	vld [tilespmem:s0+$0x20]  }
.LBB2_33:
0x3ed: {  	v9 =	vld [tilespmem:s20+$0x30];
	[tilespmem:s0+$0xFFFFFFC0] =	vst v8;
	v2 =	vnsel vm0, $0x0, v2;
	s3 =	sadd.s32 $0x80, s3  }
0x3ee: {  	s13 =	sadd.s32 $0x80, s13;
	v8 =	vld [tilespmem:s3+$0x30];
	[tilespmem:s0+$0xFFFFFFD0] =	vst v7;
	v3 =	vnsel vm1, $0x0, v3  }
0x3ef: {  	p1 =	slt.u32 s13, $0xF00;
	s0 =	sadd.s32 $0x80, s0;
	v7 =	vld [tilespmem:s3+$0xFFFFFFC0];
	[tilespmem:s2+$0xFFFFFFE0] =	vst v2;
	v2 =	vnsel vm2, $0x0, v4  }
0x3f0: {  	v4 =	vld [tilespmem:s0+$0x30];
	[tilespmem:s2+$0xFFFFFFF0] =	vst v3;
	v3 =	vnsel vm3, $0x0, v5  }
0x3f1: {  	v5 =	vld [tilespmem:s20+$0xFFFFFFD0];
	[tilespmem:s2+$0x0] =	vst v2;
	v2 =	vnsel vm5, $0x0, v6  }
0x3f2: {  	v6 =	vld [tilespmem:s3+$0xFFFFFFD0];
	[tilespmem:s2+$0x10] =	vst v3  }
0x3f3: {  	vm0 =	vle.f32 v9, v1;
	v3 =	vld [tilespmem:s20+$0xFFFFFFE0];
	vm1 =	vlt.f32 v1, v8;
	[tilespmem:s2+$0x20] =	vst v2;
	s2 =	smov.u32 s0  }
0x3f4: {  	vm4 =	vlt.f32 v1, v7;
	v2 =	vld [tilespmem:s3+$0xFFFFFFE0];
	vm0 =	vmand vm0, vm1  }
0x3f5: {  	s5 =	simm.s32 $0x1B3C0;
	v7 =	vld [tilespmem:s20+$0xFFFFFFF0];
	v4 =	vnsel vm0, $0x0, v4  }
0x3f6: {  	s6 =	simm.s32 $0xF70;
	s23 =	simm.s32 $0x173C0;
	s12 =	simm.s32 $0x1F3C0;
	vm0 =	vle.f32 v5, v1;
	v5 =	vld [tilespmem:s3+$0xFFFFFFF0];
	[tilespmem:s0+$0x30] =	vst v4  }
0x3f7: {  	vm1 =	vlt.f32 v1, v6;
	v4 =	vld [tilespmem:s20+$0x0]  }
0x3f8: {  	vm6 =	vmand vm0, vm1;
	vm0 =	vle.f32 v3, v1;
	v3 =	vld [tilespmem:s3+$0x0]  }
0x3f9: {  	vm1 =	vlt.f32 v1, v2;
	v2 =	vld [tilespmem:s20+$0x10]  }
0x3fa: {  	vm0 =	vmand vm0, vm1;
	vm1 =	vle.f32 v7, v1;
	v6 =	vld [tilespmem:s3+$0x10]  }
0x3fb: {  	vm2 =	vlt.f32 v1, v5;
	v5 =	vld [tilespmem:s20+$0x20]  }
0x3fc: {  	vm1 =	vmand vm1, vm2;
	vm2 =	vle.f32 v4, v1;
	v4 =	vld [tilespmem:s3+$0x20]  }
0x3fd: {  	v7 =	vld [tilespmem:s20+$0xFFFFFFC0];
	vm3 =	vlt.f32 v1, v3  }
0x3fe: {  	v8 =	vld [tilespmem:s0+$0xFFFFFFC0];
	vm2 =	vmand vm2, vm3;
	vm3 =	vle.f32 v2, v1  }
0x3ff: {  	v9 =	vld [tilespmem:s0+$0xFFFFFFD0];
	vm5 =	vlt.f32 v1, v6  }
.Ltmp17:
0x400: {  	v2 =	vld [tilespmem:s0+$0xFFFFFFE0];
	vm3 =	vmand vm3, vm5;
	vm5 =	vle.f32 v5, v1;
	(pc) =	sbr.rel @p1 .LBB2_33-.Ltmp17, $4  }
0x401: {  	v3 =	vld [tilespmem:s0+$0xFFFFFFF0];
	vm7 =	vlt.f32 v1, v4  }
0x402: {  	vm8 =	vle.f32 v7, v1;
	v4 =	vld [tilespmem:s0+$0x0];
	vm5 =	vmand vm5, vm7  }
0x403: {  	vm4 =	vmand vm8, vm4;
	v5 =	vld [tilespmem:s0+$0x10]  }
0x404: {  	s20 =	sadd.s32 $0x80, s20;
	v8 =	vnsel vm4, $0x0, v8;
	v7 =	vnsel vm6, $0x0, v9;
	v6 =	vld [tilespmem:s0+$0x20]  }
0x405: {  	[tilespmem:s0+$0xFFFFFFC0] =	vst v8  }
0x406: {  	v2 =	vnsel vm0, $0x0, v2;
	[tilespmem:s0+$0xFFFFFFD0] =	vst v7  }
0x407: {  	v3 =	vnsel vm1, $0x0, v3;
	[tilespmem:s2+$0xFFFFFFE0] =	vst v2  }
0x408: {  	v2 =	vnsel vm2, $0x0, v4;
	[tilespmem:s2+$0xFFFFFFF0] =	vst v3  }
0x409: {  	v3 =	vnsel vm3, $0x0, v5;
	[tilespmem:s2+$0x0] =	vst v2  }
0x40a: {  	v2 =	vnsel vm5, $0x0, v6;
	[tilespmem:s2+$0x10] =	vst v3  }
0x40b: {  	[tilespmem:s2+$0x20] =	vst v2  }
.LBB2_35:
0x40c: {  	v2 =	vld [tilespmem:s5+$0x0]  }
0x40d: {  	v3 =	vld [tilespmem:s12+$0x0];
	_ =	sdelay $0x1  }
0x40e: {  	v4 =	vld [tilespmem:s23+$0x0];
	s6 =	sadd.s32 $0x10, s6  }
0x40f: {  	p1 =	slt.u32 s6, $0xF90  }
.Ltmp18:
0x410: {  	_ = 	snop;
	(pc) =	sbr.rel @p1 .LBB2_35-.Ltmp18, $4  }
0x411: {  	vm0 =	vle.f32 v2, v1;
	vm1 =	vlt.f32 v1, v3  }
0x412: {  	vm0 =	vmand vm0, vm1  }
0x413: {  	v2 =	vnsel vm0, $0x0, v4  }
0x414: {  	s12 =	sadd.s32 $0x10, s12;
	s5 =	sadd.s32 $0x10, s5;
	[tilespmem:s23+$0x0] =	vst v2;
	s23 =	sadd.s32 $0x10, s23  }
0x415: {  	s25 =	sadd.s32 $0x1, s25  }
0x416: {  	p1 =	sne.s32 s25, $0x7  }
.Ltmp19:
0x417: {  	_ = 	snop;
	(pc) =	sbr.rel @p1 .LBB2_20-.Ltmp19, $3  }
0x418: {  	_ =	sdelay $0x1  }
0x419: {  	s0 =	simm.s32 $0x12440;
	s2 =	simm.s32 $0x16440  }
0x41a: {  	[spmem:s22] =	stream.indirect.scatter.add.f32 [tilespmem:s2], [sflag:$0x8], $0x1, s0, s30, $0xb8;
	[tilespmem:$0x1F4C0] =	vst v63  }
0x41b: {  	_ =	swait.ge [sflag:s7], $0xFA0  }
0x41c: {  	s0 =	sld [smem:$0x7EC]  }
0x41d: {  	[sflag:s7] =	ssyncset.done $0x0  }
0x41e: {  	s2 =	simm.s32 $0x10440;
	s13 =	sld [smem:$0x7ED];
	[sflag:s7] =	ssyncadd.s32 $0xFFFFF060  }
0x41f: {  	[tilespmem:s2], [sflag:$0x2] =	stream.linear.gather [hbm4b:s0+s1], $0xFA0, $0x38;
	[tilespmem:$0x1F4C0] =	vst v63  }
0x420: {  	s20 =	sld [smem:$0x7EE]  }
0x421: {  	[tilespmem:s26], [sflag:$0x2] =	stream.linear.gather [hbm4b:s13+s1], $0xFA0, $0x38;
	[tilespmem:$0x1F4C0] =	vst v63  }
0x422: {  	s23 =	simm.s32 $0x18440;
	s25 =	sld [smem:$0x7EF]  }
0x423: {  	[tilespmem:s23], [sflag:$0x2] =	stream.linear.gather [hbm4b:s20+s1], $0xFA0, $0x38;
	[tilespmem:$0x1F4C0] =	vst v63  }
0x424: {  	s28 =	simm.s32 $0x1C440  }
0x425: {  	[tilespmem:s28], [sflag:$0x2] =	stream.linear.gather [hbm4b:s25+s1], $0xFA0, $0x38;
	[tilespmem:$0x1F4C0] =	vst v63  }
0x426: {  	_ =	swait.ge [sflag:s19], $0xFA0  }
0x427: {  	[sflag:s19] =	ssyncset.done $0x0  }
0x428: {  	[sflag:s19] =	ssyncadd.s32 $0xFFFFF060  }
0x429: {  	_ =	swait.ge [sflag:s19], $0xFA0  }
0x42a: {  	[sflag:s19] =	ssyncset.done $0x0  }
0x42b: {  	[sflag:s19] =	ssyncadd.s32 $0xFFFFF060  }
0x42c: {  	_ =	swait.ge [sflag:s19], $0xFA0  }
0x42d: {  	[sflag:s19] =	ssyncset.done $0x0  }
0x42e: {  	[sflag:s19] =	ssyncadd.s32 $0xFFFFF060  }
0x42f: {  	_ =	swait.ge [sflag:s19], $0xFA0  }
0x430: {  	[sflag:s19] =	ssyncset.done $0x0  }
0x431: {  	s29 =	simm.s32 $0x17480;
	[sflag:s19] =	ssyncadd.s32 $0xFFFFF060  }
0x432: {  	s3 =	simm.s32 $0x1B480;
	v2 =	vld [tilespmem:s29+$0x30]  }
0x433: {  	v3 =	vld [tilespmem:s3+$0x30]  }
0x434: {  	s0 =	simm.s32 $0x13480;
	v4 =	vld [tilespmem:s3+$0xFFFFFFC0]  }
0x435: {  	v5 =	vld [tilespmem:s0+$0x30]  }
0x436: {  	v6 =	vld [tilespmem:s29+$0xFFFFFFD0]  }
0x437: {  	v7 =	vld [tilespmem:s3+$0xFFFFFFD0]  }
0x438: {  	v8 =	vld [tilespmem:s29+$0xFFFFFFE0]  }
0x439: {  	v9 =	vld [tilespmem:s3+$0xFFFFFFE0]  }
0x43a: {  	v10 =	vld [tilespmem:s29+$0xFFFFFFF0]  }
0x43b: {  	v11 =	vld [tilespmem:s3+$0xFFFFFFF0]  }
0x43c: {  	v12 =	vld [tilespmem:s29+$0x0]  }
0x43d: {  	v13 =	vld [tilespmem:s3+$0x0]  }
0x43e: {  	v14 =	vld [tilespmem:s29+$0x10]  }
0x43f: {  	v15 =	vld [tilespmem:s3+$0x10]  }
0x440: {  	v16 =	vld [tilespmem:s29+$0x20]  }
0x441: {  	v17 =	vld [tilespmem:s3+$0x20];
	vm0 =	vle.f32 v2, v1;
	vm1 =	vlt.f32 v1, v3;
	vm4 =	vlt.f32 v1, v4  }
0x442: {  	vm2 =	vle.f32 v6, v1;
	vm3 =	vlt.f32 v1, v7;
	vm5 =	vle.f32 v8, v1;
	v4 =	vld [tilespmem:s29+$0xFFFFFFC0]  }
0x443: {  	vm6 =	vlt.f32 v1, v9;
	v6 =	vld [tilespmem:s0+$0xFFFFFFC0];
	vm7 =	vlt.f32 v1, v11;
	vm8 =	vle.f32 v12, v1  }
0x444: {  	v9 =	vld [tilespmem:s0+$0xFFFFFFD0];
	vm9 =	vlt.f32 v1, v13;
	vm0 =	vmand vm0, vm1;
	vm1 =	vle.f32 v10, v1  }
0x445: {  	v2 =	vld [tilespmem:s0+$0xFFFFFFE0];
	vm10 =	vmand vm2, vm3;
	vm3 =	vle.f32 v14, v1;
	vm2 =	vmand vm8, vm9  }
0x446: {  	v3 =	vld [tilespmem:s0+$0xFFFFFFF0];
	v7 =	vnsel vm0, $0x0, v5;
	vm0 =	vmand vm5, vm6;
	vm1 =	vmand vm1, vm7  }
0x447: {  	vm5 =	vlt.f32 v1, v15;
	vm6 =	vle.f32 v16, v1;
	vm7 =	vle.f32 v4, v1;
	v4 =	vld [tilespmem:s0+$0x0]  }
0x448: {  	v5 =	vld [tilespmem:s0+$0x10];
	vm3 =	vmand vm3, vm5;
	vm5 =	vlt.f32 v1, v17;
	vm4 =	vmand vm7, vm4  }
0x449: {  	s2 =	simm.s32 $0x13480;
	s13 =	simm.s32 $0x0;
	s20 =	simm.s32 $0x17500;
	[tilespmem:s0+$0x30] =	vst v7;
	vm5 =	vmand vm6, vm5;
	v7 =	vnsel vm10, $0x0, v9;
	v8 =	vnsel vm4, $0x0, v6;
	v6 =	vld [tilespmem:s0+$0x20]  }
.LBB2_38:
0x44a: {  	v9 =	vld [tilespmem:s20+$0x30];
	[tilespmem:s0+$0xFFFFFFC0] =	vst v8;
	v2 =	vnsel vm0, $0x0, v2;
	s3 =	sadd.s32 $0x80, s3  }
0x44b: {  	s13 =	sadd.s32 $0x80, s13;
	v8 =	vld [tilespmem:s3+$0x30];
	[tilespmem:s0+$0xFFFFFFD0] =	vst v7;
	v3 =	vnsel vm1, $0x0, v3  }
0x44c: {  	p1 =	slt.u32 s13, $0xF00;
	s0 =	sadd.s32 $0x80, s0;
	v7 =	vld [tilespmem:s3+$0xFFFFFFC0];
	[tilespmem:s2+$0xFFFFFFE0] =	vst v2;
	v2 =	vnsel vm2, $0x0, v4  }
0x44d: {  	v4 =	vld [tilespmem:s0+$0x30];
	[tilespmem:s2+$0xFFFFFFF0] =	vst v3;
	v3 =	vnsel vm3, $0x0, v5  }
0x44e: {  	v5 =	vld [tilespmem:s20+$0xFFFFFFD0];
	[tilespmem:s2+$0x0] =	vst v2;
	v2 =	vnsel vm5, $0x0, v6  }
0x44f: {  	v6 =	vld [tilespmem:s3+$0xFFFFFFD0];
	[tilespmem:s2+$0x10] =	vst v3  }
0x450: {  	vm0 =	vle.f32 v9, v1;
	v3 =	vld [tilespmem:s20+$0xFFFFFFE0];
	vm1 =	vlt.f32 v1, v8;
	[tilespmem:s2+$0x20] =	vst v2;
	s2 =	smov.u32 s0  }
0x451: {  	vm4 =	vlt.f32 v1, v7;
	v2 =	vld [tilespmem:s3+$0xFFFFFFE0];
	vm0 =	vmand vm0, vm1  }
0x452: {  	s5 =	simm.s32 $0x183C0;
	v7 =	vld [tilespmem:s20+$0xFFFFFFF0];
	v4 =	vnsel vm0, $0x0, v4  }
0x453: {  	s6 =	simm.s32 $0xF70;
	s23 =	simm.s32 $0x143C0;
	s12 =	simm.s32 $0x1C3C0;
	vm0 =	vle.f32 v5, v1;
	v5 =	vld [tilespmem:s3+$0xFFFFFFF0];
	[tilespmem:s0+$0x30] =	vst v4  }
0x454: {  	vm1 =	vlt.f32 v1, v6;
	v4 =	vld [tilespmem:s20+$0x0]  }
0x455: {  	vm6 =	vmand vm0, vm1;
	vm0 =	vle.f32 v3, v1;
	v3 =	vld [tilespmem:s3+$0x0]  }
0x456: {  	vm1 =	vlt.f32 v1, v2;
	v2 =	vld [tilespmem:s20+$0x10]  }
0x457: {  	vm0 =	vmand vm0, vm1;
	vm1 =	vle.f32 v7, v1;
	v6 =	vld [tilespmem:s3+$0x10]  }
0x458: {  	vm2 =	vlt.f32 v1, v5;
	v5 =	vld [tilespmem:s20+$0x20]  }
0x459: {  	vm1 =	vmand vm1, vm2;
	vm2 =	vle.f32 v4, v1;
	v4 =	vld [tilespmem:s3+$0x20]  }
0x45a: {  	v7 =	vld [tilespmem:s20+$0xFFFFFFC0];
	vm3 =	vlt.f32 v1, v3  }
0x45b: {  	v8 =	vld [tilespmem:s0+$0xFFFFFFC0];
	vm2 =	vmand vm2, vm3;
	vm3 =	vle.f32 v2, v1  }
0x45c: {  	v9 =	vld [tilespmem:s0+$0xFFFFFFD0];
	vm5 =	vlt.f32 v1, v6  }
.Ltmp20:
0x45d: {  	v2 =	vld [tilespmem:s0+$0xFFFFFFE0];
	vm3 =	vmand vm3, vm5;
	vm5 =	vle.f32 v5, v1;
	(pc) =	sbr.rel @p1 .LBB2_38-.Ltmp20, $4  }
0x45e: {  	v3 =	vld [tilespmem:s0+$0xFFFFFFF0];
	vm7 =	vlt.f32 v1, v4  }
0x45f: {  	vm8 =	vle.f32 v7, v1;
	v4 =	vld [tilespmem:s0+$0x0];
	vm5 =	vmand vm5, vm7  }
0x460: {  	vm4 =	vmand vm8, vm4;
	v5 =	vld [tilespmem:s0+$0x10]  }
0x461: {  	s20 =	sadd.s32 $0x80, s20;
	v8 =	vnsel vm4, $0x0, v8;
	v7 =	vnsel vm6, $0x0, v9;
	v6 =	vld [tilespmem:s0+$0x20]  }
0x462: {  	[tilespmem:s0+$0xFFFFFFC0] =	vst v8  }
0x463: {  	v2 =	vnsel vm0, $0x0, v2;
	[tilespmem:s0+$0xFFFFFFD0] =	vst v7  }
0x464: {  	v3 =	vnsel vm1, $0x0, v3;
	[tilespmem:s2+$0xFFFFFFE0] =	vst v2  }
0x465: {  	v2 =	vnsel vm2, $0x0, v4;
	[tilespmem:s2+$0xFFFFFFF0] =	vst v3  }
0x466: {  	v3 =	vnsel vm3, $0x0, v5;
	[tilespmem:s2+$0x0] =	vst v2  }
0x467: {  	v2 =	vnsel vm5, $0x0, v6;
	[tilespmem:s2+$0x10] =	vst v3  }
0x468: {  	[tilespmem:s2+$0x20] =	vst v2  }
0x469: {  	s25 =	rddreg [dreg:$0x1c]  }
.LBB2_40:
0x46a: {  	v2 =	vld [tilespmem:s5+$0x0]  }
0x46b: {  	v3 =	vld [tilespmem:s12+$0x0];
	_ =	sdelay $0x1  }
0x46c: {  	v4 =	vld [tilespmem:s23+$0x0];
	s6 =	sadd.s32 $0x10, s6  }
0x46d: {  	p1 =	slt.u32 s6, $0xF90  }
.Ltmp21:
0x46e: {  	_ = 	snop;
	(pc) =	sbr.rel @p1 .LBB2_40-.Ltmp21, $4  }
0x46f: {  	vm0 =	vle.f32 v2, v1;
	vm1 =	vlt.f32 v1, v3  }
0x470: {  	vm0 =	vmand vm0, vm1  }
0x471: {  	v2 =	vnsel vm0, $0x0, v4  }
0x472: {  	s12 =	sadd.s32 $0x10, s12;
	s5 =	sadd.s32 $0x10, s5;
	[tilespmem:s23+$0x0] =	vst v2;
	s23 =	sadd.s32 $0x10, s23  }
0x473: {  	s0 =	simm.s32 $0xF440  }
0x474: {  	[spmem:s22] =	stream.indirect.scatter.add.f32 [tilespmem:s14], [sflag:$0x5], $0x1, s0, s30, $0xb8;
	[tilespmem:$0x1F4C0] =	vst v63  }
0x475: {  	_ =	swait.ge [sflag:s8], $0xFA0  }
0x476: {  	s12 =	sld [smem:$0x7F0]  }
0x477: {  	[sflag:s8] =	ssyncset.done $0x0  }
0x478: {  	s13 =	sld [smem:$0x7F1];
	[sflag:s8] =	ssyncadd.s32 $0xFFFFF060  }
0x479: {  	[tilespmem:s31], [sflag:$0x3] =	stream.linear.gather [hbm4b:s12+s1], $0xFA0, $0x38;
	[tilespmem:$0x1F4C0] =	vst v63  }
0x47a: {  	s20 =	sld [smem:$0x7F2]  }
0x47b: {  	[tilespmem:s18], [sflag:$0x3] =	stream.linear.gather [hbm4b:s13+s1], $0xFA0, $0x38;
	[tilespmem:$0x1F4C0] =	vst v63  }
0x47c: {  	s2 =	simm.s32 $0x19440;
	s23 =	sld [smem:$0x7F3]  }
0x47d: {  	[tilespmem:s2], [sflag:$0x3] =	stream.linear.gather [hbm4b:s20+s1], $0xFA0, $0x38;
	[tilespmem:$0x1F4C0] =	vst v63  }
0x47e: {  	s28 =	simm.s32 $0x1D440  }
0x47f: {  	[tilespmem:s28], [sflag:$0x3] =	stream.linear.gather [hbm4b:s23+s1], $0xFA0, $0x38;
	[tilespmem:$0x1F4C0] =	vst v63  }
0x480: {  	_ =	swait.ge [sflag:s4], $0xFA0  }
0x481: {  	[sflag:s4] =	ssyncset.done $0x0  }
0x482: {  	[sflag:s4] =	ssyncadd.s32 $0xFFFFF060  }
0x483: {  	_ =	swait.ge [sflag:s4], $0xFA0  }
0x484: {  	[sflag:s4] =	ssyncset.done $0x0  }
0x485: {  	[sflag:s4] =	ssyncadd.s32 $0xFFFFF060  }
0x486: {  	_ =	swait.ge [sflag:s4], $0xFA0  }
0x487: {  	[sflag:s4] =	ssyncset.done $0x0  }
0x488: {  	[sflag:s4] =	ssyncadd.s32 $0xFFFFF060  }
0x489: {  	_ =	swait.ge [sflag:s4], $0xFA0  }
0x48a: {  	[sflag:s4] =	ssyncset.done $0x0  }
0x48b: {  	s29 =	simm.s32 $0x18480;
	[sflag:s4] =	ssyncadd.s32 $0xFFFFF060  }
0x48c: {  	s3 =	simm.s32 $0x1C480;
	v2 =	vld [tilespmem:s29+$0x30]  }
0x48d: {  	v3 =	vld [tilespmem:s3+$0x30]  }
0x48e: {  	s0 =	simm.s32 $0x14480;
	v4 =	vld [tilespmem:s3+$0xFFFFFFC0]  }
0x48f: {  	v5 =	vld [tilespmem:s0+$0x30]  }
0x490: {  	v6 =	vld [tilespmem:s29+$0xFFFFFFD0]  }
0x491: {  	v7 =	vld [tilespmem:s3+$0xFFFFFFD0]  }
0x492: {  	v8 =	vld [tilespmem:s29+$0xFFFFFFE0]  }
0x493: {  	v9 =	vld [tilespmem:s3+$0xFFFFFFE0]  }
0x494: {  	v10 =	vld [tilespmem:s29+$0xFFFFFFF0]  }
0x495: {  	v11 =	vld [tilespmem:s3+$0xFFFFFFF0]  }
0x496: {  	v12 =	vld [tilespmem:s29+$0x0]  }
0x497: {  	v13 =	vld [tilespmem:s3+$0x0]  }
0x498: {  	v14 =	vld [tilespmem:s29+$0x10]  }
0x499: {  	v15 =	vld [tilespmem:s3+$0x10]  }
0x49a: {  	v16 =	vld [tilespmem:s29+$0x20]  }
0x49b: {  	v17 =	vld [tilespmem:s3+$0x20];
	vm0 =	vle.f32 v2, v1;
	vm1 =	vlt.f32 v1, v3;
	vm4 =	vlt.f32 v1, v4  }
0x49c: {  	vm2 =	vle.f32 v6, v1;
	vm3 =	vlt.f32 v1, v7;
	vm5 =	vle.f32 v8, v1;
	v4 =	vld [tilespmem:s29+$0xFFFFFFC0]  }
0x49d: {  	vm6 =	vlt.f32 v1, v9;
	v6 =	vld [tilespmem:s0+$0xFFFFFFC0];
	vm7 =	vlt.f32 v1, v11;
	vm8 =	vle.f32 v12, v1  }
0x49e: {  	v9 =	vld [tilespmem:s0+$0xFFFFFFD0];
	vm9 =	vlt.f32 v1, v13;
	vm0 =	vmand vm0, vm1;
	vm1 =	vle.f32 v10, v1  }
0x49f: {  	v2 =	vld [tilespmem:s0+$0xFFFFFFE0];
	vm10 =	vmand vm2, vm3;
	vm3 =	vle.f32 v14, v1;
	vm2 =	vmand vm8, vm9  }
0x4a0: {  	v3 =	vld [tilespmem:s0+$0xFFFFFFF0];
	v7 =	vnsel vm0, $0x0, v5;
	vm0 =	vmand vm5, vm6;
	vm1 =	vmand vm1, vm7  }
0x4a1: {  	vm5 =	vlt.f32 v1, v15;
	vm6 =	vle.f32 v16, v1;
	vm7 =	vle.f32 v4, v1;
	v4 =	vld [tilespmem:s0+$0x0]  }
0x4a2: {  	v5 =	vld [tilespmem:s0+$0x10];
	vm3 =	vmand vm3, vm5;
	vm5 =	vlt.f32 v1, v17;
	vm4 =	vmand vm7, vm4  }
0x4a3: {  	s13 =	simm.s32 $0x0;
	s20 =	simm.s32 $0x18500;
	s2 =	simm.s32 $0x14480;
	[tilespmem:s0+$0x30] =	vst v7;
	vm5 =	vmand vm6, vm5;
	v7 =	vnsel vm10, $0x0, v9;
	v8 =	vnsel vm4, $0x0, v6;
	v6 =	vld [tilespmem:s0+$0x20]  }
.LBB2_42:
0x4a4: {  	v9 =	vld [tilespmem:s20+$0x30];
	[tilespmem:s0+$0xFFFFFFC0] =	vst v8;
	v2 =	vnsel vm0, $0x0, v2;
	s3 =	sadd.s32 $0x80, s3  }
0x4a5: {  	s13 =	sadd.s32 $0x80, s13;
	v8 =	vld [tilespmem:s3+$0x30];
	[tilespmem:s0+$0xFFFFFFD0] =	vst v7;
	v3 =	vnsel vm1, $0x0, v3  }
0x4a6: {  	p1 =	slt.u32 s13, $0xF00;
	s0 =	sadd.s32 $0x80, s0;
	v7 =	vld [tilespmem:s3+$0xFFFFFFC0];
	[tilespmem:s2+$0xFFFFFFE0] =	vst v2;
	v2 =	vnsel vm2, $0x0, v4  }
0x4a7: {  	v4 =	vld [tilespmem:s0+$0x30];
	[tilespmem:s2+$0xFFFFFFF0] =	vst v3;
	v3 =	vnsel vm3, $0x0, v5  }
0x4a8: {  	v5 =	vld [tilespmem:s20+$0xFFFFFFD0];
	[tilespmem:s2+$0x0] =	vst v2;
	v2 =	vnsel vm5, $0x0, v6  }
0x4a9: {  	v6 =	vld [tilespmem:s3+$0xFFFFFFD0];
	[tilespmem:s2+$0x10] =	vst v3  }
0x4aa: {  	vm0 =	vle.f32 v9, v1;
	v3 =	vld [tilespmem:s20+$0xFFFFFFE0];
	vm1 =	vlt.f32 v1, v8;
	[tilespmem:s2+$0x20] =	vst v2;
	s2 =	smov.u32 s0  }
0x4ab: {  	vm4 =	vlt.f32 v1, v7;
	v2 =	vld [tilespmem:s3+$0xFFFFFFE0];
	vm0 =	vmand vm0, vm1  }
0x4ac: {  	s5 =	simm.s32 $0x193C0;
	v7 =	vld [tilespmem:s20+$0xFFFFFFF0];
	v4 =	vnsel vm0, $0x0, v4  }
0x4ad: {  	s6 =	simm.s32 $0xF70;
	s23 =	simm.s32 $0x153C0;
	s12 =	simm.s32 $0x1D3C0;
	vm0 =	vle.f32 v5, v1;
	v5 =	vld [tilespmem:s3+$0xFFFFFFF0];
	[tilespmem:s0+$0x30] =	vst v4  }
0x4ae: {  	vm1 =	vlt.f32 v1, v6;
	v4 =	vld [tilespmem:s20+$0x0]  }
0x4af: {  	vm6 =	vmand vm0, vm1;
	vm0 =	vle.f32 v3, v1;
	v3 =	vld [tilespmem:s3+$0x0]  }
0x4b0: {  	vm1 =	vlt.f32 v1, v2;
	v2 =	vld [tilespmem:s20+$0x10]  }
0x4b1: {  	vm0 =	vmand vm0, vm1;
	vm1 =	vle.f32 v7, v1;
	v6 =	vld [tilespmem:s3+$0x10]  }
0x4b2: {  	vm2 =	vlt.f32 v1, v5;
	v5 =	vld [tilespmem:s20+$0x20]  }
0x4b3: {  	vm1 =	vmand vm1, vm2;
	vm2 =	vle.f32 v4, v1;
	v4 =	vld [tilespmem:s3+$0x20]  }
0x4b4: {  	v7 =	vld [tilespmem:s20+$0xFFFFFFC0];
	vm3 =	vlt.f32 v1, v3  }
0x4b5: {  	v8 =	vld [tilespmem:s0+$0xFFFFFFC0];
	vm2 =	vmand vm2, vm3;
	vm3 =	vle.f32 v2, v1  }
0x4b6: {  	v9 =	vld [tilespmem:s0+$0xFFFFFFD0];
	vm5 =	vlt.f32 v1, v6  }
.Ltmp22:
0x4b7: {  	v2 =	vld [tilespmem:s0+$0xFFFFFFE0];
	vm3 =	vmand vm3, vm5;
	vm5 =	vle.f32 v5, v1;
	(pc) =	sbr.rel @p1 .LBB2_42-.Ltmp22, $4  }
0x4b8: {  	v3 =	vld [tilespmem:s0+$0xFFFFFFF0];
	vm7 =	vlt.f32 v1, v4  }
0x4b9: {  	vm8 =	vle.f32 v7, v1;
	v4 =	vld [tilespmem:s0+$0x0];
	vm5 =	vmand vm5, vm7  }
0x4ba: {  	vm4 =	vmand vm8, vm4;
	v5 =	vld [tilespmem:s0+$0x10]  }
0x4bb: {  	s20 =	sadd.s32 $0x80, s20;
	v8 =	vnsel vm4, $0x0, v8;
	v7 =	vnsel vm6, $0x0, v9;
	v6 =	vld [tilespmem:s0+$0x20]  }
0x4bc: {  	[tilespmem:s0+$0xFFFFFFC0] =	vst v8  }
0x4bd: {  	v2 =	vnsel vm0, $0x0, v2;
	[tilespmem:s0+$0xFFFFFFD0] =	vst v7  }
0x4be: {  	v3 =	vnsel vm1, $0x0, v3;
	[tilespmem:s2+$0xFFFFFFE0] =	vst v2  }
0x4bf: {  	v2 =	vnsel vm2, $0x0, v4;
	[tilespmem:s2+$0xFFFFFFF0] =	vst v3  }
0x4c0: {  	v3 =	vnsel vm3, $0x0, v5;
	[tilespmem:s2+$0x0] =	vst v2  }
0x4c1: {  	v2 =	vnsel vm5, $0x0, v6;
	[tilespmem:s2+$0x10] =	vst v3  }
0x4c2: {  	[tilespmem:s2+$0x20] =	vst v2  }
.LBB2_44:
0x4c3: {  	v2 =	vld [tilespmem:s5+$0x0]  }
0x4c4: {  	v3 =	vld [tilespmem:s12+$0x0];
	_ =	sdelay $0x1  }
0x4c5: {  	v4 =	vld [tilespmem:s23+$0x0];
	s6 =	sadd.s32 $0x10, s6  }
0x4c6: {  	p1 =	slt.u32 s6, $0xF90  }
.Ltmp23:
0x4c7: {  	_ = 	snop;
	(pc) =	sbr.rel @p1 .LBB2_44-.Ltmp23, $4  }
0x4c8: {  	vm0 =	vle.f32 v2, v1;
	vm1 =	vlt.f32 v1, v3  }
0x4c9: {  	vm0 =	vmand vm0, vm1  }
0x4ca: {  	v2 =	vnsel vm0, $0x0, v4  }
0x4cb: {  	s12 =	sadd.s32 $0x10, s12;
	s5 =	sadd.s32 $0x10, s5;
	[tilespmem:s23+$0x0] =	vst v2;
	s23 =	sadd.s32 $0x10, s23  }
0x4cc: {  	s0 =	simm.s32 $0x10440  }
0x4cd: {  	[spmem:s22] =	stream.indirect.scatter.add.f32 [tilespmem:s26], [sflag:$0x6], $0x1, s0, s30, $0xb8;
	[tilespmem:$0x1F4C0] =	vst v63  }
0x4ce: {  	_ =	swait.ge [sflag:s24], $0xFA0  }
0x4cf: {  	s3 =	sld [smem:$0x7F4]  }
0x4d0: {  	[sflag:s24] =	ssyncset.done $0x0  }
0x4d1: {  	s2 =	simm.s32 @!p0 $0x12440;
	s0 =	simm.s32 @!p0 $0x0;
	[sflag:s24] =	ssyncadd.s32 $0xFFFFF060  }
0x4d2: {  	[tilespmem:s2], [sflag:$0x4] =	stream.linear.gather @!p0 [hbm4b:s3+s0], $0xFA0, $0x38;
	[tilespmem:$0x1F4C0] =	vst v63  }
0x4d3: {  	s3 =	sld [smem:$0x7F5];
	_ =	sdelay $0x1  }
0x4d4: {  	s2 =	simm.s32 @!p0 $0x16440  }
0x4d5: {  	[tilespmem:s2], [sflag:$0x4] =	stream.linear.gather @!p0 [hbm4b:s3+s0], $0xFA0, $0x38;
	[tilespmem:$0x1F4C0] =	vst v63  }
0x4d6: {  	s3 =	sld [smem:$0x7F6];
	_ =	sdelay $0x1  }
0x4d7: {  	s2 =	simm.s32 @!p0 $0x1A440  }
0x4d8: {  	[tilespmem:s2], [sflag:$0x4] =	stream.linear.gather @!p0 [hbm4b:s3+s0], $0xFA0, $0x38;
	[tilespmem:$0x1F4C0] =	vst v63  }
0x4d9: {  	s3 =	sld [smem:$0x7F7];
	_ =	sdelay $0x1  }
0x4da: {  	s2 =	simm.s32 @!p0 $0x1E440  }
0x4db: {  	[tilespmem:s2], [sflag:$0x4] =	stream.linear.gather @!p0 [hbm4b:s3+s0], $0xFA0, $0x38;
	[tilespmem:$0x1F4C0] =	vst v63  }
0x4dc: {  	_ =	swait.ge [sflag:s9], $0xFA0  }
0x4dd: {  	[sflag:s9] =	ssyncset.done $0x0  }
0x4de: {  	[sflag:s9] =	ssyncadd.s32 $0xFFFFF060  }
0x4df: {  	_ =	swait.ge [sflag:s9], $0xFA0  }
0x4e0: {  	[sflag:s9] =	ssyncset.done $0x0  }
0x4e1: {  	[sflag:s9] =	ssyncadd.s32 $0xFFFFF060  }
0x4e2: {  	_ =	swait.ge [sflag:s9], $0xFA0  }
0x4e3: {  	[sflag:s9] =	ssyncset.done $0x0  }
0x4e4: {  	[sflag:s9] =	ssyncadd.s32 $0xFFFFF060  }
0x4e5: {  	_ =	swait.ge [sflag:s9], $0xFA0  }
0x4e6: {  	[sflag:s9] =	ssyncset.done $0x0  }
0x4e7: {  	s29 =	simm.s32 $0x19480;
	[sflag:s9] =	ssyncadd.s32 $0xFFFFF060  }
0x4e8: {  	s3 =	simm.s32 $0x1D480;
	v2 =	vld [tilespmem:s29+$0x30]  }
0x4e9: {  	v3 =	vld [tilespmem:s3+$0x30]  }
0x4ea: {  	s0 =	simm.s32 $0x15480;
	v4 =	vld [tilespmem:s3+$0xFFFFFFC0]  }
0x4eb: {  	v5 =	vld [tilespmem:s0+$0x30]  }
0x4ec: {  	v6 =	vld [tilespmem:s29+$0xFFFFFFD0]  }
0x4ed: {  	v7 =	vld [tilespmem:s3+$0xFFFFFFD0]  }
0x4ee: {  	v8 =	vld [tilespmem:s29+$0xFFFFFFE0]  }
0x4ef: {  	v9 =	vld [tilespmem:s3+$0xFFFFFFE0]  }
0x4f0: {  	v10 =	vld [tilespmem:s29+$0xFFFFFFF0]  }
0x4f1: {  	v11 =	vld [tilespmem:s3+$0xFFFFFFF0]  }
0x4f2: {  	v12 =	vld [tilespmem:s29+$0x0]  }
0x4f3: {  	v13 =	vld [tilespmem:s3+$0x0]  }
0x4f4: {  	v14 =	vld [tilespmem:s29+$0x10]  }
0x4f5: {  	v15 =	vld [tilespmem:s3+$0x10]  }
0x4f6: {  	v16 =	vld [tilespmem:s29+$0x20]  }
0x4f7: {  	v17 =	vld [tilespmem:s3+$0x20];
	vm0 =	vle.f32 v2, v1;
	vm1 =	vlt.f32 v1, v3;
	vm4 =	vlt.f32 v1, v4  }
0x4f8: {  	vm2 =	vle.f32 v6, v1;
	vm3 =	vlt.f32 v1, v7;
	vm5 =	vle.f32 v8, v1;
	v4 =	vld [tilespmem:s29+$0xFFFFFFC0]  }
0x4f9: {  	vm6 =	vlt.f32 v1, v9;
	v6 =	vld [tilespmem:s0+$0xFFFFFFC0];
	vm7 =	vlt.f32 v1, v11;
	vm8 =	vle.f32 v12, v1  }
0x4fa: {  	v9 =	vld [tilespmem:s0+$0xFFFFFFD0];
	vm9 =	vlt.f32 v1, v13;
	vm0 =	vmand vm0, vm1;
	vm1 =	vle.f32 v10, v1  }
0x4fb: {  	v2 =	vld [tilespmem:s0+$0xFFFFFFE0];
	vm10 =	vmand vm2, vm3;
	vm3 =	vle.f32 v14, v1;
	vm2 =	vmand vm8, vm9  }
0x4fc: {  	v3 =	vld [tilespmem:s0+$0xFFFFFFF0];
	v7 =	vnsel vm0, $0x0, v5;
	vm0 =	vmand vm5, vm6;
	vm1 =	vmand vm1, vm7  }
0x4fd: {  	vm5 =	vlt.f32 v1, v15;
	vm6 =	vle.f32 v16, v1;
	vm7 =	vle.f32 v4, v1;
	v4 =	vld [tilespmem:s0+$0x0]  }
0x4fe: {  	v5 =	vld [tilespmem:s0+$0x10];
	vm3 =	vmand vm3, vm5;
	vm5 =	vlt.f32 v1, v17;
	vm4 =	vmand vm7, vm4  }
0x4ff: {  	s13 =	simm.s32 $0x0;
	s20 =	simm.s32 $0x19500;
	s2 =	simm.s32 $0x15480;
	[tilespmem:s0+$0x30] =	vst v7;
	vm5 =	vmand vm6, vm5;
	v7 =	vnsel vm10, $0x0, v9;
	v8 =	vnsel vm4, $0x0, v6;
	v6 =	vld [tilespmem:s0+$0x20]  }
.LBB2_46:
0x500: {  	v9 =	vld [tilespmem:s20+$0x30];
	[tilespmem:s0+$0xFFFFFFC0] =	vst v8;
	v2 =	vnsel vm0, $0x0, v2;
	s3 =	sadd.s32 $0x80, s3  }
0x501: {  	s13 =	sadd.s32 $0x80, s13;
	v8 =	vld [tilespmem:s3+$0x30];
	[tilespmem:s0+$0xFFFFFFD0] =	vst v7;
	v3 =	vnsel vm1, $0x0, v3  }
0x502: {  	p1 =	slt.u32 s13, $0xF00;
	s0 =	sadd.s32 $0x80, s0;
	v7 =	vld [tilespmem:s3+$0xFFFFFFC0];
	[tilespmem:s2+$0xFFFFFFE0] =	vst v2;
	v2 =	vnsel vm2, $0x0, v4  }
0x503: {  	v4 =	vld [tilespmem:s0+$0x30];
	[tilespmem:s2+$0xFFFFFFF0] =	vst v3;
	v3 =	vnsel vm3, $0x0, v5  }
0x504: {  	v5 =	vld [tilespmem:s20+$0xFFFFFFD0];
	[tilespmem:s2+$0x0] =	vst v2;
	v2 =	vnsel vm5, $0x0, v6  }
0x505: {  	v6 =	vld [tilespmem:s3+$0xFFFFFFD0];
	[tilespmem:s2+$0x10] =	vst v3  }
0x506: {  	vm0 =	vle.f32 v9, v1;
	v3 =	vld [tilespmem:s20+$0xFFFFFFE0];
	vm1 =	vlt.f32 v1, v8;
	[tilespmem:s2+$0x20] =	vst v2;
	s2 =	smov.u32 s0  }
0x507: {  	vm4 =	vlt.f32 v1, v7;
	v2 =	vld [tilespmem:s3+$0xFFFFFFE0];
	vm0 =	vmand vm0, vm1  }
0x508: {  	s5 =	simm.s32 $0x1A3C0;
	v7 =	vld [tilespmem:s20+$0xFFFFFFF0];
	v4 =	vnsel vm0, $0x0, v4  }
0x509: {  	s6 =	simm.s32 $0xF70;
	s23 =	simm.s32 $0x163C0;
	s12 =	simm.s32 $0x1E3C0;
	vm0 =	vle.f32 v5, v1;
	v5 =	vld [tilespmem:s3+$0xFFFFFFF0];
	[tilespmem:s0+$0x30] =	vst v4  }
0x50a: {  	vm1 =	vlt.f32 v1, v6;
	v4 =	vld [tilespmem:s20+$0x0]  }
0x50b: {  	vm6 =	vmand vm0, vm1;
	vm0 =	vle.f32 v3, v1;
	v3 =	vld [tilespmem:s3+$0x0]  }
0x50c: {  	vm1 =	vlt.f32 v1, v2;
	v2 =	vld [tilespmem:s20+$0x10]  }
0x50d: {  	vm0 =	vmand vm0, vm1;
	vm1 =	vle.f32 v7, v1;
	v6 =	vld [tilespmem:s3+$0x10]  }
0x50e: {  	vm2 =	vlt.f32 v1, v5;
	v5 =	vld [tilespmem:s20+$0x20]  }
0x50f: {  	vm1 =	vmand vm1, vm2;
	vm2 =	vle.f32 v4, v1;
	v4 =	vld [tilespmem:s3+$0x20]  }
0x510: {  	v7 =	vld [tilespmem:s20+$0xFFFFFFC0];
	vm3 =	vlt.f32 v1, v3  }
0x511: {  	v8 =	vld [tilespmem:s0+$0xFFFFFFC0];
	vm2 =	vmand vm2, vm3;
	vm3 =	vle.f32 v2, v1  }
0x512: {  	v9 =	vld [tilespmem:s0+$0xFFFFFFD0];
	vm5 =	vlt.f32 v1, v6  }
.Ltmp24:
0x513: {  	v2 =	vld [tilespmem:s0+$0xFFFFFFE0];
	vm3 =	vmand vm3, vm5;
	vm5 =	vle.f32 v5, v1;
	(pc) =	sbr.rel @p1 .LBB2_46-.Ltmp24, $4  }
0x514: {  	v3 =	vld [tilespmem:s0+$0xFFFFFFF0];
	vm7 =	vlt.f32 v1, v4  }
0x515: {  	vm8 =	vle.f32 v7, v1;
	v4 =	vld [tilespmem:s0+$0x0];
	vm5 =	vmand vm5, vm7  }
0x516: {  	vm4 =	vmand vm8, vm4;
	v5 =	vld [tilespmem:s0+$0x10]  }
0x517: {  	s20 =	sadd.s32 $0x80, s20;
	v8 =	vnsel vm4, $0x0, v8;
	v7 =	vnsel vm6, $0x0, v9;
	v6 =	vld [tilespmem:s0+$0x20]  }
0x518: {  	[tilespmem:s0+$0xFFFFFFC0] =	vst v8  }
0x519: {  	v2 =	vnsel vm0, $0x0, v2;
	[tilespmem:s0+$0xFFFFFFD0] =	vst v7  }
0x51a: {  	v3 =	vnsel vm1, $0x0, v3;
	[tilespmem:s2+$0xFFFFFFE0] =	vst v2  }
0x51b: {  	v2 =	vnsel vm2, $0x0, v4;
	[tilespmem:s2+$0xFFFFFFF0] =	vst v3  }
0x51c: {  	v3 =	vnsel vm3, $0x0, v5;
	[tilespmem:s2+$0x0] =	vst v2  }
0x51d: {  	v2 =	vnsel vm5, $0x0, v6;
	[tilespmem:s2+$0x10] =	vst v3  }
0x51e: {  	[tilespmem:s2+$0x20] =	vst v2  }
.LBB2_48:
0x51f: {  	v2 =	vld [tilespmem:s5+$0x0]  }
0x520: {  	v3 =	vld [tilespmem:s12+$0x0];
	_ =	sdelay $0x1  }
0x521: {  	v4 =	vld [tilespmem:s23+$0x0];
	s6 =	sadd.s32 $0x10, s6  }
0x522: {  	p1 =	slt.u32 s6, $0xF90  }
.Ltmp25:
0x523: {  	_ = 	snop;
	(pc) =	sbr.rel @p1 .LBB2_48-.Ltmp25, $4  }
0x524: {  	vm0 =	vle.f32 v2, v1;
	vm1 =	vlt.f32 v1, v3  }
0x525: {  	vm0 =	vmand vm0, vm1  }
0x526: {  	v2 =	vnsel vm0, $0x0, v4  }
0x527: {  	s12 =	sadd.s32 $0x10, s12;
	s5 =	sadd.s32 $0x10, s5;
	[tilespmem:s23+$0x0] =	vst v2;
	s23 =	sadd.s32 $0x10, s23  }
.Ltmp26:
0x528: {  	(pc) =	sbr.rel @p0 .LBB2_50-.Ltmp26, $4  }
0x529: {  	[spmem:s22] =	stream.indirect.scatter.add.f32 [tilespmem:s18], [sflag:$0x7], $0x1, s31, s30, $0xb8;
	[tilespmem:$0x1F4C0] =	vst v63  }
0x52a: {  	_ =	swait.ge [sflag:s10], $0xFA0  }
0x52b: {  	[sflag:s10] =	ssyncset.done $0x0  }
0x52c: {  	[sflag:s10] =	ssyncadd.s32 $0xFFFFF060  }
0x52d: {  	_ =	swait.ge [sflag:s11], $0xFA0  }
0x52e: {  	[sflag:s11] =	ssyncset.done $0x0  }
0x52f: {  	[sflag:s11] =	ssyncadd.s32 $0xFFFFF060  }
0x530: {  	_ =	swait.ge [sflag:s11], $0xFA0  }
0x531: {  	[sflag:s11] =	ssyncset.done $0x0  }
0x532: {  	[sflag:s11] =	ssyncadd.s32 $0xFFFFF060  }
0x533: {  	_ =	swait.ge [sflag:s11], $0xFA0  }
0x534: {  	[sflag:s11] =	ssyncset.done $0x0  }
0x535: {  	[sflag:s11] =	ssyncadd.s32 $0xFFFFF060  }
0x536: {  	_ =	swait.ge [sflag:s11], $0xFA0  }
0x537: {  	[sflag:s11] =	ssyncset.done $0x0  }
0x538: {  	s2 =	simm.s32 $0x1A480;
	[sflag:s11] =	ssyncadd.s32 $0xFFFFF060  }
0x539: {  	s3 =	simm.s32 $0x1E480;
	v2 =	vld [tilespmem:s2+$0x30]  }
0x53a: {  	v3 =	vld [tilespmem:s3+$0x30]  }
0x53b: {  	s0 =	simm.s32 $0x16480;
	v4 =	vld [tilespmem:s3+$0xFFFFFFC0]  }
0x53c: {  	v5 =	vld [tilespmem:s0+$0x30]  }
0x53d: {  	v6 =	vld [tilespmem:s2+$0xFFFFFFD0]  }
0x53e: {  	v7 =	vld [tilespmem:s3+$0xFFFFFFD0]  }
0x53f: {  	v8 =	vld [tilespmem:s2+$0xFFFFFFE0]  }
0x540: {  	v9 =	vld [tilespmem:s3+$0xFFFFFFE0]  }
0x541: {  	v10 =	vld [tilespmem:s2+$0xFFFFFFF0]  }
0x542: {  	v11 =	vld [tilespmem:s3+$0xFFFFFFF0]  }
0x543: {  	v12 =	vld [tilespmem:s2+$0x0]  }
0x544: {  	v13 =	vld [tilespmem:s3+$0x0]  }
0x545: {  	v14 =	vld [tilespmem:s2+$0x10]  }
0x546: {  	v15 =	vld [tilespmem:s3+$0x10]  }
0x547: {  	v16 =	vld [tilespmem:s2+$0x20]  }
0x548: {  	v17 =	vld [tilespmem:s3+$0x20];
	vm0 =	vle.f32 v2, v1;
	vm1 =	vlt.f32 v1, v3;
	vm4 =	vlt.f32 v1, v4  }
0x549: {  	vm2 =	vle.f32 v6, v1;
	vm3 =	vlt.f32 v1, v7;
	vm5 =	vle.f32 v8, v1;
	v4 =	vld [tilespmem:s2+$0xFFFFFFC0]  }
0x54a: {  	vm6 =	vlt.f32 v1, v9;
	v6 =	vld [tilespmem:s0+$0xFFFFFFC0];
	vm7 =	vlt.f32 v1, v11;
	vm8 =	vle.f32 v12, v1  }
0x54b: {  	v9 =	vld [tilespmem:s0+$0xFFFFFFD0];
	vm9 =	vlt.f32 v1, v13;
	vm0 =	vmand vm0, vm1;
	vm1 =	vle.f32 v10, v1  }
0x54c: {  	v2 =	vld [tilespmem:s0+$0xFFFFFFE0];
	vm10 =	vmand vm2, vm3;
	vm3 =	vle.f32 v14, v1;
	vm2 =	vmand vm8, vm9  }
0x54d: {  	v3 =	vld [tilespmem:s0+$0xFFFFFFF0];
	v7 =	vnsel vm0, $0x0, v5;
	vm0 =	vmand vm5, vm6;
	vm1 =	vmand vm1, vm7  }
0x54e: {  	vm5 =	vlt.f32 v1, v15;
	vm6 =	vle.f32 v16, v1;
	vm7 =	vle.f32 v4, v1;
	v4 =	vld [tilespmem:s0+$0x0]  }
0x54f: {  	v5 =	vld [tilespmem:s0+$0x10];
	vm3 =	vmand vm3, vm5;
	vm5 =	vlt.f32 v1, v17;
	vm4 =	vmand vm7, vm4  }
0x550: {  	s13 =	simm.s32 $0x0;
	s20 =	simm.s32 $0x1A500;
	s2 =	simm.s32 $0x16480;
	[tilespmem:s0+$0x30] =	vst v7;
	vm5 =	vmand vm6, vm5;
	v7 =	vnsel vm10, $0x0, v9;
	v8 =	vnsel vm4, $0x0, v6;
	v6 =	vld [tilespmem:s0+$0x20]  }
.LBB2_52:
0x551: {  	v9 =	vld [tilespmem:s20+$0x30];
	[tilespmem:s0+$0xFFFFFFC0] =	vst v8;
	v2 =	vnsel vm0, $0x0, v2;
	s3 =	sadd.s32 $0x80, s3  }
0x552: {  	s13 =	sadd.s32 $0x80, s13;
	v8 =	vld [tilespmem:s3+$0x30];
	[tilespmem:s0+$0xFFFFFFD0] =	vst v7;
	v3 =	vnsel vm1, $0x0, v3  }
0x553: {  	p1 =	slt.u32 s13, $0xF00;
	s0 =	sadd.s32 $0x80, s0;
	v7 =	vld [tilespmem:s3+$0xFFFFFFC0];
	[tilespmem:s2+$0xFFFFFFE0] =	vst v2;
	v2 =	vnsel vm2, $0x0, v4  }
0x554: {  	v4 =	vld [tilespmem:s0+$0x30];
	[tilespmem:s2+$0xFFFFFFF0] =	vst v3;
	v3 =	vnsel vm3, $0x0, v5  }
0x555: {  	v5 =	vld [tilespmem:s20+$0xFFFFFFD0];
	[tilespmem:s2+$0x0] =	vst v2;
	v2 =	vnsel vm5, $0x0, v6  }
0x556: {  	v6 =	vld [tilespmem:s3+$0xFFFFFFD0];
	[tilespmem:s2+$0x10] =	vst v3  }
0x557: {  	vm0 =	vle.f32 v9, v1;
	v3 =	vld [tilespmem:s20+$0xFFFFFFE0];
	vm1 =	vlt.f32 v1, v8;
	[tilespmem:s2+$0x20] =	vst v2;
	s2 =	smov.u32 s0  }
0x558: {  	vm4 =	vlt.f32 v1, v7;
	v2 =	vld [tilespmem:s3+$0xFFFFFFE0];
	vm0 =	vmand vm0, vm1  }
0x559: {  	s5 =	simm.s32 $0x1B3C0;
	v7 =	vld [tilespmem:s20+$0xFFFFFFF0];
	v4 =	vnsel vm0, $0x0, v4  }
0x55a: {  	s6 =	simm.s32 $0xF70;
	s23 =	simm.s32 $0x173C0;
	s12 =	simm.s32 $0x1F3C0;
	vm0 =	vle.f32 v5, v1;
	v5 =	vld [tilespmem:s3+$0xFFFFFFF0];
	[tilespmem:s0+$0x30] =	vst v4  }
0x55b: {  	vm1 =	vlt.f32 v1, v6;
	v4 =	vld [tilespmem:s20+$0x0]  }
0x55c: {  	vm6 =	vmand vm0, vm1;
	vm0 =	vle.f32 v3, v1;
	v3 =	vld [tilespmem:s3+$0x0]  }
0x55d: {  	vm1 =	vlt.f32 v1, v2;
	v2 =	vld [tilespmem:s20+$0x10]  }
0x55e: {  	vm0 =	vmand vm0, vm1;
	vm1 =	vle.f32 v7, v1;
	v6 =	vld [tilespmem:s3+$0x10]  }
0x55f: {  	vm2 =	vlt.f32 v1, v5;
	v5 =	vld [tilespmem:s20+$0x20]  }
0x560: {  	vm1 =	vmand vm1, vm2;
	vm2 =	vle.f32 v4, v1;
	v4 =	vld [tilespmem:s3+$0x20]  }
0x561: {  	v7 =	vld [tilespmem:s20+$0xFFFFFFC0];
	vm3 =	vlt.f32 v1, v3  }
0x562: {  	v8 =	vld [tilespmem:s0+$0xFFFFFFC0];
	vm2 =	vmand vm2, vm3;
	vm3 =	vle.f32 v2, v1  }
0x563: {  	v9 =	vld [tilespmem:s0+$0xFFFFFFD0];
	vm5 =	vlt.f32 v1, v6  }
.Ltmp27:
0x564: {  	v2 =	vld [tilespmem:s0+$0xFFFFFFE0];
	vm3 =	vmand vm3, vm5;
	vm5 =	vle.f32 v5, v1;
	(pc) =	sbr.rel @p1 .LBB2_52-.Ltmp27, $4  }
0x565: {  	v3 =	vld [tilespmem:s0+$0xFFFFFFF0];
	vm7 =	vlt.f32 v1, v4  }
0x566: {  	vm8 =	vle.f32 v7, v1;
	v4 =	vld [tilespmem:s0+$0x0];
	vm5 =	vmand vm5, vm7  }
0x567: {  	vm4 =	vmand vm8, vm4;
	v5 =	vld [tilespmem:s0+$0x10]  }
0x568: {  	s20 =	sadd.s32 $0x80, s20;
	v8 =	vnsel vm4, $0x0, v8;
	v7 =	vnsel vm6, $0x0, v9;
	v6 =	vld [tilespmem:s0+$0x20]  }
0x569: {  	[tilespmem:s0+$0xFFFFFFC0] =	vst v8  }
0x56a: {  	v2 =	vnsel vm0, $0x0, v2;
	[tilespmem:s0+$0xFFFFFFD0] =	vst v7  }
0x56b: {  	v3 =	vnsel vm1, $0x0, v3;
	[tilespmem:s2+$0xFFFFFFE0] =	vst v2  }
0x56c: {  	v2 =	vnsel vm2, $0x0, v4;
	[tilespmem:s2+$0xFFFFFFF0] =	vst v3  }
0x56d: {  	v3 =	vnsel vm3, $0x0, v5;
	[tilespmem:s2+$0x0] =	vst v2  }
0x56e: {  	v2 =	vnsel vm5, $0x0, v6;
	[tilespmem:s2+$0x10] =	vst v3  }
0x56f: {  	[tilespmem:s2+$0x20] =	vst v2  }
0x570: {  	s13 =	sld [smem:$0x7FB]  }
0x571: {  	s3 =	simm.s32 $0x9;
	s20 =	sld [smem:$0x7FC]  }
.LBB2_54:
0x572: {  	v2 =	vld [tilespmem:s5+$0x0]  }
0x573: {  	v3 =	vld [tilespmem:s12+$0x0];
	_ =	sdelay $0x1  }
0x574: {  	v4 =	vld [tilespmem:s23+$0x0];
	s6 =	sadd.s32 $0x10, s6  }
0x575: {  	p1 =	slt.u32 s6, $0xF90  }
.Ltmp28:
0x576: {  	_ = 	snop;
	(pc) =	sbr.rel @p1 .LBB2_54-.Ltmp28, $4  }
0x577: {  	vm0 =	vle.f32 v2, v1;
	vm1 =	vlt.f32 v1, v3  }
0x578: {  	vm0 =	vmand vm0, vm1  }
0x579: {  	v2 =	vnsel vm0, $0x0, v4  }
0x57a: {  	s12 =	sadd.s32 $0x10, s12;
	s5 =	sadd.s32 $0x10, s5;
	[tilespmem:s23+$0x0] =	vst v2;
	s23 =	sadd.s32 $0x10, s23  }
.Ltmp29:
0x57b: {  	s0 =	simm.s32 $0x12440;
	s2 =	simm.s32 $0x16440;
	(pc) =	sbr.rel .LBB2_56-.Ltmp29, $4  }
0x57c: {  	[spmem:s22] =	stream.indirect.scatter.add.f32 [tilespmem:s2], [sflag:$0x8], $0x1, s0, s30, $0xb8;
	[tilespmem:$0x1F4C0] =	vst v63  }
0x57d: {  	_ =	swait.ge [sflag:s7], $0xFA0  }
0x57e: {  	s0 =	simm.s32 $0x8;
	[sflag:s7] =	ssyncset.done $0x0  }
0x57f: {  	s2 =	simm.s32 $0x7;
	s28 =	sld [smem:$0x7D1];
	[sflag:s7] =	ssyncadd.s32 $0xFFFFF060  }
.LBB2_57:
0x580: {  	_ =	sfence.sel $0x180000  }
0x581: {  	[bflag:$0x0] =	sbarrier.arrive $0xFFFF  }
0x582: {  	_ =	strace $0x90000047  }
0x583: {  	s0 =	stileid.u32;
	[bflag:$0x2] =	sbarrier.arrive $0xFFFF  }
0x584: {  	p0 =	sne.s32 s0, $0x0;
	s0 =	rddreg [dreg:$0x7]  }
0x585: {  	s0 =	sadd.s32 @!p0 $0x100000, s0  }
0x586: {  	[sflag:s0] =	ssyncadd.tile.s32 @!p0 $0x1;
	_ =	shalt  }
.Lfunc_end2:
_tile_overlayer_lowered:
.L_overlay_start_2:
0x587: {  	(tag) =	ssettag $0x2  }
0x588: {  	s0 =	rddreg [dreg:$0x0];
	s2 =	stileid.u32  }
0x589: {  	s1 =	rddreg [dreg:$0x1];
	p0 =	sne.s32 s2, $0x0  }
0x58a: {  	s3 =	rddreg [dreg:$0x2];
	[bflag:$0x3] =	sbarrier.arrive $0xFFFF;
	s2 =	simm.s32 @!p0 $0x1C09  }
0x58b: {  	[timem:s3], [sflag:s2] =	dma.local @!p0 [hbm:s0], s1  }
0x58c: {  	s0 =	simm.s32 @!p0 $0x9  }
0x58d: {  	_ =	swait.ge @!p0 [sflag:s0], s1  }
0x58e: {  	s1 =	ssub.s32 @!p0 $0x0, s1;
	[sflag:s0] =	ssyncset.done @!p0 $0x0  }
0x58f: {  	[sflag:s0] =	ssyncadd.s32 @!p0 s1  }
0x590: {  	[bflag:$0x3] =	sbarrier.arrive $0xFFFF  }
0x591: {  	_ =	shalt  }

</sc_bundles>
